<compile_context>
chip_gen: v7x
topology: tpu7x:2x2x1
jax: 0.10.2.dev20260603
libtpu: 0.0.44.dev20260713+nightly
codegen_flags: <defaults>
</compile_context>

<pallas_src>
import functools

import jax
import jax.numpy as jnp
from jax import lax
from jax.experimental import pallas as pl
from jax.experimental.pallas import tpu as pltpu
from jax.experimental.pallas import tpu_sc as plsc

D = 128
CHUNK = 128
NCORES = 2
NSUB = 16
NW = NCORES * NSUB


def _make_deg(n2, cpw):
    rpt = n2 // NSUB
    nzc = rpt // CHUNK
    mesh = plsc.VectorSubcoreMesh(core_axis_name="c", subcore_axis_name="s")

    @functools.partial(
        pl.kernel,
        out_type=jax.ShapeDtypeStruct((NCORES, n2, 16), jnp.float32),
        mesh=mesh,
        scratch_types=[
            pltpu.VMEM((cpw, CHUNK), jnp.int32),
            pltpu.VMEM((CHUNK, 16), jnp.float32),
            pltpu.VMEM((CHUNK, 16), jnp.float32),
            pltpu.VMEM_SHARED((n2, 16), jnp.float32),
        ],
    )
    def deg(dsts, out, didx, ones_rows, zbuf, dacc):
        cid = lax.axis_index("c")
        sid = lax.axis_index("s")
        wid = sid * NCORES + cid
        lanes = lax.iota(jnp.int32, 16)
        onehot = jnp.where(lanes == 0, 1.0, 0.0).astype(jnp.float32)
        zero16 = jnp.zeros((16,), jnp.float32)

        def fill(r, carry):
            ones_rows[r, :] = onehot
            zbuf[r, :] = zero16
            return carry

        lax.fori_loop(0, CHUNK, fill, 0)
        for k in range(nzc):
            pltpu.sync_copy(zbuf, dacc.at[pl.ds(sid * rpt + k * CHUNK, CHUNK)])
        plsc.subcore_barrier()
        pltpu.sync_copy(dsts.at[pl.ds(wid * cpw, cpw)], didx)

        def body(c, carry):
            pltpu.sync_copy(ones_rows, dacc.at[didx.at[c]], add=True)
            return carry

        lax.fori_loop(0, cpw, body, 0)
        plsc.subcore_barrier()
        for k in range(nzc):
            base = sid * rpt + k * CHUNK
            pltpu.sync_copy(dacc.at[pl.ds(base, CHUNK)], zbuf)
            pltpu.sync_copy(zbuf, out.at[cid, pl.ds(base, CHUNK)])

    return deg


NBUF = 2


def _make_hop(n2, cpw):
    rpt = n2 // NSUB
    nzc = rpt // CHUNK
    ngrp = cpw // NBUF
    mesh = plsc.VectorSubcoreMesh(core_axis_name="c", subcore_axis_name="s")

    @functools.partial(
        pl.kernel,
        out_type=jax.ShapeDtypeStruct((NCORES, n2, D), jnp.float32),
        mesh=mesh,
        scratch_types=[
            pltpu.VMEM((cpw, CHUNK), jnp.int32),
            pltpu.VMEM((NBUF, CHUNK), jnp.int32),
            pltpu.VMEM((NBUF, CHUNK), jnp.int32),
            pltpu.VMEM((CHUNK, D), jnp.float32),
            pltpu.VMEM((CHUNK, D), jnp.float32),
            pltpu.VMEM_SHARED((n2, D), jnp.float32),
            pltpu.SemaphoreType.DMA,
            pltpu.SemaphoreType.DMA,
        ],
    )
    def hop(table, packed, out, pidx, sbuf, dbuf, r0, r1, acc, s0, s1):
        bufs = (r0, r1)
        sems = (s0, s1)
        cid = lax.axis_index("c")
        sid = lax.axis_index("s")
        wid = sid * NCORES + cid
        zero16 = jnp.zeros((16,), jnp.float32)

        def zrow(r, carry):
            for j in range(D // 16):
                r0[r, pl.ds(j * 16, 16)] = zero16
            return carry

        lax.fori_loop(0, CHUNK, zrow, 0)
        for k in range(nzc):
            pltpu.sync_copy(r0, acc.at[pl.ds(sid * rpt + k * CHUNK, CHUNK)])
        plsc.subcore_barrier()
        pltpu.sync_copy(packed.at[pl.ds(wid * cpw, cpw)], pidx)

        def unpack(c, b):
            for j in range(CHUNK // 16):
                v = pidx[c, pl.ds(j * 16, 16)]
                sbuf[b, pl.ds(j * 16, 16)] = jnp.bitwise_and(v, 0xFFFF)
                dbuf[b, pl.ds(j * 16, 16)] = jnp.right_shift(v, 16)

        for b in range(NBUF):
            unpack(b, b)
            pltpu.async_copy(table.at[sbuf.at[b]], bufs[b], sems[b])

        def group(g, carry):
            for b in range(NBUF):
                c = g * NBUF + b
                pltpu.make_async_copy(
                    table.at[sbuf.at[b]], bufs[b], sems[b]).wait()
                pltpu.sync_copy(bufs[b], acc.at[dbuf.at[b]], add=True)
                unpack(c + NBUF, b)
                pltpu.async_copy(table.at[sbuf.at[b]], bufs[b], sems[b])
            return carry

        lax.fori_loop(0, ngrp - 1, group, 0)
        for b in range(NBUF):
            pltpu.make_async_copy(
                table.at[sbuf.at[b]], bufs[b], sems[b]).wait()
            pltpu.sync_copy(bufs[b], acc.at[dbuf.at[b]], add=True)
        plsc.subcore_barrier()
        for k in range(nzc):
            base = sid * rpt + k * CHUNK
            pltpu.sync_copy(acc.at[pl.ds(base, CHUNK)], r0)
            pltpu.sync_copy(r0, out.at[cid, pl.ds(base, CHUNK)])

    return hop


def _prep(xp, d0, d1):
    n2 = xp.shape[0]
    blk = 1024
    def body(x_ref, d0_ref, d1_ref, x1_ref, dis_ref, dinv_ref):
        deg = d0_ref[...] + d1_ref[...] + 1.0
        dis = lax.rsqrt(deg)
        x1_ref[...] = x_ref[...] * dis
        dis_ref[...] = dis
        dinv_ref[...] = 1.0 / deg
    return pl.pallas_call(
        body,
        grid=(n2 // blk,),
        in_specs=[pl.BlockSpec((blk, D), lambda i: (i, 0)),
                  pl.BlockSpec((blk, 1), lambda i: (i, 0)),
                  pl.BlockSpec((blk, 1), lambda i: (i, 0))],
        out_specs=[pl.BlockSpec((blk, D), lambda i: (i, 0)),
                   pl.BlockSpec((blk, 1), lambda i: (i, 0)),
                   pl.BlockSpec((blk, 1), lambda i: (i, 0))],
        out_shape=[jax.ShapeDtypeStruct((n2, D), jnp.float32),
                   jax.ShapeDtypeStruct((n2, 1), jnp.float32),
                   jax.ShapeDtypeStruct((n2, 1), jnp.float32)],
    )(xp, d0, d1)


def _mid(p0, p1, x1, dinv):
    n2 = x1.shape[0]
    blk = 1024
    def body(a_ref, b_ref, x1_ref, dinv_ref, o_ref):
        o_ref[...] = (a_ref[...] + b_ref[...] + x1_ref[...]) * dinv_ref[...]
    return pl.pallas_call(
        body,
        grid=(n2 // blk,),
        in_specs=[pl.BlockSpec((blk, D), lambda i: (i, 0)),
                  pl.BlockSpec((blk, D), lambda i: (i, 0)),
                  pl.BlockSpec((blk, D), lambda i: (i, 0)),
                  pl.BlockSpec((blk, 1), lambda i: (i, 0))],
        out_specs=pl.BlockSpec((blk, D), lambda i: (i, 0)),
        out_shape=jax.ShapeDtypeStruct((n2, D), jnp.float32),
    )(p0, p1, x1, dinv)


def _final(q0, q1, x3, dis, W, b, n):
    blk = 1000
    def body(a_ref, b2_ref, x3_ref, dis_ref, w_ref, bias_ref, o_ref):
        h = (a_ref[...] + b2_ref[...] + x3_ref[...]) * dis_ref[...]
        z = lax.dot_general(h, w_ref[...], (((1,), (1,)), ((), ())),
                            preferred_element_type=jnp.float32)
        z = z + bias_ref[...]
        m = jnp.max(z, axis=1, keepdims=True)
        e = jnp.exp(z - m)
        s = jnp.sum(e, axis=1, keepdims=True)
        o_ref[...] = z - m - jnp.log(s)
    return pl.pallas_call(
        body,
        grid=(n // blk,),
        in_specs=[pl.BlockSpec((blk, D), lambda i: (i, 0)),
                  pl.BlockSpec((blk, D), lambda i: (i, 0)),
                  pl.BlockSpec((blk, D), lambda i: (i, 0)),
                  pl.BlockSpec((blk, 1), lambda i: (i, 0)),
                  pl.BlockSpec((D, D), lambda i: (0, 0)),
                  pl.BlockSpec((1, D), lambda i: (0, 0))],
        out_specs=pl.BlockSpec((blk, D), lambda i: (i, 0)),
        out_shape=jax.ShapeDtypeStruct((n, D), jnp.float32),
    )(q0, q1, x3, dis, W, b)


def kernel(x, edge_index, W, b):
    n, d = x.shape
    e = edge_index.shape[1]
    n2 = ((n + 1 + 2047) // 2048) * 2048
    cpw = -(-e // (NW * CHUNK))
    cpw = -(-cpw // NBUF) * NBUF
    ep = NW * CHUNK * cpw
    src = edge_index[0].astype(jnp.int32)
    dst = edge_index[1].astype(jnp.int32)
    padn = ep - e
    src2 = jnp.concatenate(
        [src, jnp.zeros((padn,), jnp.int32)]).reshape(NW * cpw, CHUNK)
    dst2 = jnp.concatenate(
        [dst, jnp.full((padn,), n, jnp.int32)]).reshape(NW * cpw, CHUNK)
    packed2 = jnp.bitwise_or(jnp.left_shift(dst2, 16), src2)
    xp = jnp.pad(x, ((0, n2 - n), (0, 0)))

    degp = _make_deg(n2, cpw)(dst2)
    d0 = degp[0, :, 0:1]
    d1 = degp[1, :, 0:1]
    x1, dis, dinv = _prep(xp, d0, d1)

    hop = _make_hop(n2, cpw)
    p = hop(x1, packed2)
    x3 = _mid(p[0], p[1], x1, dinv)
    q = hop(x3, packed2)
    out = _final(q[0][:n], q[1][:n], x3[:n], dis[:n], W,
                 b.reshape(1, D), n)
    return out

# --- scband reference (transcript-rebuilt; emitter-appended) ---
"""Pipeline reference for scband-sgcmodel-88313117541057 (READ-ONLY COPY).

The authoritative reference and input builder live on the scoring server;
editing this copy changes nothing except your own understanding.
"""

import jax, jax.numpy as jnp
import numpy as np

N_NODES = 10000
N_EDGES = 320000
D_IN = 128
D_OUT = 128
K_HOPS = 2


def setup_inputs(seed: int = 0) -> dict:
    key = jax.random.key(seed)
    k1, k2, k3 = jax.random.split(key, 3)
    x = jax.random.normal(k1, (N_NODES, D_IN), dtype=jnp.float32)
    edge_index = jax.random.randint(k2, (2, N_EDGES), 0, N_NODES, dtype=jnp.int64)
    W = jax.random.normal(k3, (D_OUT, D_IN), dtype=jnp.float32) * (1.0 / np.sqrt(D_IN))
    b = jnp.zeros((D_OUT,), dtype=jnp.float32)
    return {"x": x, "edge_index": edge_index, "W": W, "b": b}


def reference(x, edge_index, W, b):
    N = x.shape[0]
    src = edge_index[0]
    dst = edge_index[1]
    # add self loops (add_self_loops=True)
    loop = jnp.arange(N, dtype=edge_index.dtype)
    src = jnp.concatenate([src, loop])
    dst = jnp.concatenate([dst, loop])
    # GCN normalization: deg computed over col (dst) with unit edge weights
    deg = jnp.zeros((N,), dtype=x.dtype).at[dst].add(1.0)
    deg_inv_sqrt = jnp.where(deg > 0, deg ** -0.5, 0.0)
    norm = deg_inv_sqrt[src] * deg_inv_sqrt[dst]
    # K-hop propagation: h <- A_hat @ h, repeated K times
    h = x
    for _ in range(K_HOPS):
        msgs = h[src] * norm[:, None]
        h = jnp.zeros_like(h).at[dst].add(msgs)
    # linear layer
    out = h @ W.T + b
    # with_softmax=True -> log_softmax along dim=1
    return jax.nn.log_softmax(out, axis=1)

if __name__ == "__main__":
    import jax
    _d = setup_inputs()
    print(jax.jit(kernel)(*tuple(_d.values())))

</pallas_src>

<mosaic_0001>
#map = affine_map<(d0, d1) -> (0, 0)>
#map1 = affine_map<(d0, d1) -> (0, 0, 0)>
module attributes {stable_mosaic.version = 14 : i64} {
  func.func @deg(%arg0: i32, %arg1: i32, %arg2: memref<2560x128xi32, #tpu.memory_space<hbm>>, %arg3: memref<2x10240x16xf32, #tpu.memory_space<hbm>>, %arg4: memref<80x128xi32, #tpu.memory_space<vmem>>, %arg5: memref<128x16xf32, #tpu.memory_space<vmem>>, %arg6: memref<128x16xf32, #tpu.memory_space<vmem>>, %arg7: memref<10240x16xf32, #tpu.memory_space<vmem_shared>>) attributes {dimension_semantics = [#tpu.dimension_semantics<core_parallel>, #tpu.dimension_semantics<subcore_parallel>], iteration_bounds = array<i64: 2, 16>, scalar_prefetch = 0 : i64, scratch_operands = 4 : i64, tpu.core_type = #tpu.core_type<sc_vector_subcore>, window_params = [{transform_indices = #map}, {transform_indices = #map1}]} {
    %mul3A = arith.constant 2 : i32
    %mul3A_0 = arith.muli %arg1, %mul3A : i32
    %add3A = arith.addi %mul3A_0, %arg0 : i32
    %iota3A = tpu.iota {dimensions = array<i32: 0>} : vector<16xi32>
    %eq3A = arith.constant 0 : i32
    %eq3A_1 = vector.broadcast %eq3A : i32 to vector<16xi32>
    %eq3A_2 = arith.cmpi eq, %iota3A, %eq3A_1 : vector<16xi32>
    %jit3A = arith.constant 1.000000e+00 : f32
    %jit3A_3 = arith.constant 0.000000e+00 : f32
    %broadcast_in_dim3A = vector.broadcast %jit3A : f32 to vector<16xf32>
    %broadcast_in_dim3A_4 = vector.broadcast %jit3A_3 : f32 to vector<16xf32>
    %select_n3A = arith.select %eq3A_2, %broadcast_in_dim3A, %broadcast_in_dim3A_4 : vector<16xi1>, vector<16xf32>
    %broadcast_in_dim3A_5 = arith.constant 0.000000e+00 : f32
    %broadcast_in_dim3A_6 = vector.broadcast %broadcast_in_dim3A_5 : f32 to vector<16xf32>
    %scan3A = arith.constant 0 : i32
    %scan3A_7 = arith.constant 0 : i32
    %scan3A_8 = arith.constant 128 : i32
    %scan3A_9 = arith.addi %scan3A_7, %scan3A_8 : i32
    %scan3A_10 = arith.constant 1 : i32
    scf.for %scan3A_61 = %scan3A_7 to %scan3A_9 step %scan3A_10  : i32 {
      %swap3A = arith.index_cast %scan3A_61 : i32 to index
      %swap3A_62 = arith.constant 0 : index
      %swap3A_63 = tpu.vector_load %arg5[%swap3A, %swap3A_62] {strides = array<i32>} : memref<128x16xf32, #tpu.memory_space<vmem>>, vector<1x16xf32>,
      %swap3A_64 = vector.shape_cast %swap3A_63 : vector<1x16xf32> to vector<16xf32>
      %swap3A_65 = vector.shape_cast %select_n3A : vector<16xf32> to vector<1x16xf32>
      tpu.vector_store %arg5[%swap3A, %swap3A_62], %swap3A_65 {strides = array<i32>} : memref<128x16xf32, #tpu.memory_space<vmem>>, vector<1x16xf32>,
      %swap3A_66 = arith.index_cast %scan3A_61 : i32 to index
      %swap3A_67 = arith.constant 0 : index
      %swap3A_68 = tpu.vector_load %arg6[%swap3A_66, %swap3A_67] {strides = array<i32>} : memref<128x16xf32, #tpu.memory_space<vmem>>, vector<1x16xf32>,
      %swap3A_69 = vector.shape_cast %swap3A_68 : vector<1x16xf32> to vector<16xf32>
      %swap3A_70 = vector.shape_cast %broadcast_in_dim3A_6 : vector<16xf32> to vector<1x16xf32>
      tpu.vector_store %arg6[%swap3A_66, %swap3A_67], %swap3A_70 {strides = array<i32>} : memref<128x16xf32, #tpu.memory_space<vmem>>, vector<1x16xf32>,
    }
    %scan3A_11 = arith.constant 128 : i32
    %mul3A_12 = arith.constant 640 : i32
    %mul3A_13 = arith.muli %arg1, %mul3A_12 : i32
    %add3A_14 = arith.constant 0 : i32
    %add3A_15 = arith.addi %mul3A_13, %add3A_14 : i32
    "tpu.region"() ({
      %run_scoped3A = tpu.sem_alloc : memref<!tpu.dma_semaphore, #tpu.memory_space<semaphore_mem>>
      %dma_start3A = arith.constant 0 : i32
      %dma_start3A_61 = tpu.memref_slice %arg7[%add3A_15, %dma_start3A] : memref<10240x16xf32, #tpu.memory_space<vmem_shared>> -> memref<128x16xf32, #tpu.memory_space<vmem_shared>>
      %dma_start3A_62 = arith.constant 0 : i32
      %dma_start3A_63 = tpu.memref_slice %arg7[%add3A_15, %dma_start3A_62] : memref<10240x16xf32, #tpu.memory_space<vmem_shared>> -> memref<128x16xf32, #tpu.memory_space<vmem_shared>>
      tpu.enqueue_dma source(%arg6 : memref<128x16xf32, #tpu.memory_space<vmem>>) target(%dma_start3A_63 : memref<128x16xf32, #tpu.memory_space<vmem_shared>>) target_semaphore(%run_scoped3A : memref<!tpu.dma_semaphore, #tpu.memory_space<semaphore_mem>>)
      %dma_wait3A = arith.constant 0 : i32
      %dma_wait3A_64 = tpu.memref_slice %arg7[%add3A_15, %dma_wait3A] : memref<10240x16xf32, #tpu.memory_space<vmem_shared>> -> memref<128x16xf32, #tpu.memory_space<vmem_shared>>
      %dma_wait3A_65 = arith.constant 0 : i32
      %dma_wait3A_66 = tpu.memref_slice %arg7[%add3A_15, %dma_wait3A_65] : memref<10240x16xf32, #tpu.memory_space<vmem_shared>> -> memref<128x16xf32, #tpu.memory_space<vmem_shared>>
      tpu.wait_dma2 semaphore(%run_scoped3A : memref<!tpu.dma_semaphore, #tpu.memory_space<semaphore_mem>>) src(%arg6 : memref<128x16xf32, #tpu.memory_space<vmem>>) dst(%dma_wait3A_66 : memref<128x16xf32, #tpu.memory_space<vmem_shared>>)
      tpu.yield
    }) : () -> ()
    %mul3A_16 = arith.constant 640 : i32
    %mul3A_17 = arith.muli %arg1, %mul3A_16 : i32
    %add3A_18 = arith.constant 128 : i32
    %add3A_19 = arith.addi %mul3A_17, %add3A_18 : i32
    "tpu.region"() ({
      %run_scoped3A = tpu.sem_alloc : memref<!tpu.dma_semaphore, #tpu.memory_space<semaphore_mem>>
      %dma_start3A = arith.constant 0 : i32
      %dma_start3A_61 = tpu.memref_slice %arg7[%add3A_19, %dma_start3A] : memref<10240x16xf32, #tpu.memory_space<vmem_shared>> -> memref<128x16xf32, #tpu.memory_space<vmem_shared>>
      %dma_start3A_62 = arith.constant 0 : i32
      %dma_start3A_63 = tpu.memref_slice %arg7[%add3A_19, %dma_start3A_62] : memref<10240x16xf32, #tpu.memory_space<vmem_shared>> -> memref<128x16xf32, #tpu.memory_space<vmem_shared>>
      tpu.enqueue_dma source(%arg6 : memref<128x16xf32, #tpu.memory_space<vmem>>) target(%dma_start3A_63 : memref<128x16xf32, #tpu.memory_space<vmem_shared>>) target_semaphore(%run_scoped3A : memref<!tpu.dma_semaphore, #tpu.memory_space<semaphore_mem>>)
      %dma_wait3A = arith.constant 0 : i32
      %dma_wait3A_64 = tpu.memref_slice %arg7[%add3A_19, %dma_wait3A] : memref<10240x16xf32, #tpu.memory_space<vmem_shared>> -> memref<128x16xf32, #tpu.memory_space<vmem_shared>>
      %dma_wait3A_65 = arith.constant 0 : i32
      %dma_wait3A_66 = tpu.memref_slice %arg7[%add3A_19, %dma_wait3A_65] : memref<10240x16xf32, #tpu.memory_space<vmem_shared>> -> memref<128x16xf32, #tpu.memory_space<vmem_shared>>
      tpu.wait_dma2 semaphore(%run_scoped3A : memref<!tpu.dma_semaphore, #tpu.memory_space<semaphore_mem>>) src(%arg6 : memref<128x16xf32, #tpu.memory_space<vmem>>) dst(%dma_wait3A_66 : memref<128x16xf32, #tpu.memory_space<vmem_shared>>)
      tpu.yield
    }) : () -> ()
    %mul3A_20 = arith.constant 640 : i32
    %mul3A_21 = arith.muli %arg1, %mul3A_20 : i32
    %add3A_22 = arith.constant 256 : i32
    %add3A_23 = arith.addi %mul3A_21, %add3A_22 : i32
    "tpu.region"() ({
      %run_scoped3A = tpu.sem_alloc : memref<!tpu.dma_semaphore, #tpu.memory_space<semaphore_mem>>
      %dma_start3A = arith.constant 0 : i32
      %dma_start3A_61 = tpu.memref_slice %arg7[%add3A_23, %dma_start3A] : memref<10240x16xf32, #tpu.memory_space<vmem_shared>> -> memref<128x16xf32, #tpu.memory_space<vmem_shared>>
      %dma_start3A_62 = arith.constant 0 : i32
      %dma_start3A_63 = tpu.memref_slice %arg7[%add3A_23, %dma_start3A_62] : memref<10240x16xf32, #tpu.memory_space<vmem_shared>> -> memref<128x16xf32, #tpu.memory_space<vmem_shared>>
      tpu.enqueue_dma source(%arg6 : memref<128x16xf32, #tpu.memory_space<vmem>>) target(%dma_start3A_63 : memref<128x16xf32, #tpu.memory_space<vmem_shared>>) target_semaphore(%run_scoped3A : memref<!tpu.dma_semaphore, #tpu.memory_space<semaphore_mem>>)
      %dma_wait3A = arith.constant 0 : i32
      %dma_wait3A_64 = tpu.memref_slice %arg7[%add3A_23, %dma_wait3A] : memref<10240x16xf32, #tpu.memory_space<vmem_shared>> -> memref<128x16xf32, #tpu.memory_space<vmem_shared>>
      %dma_wait3A_65 = arith.constant 0 : i32
      %dma_wait3A_66 = tpu.memref_slice %arg7[%add3A_23, %dma_wait3A_65] : memref<10240x16xf32, #tpu.memory_space<vmem_shared>> -> memref<128x16xf32, #tpu.memory_space<vmem_shared>>
      tpu.wait_dma2 semaphore(%run_scoped3A : memref<!tpu.dma_semaphore, #tpu.memory_space<semaphore_mem>>) src(%arg6 : memref<128x16xf32, #tpu.memory_space<vmem>>) dst(%dma_wait3A_66 : memref<128x16xf32, #tpu.memory_space<vmem_shared>>)
      tpu.yield
    }) : () -> ()
    %mul3A_24 = arith.constant 640 : i32
    %mul3A_25 = arith.muli %arg1, %mul3A_24 : i32
    %add3A_26 = arith.constant 384 : i32
    %add3A_27 = arith.addi %mul3A_25, %add3A_26 : i32
    "tpu.region"() ({
      %run_scoped3A = tpu.sem_alloc : memref<!tpu.dma_semaphore, #tpu.memory_space<semaphore_mem>>
      %dma_start3A = arith.constant 0 : i32
      %dma_start3A_61 = tpu.memref_slice %arg7[%add3A_27, %dma_start3A] : memref<10240x16xf32, #tpu.memory_space<vmem_shared>> -> memref<128x16xf32, #tpu.memory_space<vmem_shared>>
      %dma_start3A_62 = arith.constant 0 : i32
      %dma_start3A_63 = tpu.memref_slice %arg7[%add3A_27, %dma_start3A_62] : memref<10240x16xf32, #tpu.memory_space<vmem_shared>> -> memref<128x16xf32, #tpu.memory_space<vmem_shared>>
      tpu.enqueue_dma source(%arg6 : memref<128x16xf32, #tpu.memory_space<vmem>>) target(%dma_start3A_63 : memref<128x16xf32, #tpu.memory_space<vmem_shared>>) target_semaphore(%run_scoped3A : memref<!tpu.dma_semaphore, #tpu.memory_space<semaphore_mem>>)
      %dma_wait3A = arith.constant 0 : i32
      %dma_wait3A_64 = tpu.memref_slice %arg7[%add3A_27, %dma_wait3A] : memref<10240x16xf32, #tpu.memory_space<vmem_shared>> -> memref<128x16xf32, #tpu.memory_space<vmem_shared>>
      %dma_wait3A_65 = arith.constant 0 : i32
      %dma_wait3A_66 = tpu.memref_slice %arg7[%add3A_27, %dma_wait3A_65] : memref<10240x16xf32, #tpu.memory_space<vmem_shared>> -> memref<128x16xf32, #tpu.memory_space<vmem_shared>>
      tpu.wait_dma2 semaphore(%run_scoped3A : memref<!tpu.dma_semaphore, #tpu.memory_space<semaphore_mem>>) src(%arg6 : memref<128x16xf32, #tpu.memory_space<vmem>>) dst(%dma_wait3A_66 : memref<128x16xf32, #tpu.memory_space<vmem_shared>>)
      tpu.yield
    }) : () -> ()
    %mul3A_28 = arith.constant 640 : i32
    %mul3A_29 = arith.muli %arg1, %mul3A_28 : i32
    %add3A_30 = arith.constant 512 : i32
    %add3A_31 = arith.addi %mul3A_29, %add3A_30 : i32
    "tpu.region"() ({
      %run_scoped3A = tpu.sem_alloc : memref<!tpu.dma_semaphore, #tpu.memory_space<semaphore_mem>>
      %dma_start3A = arith.constant 0 : i32
      %dma_start3A_61 = tpu.memref_slice %arg7[%add3A_31, %dma_start3A] : memref<10240x16xf32, #tpu.memory_space<vmem_shared>> -> memref<128x16xf32, #tpu.memory_space<vmem_shared>>
      %dma_start3A_62 = arith.constant 0 : i32
      %dma_start3A_63 = tpu.memref_slice %arg7[%add3A_31, %dma_start3A_62] : memref<10240x16xf32, #tpu.memory_space<vmem_shared>> -> memref<128x16xf32, #tpu.memory_space<vmem_shared>>
      tpu.enqueue_dma source(%arg6 : memref<128x16xf32, #tpu.memory_space<vmem>>) target(%dma_start3A_63 : memref<128x16xf32, #tpu.memory_space<vmem_shared>>) target_semaphore(%run_scoped3A : memref<!tpu.dma_semaphore, #tpu.memory_space<semaphore_mem>>)
      %dma_wait3A = arith.constant 0 : i32
      %dma_wait3A_64 = tpu.memref_slice %arg7[%add3A_31, %dma_wait3A] : memref<10240x16xf32, #tpu.memory_space<vmem_shared>> -> memref<128x16xf32, #tpu.memory_space<vmem_shared>>
      %dma_wait3A_65 = arith.constant 0 : i32
      %dma_wait3A_66 = tpu.memref_slice %arg7[%add3A_31, %dma_wait3A_65] : memref<10240x16xf32, #tpu.memory_space<vmem_shared>> -> memref<128x16xf32, #tpu.memory_space<vmem_shared>>
      tpu.wait_dma2 semaphore(%run_scoped3A : memref<!tpu.dma_semaphore, #tpu.memory_space<semaphore_mem>>) src(%arg6 : memref<128x16xf32, #tpu.memory_space<vmem>>) dst(%dma_wait3A_66 : memref<128x16xf32, #tpu.memory_space<vmem_shared>>)
      tpu.yield
    }) : () -> ()
    %barrier3A = arith.constant 0 : index
    tpu.barrier barrier_id(%barrier3A)
    %mul3A_32 = arith.constant 80 : i32
    %mul3A_33 = arith.muli %add3A, %mul3A_32 : i32
    "tpu.region"() ({
      %run_scoped3A = tpu.sem_alloc : memref<!tpu.dma_semaphore, #tpu.memory_space<semaphore_mem>>
      %dma_start3A = arith.constant 0 : i32
      %dma_start3A_61 = tpu.memref_slice %arg2[%mul3A_33, %dma_start3A] : memref<2560x128xi32, #tpu.memory_space<hbm>> -> memref<80x128xi32, #tpu.memory_space<hbm>>
      %dma_start3A_62 = arith.constant 0 : i32
      %dma_start3A_63 = tpu.memref_slice %arg2[%mul3A_33, %dma_start3A_62] : memref<2560x128xi32, #tpu.memory_space<hbm>> -> memref<80x128xi32, #tpu.memory_space<hbm>>
      tpu.enqueue_dma source(%dma_start3A_63 : memref<80x128xi32, #tpu.memory_space<hbm>>) target(%arg4 : memref<80x128xi32, #tpu.memory_space<vmem>>) target_semaphore(%run_scoped3A : memref<!tpu.dma_semaphore, #tpu.memory_space<semaphore_mem>>)
      %dma_wait3A = arith.constant 0 : i32
      %dma_wait3A_64 = tpu.memref_slice %arg2[%mul3A_33, %dma_wait3A] : memref<2560x128xi32, #tpu.memory_space<hbm>> -> memref<80x128xi32, #tpu.memory_space<hbm>>
      %dma_wait3A_65 = arith.constant 0 : i32
      %dma_wait3A_66 = tpu.memref_slice %arg2[%mul3A_33, %dma_wait3A_65] : memref<2560x128xi32, #tpu.memory_space<hbm>> -> memref<80x128xi32, #tpu.memory_space<hbm>>
      tpu.wait_dma2 semaphore(%run_scoped3A : memref<!tpu.dma_semaphore, #tpu.memory_space<semaphore_mem>>) src(%dma_wait3A_66 : memref<80x128xi32, #tpu.memory_space<hbm>>) dst(%arg4 : memref<80x128xi32, #tpu.memory_space<vmem>>)
      tpu.yield
    }) : () -> ()
    %scan3A_34 = arith.constant 0 : i32
    %scan3A_35 = arith.constant 0 : i32
    %scan3A_36 = arith.constant 80 : i32
    %scan3A_37 = arith.addi %scan3A_35, %scan3A_36 : i32
    %scan3A_38 = arith.constant 1 : i32
    scf.for %scan3A_61 = %scan3A_35 to %scan3A_37 step %scan3A_38  : i32 {
      "tpu.region"() ({
        %run_scoped3A = tpu.sem_alloc : memref<!tpu.dma_semaphore, #tpu.memory_space<semaphore_mem>>
        %dma_start3A = arith.constant 0 : i32
        %dma_start3A_62 = tpu.memref_slice %arg4[%scan3A_61, %dma_start3A] : memref<80x128xi32, #tpu.memory_space<vmem>> -> memref<1x128xi32, #tpu.memory_space<vmem>>
        %dma_start3A_63 = tpu.memref_squeeze %dma_start3A_62 : memref<1x128xi32, #tpu.memory_space<vmem>> -> memref<128xi32, #tpu.memory_space<vmem>>
        %dma_start3A_64 = arith.constant 0 : i32
        %dma_start3A_65 = arith.constant 0 : i32
        %dma_start3A_66 = tpu.memref_slice %arg7[%dma_start3A_64, %dma_start3A_65] : memref<10240x16xf32, #tpu.memory_space<vmem_shared>> -> memref<10240x16xf32, #tpu.memory_space<vmem_shared>>
        tpu.enqueue_indirect_dma source(%arg5 : memref<128x16xf32, #tpu.memory_space<vmem>>) target(%dma_start3A_66 : memref<10240x16xf32, #tpu.memory_space<vmem_shared>>) offsets(%dma_start3A_63 : memref<128xi32, #tpu.memory_space<vmem>>) semaphore(%run_scoped3A : memref<!tpu.dma_semaphore, #tpu.memory_space<semaphore_mem>>) {add = true}
        %dma_wait3A = arith.constant 0 : i32
        %dma_wait3A_67 = tpu.memref_slice %arg4[%scan3A_61, %dma_wait3A] : memref<80x128xi32, #tpu.memory_space<vmem>> -> memref<1x128xi32, #tpu.memory_space<vmem>>
        %dma_wait3A_68 = tpu.memref_squeeze %dma_wait3A_67 : memref<1x128xi32, #tpu.memory_space<vmem>> -> memref<128xi32, #tpu.memory_space<vmem>>
        %dma_wait3A_69 = arith.constant 0 : i32
        %dma_wait3A_70 = arith.constant 0 : i32
        %dma_wait3A_71 = tpu.memref_slice %arg7[%dma_wait3A_69, %dma_wait3A_70] : memref<10240x16xf32, #tpu.memory_space<vmem_shared>> -> memref<10240x16xf32, #tpu.memory_space<vmem_shared>>
        tpu.wait_indirect_dma semaphore(%run_scoped3A : memref<!tpu.dma_semaphore, #tpu.memory_space<semaphore_mem>>) src(%arg5 : memref<128x16xf32, #tpu.memory_space<vmem>>) dst(%dma_wait3A_71 : memref<10240x16xf32, #tpu.memory_space<vmem_shared>>)
        tpu.yield
      }) : () -> ()
    }
    %scan3A_39 = arith.constant 80 : i32
    %barrier3A_40 = arith.constant 0 : index
    tpu.barrier barrier_id(%barrier3A_40)
    %mul3A_41 = arith.constant 640 : i32
    %mul3A_42 = arith.muli %arg1, %mul3A_41 : i32
    %add3A_43 = arith.constant 0 : i32
    %add3A_44 = arith.addi %mul3A_42, %add3A_43 : i32
    "tpu.region"() ({
      %run_scoped3A = tpu.sem_alloc : memref<!tpu.dma_semaphore, #tpu.memory_space<semaphore_mem>>
      %dma_start3A = arith.constant 0 : i32
      %dma_start3A_61 = tpu.memref_slice %arg7[%add3A_44, %dma_start3A] : memref<10240x16xf32, #tpu.memory_space<vmem_shared>> -> memref<128x16xf32, #tpu.memory_space<vmem_shared>>
      %dma_start3A_62 = arith.constant 0 : i32
      %dma_start3A_63 = tpu.memref_slice %arg7[%add3A_44, %dma_start3A_62] : memref<10240x16xf32, #tpu.memory_space<vmem_shared>> -> memref<128x16xf32, #tpu.memory_space<vmem_shared>>
      tpu.enqueue_dma source(%dma_start3A_63 : memref<128x16xf32, #tpu.memory_space<vmem_shared>>) target(%arg6 : memref<128x16xf32, #tpu.memory_space<vmem>>) target_semaphore(%run_scoped3A : memref<!tpu.dma_semaphore, #tpu.memory_space<semaphore_mem>>)
      %dma_wait3A = arith.constant 0 : i32
      %dma_wait3A_64 = tpu.memref_slice %arg7[%add3A_44, %dma_wait3A] : memref<10240x16xf32, #tpu.memory_space<vmem_shared>> -> memref<128x16xf32, #tpu.memory_space<vmem_shared>>
      %dma_wait3A_65 = arith.constant 0 : i32
      %dma_wait3A_66 = tpu.memref_slice %arg7[%add3A_44, %dma_wait3A_65] : memref<10240x16xf32, #tpu.memory_space<vmem_shared>> -> memref<128x16xf32, #tpu.memory_space<vmem_shared>>
      tpu.wait_dma2 semaphore(%run_scoped3A : memref<!tpu.dma_semaphore, #tpu.memory_space<semaphore_mem>>) src(%dma_wait3A_66 : memref<128x16xf32, #tpu.memory_space<vmem_shared>>) dst(%arg6 : memref<128x16xf32, #tpu.memory_space<vmem>>)
      tpu.yield
    }) : () -> ()
    "tpu.region"() ({
      %run_scoped3A = tpu.sem_alloc : memref<!tpu.dma_semaphore, #tpu.memory_space<semaphore_mem>>
      %dma_start3A = arith.constant 0 : i32
      %dma_start3A_61 = tpu.memref_slice %arg3[%arg0, %add3A_44, %dma_start3A] : memref<2x10240x16xf32, #tpu.memory_space<hbm>> -> memref<1x128x16xf32, #tpu.memory_space<hbm>>
      %dma_start3A_62 = tpu.memref_squeeze %dma_start3A_61 : memref<1x128x16xf32, #tpu.memory_space<hbm>> -> memref<128x16xf32, #tpu.memory_space<hbm>>
      %dma_start3A_63 = arith.constant 0 : i32
      %dma_start3A_64 = tpu.memref_slice %arg3[%arg0, %add3A_44, %dma_start3A_63] : memref<2x10240x16xf32, #tpu.memory_space<hbm>> -> memref<1x128x16xf32, #tpu.memory_space<hbm>>
      %dma_start3A_65 = tpu.memref_squeeze %dma_start3A_64 : memref<1x128x16xf32, #tpu.memory_space<hbm>> -> memref<128x16xf32, #tpu.memory_space<hbm>>
      tpu.enqueue_dma source(%arg6 : memref<128x16xf32, #tpu.memory_space<vmem>>) target(%dma_start3A_65 : memref<128x16xf32, #tpu.memory_space<hbm>>) target_semaphore(%run_scoped3A : memref<!tpu.dma_semaphore, #tpu.memory_space<semaphore_mem>>)
      %dma_wait3A = arith.constant 0 : i32
      %dma_wait3A_66 = tpu.memref_slice %arg3[%arg0, %add3A_44, %dma_wait3A] : memref<2x10240x16xf32, #tpu.memory_space<hbm>> -> memref<1x128x16xf32, #tpu.memory_space<hbm>>
      %dma_wait3A_67 = tpu.memref_squeeze %dma_wait3A_66 : memref<1x128x16xf32, #tpu.memory_space<hbm>> -> memref<128x16xf32, #tpu.memory_space<hbm>>
      %dma_wait3A_68 = arith.constant 0 : i32
      %dma_wait3A_69 = tpu.memref_slice %arg3[%arg0, %add3A_44, %dma_wait3A_68] : memref<2x10240x16xf32, #tpu.memory_space<hbm>> -> memref<1x128x16xf32, #tpu.memory_space<hbm>>
      %dma_wait3A_70 = tpu.memref_squeeze %dma_wait3A_69 : memref<1x128x16xf32, #tpu.memory_space<hbm>> -> memref<128x16xf32, #tpu.memory_space<hbm>>
      tpu.wait_dma2 semaphore(%run_scoped3A : memref<!tpu.dma_semaphore, #tpu.memory_space<semaphore_mem>>) src(%arg6 : memref<128x16xf32, #tpu.memory_space<vmem>>) dst(%dma_wait3A_70 : memref<128x16xf32, #tpu.memory_space<hbm>>)
      tpu.yield
    }) : () -> ()
    %mul3A_45 = arith.constant 640 : i32
    %mul3A_46 = arith.muli %arg1, %mul3A_45 : i32
    %add3A_47 = arith.constant 128 : i32
    %add3A_48 = arith.addi %mul3A_46, %add3A_47 : i32
    "tpu.region"() ({
      %run_scoped3A = tpu.sem_alloc : memref<!tpu.dma_semaphore, #tpu.memory_space<semaphore_mem>>
      %dma_start3A = arith.constant 0 : i32
      %dma_start3A_61 = tpu.memref_slice %arg7[%add3A_48, %dma_start3A] : memref<10240x16xf32, #tpu.memory_space<vmem_shared>> -> memref<128x16xf32, #tpu.memory_space<vmem_shared>>
      %dma_start3A_62 = arith.constant 0 : i32
      %dma_start3A_63 = tpu.memref_slice %arg7[%add3A_48, %dma_start3A_62] : memref<10240x16xf32, #tpu.memory_space<vmem_shared>> -> memref<128x16xf32, #tpu.memory_space<vmem_shared>>
      tpu.enqueue_dma source(%dma_start3A_63 : memref<128x16xf32, #tpu.memory_space<vmem_shared>>) target(%arg6 : memref<128x16xf32, #tpu.memory_space<vmem>>) target_semaphore(%run_scoped3A : memref<!tpu.dma_semaphore, #tpu.memory_space<semaphore_mem>>)
      %dma_wait3A = arith.constant 0 : i32
      %dma_wait3A_64 = tpu.memref_slice %arg7[%add3A_48, %dma_wait3A] : memref<10240x16xf32, #tpu.memory_space<vmem_shared>> -> memref<128x16xf32, #tpu.memory_space<vmem_shared>>
      %dma_wait3A_65 = arith.constant 0 : i32
      %dma_wait3A_66 = tpu.memref_slice %arg7[%add3A_48, %dma_wait3A_65] : memref<10240x16xf32, #tpu.memory_space<vmem_shared>> -> memref<128x16xf32, #tpu.memory_space<vmem_shared>>
      tpu.wait_dma2 semaphore(%run_scoped3A : memref<!tpu.dma_semaphore, #tpu.memory_space<semaphore_mem>>) src(%dma_wait3A_66 : memref<128x16xf32, #tpu.memory_space<vmem_shared>>) dst(%arg6 : memref<128x16xf32, #tpu.memory_space<vmem>>)
      tpu.yield
    }) : () -> ()
    "tpu.region"() ({
      %run_scoped3A = tpu.sem_alloc : memref<!tpu.dma_semaphore, #tpu.memory_space<semaphore_mem>>
      %dma_start3A = arith.constant 0 : i32
      %dma_start3A_61 = tpu.memref_slice %arg3[%arg0, %add3A_48, %dma_start3A] : memref<2x10240x16xf32, #tpu.memory_space<hbm>> -> memref<1x128x16xf32, #tpu.memory_space<hbm>>
      %dma_start3A_62 = tpu.memref_squeeze %dma_start3A_61 : memref<1x128x16xf32, #tpu.memory_space<hbm>> -> memref<128x16xf32, #tpu.memory_space<hbm>>
      %dma_start3A_63 = arith.constant 0 : i32
      %dma_start3A_64 = tpu.memref_slice %arg3[%arg0, %add3A_48, %dma_start3A_63] : memref<2x10240x16xf32, #tpu.memory_space<hbm>> -> memref<1x128x16xf32, #tpu.memory_space<hbm>>
      %dma_start3A_65 = tpu.memref_squeeze %dma_start3A_64 : memref<1x128x16xf32, #tpu.memory_space<hbm>> -> memref<128x16xf32, #tpu.memory_space<hbm>>
      tpu.enqueue_dma source(%arg6 : memref<128x16xf32, #tpu.memory_space<vmem>>) target(%dma_start3A_65 : memref<128x16xf32, #tpu.memory_space<hbm>>) target_semaphore(%run_scoped3A : memref<!tpu.dma_semaphore, #tpu.memory_space<semaphore_mem>>)
      %dma_wait3A = arith.constant 0 : i32
      %dma_wait3A_66 = tpu.memref_slice %arg3[%arg0, %add3A_48, %dma_wait3A] : memref<2x10240x16xf32, #tpu.memory_space<hbm>> -> memref<1x128x16xf32, #tpu.memory_space<hbm>>
      %dma_wait3A_67 = tpu.memref_squeeze %dma_wait3A_66 : memref<1x128x16xf32, #tpu.memory_space<hbm>> -> memref<128x16xf32, #tpu.memory_space<hbm>>
      %dma_wait3A_68 = arith.constant 0 : i32
      %dma_wait3A_69 = tpu.memref_slice %arg3[%arg0, %add3A_48, %dma_wait3A_68] : memref<2x10240x16xf32, #tpu.memory_space<hbm>> -> memref<1x128x16xf32, #tpu.memory_space<hbm>>
      %dma_wait3A_70 = tpu.memref_squeeze %dma_wait3A_69 : memref<1x128x16xf32, #tpu.memory_space<hbm>> -> memref<128x16xf32, #tpu.memory_space<hbm>>
      tpu.wait_dma2 semaphore(%run_scoped3A : memref<!tpu.dma_semaphore, #tpu.memory_space<semaphore_mem>>) src(%arg6 : memref<128x16xf32, #tpu.memory_space<vmem>>) dst(%dma_wait3A_70 : memref<128x16xf32, #tpu.memory_space<hbm>>)
      tpu.yield
    }) : () -> ()
    %mul3A_49 = arith.constant 640 : i32
    %mul3A_50 = arith.muli %arg1, %mul3A_49 : i32
    %add3A_51 = arith.constant 256 : i32
    %add3A_52 = arith.addi %mul3A_50, %add3A_51 : i32
    "tpu.region"() ({
      %run_scoped3A = tpu.sem_alloc : memref<!tpu.dma_semaphore, #tpu.memory_space<semaphore_mem>>
      %dma_start3A = arith.constant 0 : i32
      %dma_start3A_61 = tpu.memref_slice %arg7[%add3A_52, %dma_start3A] : memref<10240x16xf32, #tpu.memory_space<vmem_shared>> -> memref<128x16xf32, #tpu.memory_space<vmem_shared>>
      %dma_start3A_62 = arith.constant 0 : i32
      %dma_start3A_63 = tpu.memref_slice %arg7[%add3A_52, %dma_start3A_62] : memref<10240x16xf32, #tpu.memory_space<vmem_shared>> -> memref<128x16xf32, #tpu.memory_space<vmem_shared>>
      tpu.enqueue_dma source(%dma_start3A_63 : memref<128x16xf32, #tpu.memory_space<vmem_shared>>) target(%arg6 : memref<128x16xf32, #tpu.memory_space<vmem>>) target_semaphore(%run_scoped3A : memref<!tpu.dma_semaphore, #tpu.memory_space<semaphore_mem>>)
      %dma_wait3A = arith.constant 0 : i32
      %dma_wait3A_64 = tpu.memref_slice %arg7[%add3A_52, %dma_wait3A] : memref<10240x16xf32, #tpu.memory_space<vmem_shared>> -> memref<128x16xf32, #tpu.memory_space<vmem_shared>>
      %dma_wait3A_65 = arith.constant 0 : i32
      %dma_wait3A_66 = tpu.memref_slice %arg7[%add3A_52, %dma_wait3A_65] : memref<10240x16xf32, #tpu.memory_space<vmem_shared>> -> memref<128x16xf32, #tpu.memory_space<vmem_shared>>
      tpu.wait_dma2 semaphore(%run_scoped3A : memref<!tpu.dma_semaphore, #tpu.memory_space<semaphore_mem>>) src(%dma_wait3A_66 : memref<128x16xf32, #tpu.memory_space<vmem_shared>>) dst(%arg6 : memref<128x16xf32, #tpu.memory_space<vmem>>)
      tpu.yield
    }) : () -> ()
    "tpu.region"() ({
      %run_scoped3A = tpu.sem_alloc : memref<!tpu.dma_semaphore, #tpu.memory_space<semaphore_mem>>
      %dma_start3A = arith.constant 0 : i32
      %dma_start3A_61 = tpu.memref_slice %arg3[%arg0, %add3A_52, %dma_start3A] : memref<2x10240x16xf32, #tpu.memory_space<hbm>> -> memref<1x128x16xf32, #tpu.memory_space<hbm>>
      %dma_start3A_62 = tpu.memref_squeeze %dma_start3A_61 : memref<1x128x16xf32, #tpu.memory_space<hbm>> -> memref<128x16xf32, #tpu.memory_space<hbm>>
      %dma_start3A_63 = arith.constant 0 : i32
      %dma_start3A_64 = tpu.memref_slice %arg3[%arg0, %add3A_52, %dma_start3A_63] : memref<2x10240x16xf32, #tpu.memory_space<hbm>> -> memref<1x128x16xf32, #tpu.memory_space<hbm>>
      %dma_start3A_65 = tpu.memref_squeeze %dma_start3A_64 : memref<1x128x16xf32, #tpu.memory_space<hbm>> -> memref<128x16xf32, #tpu.memory_space<hbm>>
      tpu.enqueue_dma source(%arg6 : memref<128x16xf32, #tpu.memory_space<vmem>>) target(%dma_start3A_65 : memref<128x16xf32, #tpu.memory_space<hbm>>) target_semaphore(%run_scoped3A : memref<!tpu.dma_semaphore, #tpu.memory_space<semaphore_mem>>)
      %dma_wait3A = arith.constant 0 : i32
      %dma_wait3A_66 = tpu.memref_slice %arg3[%arg0, %add3A_52, %dma_wait3A] : memref<2x10240x16xf32, #tpu.memory_space<hbm>> -> memref<1x128x16xf32, #tpu.memory_space<hbm>>
      %dma_wait3A_67 = tpu.memref_squeeze %dma_wait3A_66 : memref<1x128x16xf32, #tpu.memory_space<hbm>> -> memref<128x16xf32, #tpu.memory_space<hbm>>
      %dma_wait3A_68 = arith.constant 0 : i32
      %dma_wait3A_69 = tpu.memref_slice %arg3[%arg0, %add3A_52, %dma_wait3A_68] : memref<2x10240x16xf32, #tpu.memory_space<hbm>> -> memref<1x128x16xf32, #tpu.memory_space<hbm>>
      %dma_wait3A_70 = tpu.memref_squeeze %dma_wait3A_69 : memref<1x128x16xf32, #tpu.memory_space<hbm>> -> memref<128x16xf32, #tpu.memory_space<hbm>>
      tpu.wait_dma2 semaphore(%run_scoped3A : memref<!tpu.dma_semaphore, #tpu.memory_space<semaphore_mem>>) src(%arg6 : memref<128x16xf32, #tpu.memory_space<vmem>>) dst(%dma_wait3A_70 : memref<128x16xf32, #tpu.memory_space<hbm>>)
      tpu.yield
    }) : () -> ()
    %mul3A_53 = arith.constant 640 : i32
    %mul3A_54 = arith.muli %arg1, %mul3A_53 : i32
    %add3A_55 = arith.constant 384 : i32
    %add3A_56 = arith.addi %mul3A_54, %add3A_55 : i32
    "tpu.region"() ({
      %run_scoped3A = tpu.sem_alloc : memref<!tpu.dma_semaphore, #tpu.memory_space<semaphore_mem>>
      %dma_start3A = arith.constant 0 : i32
      %dma_start3A_61 = tpu.memref_slice %arg7[%add3A_56, %dma_start3A] : memref<10240x16xf32, #tpu.memory_space<vmem_shared>> -> memref<128x16xf32, #tpu.memory_space<vmem_shared>>
      %dma_start3A_62 = arith.constant 0 : i32
      %dma_start3A_63 = tpu.memref_slice %arg7[%add3A_56, %dma_start3A_62] : memref<10240x16xf32, #tpu.memory_space<vmem_shared>> -> memref<128x16xf32, #tpu.memory_space<vmem_shared>>
      tpu.enqueue_dma source(%dma_start3A_63 : memref<128x16xf32, #tpu.memory_space<vmem_shared>>) target(%arg6 : memref<128x16xf32, #tpu.memory_space<vmem>>) target_semaphore(%run_scoped3A : memref<!tpu.dma_semaphore, #tpu.memory_space<semaphore_mem>>)
      %dma_wait3A = arith.constant 0 : i32
      %dma_wait3A_64 = tpu.memref_slice %arg7[%add3A_56, %dma_wait3A] : memref<10240x16xf32, #tpu.memory_space<vmem_shared>> -> memref<128x16xf32, #tpu.memory_space<vmem_shared>>
      %dma_wait3A_65 = arith.constant 0 : i32
      %dma_wait3A_66 = tpu.memref_slice %arg7[%add3A_56, %dma_wait3A_65] : memref<10240x16xf32, #tpu.memory_space<vmem_shared>> -> memref<128x16xf32, #tpu.memory_space<vmem_shared>>
      tpu.wait_dma2 semaphore(%run_scoped3A : memref<!tpu.dma_semaphore, #tpu.memory_space<semaphore_mem>>) src(%dma_wait3A_66 : memref<128x16xf32, #tpu.memory_space<vmem_shared>>) dst(%arg6 : memref<128x16xf32, #tpu.memory_space<vmem>>)
      tpu.yield
    }) : () -> ()
    "tpu.region"() ({
      %run_scoped3A = tpu.sem_alloc : memref<!tpu.dma_semaphore, #tpu.memory_space<semaphore_mem>>
      %dma_start3A = arith.constant 0 : i32
      %dma_start3A_61 = tpu.memref_slice %arg3[%arg0, %add3A_56, %dma_start3A] : memref<2x10240x16xf32, #tpu.memory_space<hbm>> -> memref<1x128x16xf32, #tpu.memory_space<hbm>>
      %dma_start3A_62 = tpu.memref_squeeze %dma_start3A_61 : memref<1x128x16xf32, #tpu.memory_space<hbm>> -> memref<128x16xf32, #tpu.memory_space<hbm>>
      %dma_start3A_63 = arith.constant 0 : i32
      %dma_start3A_64 = tpu.memref_slice %arg3[%arg0, %add3A_56, %dma_start3A_63] : memref<2x10240x16xf32, #tpu.memory_space<hbm>> -> memref<1x128x16xf32, #tpu.memory_space<hbm>>
      %dma_start3A_65 = tpu.memref_squeeze %dma_start3A_64 : memref<1x128x16xf32, #tpu.memory_space<hbm>> -> memref<128x16xf32, #tpu.memory_space<hbm>>
      tpu.enqueue_dma source(%arg6 : memref<128x16xf32, #tpu.memory_space<vmem>>) target(%dma_start3A_65 : memref<128x16xf32, #tpu.memory_space<hbm>>) target_semaphore(%run_scoped3A : memref<!tpu.dma_semaphore, #tpu.memory_space<semaphore_mem>>)
      %dma_wait3A = arith.constant 0 : i32
      %dma_wait3A_66 = tpu.memref_slice %arg3[%arg0, %add3A_56, %dma_wait3A] : memref<2x10240x16xf32, #tpu.memory_space<hbm>> -> memref<1x128x16xf32, #tpu.memory_space<hbm>>
      %dma_wait3A_67 = tpu.memref_squeeze %dma_wait3A_66 : memref<1x128x16xf32, #tpu.memory_space<hbm>> -> memref<128x16xf32, #tpu.memory_space<hbm>>
      %dma_wait3A_68 = arith.constant 0 : i32
      %dma_wait3A_69 = tpu.memref_slice %arg3[%arg0, %add3A_56, %dma_wait3A_68] : memref<2x10240x16xf32, #tpu.memory_space<hbm>> -> memref<1x128x16xf32, #tpu.memory_space<hbm>>
      %dma_wait3A_70 = tpu.memref_squeeze %dma_wait3A_69 : memref<1x128x16xf32, #tpu.memory_space<hbm>> -> memref<128x16xf32, #tpu.memory_space<hbm>>
      tpu.wait_dma2 semaphore(%run_scoped3A : memref<!tpu.dma_semaphore, #tpu.memory_space<semaphore_mem>>) src(%arg6 : memref<128x16xf32, #tpu.memory_space<vmem>>) dst(%dma_wait3A_70 : memref<128x16xf32, #tpu.memory_space<hbm>>)
      tpu.yield
    }) : () -> ()
    %mul3A_57 = arith.constant 640 : i32
    %mul3A_58 = arith.muli %arg1, %mul3A_57 : i32
    %add3A_59 = arith.constant 512 : i32
    %add3A_60 = arith.addi %mul3A_58, %add3A_59 : i32
    "tpu.region"() ({
      %run_scoped3A = tpu.sem_alloc : memref<!tpu.dma_semaphore, #tpu.memory_space<semaphore_mem>>
      %dma_start3A = arith.constant 0 : i32
      %dma_start3A_61 = tpu.memref_slice %arg7[%add3A_60, %dma_start3A] : memref<10240x16xf32, #tpu.memory_space<vmem_shared>> -> memref<128x16xf32, #tpu.memory_space<vmem_shared>>
      %dma_start3A_62 = arith.constant 0 : i32
      %dma_start3A_63 = tpu.memref_slice %arg7[%add3A_60, %dma_start3A_62] : memref<10240x16xf32, #tpu.memory_space<vmem_shared>> -> memref<128x16xf32, #tpu.memory_space<vmem_shared>>
      tpu.enqueue_dma source(%dma_start3A_63 : memref<128x16xf32, #tpu.memory_space<vmem_shared>>) target(%arg6 : memref<128x16xf32, #tpu.memory_space<vmem>>) target_semaphore(%run_scoped3A : memref<!tpu.dma_semaphore, #tpu.memory_space<semaphore_mem>>)
      %dma_wait3A = arith.constant 0 : i32
      %dma_wait3A_64 = tpu.memref_slice %arg7[%add3A_60, %dma_wait3A] : memref<10240x16xf32, #tpu.memory_space<vmem_shared>> -> memref<128x16xf32, #tpu.memory_space<vmem_shared>>
      %dma_wait3A_65 = arith.constant 0 : i32
      %dma_wait3A_66 = tpu.memref_slice %arg7[%add3A_60, %dma_wait3A_65] : memref<10240x16xf32, #tpu.memory_space<vmem_shared>> -> memref<128x16xf32, #tpu.memory_space<vmem_shared>>
      tpu.wait_dma2 semaphore(%run_scoped3A : memref<!tpu.dma_semaphore, #tpu.memory_space<semaphore_mem>>) src(%dma_wait3A_66 : memref<128x16xf32, #tpu.memory_space<vmem_shared>>) dst(%arg6 : memref<128x16xf32, #tpu.memory_space<vmem>>)
      tpu.yield
    }) : () -> ()
    "tpu.region"() ({
      %run_scoped3A = tpu.sem_alloc : memref<!tpu.dma_semaphore, #tpu.memory_space<semaphore_mem>>
      %dma_start3A = arith.constant 0 : i32
      %dma_start3A_61 = tpu.memref_slice %arg3[%arg0, %add3A_60, %dma_start3A] : memref<2x10240x16xf32, #tpu.memory_space<hbm>> -> memref<1x128x16xf32, #tpu.memory_space<hbm>>
      %dma_start3A_62 = tpu.memref_squeeze %dma_start3A_61 : memref<1x128x16xf32, #tpu.memory_space<hbm>> -> memref<128x16xf32, #tpu.memory_space<hbm>>
      %dma_start3A_63 = arith.constant 0 : i32
      %dma_start3A_64 = tpu.memref_slice %arg3[%arg0, %add3A_60, %dma_start3A_63] : memref<2x10240x16xf32, #tpu.memory_space<hbm>> -> memref<1x128x16xf32, #tpu.memory_space<hbm>>
      %dma_start3A_65 = tpu.memref_squeeze %dma_start3A_64 : memref<1x128x16xf32, #tpu.memory_space<hbm>> -> memref<128x16xf32, #tpu.memory_space<hbm>>
      tpu.enqueue_dma source(%arg6 : memref<128x16xf32, #tpu.memory_space<vmem>>) target(%dma_start3A_65 : memref<128x16xf32, #tpu.memory_space<hbm>>) target_semaphore(%run_scoped3A : memref<!tpu.dma_semaphore, #tpu.memory_space<semaphore_mem>>)
      %dma_wait3A = arith.constant 0 : i32
      %dma_wait3A_66 = tpu.memref_slice %arg3[%arg0, %add3A_60, %dma_wait3A] : memref<2x10240x16xf32, #tpu.memory_space<hbm>> -> memref<1x128x16xf32, #tpu.memory_space<hbm>>
      %dma_wait3A_67 = tpu.memref_squeeze %dma_wait3A_66 : memref<1x128x16xf32, #tpu.memory_space<hbm>> -> memref<128x16xf32, #tpu.memory_space<hbm>>
      %dma_wait3A_68 = arith.constant 0 : i32
      %dma_wait3A_69 = tpu.memref_slice %arg3[%arg0, %add3A_60, %dma_wait3A_68] : memref<2x10240x16xf32, #tpu.memory_space<hbm>> -> memref<1x128x16xf32, #tpu.memory_space<hbm>>
      %dma_wait3A_70 = tpu.memref_squeeze %dma_wait3A_69 : memref<1x128x16xf32, #tpu.memory_space<hbm>> -> memref<128x16xf32, #tpu.memory_space<hbm>>
      tpu.wait_dma2 semaphore(%run_scoped3A : memref<!tpu.dma_semaphore, #tpu.memory_space<semaphore_mem>>) src(%arg6 : memref<128x16xf32, #tpu.memory_space<vmem>>) dst(%dma_wait3A_70 : memref<128x16xf32, #tpu.memory_space<hbm>>)
      tpu.yield
    }) : () -> ()
    return
  }
}

#map = affine_map<(d0, d1) -> (0, 0)>
#map1 = affine_map<(d0, d1) -> (0, 0, 0)>
module attributes {stable_mosaic.version = 14 : i64} {
  func.func @hop(%arg0: i32, %arg1: i32, %arg2: memref<10240x128xf32, #tpu.memory_space<hbm>>, %arg3: memref<2560x128xi32, #tpu.memory_space<hbm>>, %arg4: memref<2x10240x128xf32, #tpu.memory_space<hbm>>, %arg5: memref<80x128xi32, #tpu.memory_space<vmem>>, %arg6: memref<2x128xi32, #tpu.memory_space<vmem>>, %arg7: memref<2x128xi32, #tpu.memory_space<vmem>>, %arg8: memref<128x128xf32, #tpu.memory_space<vmem>>, %arg9: memref<128x128xf32, #tpu.memory_space<vmem>>, %arg10: memref<10240x128xf32, #tpu.memory_space<vmem_shared>>, %arg11: memref<!tpu.dma_semaphore, #tpu.memory_space<semaphore_mem>>, %arg12: memref<!tpu.dma_semaphore, #tpu.memory_space<semaphore_mem>>) attributes {dimension_semantics = [#tpu.dimension_semantics<core_parallel>, #tpu.dimension_semantics<subcore_parallel>], iteration_bounds = array<i64: 2, 16>, scalar_prefetch = 0 : i64, scratch_operands = 8 : i64, tpu.core_type = #tpu.core_type<sc_vector_subcore>, window_params = [{transform_indices = #map}, {transform_indices = #map}, {transform_indices = #map1}]} {
    %mul3A = arith.constant 2 : i32
    %mul3A_0 = arith.muli %arg1, %mul3A : i32
    %add3A = arith.addi %mul3A_0, %arg0 : i32
    %broadcast_in_dim3A = arith.constant 0.000000e+00 : f32
    %broadcast_in_dim3A_1 = vector.broadcast %broadcast_in_dim3A : f32 to vector<16xf32>
    %scan3A = arith.constant 0 : i32
    %scan3A_2 = arith.constant 0 : i32
    %scan3A_3 = arith.constant 128 : i32
    %scan3A_4 = arith.addi %scan3A_2, %scan3A_3 : i32
    %scan3A_5 = arith.constant 1 : i32
    scf.for %scan3A_447 = %scan3A_2 to %scan3A_4 step %scan3A_5  : i32 {
      %swap3A_448 = arith.index_cast %scan3A_447 : i32 to index
      %swap3A_449 = arith.constant 0 : index
      %swap3A_450 = tpu.vector_load %arg8[%swap3A_448, %swap3A_449] {strides = array<i32>} : memref<128x128xf32, #tpu.memory_space<vmem>>, vector<1x16xf32>,
      %swap3A_451 = vector.shape_cast %swap3A_450 : vector<1x16xf32> to vector<16xf32>
      %swap3A_452 = vector.shape_cast %broadcast_in_dim3A_1 : vector<16xf32> to vector<1x16xf32>
      tpu.vector_store %arg8[%swap3A_448, %swap3A_449], %swap3A_452 {strides = array<i32>} : memref<128x128xf32, #tpu.memory_space<vmem>>, vector<1x16xf32>,
      %swap3A_453 = arith.index_cast %scan3A_447 : i32 to index
      %swap3A_454 = arith.constant 16 : index
      %swap3A_455 = tpu.vector_load %arg8[%swap3A_453, %swap3A_454] {strides = array<i32>} : memref<128x128xf32, #tpu.memory_space<vmem>>, vector<1x16xf32>,
      %swap3A_456 = vector.shape_cast %swap3A_455 : vector<1x16xf32> to vector<16xf32>
      %swap3A_457 = vector.shape_cast %broadcast_in_dim3A_1 : vector<16xf32> to vector<1x16xf32>
      tpu.vector_store %arg8[%swap3A_453, %swap3A_454], %swap3A_457 {strides = array<i32>} : memref<128x128xf32, #tpu.memory_space<vmem>>, vector<1x16xf32>,
      %swap3A_458 = arith.index_cast %scan3A_447 : i32 to index
      %swap3A_459 = arith.constant 32 : index
      %swap3A_460 = tpu.vector_load %arg8[%swap3A_458, %swap3A_459] {strides = array<i32>} : memref<128x128xf32, #tpu.memory_space<vmem>>, vector<1x16xf32>,
      %swap3A_461 = vector.shape_cast %swap3A_460 : vector<1x16xf32> to vector<16xf32>
      %swap3A_462 = vector.shape_cast %broadcast_in_dim3A_1 : vector<16xf32> to vector<1x16xf32>
      tpu.vector_store %arg8[%swap3A_458, %swap3A_459], %swap3A_462 {strides = array<i32>} : memref<128x128xf32, #tpu.memory_space<vmem>>, vector<1x16xf32>,
      %swap3A_463 = arith.index_cast %scan3A_447 : i32 to index
      %swap3A_464 = arith.constant 48 : index
      %swap3A_465 = tpu.vector_load %arg8[%swap3A_463, %swap3A_464] {strides = array<i32>} : memref<128x128xf32, #tpu.memory_space<vmem>>, vector<1x16xf32>,
      %swap3A_466 = vector.shape_cast %swap3A_465 : vector<1x16xf32> to vector<16xf32>
      %swap3A_467 = vector.shape_cast %broadcast_in_dim3A_1 : vector<16xf32> to vector<1x16xf32>
      tpu.vector_store %arg8[%swap3A_463, %swap3A_464], %swap3A_467 {strides = array<i32>} : memref<128x128xf32, #tpu.memory_space<vmem>>, vector<1x16xf32>,
      %swap3A_468 = arith.index_cast %scan3A_447 : i32 to index
      %swap3A_469 = arith.constant 64 : index
      %swap3A_470 = tpu.vector_load %arg8[%swap3A_468, %swap3A_469] {strides = array<i32>} : memref<128x128xf32, #tpu.memory_space<vmem>>, vector<1x16xf32>,
      %swap3A_471 = vector.shape_cast %swap3A_470 : vector<1x16xf32> to vector<16xf32>
      %swap3A_472 = vector.shape_cast %broadcast_in_dim3A_1 : vector<16xf32> to vector<1x16xf32>
      tpu.vector_store %arg8[%swap3A_468, %swap3A_469], %swap3A_472 {strides = array<i32>} : memref<128x128xf32, #tpu.memory_space<vmem>>, vector<1x16xf32>,
      %swap3A_473 = arith.index_cast %scan3A_447 : i32 to index
      %swap3A_474 = arith.constant 80 : index
      %swap3A_475 = tpu.vector_load %arg8[%swap3A_473, %swap3A_474] {strides = array<i32>} : memref<128x128xf32, #tpu.memory_space<vmem>>, vector<1x16xf32>,
      %swap3A_476 = vector.shape_cast %swap3A_475 : vector<1x16xf32> to vector<16xf32>
      %swap3A_477 = vector.shape_cast %broadcast_in_dim3A_1 : vector<16xf32> to vector<1x16xf32>
      tpu.vector_store %arg8[%swap3A_473, %swap3A_474], %swap3A_477 {strides = array<i32>} : memref<128x128xf32, #tpu.memory_space<vmem>>, vector<1x16xf32>,
      %swap3A_478 = arith.index_cast %scan3A_447 : i32 to index
      %swap3A_479 = arith.constant 96 : index
      %swap3A_480 = tpu.vector_load %arg8[%swap3A_478, %swap3A_479] {strides = array<i32>} : memref<128x128xf32, #tpu.memory_space<vmem>>, vector<1x16xf32>,
      %swap3A_481 = vector.shape_cast %swap3A_480 : vector<1x16xf32> to vector<16xf32>
      %swap3A_482 = vector.shape_cast %broadcast_in_dim3A_1 : vector<16xf32> to vector<1x16xf32>
      tpu.vector_store %arg8[%swap3A_478, %swap3A_479], %swap3A_482 {strides = array<i32>} : memref<128x128xf32, #tpu.memory_space<vmem>>, vector<1x16xf32>,
      %swap3A_483 = arith.index_cast %scan3A_447 : i32 to index
      %swap3A_484 = arith.constant 112 : index
      %swap3A_485 = tpu.vector_load %arg8[%swap3A_483, %swap3A_484] {strides = array<i32>} : memref<128x128xf32, #tpu.memory_space<vmem>>, vector<1x16xf32>,
      %swap3A_486 = vector.shape_cast %swap3A_485 : vector<1x16xf32> to vector<16xf32>
      %swap3A_487 = vector.shape_cast %broadcast_in_dim3A_1 : vector<16xf32> to vector<1x16xf32>
      tpu.vector_store %arg8[%swap3A_483, %swap3A_484], %swap3A_487 {strides = array<i32>} : memref<128x128xf32, #tpu.memory_space<vmem>>, vector<1x16xf32>,
    }
    %scan3A_6 = arith.constant 128 : i32
    %mul3A_7 = arith.constant 640 : i32
    %mul3A_8 = arith.muli %arg1, %mul3A_7 : i32
    %add3A_9 = arith.constant 0 : i32
    %add3A_10 = arith.addi %mul3A_8, %add3A_9 : i32
    "tpu.region"() ({
      %run_scoped3A_447 = tpu.sem_alloc : memref<!tpu.dma_semaphore, #tpu.memory_space<semaphore_mem>>
      %dma_start3A_448 = arith.constant 0 : i32
      %dma_start3A_449 = tpu.memref_slice %arg10[%add3A_10, %dma_start3A_448] : memref<10240x128xf32, #tpu.memory_space<vmem_shared>> -> memref<128x128xf32, #tpu.memory_space<vmem_shared>>
      %dma_start3A_450 = arith.constant 0 : i32
      %dma_start3A_451 = tpu.memref_slice %arg10[%add3A_10, %dma_start3A_450] : memref<10240x128xf32, #tpu.memory_space<vmem_shared>> -> memref<128x128xf32, #tpu.memory_space<vmem_shared>>
      tpu.enqueue_dma source(%arg8 : memref<128x128xf32, #tpu.memory_space<vmem>>) target(%dma_start3A_451 : memref<128x128xf32, #tpu.memory_space<vmem_shared>>) target_semaphore(%run_scoped3A_447 : memref<!tpu.dma_semaphore, #tpu.memory_space<semaphore_mem>>)
      %dma_wait3A_452 = arith.constant 0 : i32
      %dma_wait3A_453 = tpu.memref_slice %arg10[%add3A_10, %dma_wait3A_452] : memref<10240x128xf32, #tpu.memory_space<vmem_shared>> -> memref<128x128xf32, #tpu.memory_space<vmem_shared>>
      %dma_wait3A_454 = arith.constant 0 : i32
      %dma_wait3A_455 = tpu.memref_slice %arg10[%add3A_10, %dma_wait3A_454] : memref<10240x128xf32, #tpu.memory_space<vmem_shared>> -> memref<128x128xf32, #tpu.memory_space<vmem_shared>>
      tpu.wait_dma2 semaphore(%run_scoped3A_447 : memref<!tpu.dma_semaphore, #tpu.memory_space<semaphore_mem>>) src(%arg8 : memref<128x128xf32, #tpu.memory_space<vmem>>) dst(%dma_wait3A_455 : memref<128x128xf32, #tpu.memory_space<vmem_shared>>)
      tpu.yield
    }) : () -> ()
    %mul3A_11 = arith.constant 640 : i32
    %mul3A_12 = arith.muli %arg1, %mul3A_11 : i32
    %add3A_13 = arith.constant 128 : i32
    %add3A_14 = arith.addi %mul3A_12, %add3A_13 : i32
    "tpu.region"() ({
      %run_scoped3A_447 = tpu.sem_alloc : memref<!tpu.dma_semaphore, #tpu.memory_space<semaphore_mem>>
      %dma_start3A_448 = arith.constant 0 : i32
      %dma_start3A_449 = tpu.memref_slice %arg10[%add3A_14, %dma_start3A_448] : memref<10240x128xf32, #tpu.memory_space<vmem_shared>> -> memref<128x128xf32, #tpu.memory_space<vmem_shared>>
      %dma_start3A_450 = arith.constant 0 : i32
      %dma_start3A_451 = tpu.memref_slice %arg10[%add3A_14, %dma_start3A_450] : memref<10240x128xf32, #tpu.memory_space<vmem_shared>> -> memref<128x128xf32, #tpu.memory_space<vmem_shared>>
      tpu.enqueue_dma source(%arg8 : memref<128x128xf32, #tpu.memory_space<vmem>>) target(%dma_start3A_451 : memref<128x128xf32, #tpu.memory_space<vmem_shared>>) target_semaphore(%run_scoped3A_447 : memref<!tpu.dma_semaphore, #tpu.memory_space<semaphore_mem>>)
      %dma_wait3A_452 = arith.constant 0 : i32
      %dma_wait3A_453 = tpu.memref_slice %arg10[%add3A_14, %dma_wait3A_452] : memref<10240x128xf32, #tpu.memory_space<vmem_shared>> -> memref<128x128xf32, #tpu.memory_space<vmem_shared>>
      %dma_wait3A_454 = arith.constant 0 : i32
      %dma_wait3A_455 = tpu.memref_slice %arg10[%add3A_14, %dma_wait3A_454] : memref<10240x128xf32, #tpu.memory_space<vmem_shared>> -> memref<128x128xf32, #tpu.memory_space<vmem_shared>>
      tpu.wait_dma2 semaphore(%run_scoped3A_447 : memref<!tpu.dma_semaphore, #tpu.memory_space<semaphore_mem>>) src(%arg8 : memref<128x128xf32, #tpu.memory_space<vmem>>) dst(%dma_wait3A_455 : memref<128x128xf32, #tpu.memory_space<vmem_shared>>)
      tpu.yield
    }) : () -> ()
    %mul3A_15 = arith.constant 640 : i32
    %mul3A_16 = arith.muli %arg1, %mul3A_15 : i32
    %add3A_17 = arith.constant 256 : i32
    %add3A_18 = arith.addi %mul3A_16, %add3A_17 : i32
    "tpu.region"() ({
      %run_scoped3A_447 = tpu.sem_alloc : memref<!tpu.dma_semaphore, #tpu.memory_space<semaphore_mem>>
      %dma_start3A_448 = arith.constant 0 : i32
      %dma_start3A_449 = tpu.memref_slice %arg10[%add3A_18, %dma_start3A_448] : memref<10240x128xf32, #tpu.memory_space<vmem_shared>> -> memref<128x128xf32, #tpu.memory_space<vmem_shared>>
      %dma_start3A_450 = arith.constant 0 : i32
      %dma_start3A_451 = tpu.memref_slice %arg10[%add3A_18, %dma_start3A_450] : memref<10240x128xf32, #tpu.memory_space<vmem_shared>> -> memref<128x128xf32, #tpu.memory_space<vmem_shared>>
      tpu.enqueue_dma source(%arg8 : memref<128x128xf32, #tpu.memory_space<vmem>>) target(%dma_start3A_451 : memref<128x128xf32, #tpu.memory_space<vmem_shared>>) target_semaphore(%run_scoped3A_447 : memref<!tpu.dma_semaphore, #tpu.memory_space<semaphore_mem>>)
      %dma_wait3A_452 = arith.constant 0 : i32
      %dma_wait3A_453 = tpu.memref_slice %arg10[%add3A_18, %dma_wait3A_452] : memref<10240x128xf32, #tpu.memory_space<vmem_shared>> -> memref<128x128xf32, #tpu.memory_space<vmem_shared>>
      %dma_wait3A_454 = arith.constant 0 : i32
      %dma_wait3A_455 = tpu.memref_slice %arg10[%add3A_18, %dma_wait3A_454] : memref<10240x128xf32, #tpu.memory_space<vmem_shared>> -> memref<128x128xf32, #tpu.memory_space<vmem_shared>>
      tpu.wait_dma2 semaphore(%run_scoped3A_447 : memref<!tpu.dma_semaphore, #tpu.memory_space<semaphore_mem>>) src(%arg8 : memref<128x128xf32, #tpu.memory_space<vmem>>) dst(%dma_wait3A_455 : memref<128x128xf32, #tpu.memory_space<vmem_shared>>)
      tpu.yield
    }) : () -> ()
    %mul3A_19 = arith.constant 640 : i32
    %mul3A_20 = arith.muli %arg1, %mul3A_19 : i32
    %add3A_21 = arith.constant 384 : i32
    %add3A_22 = arith.addi %mul3A_20, %add3A_21 : i32
    "tpu.region"() ({
      %run_scoped3A_447 = tpu.sem_alloc : memref<!tpu.dma_semaphore, #tpu.memory_space<semaphore_mem>>
      %dma_start3A_448 = arith.constant 0 : i32
      %dma_start3A_449 = tpu.memref_slice %arg10[%add3A_22, %dma_start3A_448] : memref<10240x128xf32, #tpu.memory_space<vmem_shared>> -> memref<128x128xf32, #tpu.memory_space<vmem_shared>>
      %dma_start3A_450 = arith.constant 0 : i32
      %dma_start3A_451 = tpu.memref_slice %arg10[%add3A_22, %dma_start3A_450] : memref<10240x128xf32, #tpu.memory_space<vmem_shared>> -> memref<128x128xf32, #tpu.memory_space<vmem_shared>>
      tpu.enqueue_dma source(%arg8 : memref<128x128xf32, #tpu.memory_space<vmem>>) target(%dma_start3A_451 : memref<128x128xf32, #tpu.memory_space<vmem_shared>>) target_semaphore(%run_scoped3A_447 : memref<!tpu.dma_semaphore, #tpu.memory_space<semaphore_mem>>)
      %dma_wait3A_452 = arith.constant 0 : i32
      %dma_wait3A_453 = tpu.memref_slice %arg10[%add3A_22, %dma_wait3A_452] : memref<10240x128xf32, #tpu.memory_space<vmem_shared>> -> memref<128x128xf32, #tpu.memory_space<vmem_shared>>
      %dma_wait3A_454 = arith.constant 0 : i32
      %dma_wait3A_455 = tpu.memref_slice %arg10[%add3A_22, %dma_wait3A_454] : memref<10240x128xf32, #tpu.memory_space<vmem_shared>> -> memref<128x128xf32, #tpu.memory_space<vmem_shared>>
      tpu.wait_dma2 semaphore(%run_scoped3A_447 : memref<!tpu.dma_semaphore, #tpu.memory_space<semaphore_mem>>) src(%arg8 : memref<128x128xf32, #tpu.memory_space<vmem>>) dst(%dma_wait3A_455 : memref<128x128xf32, #tpu.memory_space<vmem_shared>>)
      tpu.yield
    }) : () -> ()
    %mul3A_23 = arith.constant 640 : i32
    %mul3A_24 = arith.muli %arg1, %mul3A_23 : i32
    %add3A_25 = arith.constant 512 : i32
    %add3A_26 = arith.addi %mul3A_24, %add3A_25 : i32
    "tpu.region"() ({
      %run_scoped3A_447 = tpu.sem_alloc : memref<!tpu.dma_semaphore, #tpu.memory_space<semaphore_mem>>
      %dma_start3A_448 = arith.constant 0 : i32
      %dma_start3A_449 = tpu.memref_slice %arg10[%add3A_26, %dma_start3A_448] : memref<10240x128xf32, #tpu.memory_space<vmem_shared>> -> memref<128x128xf32, #tpu.memory_space<vmem_shared>>
      %dma_start3A_450 = arith.constant 0 : i32
      %dma_start3A_451 = tpu.memref_slice %arg10[%add3A_26, %dma_start3A_450] : memref<10240x128xf32, #tpu.memory_space<vmem_shared>> -> memref<128x128xf32, #tpu.memory_space<vmem_shared>>
      tpu.enqueue_dma source(%arg8 : memref<128x128xf32, #tpu.memory_space<vmem>>) target(%dma_start3A_451 : memref<128x128xf32, #tpu.memory_space<vmem_shared>>) target_semaphore(%run_scoped3A_447 : memref<!tpu.dma_semaphore, #tpu.memory_space<semaphore_mem>>)
      %dma_wait3A_452 = arith.constant 0 : i32
      %dma_wait3A_453 = tpu.memref_slice %arg10[%add3A_26, %dma_wait3A_452] : memref<10240x128xf32, #tpu.memory_space<vmem_shared>> -> memref<128x128xf32, #tpu.memory_space<vmem_shared>>
      %dma_wait3A_454 = arith.constant 0 : i32
      %dma_wait3A_455 = tpu.memref_slice %arg10[%add3A_26, %dma_wait3A_454] : memref<10240x128xf32, #tpu.memory_space<vmem_shared>> -> memref<128x128xf32, #tpu.memory_space<vmem_shared>>
      tpu.wait_dma2 semaphore(%run_scoped3A_447 : memref<!tpu.dma_semaphore, #tpu.memory_space<semaphore_mem>>) src(%arg8 : memref<128x128xf32, #tpu.memory_space<vmem>>) dst(%dma_wait3A_455 : memref<128x128xf32, #tpu.memory_space<vmem_shared>>)
      tpu.yield
    }) : () -> ()
    %barrier3A = arith.constant 0 : index
    tpu.barrier barrier_id(%barrier3A)
    %mul3A_27 = arith.constant 80 : i32
    %mul3A_28 = arith.muli %add3A, %mul3A_27 : i32
    "tpu.region"() ({
      %run_scoped3A_447 = tpu.sem_alloc : memref<!tpu.dma_semaphore, #tpu.memory_space<semaphore_mem>>
      %dma_start3A_448 = arith.constant 0 : i32
      %dma_start3A_449 = tpu.memref_slice %arg3[%mul3A_28, %dma_start3A_448] : memref<2560x128xi32, #tpu.memory_space<hbm>> -> memref<80x128xi32, #tpu.memory_space<hbm>>
      %dma_start3A_450 = arith.constant 0 : i32
      %dma_start3A_451 = tpu.memref_slice %arg3[%mul3A_28, %dma_start3A_450] : memref<2560x128xi32, #tpu.memory_space<hbm>> -> memref<80x128xi32, #tpu.memory_space<hbm>>
      tpu.enqueue_dma source(%dma_start3A_451 : memref<80x128xi32, #tpu.memory_space<hbm>>) target(%arg5 : memref<80x128xi32, #tpu.memory_space<vmem>>) target_semaphore(%run_scoped3A_447 : memref<!tpu.dma_semaphore, #tpu.memory_space<semaphore_mem>>)
      %dma_wait3A_452 = arith.constant 0 : i32
      %dma_wait3A_453 = tpu.memref_slice %arg3[%mul3A_28, %dma_wait3A_452] : memref<2560x128xi32, #tpu.memory_space<hbm>> -> memref<80x128xi32, #tpu.memory_space<hbm>>
      %dma_wait3A_454 = arith.constant 0 : i32
      %dma_wait3A_455 = tpu.memref_slice %arg3[%mul3A_28, %dma_wait3A_454] : memref<2560x128xi32, #tpu.memory_space<hbm>> -> memref<80x128xi32, #tpu.memory_space<hbm>>
      tpu.wait_dma2 semaphore(%run_scoped3A_447 : memref<!tpu.dma_semaphore, #tpu.memory_space<semaphore_mem>>) src(%dma_wait3A_455 : memref<80x128xi32, #tpu.memory_space<hbm>>) dst(%arg5 : memref<80x128xi32, #tpu.memory_space<vmem>>)
      tpu.yield
    }) : () -> ()
    %get3A = arith.constant 0 : i32
    %get3A_29 = arith.index_cast %get3A : i32 to index
    %get3A_30 = arith.constant 0 : index
    %get3A_31 = tpu.vector_load %arg5[%get3A_29, %get3A_30] {strides = array<i32>} : memref<80x128xi32, #tpu.memory_space<vmem>>, vector<1x16xi32>,
    %get3A_32 = vector.shape_cast %get3A_31 : vector<1x16xi32> to vector<16xi32>
    %and3A = arith.constant 65535 : i32
    %and3A_33 = vector.broadcast %and3A : i32 to vector<16xi32>
    %and3A_34 = arith.andi %get3A_32, %and3A_33 : vector<16xi32>
    %swap3A = arith.constant 0 : i32
    %swap3A_35 = arith.index_cast %swap3A : i32 to index
    %swap3A_36 = arith.constant 0 : index
    %swap3A_37 = tpu.vector_load %arg6[%swap3A_35, %swap3A_36] {strides = array<i32>} : memref<2x128xi32, #tpu.memory_space<vmem>>, vector<1x16xi32>,
    %swap3A_38 = vector.shape_cast %swap3A_37 : vector<1x16xi32> to vector<16xi32>
    %swap3A_39 = vector.shape_cast %and3A_34 : vector<16xi32> to vector<1x16xi32>
    tpu.vector_store %arg6[%swap3A_35, %swap3A_36], %swap3A_39 {strides = array<i32>} : memref<2x128xi32, #tpu.memory_space<vmem>>, vector<1x16xi32>,
    %shift_right_arithmetic3A = arith.constant 16 : i32
    %shift_right_arithmetic3A_40 = vector.broadcast %shift_right_arithmetic3A : i32 to vector<16xi32>
    %shift_right_arithmetic3A_41 = arith.shrsi %get3A_32, %shift_right_arithmetic3A_40 : vector<16xi32>
    %swap3A_42 = arith.constant 0 : i32
    %swap3A_43 = arith.index_cast %swap3A_42 : i32 to index
    %swap3A_44 = arith.constant 0 : index
    %swap3A_45 = tpu.vector_load %arg7[%swap3A_43, %swap3A_44] {strides = array<i32>} : memref<2x128xi32, #tpu.memory_space<vmem>>, vector<1x16xi32>,
    %swap3A_46 = vector.shape_cast %swap3A_45 : vector<1x16xi32> to vector<16xi32>
    %swap3A_47 = vector.shape_cast %shift_right_arithmetic3A_41 : vector<16xi32> to vector<1x16xi32>
    tpu.vector_store %arg7[%swap3A_43, %swap3A_44], %swap3A_47 {strides = array<i32>} : memref<2x128xi32, #tpu.memory_space<vmem>>, vector<1x16xi32>,
    %get3A_48 = arith.constant 0 : i32
    %get3A_49 = arith.index_cast %get3A_48 : i32 to index
    %get3A_50 = arith.constant 16 : index
    %get3A_51 = tpu.vector_load %arg5[%get3A_49, %get3A_50] {strides = array<i32>} : memref<80x128xi32, #tpu.memory_space<vmem>>, vector<1x16xi32>,
    %get3A_52 = vector.shape_cast %get3A_51 : vector<1x16xi32> to vector<16xi32>
    %and3A_53 = arith.constant 65535 : i32
    %and3A_54 = vector.broadcast %and3A_53 : i32 to vector<16xi32>
    %and3A_55 = arith.andi %get3A_52, %and3A_54 : vector<16xi32>
    %swap3A_56 = arith.constant 0 : i32
    %swap3A_57 = arith.index_cast %swap3A_56 : i32 to index
    %swap3A_58 = arith.constant 16 : index
    %swap3A_59 = tpu.vector_load %arg6[%swap3A_57, %swap3A_58] {strides = array<i32>} : memref<2x128xi32, #tpu.memory_space<vmem>>, vector<1x16xi32>,
    %swap3A_60 = vector.shape_cast %swap3A_59 : vector<1x16xi32> to vector<16xi32>
    %swap3A_61 = vector.shape_cast %and3A_55 : vector<16xi32> to vector<1x16xi32>
    tpu.vector_store %arg6[%swap3A_57, %swap3A_58], %swap3A_61 {strides = array<i32>} : memref<2x128xi32, #tpu.memory_space<vmem>>, vector<1x16xi32>,
    %shift_right_arithmetic3A_62 = arith.constant 16 : i32
    %shift_right_arithmetic3A_63 = vector.broadcast %shift_right_arithmetic3A_62 : i32 to vector<16xi32>
    %shift_right_arithmetic3A_64 = arith.shrsi %get3A_52, %shift_right_arithmetic3A_63 : vector<16xi32>
    %swap3A_65 = arith.constant 0 : i32
    %swap3A_66 = arith.index_cast %swap3A_65 : i32 to index
    %swap3A_67 = arith.constant 16 : index
    %swap3A_68 = tpu.vector_load %arg7[%swap3A_66, %swap3A_67] {strides = array<i32>} : memref<2x128xi32, #tpu.memory_space<vmem>>, vector<1x16xi32>,
    %swap3A_69 = vector.shape_cast %swap3A_68 : vector<1x16xi32> to vector<16xi32>
    %swap3A_70 = vector.shape_cast %shift_right_arithmetic3A_64 : vector<16xi32> to vector<1x16xi32>
    tpu.vector_store %arg7[%swap3A_66, %swap3A_67], %swap3A_70 {strides = array<i32>} : memref<2x128xi32, #tpu.memory_space<vmem>>, vector<1x16xi32>,
    %get3A_71 = arith.constant 0 : i32
    %get3A_72 = arith.index_cast %get3A_71 : i32 to index
    %get3A_73 = arith.constant 32 : index
    %get3A_74 = tpu.vector_load %arg5[%get3A_72, %get3A_73] {strides = array<i32>} : memref<80x128xi32, #tpu.memory_space<vmem>>, vector<1x16xi32>,
    %get3A_75 = vector.shape_cast %get3A_74 : vector<1x16xi32> to vector<16xi32>
    %and3A_76 = arith.constant 65535 : i32
    %and3A_77 = vector.broadcast %and3A_76 : i32 to vector<16xi32>
    %and3A_78 = arith.andi %get3A_75, %and3A_77 : vector<16xi32>
    %swap3A_79 = arith.constant 0 : i32
    %swap3A_80 = arith.index_cast %swap3A_79 : i32 to index
    %swap3A_81 = arith.constant 32 : index
    %swap3A_82 = tpu.vector_load %arg6[%swap3A_80, %swap3A_81] {strides = array<i32>} : memref<2x128xi32, #tpu.memory_space<vmem>>, vector<1x16xi32>,
    %swap3A_83 = vector.shape_cast %swap3A_82 : vector<1x16xi32> to vector<16xi32>
    %swap3A_84 = vector.shape_cast %and3A_78 : vector<16xi32> to vector<1x16xi32>
    tpu.vector_store %arg6[%swap3A_80, %swap3A_81], %swap3A_84 {strides = array<i32>} : memref<2x128xi32, #tpu.memory_space<vmem>>, vector<1x16xi32>,
    %shift_right_arithmetic3A_85 = arith.constant 16 : i32
    %shift_right_arithmetic3A_86 = vector.broadcast %shift_right_arithmetic3A_85 : i32 to vector<16xi32>
    %shift_right_arithmetic3A_87 = arith.shrsi %get3A_75, %shift_right_arithmetic3A_86 : vector<16xi32>
    %swap3A_88 = arith.constant 0 : i32
    %swap3A_89 = arith.index_cast %swap3A_88 : i32 to index
    %swap3A_90 = arith.constant 32 : index
    %swap3A_91 = tpu.vector_load %arg7[%swap3A_89, %swap3A_90] {strides = array<i32>} : memref<2x128xi32, #tpu.memory_space<vmem>>, vector<1x16xi32>,
    %swap3A_92 = vector.shape_cast %swap3A_91 : vector<1x16xi32> to vector<16xi32>
    %swap3A_93 = vector.shape_cast %shift_right_arithmetic3A_87 : vector<16xi32> to vector<1x16xi32>
    tpu.vector_store %arg7[%swap3A_89, %swap3A_90], %swap3A_93 {strides = array<i32>} : memref<2x128xi32, #tpu.memory_space<vmem>>, vector<1x16xi32>,
    %get3A_94 = arith.constant 0 : i32
    %get3A_95 = arith.index_cast %get3A_94 : i32 to index
    %get3A_96 = arith.constant 48 : index
    %get3A_97 = tpu.vector_load %arg5[%get3A_95, %get3A_96] {strides = array<i32>} : memref<80x128xi32, #tpu.memory_space<vmem>>, vector<1x16xi32>,
    %get3A_98 = vector.shape_cast %get3A_97 : vector<1x16xi32> to vector<16xi32>
    %and3A_99 = arith.constant 65535 : i32
    %and3A_100 = vector.broadcast %and3A_99 : i32 to vector<16xi32>
    %and3A_101 = arith.andi %get3A_98, %and3A_100 : vector<16xi32>
    %swap3A_102 = arith.constant 0 : i32
    %swap3A_103 = arith.index_cast %swap3A_102 : i32 to index
    %swap3A_104 = arith.constant 48 : index
    %swap3A_105 = tpu.vector_load %arg6[%swap3A_103, %swap3A_104] {strides = array<i32>} : memref<2x128xi32, #tpu.memory_space<vmem>>, vector<1x16xi32>,
    %swap3A_106 = vector.shape_cast %swap3A_105 : vector<1x16xi32> to vector<16xi32>
    %swap3A_107 = vector.shape_cast %and3A_101 : vector<16xi32> to vector<1x16xi32>
    tpu.vector_store %arg6[%swap3A_103, %swap3A_104], %swap3A_107 {strides = array<i32>} : memref<2x128xi32, #tpu.memory_space<vmem>>, vector<1x16xi32>,
    %shift_right_arithmetic3A_108 = arith.constant 16 : i32
    %shift_right_arithmetic3A_109 = vector.broadcast %shift_right_arithmetic3A_108 : i32 to vector<16xi32>
    %shift_right_arithmetic3A_110 = arith.shrsi %get3A_98, %shift_right_arithmetic3A_109 : vector<16xi32>
    %swap3A_111 = arith.constant 0 : i32
    %swap3A_112 = arith.index_cast %swap3A_111 : i32 to index
    %swap3A_113 = arith.constant 48 : index
    %swap3A_114 = tpu.vector_load %arg7[%swap3A_112, %swap3A_113] {strides = array<i32>} : memref<2x128xi32, #tpu.memory_space<vmem>>, vector<1x16xi32>,
    %swap3A_115 = vector.shape_cast %swap3A_114 : vector<1x16xi32> to vector<16xi32>
    %swap3A_116 = vector.shape_cast %shift_right_arithmetic3A_110 : vector<16xi32> to vector<1x16xi32>
    tpu.vector_store %arg7[%swap3A_112, %swap3A_113], %swap3A_116 {strides = array<i32>} : memref<2x128xi32, #tpu.memory_space<vmem>>, vector<1x16xi32>,
    %get3A_117 = arith.constant 0 : i32
    %get3A_118 = arith.index_cast %get3A_117 : i32 to index
    %get3A_119 = arith.constant 64 : index
    %get3A_120 = tpu.vector_load %arg5[%get3A_118, %get3A_119] {strides = array<i32>} : memref<80x128xi32, #tpu.memory_space<vmem>>, vector<1x16xi32>,
    %get3A_121 = vector.shape_cast %get3A_120 : vector<1x16xi32> to vector<16xi32>
    %and3A_122 = arith.constant 65535 : i32
    %and3A_123 = vector.broadcast %and3A_122 : i32 to vector<16xi32>
    %and3A_124 = arith.andi %get3A_121, %and3A_123 : vector<16xi32>
    %swap3A_125 = arith.constant 0 : i32
    %swap3A_126 = arith.index_cast %swap3A_125 : i32 to index
    %swap3A_127 = arith.constant 64 : index
    %swap3A_128 = tpu.vector_load %arg6[%swap3A_126, %swap3A_127] {strides = array<i32>} : memref<2x128xi32, #tpu.memory_space<vmem>>, vector<1x16xi32>,
    %swap3A_129 = vector.shape_cast %swap3A_128 : vector<1x16xi32> to vector<16xi32>
    %swap3A_130 = vector.shape_cast %and3A_124 : vector<16xi32> to vector<1x16xi32>
    tpu.vector_store %arg6[%swap3A_126, %swap3A_127], %swap3A_130 {strides = array<i32>} : memref<2x128xi32, #tpu.memory_space<vmem>>, vector<1x16xi32>,
    %shift_right_arithmetic3A_131 = arith.constant 16 : i32
    %shift_right_arithmetic3A_132 = vector.broadcast %shift_right_arithmetic3A_131 : i32 to vector<16xi32>
    %shift_right_arithmetic3A_133 = arith.shrsi %get3A_121, %shift_right_arithmetic3A_132 : vector<16xi32>
    %swap3A_134 = arith.constant 0 : i32
    %swap3A_135 = arith.index_cast %swap3A_134 : i32 to index
    %swap3A_136 = arith.constant 64 : index
    %swap3A_137 = tpu.vector_load %arg7[%swap3A_135, %swap3A_136] {strides = array<i32>} : memref<2x128xi32, #tpu.memory_space<vmem>>, vector<1x16xi32>,
    %swap3A_138 = vector.shape_cast %swap3A_137 : vector<1x16xi32> to vector<16xi32>
    %swap3A_139 = vector.shape_cast %shift_right_arithmetic3A_133 : vector<16xi32> to vector<1x16xi32>
    tpu.vector_store %arg7[%swap3A_135, %swap3A_136], %swap3A_139 {strides = array<i32>} : memref<2x128xi32, #tpu.memory_space<vmem>>, vector<1x16xi32>,
    %get3A_140 = arith.constant 0 : i32
    %get3A_141 = arith.index_cast %get3A_140 : i32 to index
    %get3A_142 = arith.constant 80 : index
    %get3A_143 = tpu.vector_load %arg5[%get3A_141, %get3A_142] {strides = array<i32>} : memref<80x128xi32, #tpu.memory_space<vmem>>, vector<1x16xi32>,
    %get3A_144 = vector.shape_cast %get3A_143 : vector<1x16xi32> to vector<16xi32>
    %and3A_145 = arith.constant 65535 : i32
    %and3A_146 = vector.broadcast %and3A_145 : i32 to vector<16xi32>
    %and3A_147 = arith.andi %get3A_144, %and3A_146 : vector<16xi32>
    %swap3A_148 = arith.constant 0 : i32
    %swap3A_149 = arith.index_cast %swap3A_148 : i32 to index
    %swap3A_150 = arith.constant 80 : index
    %swap3A_151 = tpu.vector_load %arg6[%swap3A_149, %swap3A_150] {strides = array<i32>} : memref<2x128xi32, #tpu.memory_space<vmem>>, vector<1x16xi32>,
    %swap3A_152 = vector.shape_cast %swap3A_151 : vector<1x16xi32> to vector<16xi32>
    %swap3A_153 = vector.shape_cast %and3A_147 : vector<16xi32> to vector<1x16xi32>
    tpu.vector_store %arg6[%swap3A_149, %swap3A_150], %swap3A_153 {strides = array<i32>} : memref<2x128xi32, #tpu.memory_space<vmem>>, vector<1x16xi32>,
    %shift_right_arithmetic3A_154 = arith.constant 16 : i32
    %shift_right_arithmetic3A_155 = vector.broadcast %shift_right_arithmetic3A_154 : i32 to vector<16xi32>
    %shift_right_arithmetic3A_156 = arith.shrsi %get3A_144, %shift_right_arithmetic3A_155 : vector<16xi32>
    %swap3A_157 = arith.constant 0 : i32
    %swap3A_158 = arith.index_cast %swap3A_157 : i32 to index
    %swap3A_159 = arith.constant 80 : index
    %swap3A_160 = tpu.vector_load %arg7[%swap3A_158, %swap3A_159] {strides = array<i32>} : memref<2x128xi32, #tpu.memory_space<vmem>>, vector<1x16xi32>,
    %swap3A_161 = vector.shape_cast %swap3A_160 : vector<1x16xi32> to vector<16xi32>
    %swap3A_162 = vector.shape_cast %shift_right_arithmetic3A_156 : vector<16xi32> to vector<1x16xi32>
    tpu.vector_store %arg7[%swap3A_158, %swap3A_159], %swap3A_162 {strides = array<i32>} : memref<2x128xi32, #tpu.memory_space<vmem>>, vector<1x16xi32>,
    %get3A_163 = arith.constant 0 : i32
    %get3A_164 = arith.index_cast %get3A_163 : i32 to index
    %get3A_165 = arith.constant 96 : index
    %get3A_166 = tpu.vector_load %arg5[%get3A_164, %get3A_165] {strides = array<i32>} : memref<80x128xi32, #tpu.memory_space<vmem>>, vector<1x16xi32>,
    %get3A_167 = vector.shape_cast %get3A_166 : vector<1x16xi32> to vector<16xi32>
    %and3A_168 = arith.constant 65535 : i32
    %and3A_169 = vector.broadcast %and3A_168 : i32 to vector<16xi32>
    %and3A_170 = arith.andi %get3A_167, %and3A_169 : vector<16xi32>
    %swap3A_171 = arith.constant 0 : i32
    %swap3A_172 = arith.index_cast %swap3A_171 : i32 to index
    %swap3A_173 = arith.constant 96 : index
    %swap3A_174 = tpu.vector_load %arg6[%swap3A_172, %swap3A_173] {strides = array<i32>} : memref<2x128xi32, #tpu.memory_space<vmem>>, vector<1x16xi32>,
    %swap3A_175 = vector.shape_cast %swap3A_174 : vector<1x16xi32> to vector<16xi32>
    %swap3A_176 = vector.shape_cast %and3A_170 : vector<16xi32> to vector<1x16xi32>
    tpu.vector_store %arg6[%swap3A_172, %swap3A_173], %swap3A_176 {strides = array<i32>} : memref<2x128xi32, #tpu.memory_space<vmem>>, vector<1x16xi32>,
    %shift_right_arithmetic3A_177 = arith.constant 16 : i32
    %shift_right_arithmetic3A_178 = vector.broadcast %shift_right_arithmetic3A_177 : i32 to vector<16xi32>
    %shift_right_arithmetic3A_179 = arith.shrsi %get3A_167, %shift_right_arithmetic3A_178 : vector<16xi32>
    %swap3A_180 = arith.constant 0 : i32
    %swap3A_181 = arith.index_cast %swap3A_180 : i32 to index
    %swap3A_182 = arith.constant 96 : index
    %swap3A_183 = tpu.vector_load %arg7[%swap3A_181, %swap3A_182] {strides = array<i32>} : memref<2x128xi32, #tpu.memory_space<vmem>>, vector<1x16xi32>,
    %swap3A_184 = vector.shape_cast %swap3A_183 : vector<1x16xi32> to vector<16xi32>
    %swap3A_185 = vector.shape_cast %shift_right_arithmetic3A_179 : vector<16xi32> to vector<1x16xi32>
    tpu.vector_store %arg7[%swap3A_181, %swap3A_182], %swap3A_185 {strides = array<i32>} : memref<2x128xi32, #tpu.memory_space<vmem>>, vector<1x16xi32>,
    %get3A_186 = arith.constant 0 : i32
    %get3A_187 = arith.index_cast %get3A_186 : i32 to index
    %get3A_188 = arith.constant 112 : index
    %get3A_189 = tpu.vector_load %arg5[%get3A_187, %get3A_188] {strides = array<i32>} : memref<80x128xi32, #tpu.memory_space<vmem>>, vector<1x16xi32>,
    %get3A_190 = vector.shape_cast %get3A_189 : vector<1x16xi32> to vector<16xi32>
    %and3A_191 = arith.constant 65535 : i32
    %and3A_192 = vector.broadcast %and3A_191 : i32 to vector<16xi32>
    %and3A_193 = arith.andi %get3A_190, %and3A_192 : vector<16xi32>
    %swap3A_194 = arith.constant 0 : i32
    %swap3A_195 = arith.index_cast %swap3A_194 : i32 to index
    %swap3A_196 = arith.constant 112 : index
    %swap3A_197 = tpu.vector_load %arg6[%swap3A_195, %swap3A_196] {strides = array<i32>} : memref<2x128xi32, #tpu.memory_space<vmem>>, vector<1x16xi32>,
    %swap3A_198 = vector.shape_cast %swap3A_197 : vector<1x16xi32> to vector<16xi32>
    %swap3A_199 = vector.shape_cast %and3A_193 : vector<16xi32> to vector<1x16xi32>
    tpu.vector_store %arg6[%swap3A_195, %swap3A_196], %swap3A_199 {strides = array<i32>} : memref<2x128xi32, #tpu.memory_space<vmem>>, vector<1x16xi32>,
    %shift_right_arithmetic3A_200 = arith.constant 16 : i32
    %shift_right_arithmetic3A_201 = vector.broadcast %shift_right_arithmetic3A_200 : i32 to vector<16xi32>
    %shift_right_arithmetic3A_202 = arith.shrsi %get3A_190, %shift_right_arithmetic3A_201 : vector<16xi32>
    %swap3A_203 = arith.constant 0 : i32
    %swap3A_204 = arith.index_cast %swap3A_203 : i32 to index
    %swap3A_205 = arith.constant 112 : index
    %swap3A_206 = tpu.vector_load %arg7[%swap3A_204, %swap3A_205] {strides = array<i32>} : memref<2x128xi32, #tpu.memory_space<vmem>>, vector<1x16xi32>,
    %swap3A_207 = vector.shape_cast %swap3A_206 : vector<1x16xi32> to vector<16xi32>
    %swap3A_208 = vector.shape_cast %shift_right_arithmetic3A_202 : vector<16xi32> to vector<1x16xi32>
    tpu.vector_store %arg7[%swap3A_204, %swap3A_205], %swap3A_208 {strides = array<i32>} : memref<2x128xi32, #tpu.memory_space<vmem>>, vector<1x16xi32>,
    %dma_start3A = arith.constant 0 : i32
    %dma_start3A_209 = arith.constant 0 : i32
    %dma_start3A_210 = tpu.memref_slice %arg6[%dma_start3A, %dma_start3A_209] : memref<2x128xi32, #tpu.memory_space<vmem>> -> memref<1x128xi32, #tpu.memory_space<vmem>>
    %dma_start3A_211 = tpu.memref_squeeze %dma_start3A_210 : memref<1x128xi32, #tpu.memory_space<vmem>> -> memref<128xi32, #tpu.memory_space<vmem>>
    %dma_start3A_212 = arith.constant 0 : i32
    %dma_start3A_213 = arith.constant 0 : i32
    %dma_start3A_214 = tpu.memref_slice %arg2[%dma_start3A_212, %dma_start3A_213] : memref<10240x128xf32, #tpu.memory_space<hbm>> -> memref<10240x128xf32, #tpu.memory_space<hbm>>
    tpu.enqueue_indirect_dma source(%dma_start3A_214 : memref<10240x128xf32, #tpu.memory_space<hbm>>) target(%arg8 : memref<128x128xf32, #tpu.memory_space<vmem>>) offsets(%dma_start3A_211 : memref<128xi32, #tpu.memory_space<vmem>>) semaphore(%arg11 : memref<!tpu.dma_semaphore, #tpu.memory_space<semaphore_mem>>)
    %get3A_215 = arith.constant 1 : i32
    %get3A_216 = arith.index_cast %get3A_215 : i32 to index
    %get3A_217 = arith.constant 0 : index
    %get3A_218 = tpu.vector_load %arg5[%get3A_216, %get3A_217] {strides = array<i32>} : memref<80x128xi32, #tpu.memory_space<vmem>>, vector<1x16xi32>,
    %get3A_219 = vector.shape_cast %get3A_218 : vector<1x16xi32> to vector<16xi32>
    %and3A_220 = arith.constant 65535 : i32
    %and3A_221 = vector.broadcast %and3A_220 : i32 to vector<16xi32>
    %and3A_222 = arith.andi %get3A_219, %and3A_221 : vector<16xi32>
    %swap3A_223 = arith.constant 1 : i32
    %swap3A_224 = arith.index_cast %swap3A_223 : i32 to index
    %swap3A_225 = arith.constant 0 : index
    %swap3A_226 = tpu.vector_load %arg6[%swap3A_224, %swap3A_225] {strides = array<i32>} : memref<2x128xi32, #tpu.memory_space<vmem>>, vector<1x16xi32>,
    %swap3A_227 = vector.shape_cast %swap3A_226 : vector<1x16xi32> to vector<16xi32>
    %swap3A_228 = vector.shape_cast %and3A_222 : vector<16xi32> to vector<1x16xi32>
    tpu.vector_store %arg6[%swap3A_224, %swap3A_225], %swap3A_228 {strides = array<i32>} : memref<2x128xi32, #tpu.memory_space<vmem>>, vector<1x16xi32>,
    %shift_right_arithmetic3A_229 = arith.constant 16 : i32
    %shift_right_arithmetic3A_230 = vector.broadcast %shift_right_arithmetic3A_229 : i32 to vector<16xi32>
    %shift_right_arithmetic3A_231 = arith.shrsi %get3A_219, %shift_right_arithmetic3A_230 : vector<16xi32>
    %swap3A_232 = arith.constant 1 : i32
    %swap3A_233 = arith.index_cast %swap3A_232 : i32 to index
    %swap3A_234 = arith.constant 0 : index
    %swap3A_235 = tpu.vector_load %arg7[%swap3A_233, %swap3A_234] {strides = array<i32>} : memref<2x128xi32, #tpu.memory_space<vmem>>, vector<1x16xi32>,
    %swap3A_236 = vector.shape_cast %swap3A_235 : vector<1x16xi32> to vector<16xi32>
    %swap3A_237 = vector.shape_cast %shift_right_arithmetic3A_231 : vector<16xi32> to vector<1x16xi32>
    tpu.vector_store %arg7[%swap3A_233, %swap3A_234], %swap3A_237 {strides = array<i32>} : memref<2x128xi32, #tpu.memory_space<vmem>>, vector<1x16xi32>,
    %get3A_238 = arith.constant 1 : i32
    %get3A_239 = arith.index_cast %get3A_238 : i32 to index
    %get3A_240 = arith.constant 16 : index
    %get3A_241 = tpu.vector_load %arg5[%get3A_239, %get3A_240] {strides = array<i32>} : memref<80x128xi32, #tpu.memory_space<vmem>>, vector<1x16xi32>,
    %get3A_242 = vector.shape_cast %get3A_241 : vector<1x16xi32> to vector<16xi32>
    %and3A_243 = arith.constant 65535 : i32
    %and3A_244 = vector.broadcast %and3A_243 : i32 to vector<16xi32>
    %and3A_245 = arith.andi %get3A_242, %and3A_244 : vector<16xi32>
    %swap3A_246 = arith.constant 1 : i32
    %swap3A_247 = arith.index_cast %swap3A_246 : i32 to index
    %swap3A_248 = arith.constant 16 : index
    %swap3A_249 = tpu.vector_load %arg6[%swap3A_247, %swap3A_248] {strides = array<i32>} : memref<2x128xi32, #tpu.memory_space<vmem>>, vector<1x16xi32>,
    %swap3A_250 = vector.shape_cast %swap3A_249 : vector<1x16xi32> to vector<16xi32>
    %swap3A_251 = vector.shape_cast %and3A_245 : vector<16xi32> to vector<1x16xi32>
    tpu.vector_store %arg6[%swap3A_247, %swap3A_248], %swap3A_251 {strides = array<i32>} : memref<2x128xi32, #tpu.memory_space<vmem>>, vector<1x16xi32>,
    %shift_right_arithmetic3A_252 = arith.constant 16 : i32
    %shift_right_arithmetic3A_253 = vector.broadcast %shift_right_arithmetic3A_252 : i32 to vector<16xi32>
    %shift_right_arithmetic3A_254 = arith.shrsi %get3A_242, %shift_right_arithmetic3A_253 : vector<16xi32>
    %swap3A_255 = arith.constant 1 : i32
    %swap3A_256 = arith.index_cast %swap3A_255 : i32 to index
    %swap3A_257 = arith.constant 16 : index
    %swap3A_258 = tpu.vector_load %arg7[%swap3A_256, %swap3A_257] {strides = array<i32>} : memref<2x128xi32, #tpu.memory_space<vmem>>, vector<1x16xi32>,
    %swap3A_259 = vector.shape_cast %swap3A_258 : vector<1x16xi32> to vector<16xi32>
    %swap3A_260 = vector.shape_cast %shift_right_arithmetic3A_254 : vector<16xi32> to vector<1x16xi32>
    tpu.vector_store %arg7[%swap3A_256, %swap3A_257], %swap3A_260 {strides = array<i32>} : memref<2x128xi32, #tpu.memory_space<vmem>>, vector<1x16xi32>,
    %get3A_261 = arith.constant 1 : i32
    %get3A_262 = arith.index_cast %get3A_261 : i32 to index
    %get3A_263 = arith.constant 32 : index
    %get3A_264 = tpu.vector_load %arg5[%get3A_262, %get3A_263] {strides = array<i32>} : memref<80x128xi32, #tpu.memory_space<vmem>>, vector<1x16xi32>,
    %get3A_265 = vector.shape_cast %get3A_264 : vector<1x16xi32> to vector<16xi32>
    %and3A_266 = arith.constant 65535 : i32
    %and3A_267 = vector.broadcast %and3A_266 : i32 to vector<16xi32>
    %and3A_268 = arith.andi %get3A_265, %and3A_267 : vector<16xi32>
    %swap3A_269 = arith.constant 1 : i32
    %swap3A_270 = arith.index_cast %swap3A_269 : i32 to index
    %swap3A_271 = arith.constant 32 : index
    %swap3A_272 = tpu.vector_load %arg6[%swap3A_270, %swap3A_271] {strides = array<i32>} : memref<2x128xi32, #tpu.memory_space<vmem>>, vector<1x16xi32>,
    %swap3A_273 = vector.shape_cast %swap3A_272 : vector<1x16xi32> to vector<16xi32>
    %swap3A_274 = vector.shape_cast %and3A_268 : vector<16xi32> to vector<1x16xi32>
    tpu.vector_store %arg6[%swap3A_270, %swap3A_271], %swap3A_274 {strides = array<i32>} : memref<2x128xi32, #tpu.memory_space<vmem>>, vector<1x16xi32>,
    %shift_right_arithmetic3A_275 = arith.constant 16 : i32
    %shift_right_arithmetic3A_276 = vector.broadcast %shift_right_arithmetic3A_275 : i32 to vector<16xi32>
    %shift_right_arithmetic3A_277 = arith.shrsi %get3A_265, %shift_right_arithmetic3A_276 : vector<16xi32>
    %swap3A_278 = arith.constant 1 : i32
    %swap3A_279 = arith.index_cast %swap3A_278 : i32 to index
    %swap3A_280 = arith.constant 32 : index
    %swap3A_281 = tpu.vector_load %arg7[%swap3A_279, %swap3A_280] {strides = array<i32>} : memref<2x128xi32, #tpu.memory_space<vmem>>, vector<1x16xi32>,
    %swap3A_282 = vector.shape_cast %swap3A_281 : vector<1x16xi32> to vector<16xi32>
    %swap3A_283 = vector.shape_cast %shift_right_arithmetic3A_277 : vector<16xi32> to vector<1x16xi32>
    tpu.vector_store %arg7[%swap3A_279, %swap3A_280], %swap3A_283 {strides = array<i32>} : memref<2x128xi32, #tpu.memory_space<vmem>>, vector<1x16xi32>,
    %get3A_284 = arith.constant 1 : i32
    %get3A_285 = arith.index_cast %get3A_284 : i32 to index
    %get3A_286 = arith.constant 48 : index
    %get3A_287 = tpu.vector_load %arg5[%get3A_285, %get3A_286] {strides = array<i32>} : memref<80x128xi32, #tpu.memory_space<vmem>>, vector<1x16xi32>,
    %get3A_288 = vector.shape_cast %get3A_287 : vector<1x16xi32> to vector<16xi32>
    %and3A_289 = arith.constant 65535 : i32
    %and3A_290 = vector.broadcast %and3A_289 : i32 to vector<16xi32>
    %and3A_291 = arith.andi %get3A_288, %and3A_290 : vector<16xi32>
    %swap3A_292 = arith.constant 1 : i32
    %swap3A_293 = arith.index_cast %swap3A_292 : i32 to index
    %swap3A_294 = arith.constant 48 : index
    %swap3A_295 = tpu.vector_load %arg6[%swap3A_293, %swap3A_294] {strides = array<i32>} : memref<2x128xi32, #tpu.memory_space<vmem>>, vector<1x16xi32>,
    %swap3A_296 = vector.shape_cast %swap3A_295 : vector<1x16xi32> to vector<16xi32>
    %swap3A_297 = vector.shape_cast %and3A_291 : vector<16xi32> to vector<1x16xi32>
    tpu.vector_store %arg6[%swap3A_293, %swap3A_294], %swap3A_297 {strides = array<i32>} : memref<2x128xi32, #tpu.memory_space<vmem>>, vector<1x16xi32>,
    %shift_right_arithmetic3A_298 = arith.constant 16 : i32
    %shift_right_arithmetic3A_299 = vector.broadcast %shift_right_arithmetic3A_298 : i32 to vector<16xi32>
    %shift_right_arithmetic3A_300 = arith.shrsi %get3A_288, %shift_right_arithmetic3A_299 : vector<16xi32>
    %swap3A_301 = arith.constant 1 : i32
    %swap3A_302 = arith.index_cast %swap3A_301 : i32 to index
    %swap3A_303 = arith.constant 48 : index
    %swap3A_304 = tpu.vector_load %arg7[%swap3A_302, %swap3A_303] {strides = array<i32>} : memref<2x128xi32, #tpu.memory_space<vmem>>, vector<1x16xi32>,
    %swap3A_305 = vector.shape_cast %swap3A_304 : vector<1x16xi32> to vector<16xi32>
    %swap3A_306 = vector.shape_cast %shift_right_arithmetic3A_300 : vector<16xi32> to vector<1x16xi32>
    tpu.vector_store %arg7[%swap3A_302, %swap3A_303], %swap3A_306 {strides = array<i32>} : memref<2x128xi32, #tpu.memory_space<vmem>>, vector<1x16xi32>,
    %get3A_307 = arith.constant 1 : i32
    %get3A_308 = arith.index_cast %get3A_307 : i32 to index
    %get3A_309 = arith.constant 64 : index
    %get3A_310 = tpu.vector_load %arg5[%get3A_308, %get3A_309] {strides = array<i32>} : memref<80x128xi32, #tpu.memory_space<vmem>>, vector<1x16xi32>,
    %get3A_311 = vector.shape_cast %get3A_310 : vector<1x16xi32> to vector<16xi32>
    %and3A_312 = arith.constant 65535 : i32
    %and3A_313 = vector.broadcast %and3A_312 : i32 to vector<16xi32>
    %and3A_314 = arith.andi %get3A_311, %and3A_313 : vector<16xi32>
    %swap3A_315 = arith.constant 1 : i32
    %swap3A_316 = arith.index_cast %swap3A_315 : i32 to index
    %swap3A_317 = arith.constant 64 : index
    %swap3A_318 = tpu.vector_load %arg6[%swap3A_316, %swap3A_317] {strides = array<i32>} : memref<2x128xi32, #tpu.memory_space<vmem>>, vector<1x16xi32>,
    %swap3A_319 = vector.shape_cast %swap3A_318 : vector<1x16xi32> to vector<16xi32>
    %swap3A_320 = vector.shape_cast %and3A_314 : vector<16xi32> to vector<1x16xi32>
    tpu.vector_store %arg6[%swap3A_316, %swap3A_317], %swap3A_320 {strides = array<i32>} : memref<2x128xi32, #tpu.memory_space<vmem>>, vector<1x16xi32>,
    %shift_right_arithmetic3A_321 = arith.constant 16 : i32
    %shift_right_arithmetic3A_322 = vector.broadcast %shift_right_arithmetic3A_321 : i32 to vector<16xi32>
    %shift_right_arithmetic3A_323 = arith.shrsi %get3A_311, %shift_right_arithmetic3A_322 : vector<16xi32>
    %swap3A_324 = arith.constant 1 : i32
    %swap3A_325 = arith.index_cast %swap3A_324 : i32 to index
    %swap3A_326 = arith.constant 64 : index
    %swap3A_327 = tpu.vector_load %arg7[%swap3A_325, %swap3A_326] {strides = array<i32>} : memref<2x128xi32, #tpu.memory_space<vmem>>, vector<1x16xi32>,
    %swap3A_328 = vector.shape_cast %swap3A_327 : vector<1x16xi32> to vector<16xi32>
    %swap3A_329 = vector.shape_cast %shift_right_arithmetic3A_323 : vector<16xi32> to vector<1x16xi32>
    tpu.vector_store %arg7[%swap3A_325, %swap3A_326], %swap3A_329 {strides = array<i32>} : memref<2x128xi32, #tpu.memory_space<vmem>>, vector<1x16xi32>,
    %get3A_330 = arith.constant 1 : i32
    %get3A_331 = arith.index_cast %get3A_330 : i32 to index
    %get3A_332 = arith.constant 80 : index
    %get3A_333 = tpu.vector_load %arg5[%get3A_331, %get3A_332] {strides = array<i32>} : memref<80x128xi32, #tpu.memory_space<vmem>>, vector<1x16xi32>,
    %get3A_334 = vector.shape_cast %get3A_333 : vector<1x16xi32> to vector<16xi32>
    %and3A_335 = arith.constant 65535 : i32
    %and3A_336 = vector.broadcast %and3A_335 : i32 to vector<16xi32>
    %and3A_337 = arith.andi %get3A_334, %and3A_336 : vector<16xi32>
    %swap3A_338 = arith.constant 1 : i32
    %swap3A_339 = arith.index_cast %swap3A_338 : i32 to index
    %swap3A_340 = arith.constant 80 : index
    %swap3A_341 = tpu.vector_load %arg6[%swap3A_339, %swap3A_340] {strides = array<i32>} : memref<2x128xi32, #tpu.memory_space<vmem>>, vector<1x16xi32>,
    %swap3A_342 = vector.shape_cast %swap3A_341 : vector<1x16xi32> to vector<16xi32>
    %swap3A_343 = vector.shape_cast %and3A_337 : vector<16xi32> to vector<1x16xi32>
    tpu.vector_store %arg6[%swap3A_339, %swap3A_340], %swap3A_343 {strides = array<i32>} : memref<2x128xi32, #tpu.memory_space<vmem>>, vector<1x16xi32>,
    %shift_right_arithmetic3A_344 = arith.constant 16 : i32
    %shift_right_arithmetic3A_345 = vector.broadcast %shift_right_arithmetic3A_344 : i32 to vector<16xi32>
    %shift_right_arithmetic3A_346 = arith.shrsi %get3A_334, %shift_right_arithmetic3A_345 : vector<16xi32>
    %swap3A_347 = arith.constant 1 : i32
    %swap3A_348 = arith.index_cast %swap3A_347 : i32 to index
    %swap3A_349 = arith.constant 80 : index
    %swap3A_350 = tpu.vector_load %arg7[%swap3A_348, %swap3A_349] {strides = array<i32>} : memref<2x128xi32, #tpu.memory_space<vmem>>, vector<1x16xi32>,
    %swap3A_351 = vector.shape_cast %swap3A_350 : vector<1x16xi32> to vector<16xi32>
    %swap3A_352 = vector.shape_cast %shift_right_arithmetic3A_346 : vector<16xi32> to vector<1x16xi32>
    tpu.vector_store %arg7[%swap3A_348, %swap3A_349], %swap3A_352 {strides = array<i32>} : memref<2x128xi32, #tpu.memory_space<vmem>>, vector<1x16xi32>,
    %get3A_353 = arith.constant 1 : i32
    %get3A_354 = arith.index_cast %get3A_353 : i32 to index
    %get3A_355 = arith.constant 96 : index
    %get3A_356 = tpu.vector_load %arg5[%get3A_354, %get3A_355] {strides = array<i32>} : memref<80x128xi32, #tpu.memory_space<vmem>>, vector<1x16xi32>,
    %get3A_357 = vector.shape_cast %get3A_356 : vector<1x16xi32> to vector<16xi32>
    %and3A_358 = arith.constant 65535 : i32
    %and3A_359 = vector.broadcast %and3A_358 : i32 to vector<16xi32>
    %and3A_360 = arith.andi %get3A_357, %and3A_359 : vector<16xi32>
    %swap3A_361 = arith.constant 1 : i32
    %swap3A_362 = arith.index_cast %swap3A_361 : i32 to index
    %swap3A_363 = arith.constant 96 : index
    %swap3A_364 = tpu.vector_load %arg6[%swap3A_362, %swap3A_363] {strides = array<i32>} : memref<2x128xi32, #tpu.memory_space<vmem>>, vector<1x16xi32>,
    %swap3A_365 = vector.shape_cast %swap3A_364 : vector<1x16xi32> to vector<16xi32>
    %swap3A_366 = vector.shape_cast %and3A_360 : vector<16xi32> to vector<1x16xi32>
    tpu.vector_store %arg6[%swap3A_362, %swap3A_363], %swap3A_366 {strides = array<i32>} : memref<2x128xi32, #tpu.memory_space<vmem>>, vector<1x16xi32>,
    %shift_right_arithmetic3A_367 = arith.constant 16 : i32
    %shift_right_arithmetic3A_368 = vector.broadcast %shift_right_arithmetic3A_367 : i32 to vector<16xi32>
    %shift_right_arithmetic3A_369 = arith.shrsi %get3A_357, %shift_right_arithmetic3A_368 : vector<16xi32>
    %swap3A_370 = arith.constant 1 : i32
    %swap3A_371 = arith.index_cast %swap3A_370 : i32 to index
    %swap3A_372 = arith.constant 96 : index
    %swap3A_373 = tpu.vector_load %arg7[%swap3A_371, %swap3A_372] {strides = array<i32>} : memref<2x128xi32, #tpu.memory_space<vmem>>, vector<1x16xi32>,
    %swap3A_374 = vector.shape_cast %swap3A_373 : vector<1x16xi32> to vector<16xi32>
    %swap3A_375 = vector.shape_cast %shift_right_arithmetic3A_369 : vector<16xi32> to vector<1x16xi32>
    tpu.vector_store %arg7[%swap3A_371, %swap3A_372], %swap3A_375 {strides = array<i32>} : memref<2x128xi32, #tpu.memory_space<vmem>>, vector<1x16xi32>,
    %get3A_376 = arith.constant 1 : i32
    %get3A_377 = arith.index_cast %get3A_376 : i32 to index
    %get3A_378 = arith.constant 112 : index
    %get3A_379 = tpu.vector_load %arg5[%get3A_377, %get3A_378] {strides = array<i32>} : memref<80x128xi32, #tpu.memory_space<vmem>>, vector<1x16xi32>,
    %get3A_380 = vector.shape_cast %get3A_379 : vector<1x16xi32> to vector<16xi32>
    %and3A_381 = arith.constant 65535 : i32
    %and3A_382 = vector.broadcast %and3A_381 : i32 to vector<16xi32>
    %and3A_383 = arith.andi %get3A_380, %and3A_382 : vector<16xi32>
    %swap3A_384 = arith.constant 1 : i32
    %swap3A_385 = arith.index_cast %swap3A_384 : i32 to index
    %swap3A_386 = arith.constant 112 : index
    %swap3A_387 = tpu.vector_load %arg6[%swap3A_385, %swap3A_386] {strides = array<i32>} : memref<2x128xi32, #tpu.memory_space<vmem>>, vector<1x16xi32>,
    %swap3A_388 = vector.shape_cast %swap3A_387 : vector<1x16xi32> to vector<16xi32>
    %swap3A_389 = vector.shape_cast %and3A_383 : vector<16xi32> to vector<1x16xi32>
    tpu.vector_store %arg6[%swap3A_385, %swap3A_386], %swap3A_389 {strides = array<i32>} : memref<2x128xi32, #tpu.memory_space<vmem>>, vector<1x16xi32>,
    %shift_right_arithmetic3A_390 = arith.constant 16 : i32
    %shift_right_arithmetic3A_391 = vector.broadcast %shift_right_arithmetic3A_390 : i32 to vector<16xi32>
    %shift_right_arithmetic3A_392 = arith.shrsi %get3A_380, %shift_right_arithmetic3A_391 : vector<16xi32>
    %swap3A_393 = arith.constant 1 : i32
    %swap3A_394 = arith.index_cast %swap3A_393 : i32 to index
    %swap3A_395 = arith.constant 112 : index
    %swap3A_396 = tpu.vector_load %arg7[%swap3A_394, %swap3A_395] {strides = array<i32>} : memref<2x128xi32, #tpu.memory_space<vmem>>, vector<1x16xi32>,
    %swap3A_397 = vector.shape_cast %swap3A_396 : vector<1x16xi32> to vector<16xi32>
    %swap3A_398 = vector.shape_cast %shift_right_arithmetic3A_392 : vector<16xi32> to vector<1x16xi32>
    tpu.vector_store %arg7[%swap3A_394, %swap3A_395], %swap3A_398 {strides = array<i32>} : memref<2x128xi32, #tpu.memory_space<vmem>>, vector<1x16xi32>,
    %dma_start3A_399 = arith.constant 1 : i32
    %dma_start3A_400 = arith.constant 0 : i32
    %dma_start3A_401 = tpu.memref_slice %arg6[%dma_start3A_399, %dma_start3A_400] : memref<2x128xi32, #tpu.memory_space<vmem>> -> memref<1x128xi32, #tpu.memory_space<vmem>>
    %dma_start3A_402 = tpu.memref_squeeze %dma_start3A_401 : memref<1x128xi32, #tpu.memory_space<vmem>> -> memref<128xi32, #tpu.memory_space<vmem>>
    %dma_start3A_403 = arith.constant 0 : i32
    %dma_start3A_404 = arith.constant 0 : i32
    %dma_start3A_405 = tpu.memref_slice %arg2[%dma_start3A_403, %dma_start3A_404] : memref<10240x128xf32, #tpu.memory_space<hbm>> -> memref<10240x128xf32, #tpu.memory_space<hbm>>
    tpu.enqueue_indirect_dma source(%dma_start3A_405 : memref<10240x128xf32, #tpu.memory_space<hbm>>) target(%arg9 : memref<128x128xf32, #tpu.memory_space<vmem>>) offsets(%dma_start3A_402 : memref<128xi32, #tpu.memory_space<vmem>>) semaphore(%arg12 : memref<!tpu.dma_semaphore, #tpu.memory_space<semaphore_mem>>)
    %scan3A_406 = arith.constant 0 : i32
    %scan3A_407 = arith.constant 0 : i32
    %scan3A_408 = arith.constant 39 : i32
    %scan3A_409 = arith.addi %scan3A_407, %scan3A_408 : i32
    %scan3A_410 = arith.constant 1 : i32
    scf.for %scan3A_447 = %scan3A_407 to %scan3A_409 step %scan3A_410  : i32 {
      %mul3A_448 = arith.constant 2 : i32
      %mul3A_449 = arith.muli %scan3A_447, %mul3A_448 : i32
      %add3A_450 = arith.constant 0 : i32
      %add3A_451 = arith.addi %mul3A_449, %add3A_450 : i32
      %dma_wait3A_452 = arith.constant 0 : i32
      %dma_wait3A_453 = arith.constant 0 : i32
      %dma_wait3A_454 = tpu.memref_slice %arg6[%dma_wait3A_452, %dma_wait3A_453] : memref<2x128xi32, #tpu.memory_space<vmem>> -> memref<1x128xi32, #tpu.memory_space<vmem>>
      %dma_wait3A_455 = tpu.memref_squeeze %dma_wait3A_454 : memref<1x128xi32, #tpu.memory_space<vmem>> -> memref<128xi32, #tpu.memory_space<vmem>>
      %dma_wait3A_456 = arith.constant 0 : i32
      %dma_wait3A_457 = arith.constant 0 : i32
      %dma_wait3A_458 = tpu.memref_slice %arg2[%dma_wait3A_456, %dma_wait3A_457] : memref<10240x128xf32, #tpu.memory_space<hbm>> -> memref<10240x128xf32, #tpu.memory_space<hbm>>
      tpu.wait_indirect_dma semaphore(%arg11 : memref<!tpu.dma_semaphore, #tpu.memory_space<semaphore_mem>>) src(%dma_wait3A_458 : memref<10240x128xf32, #tpu.memory_space<hbm>>) dst(%arg8 : memref<128x128xf32, #tpu.memory_space<vmem>>)
      %run_scoped3A_459 = arith.constant 0 : i32
      "tpu.region"() ({
        %run_scoped3A_842 = tpu.sem_alloc : memref<!tpu.dma_semaphore, #tpu.memory_space<semaphore_mem>>
        %dma_start3A_843 = arith.constant 0 : i32
        %dma_start3A_844 = tpu.memref_slice %arg7[%run_scoped3A_459, %dma_start3A_843] : memref<2x128xi32, #tpu.memory_space<vmem>> -> memref<1x128xi32, #tpu.memory_space<vmem>>
        %dma_start3A_845 = tpu.memref_squeeze %dma_start3A_844 : memref<1x128xi32, #tpu.memory_space<vmem>> -> memref<128xi32, #tpu.memory_space<vmem>>
        %dma_start3A_846 = arith.constant 0 : i32
        %dma_start3A_847 = arith.constant 0 : i32
        %dma_start3A_848 = tpu.memref_slice %arg10[%dma_start3A_846, %dma_start3A_847] : memref<10240x128xf32, #tpu.memory_space<vmem_shared>> -> memref<10240x128xf32, #tpu.memory_space<vmem_shared>>
        tpu.enqueue_indirect_dma source(%arg8 : memref<128x128xf32, #tpu.memory_space<vmem>>) target(%dma_start3A_848 : memref<10240x128xf32, #tpu.memory_space<vmem_shared>>) offsets(%dma_start3A_845 : memref<128xi32, #tpu.memory_space<vmem>>) semaphore(%run_scoped3A_842 : memref<!tpu.dma_semaphore, #tpu.memory_space<semaphore_mem>>) {add = true}
        %dma_wait3A_849 = arith.constant 0 : i32
        %dma_wait3A_850 = tpu.memref_slice %arg7[%run_scoped3A_459, %dma_wait3A_849] : memref<2x128xi32, #tpu.memory_space<vmem>> -> memref<1x128xi32, #tpu.memory_space<vmem>>
        %dma_wait3A_851 = tpu.memref_squeeze %dma_wait3A_850 : memref<1x128xi32, #tpu.memory_space<vmem>> -> memref<128xi32, #tpu.memory_space<vmem>>
        %dma_wait3A_852 = arith.constant 0 : i32
        %dma_wait3A_853 = arith.constant 0 : i32
        %dma_wait3A_854 = tpu.memref_slice %arg10[%dma_wait3A_852, %dma_wait3A_853] : memref<10240x128xf32, #tpu.memory_space<vmem_shared>> -> memref<10240x128xf32, #tpu.memory_space<vmem_shared>>
        tpu.wait_indirect_dma semaphore(%run_scoped3A_842 : memref<!tpu.dma_semaphore, #tpu.memory_space<semaphore_mem>>) src(%arg8 : memref<128x128xf32, #tpu.memory_space<vmem>>) dst(%dma_wait3A_854 : memref<10240x128xf32, #tpu.memory_space<vmem_shared>>)
        tpu.yield
      }) : () -> ()
      %add3A_460 = arith.constant 2 : i32
      %add3A_461 = arith.addi %add3A_451, %add3A_460 : i32
      %get3A_462 = arith.index_cast %add3A_461 : i32 to index
      %get3A_463 = arith.constant 0 : index
      %get3A_464 = tpu.vector_load %arg5[%get3A_462, %get3A_463] {strides = array<i32>} : memref<80x128xi32, #tpu.memory_space<vmem>>, vector<1x16xi32>,
      %get3A_465 = vector.shape_cast %get3A_464 : vector<1x16xi32> to vector<16xi32>
      %and3A_466 = arith.constant 65535 : i32
      %and3A_467 = vector.broadcast %and3A_466 : i32 to vector<16xi32>
      %and3A_468 = arith.andi %get3A_465, %and3A_467 : vector<16xi32>
      %swap3A_469 = arith.constant 0 : i32
      %swap3A_470 = arith.index_cast %swap3A_469 : i32 to index
      %swap3A_471 = arith.constant 0 : index
      %swap3A_472 = tpu.vector_load %arg6[%swap3A_470, %swap3A_471] {strides = array<i32>} : memref<2x128xi32, #tpu.memory_space<vmem>>, vector<1x16xi32>,
      %swap3A_473 = vector.shape_cast %swap3A_472 : vector<1x16xi32> to vector<16xi32>
      %swap3A_474 = vector.shape_cast %and3A_468 : vector<16xi32> to vector<1x16xi32>
      tpu.vector_store %arg6[%swap3A_470, %swap3A_471], %swap3A_474 {strides = array<i32>} : memref<2x128xi32, #tpu.memory_space<vmem>>, vector<1x16xi32>,
      %shift_right_arithmetic3A_475 = arith.constant 16 : i32
      %shift_right_arithmetic3A_476 = vector.broadcast %shift_right_arithmetic3A_475 : i32 to vector<16xi32>
      %shift_right_arithmetic3A_477 = arith.shrsi %get3A_465, %shift_right_arithmetic3A_476 : vector<16xi32>
      %swap3A_478 = arith.constant 0 : i32
      %swap3A_479 = arith.index_cast %swap3A_478 : i32 to index
      %swap3A_480 = arith.constant 0 : index
      %swap3A_481 = tpu.vector_load %arg7[%swap3A_479, %swap3A_480] {strides = array<i32>} : memref<2x128xi32, #tpu.memory_space<vmem>>, vector<1x16xi32>,
      %swap3A_482 = vector.shape_cast %swap3A_481 : vector<1x16xi32> to vector<16xi32>
      %swap3A_483 = vector.shape_cast %shift_right_arithmetic3A_477 : vector<16xi32> to vector<1x16xi32>
      tpu.vector_store %arg7[%swap3A_479, %swap3A_480], %swap3A_483 {strides = array<i32>} : memref<2x128xi32, #tpu.memory_space<vmem>>, vector<1x16xi32>,
      %get3A_484 = arith.index_cast %add3A_461 : i32 to index
      %get3A_485 = arith.constant 16 : index
      %get3A_486 = tpu.vector_load %arg5[%get3A_484, %get3A_485] {strides = array<i32>} : memref<80x128xi32, #tpu.memory_space<vmem>>, vector<1x16xi32>,
      %get3A_487 = vector.shape_cast %get3A_486 : vector<1x16xi32> to vector<16xi32>
      %and3A_488 = arith.constant 65535 : i32
      %and3A_489 = vector.broadcast %and3A_488 : i32 to vector<16xi32>
      %and3A_490 = arith.andi %get3A_487, %and3A_489 : vector<16xi32>
      %swap3A_491 = arith.constant 0 : i32
      %swap3A_492 = arith.index_cast %swap3A_491 : i32 to index
      %swap3A_493 = arith.constant 16 : index
      %swap3A_494 = tpu.vector_load %arg6[%swap3A_492, %swap3A_493] {strides = array<i32>} : memref<2x128xi32, #tpu.memory_space<vmem>>, vector<1x16xi32>,
      %swap3A_495 = vector.shape_cast %swap3A_494 : vector<1x16xi32> to vector<16xi32>
      %swap3A_496 = vector.shape_cast %and3A_490 : vector<16xi32> to vector<1x16xi32>
      tpu.vector_store %arg6[%swap3A_492, %swap3A_493], %swap3A_496 {strides = array<i32>} : memref<2x128xi32, #tpu.memory_space<vmem>>, vector<1x16xi32>,
      %shift_right_arithmetic3A_497 = arith.constant 16 : i32
      %shift_right_arithmetic3A_498 = vector.broadcast %shift_right_arithmetic3A_497 : i32 to vector<16xi32>
      %shift_right_arithmetic3A_499 = arith.shrsi %get3A_487, %shift_right_arithmetic3A_498 : vector<16xi32>
      %swap3A_500 = arith.constant 0 : i32
      %swap3A_501 = arith.index_cast %swap3A_500 : i32 to index
      %swap3A_502 = arith.constant 16 : index
      %swap3A_503 = tpu.vector_load %arg7[%swap3A_501, %swap3A_502] {strides = array<i32>} : memref<2x128xi32, #tpu.memory_space<vmem>>, vector<1x16xi32>,
      %swap3A_504 = vector.shape_cast %swap3A_503 : vector<1x16xi32> to vector<16xi32>
      %swap3A_505 = vector.shape_cast %shift_right_arithmetic3A_499 : vector<16xi32> to vector<1x16xi32>
      tpu.vector_store %arg7[%swap3A_501, %swap3A_502], %swap3A_505 {strides = array<i32>} : memref<2x128xi32, #tpu.memory_space<vmem>>, vector<1x16xi32>,
      %get3A_506 = arith.index_cast %add3A_461 : i32 to index
      %get3A_507 = arith.constant 32 : index
      %get3A_508 = tpu.vector_load %arg5[%get3A_506, %get3A_507] {strides = array<i32>} : memref<80x128xi32, #tpu.memory_space<vmem>>, vector<1x16xi32>,
      %get3A_509 = vector.shape_cast %get3A_508 : vector<1x16xi32> to vector<16xi32>
      %and3A_510 = arith.constant 65535 : i32
      %and3A_511 = vector.broadcast %and3A_510 : i32 to vector<16xi32>
      %and3A_512 = arith.andi %get3A_509, %and3A_511 : vector<16xi32>
      %swap3A_513 = arith.constant 0 : i32
      %swap3A_514 = arith.index_cast %swap3A_513 : i32 to index
      %swap3A_515 = arith.constant 32 : index
      %swap3A_516 = tpu.vector_load %arg6[%swap3A_514, %swap3A_515] {strides = array<i32>} : memref<2x128xi32, #tpu.memory_space<vmem>>, vector<1x16xi32>,
      %swap3A_517 = vector.shape_cast %swap3A_516 : vector<1x16xi32> to vector<16xi32>
      %swap3A_518 = vector.shape_cast %and3A_512 : vector<16xi32> to vector<1x16xi32>
      tpu.vector_store %arg6[%swap3A_514, %swap3A_515], %swap3A_518 {strides = array<i32>} : memref<2x128xi32, #tpu.memory_space<vmem>>, vector<1x16xi32>,
      %shift_right_arithmetic3A_519 = arith.constant 16 : i32
      %shift_right_arithmetic3A_520 = vector.broadcast %shift_right_arithmetic3A_519 : i32 to vector<16xi32>
      %shift_right_arithmetic3A_521 = arith.shrsi %get3A_509, %shift_right_arithmetic3A_520 : vector<16xi32>
      %swap3A_522 = arith.constant 0 : i32
      %swap3A_523 = arith.index_cast %swap3A_522 : i32 to index
      %swap3A_524 = arith.constant 32 : index
      %swap3A_525 = tpu.vector_load %arg7[%swap3A_523, %swap3A_524] {strides = array<i32>} : memref<2x128xi32, #tpu.memory_space<vmem>>, vector<1x16xi32>,
      %swap3A_526 = vector.shape_cast %swap3A_525 : vector<1x16xi32> to vector<16xi32>
      %swap3A_527 = vector.shape_cast %shift_right_arithmetic3A_521 : vector<16xi32> to vector<1x16xi32>
      tpu.vector_store %arg7[%swap3A_523, %swap3A_524], %swap3A_527 {strides = array<i32>} : memref<2x128xi32, #tpu.memory_space<vmem>>, vector<1x16xi32>,
      %get3A_528 = arith.index_cast %add3A_461 : i32 to index
      %get3A_529 = arith.constant 48 : index
      %get3A_530 = tpu.vector_load %arg5[%get3A_528, %get3A_529] {strides = array<i32>} : memref<80x128xi32, #tpu.memory_space<vmem>>, vector<1x16xi32>,
      %get3A_531 = vector.shape_cast %get3A_530 : vector<1x16xi32> to vector<16xi32>
      %and3A_532 = arith.constant 65535 : i32
      %and3A_533 = vector.broadcast %and3A_532 : i32 to vector<16xi32>
      %and3A_534 = arith.andi %get3A_531, %and3A_533 : vector<16xi32>
      %swap3A_535 = arith.constant 0 : i32
      %swap3A_536 = arith.index_cast %swap3A_535 : i32 to index
      %swap3A_537 = arith.constant 48 : index
      %swap3A_538 = tpu.vector_load %arg6[%swap3A_536, %swap3A_537] {strides = array<i32>} : memref<2x128xi32, #tpu.memory_space<vmem>>, vector<1x16xi32>,
      %swap3A_539 = vector.shape_cast %swap3A_538 : vector<1x16xi32> to vector<16xi32>
      %swap3A_540 = vector.shape_cast %and3A_534 : vector<16xi32> to vector<1x16xi32>
      tpu.vector_store %arg6[%swap3A_536, %swap3A_537], %swap3A_540 {strides = array<i32>} : memref<2x128xi32, #tpu.memory_space<vmem>>, vector<1x16xi32>,
      %shift_right_arithmetic3A_541 = arith.constant 16 : i32
      %shift_right_arithmetic3A_542 = vector.broadcast %shift_right_arithmetic3A_541 : i32 to vector<16xi32>
      %shift_right_arithmetic3A_543 = arith.shrsi %get3A_531, %shift_right_arithmetic3A_542 : vector<16xi32>
      %swap3A_544 = arith.constant 0 : i32
      %swap3A_545 = arith.index_cast %swap3A_544 : i32 to index
      %swap3A_546 = arith.constant 48 : index
      %swap3A_547 = tpu.vector_load %arg7[%swap3A_545, %swap3A_546] {strides = array<i32>} : memref<2x128xi32, #tpu.memory_space<vmem>>, vector<1x16xi32>,
      %swap3A_548 = vector.shape_cast %swap3A_547 : vector<1x16xi32> to vector<16xi32>
      %swap3A_549 = vector.shape_cast %shift_right_arithmetic3A_543 : vector<16xi32> to vector<1x16xi32>
      tpu.vector_store %arg7[%swap3A_545, %swap3A_546], %swap3A_549 {strides = array<i32>} : memref<2x128xi32, #tpu.memory_space<vmem>>, vector<1x16xi32>,
      %get3A_550 = arith.index_cast %add3A_461 : i32 to index
      %get3A_551 = arith.constant 64 : index
      %get3A_552 = tpu.vector_load %arg5[%get3A_550, %get3A_551] {strides = array<i32>} : memref<80x128xi32, #tpu.memory_space<vmem>>, vector<1x16xi32>,
      %get3A_553 = vector.shape_cast %get3A_552 : vector<1x16xi32> to vector<16xi32>
      %and3A_554 = arith.constant 65535 : i32
      %and3A_555 = vector.broadcast %and3A_554 : i32 to vector<16xi32>
      %and3A_556 = arith.andi %get3A_553, %and3A_555 : vector<16xi32>
      %swap3A_557 = arith.constant 0 : i32
      %swap3A_558 = arith.index_cast %swap3A_557 : i32 to index
      %swap3A_559 = arith.constant 64 : index
      %swap3A_560 = tpu.vector_load %arg6[%swap3A_558, %swap3A_559] {strides = array<i32>} : memref<2x128xi32, #tpu.memory_space<vmem>>, vector<1x16xi32>,
      %swap3A_561 = vector.shape_cast %swap3A_560 : vector<1x16xi32> to vector<16xi32>
      %swap3A_562 = vector.shape_cast %and3A_556 : vector<16xi32> to vector<1x16xi32>
      tpu.vector_store %arg6[%swap3A_558, %swap3A_559], %swap3A_562 {strides = array<i32>} : memref<2x128xi32, #tpu.memory_space<vmem>>, vector<1x16xi32>,
      %shift_right_arithmetic3A_563 = arith.constant 16 : i32
      %shift_right_arithmetic3A_564 = vector.broadcast %shift_right_arithmetic3A_563 : i32 to vector<16xi32>
      %shift_right_arithmetic3A_565 = arith.shrsi %get3A_553, %shift_right_arithmetic3A_564 : vector<16xi32>
      %swap3A_566 = arith.constant 0 : i32
      %swap3A_567 = arith.index_cast %swap3A_566 : i32 to index
      %swap3A_568 = arith.constant 64 : index
      %swap3A_569 = tpu.vector_load %arg7[%swap3A_567, %swap3A_568] {strides = array<i32>} : memref<2x128xi32, #tpu.memory_space<vmem>>, vector<1x16xi32>,
      %swap3A_570 = vector.shape_cast %swap3A_569 : vector<1x16xi32> to vector<16xi32>
      %swap3A_571 = vector.shape_cast %shift_right_arithmetic3A_565 : vector<16xi32> to vector<1x16xi32>
      tpu.vector_store %arg7[%swap3A_567, %swap3A_568], %swap3A_571 {strides = array<i32>} : memref<2x128xi32, #tpu.memory_space<vmem>>, vector<1x16xi32>,
      %get3A_572 = arith.index_cast %add3A_461 : i32 to index
      %get3A_573 = arith.constant 80 : index
      %get3A_574 = tpu.vector_load %arg5[%get3A_572, %get3A_573] {strides = array<i32>} : memref<80x128xi32, #tpu.memory_space<vmem>>, vector<1x16xi32>,
      %get3A_575 = vector.shape_cast %get3A_574 : vector<1x16xi32> to vector<16xi32>
      %and3A_576 = arith.constant 65535 : i32
      %and3A_577 = vector.broadcast %and3A_576 : i32 to vector<16xi32>
      %and3A_578 = arith.andi %get3A_575, %and3A_577 : vector<16xi32>
      %swap3A_579 = arith.constant 0 : i32
      %swap3A_580 = arith.index_cast %swap3A_579 : i32 to index
      %swap3A_581 = arith.constant 80 : index
      %swap3A_582 = tpu.vector_load %arg6[%swap3A_580, %swap3A_581] {strides = array<i32>} : memref<2x128xi32, #tpu.memory_space<vmem>>, vector<1x16xi32>,
      %swap3A_583 = vector.shape_cast %swap3A_582 : vector<1x16xi32> to vector<16xi32>
      %swap3A_584 = vector.shape_cast %and3A_578 : vector<16xi32> to vector<1x16xi32>
      tpu.vector_store %arg6[%swap3A_580, %swap3A_581], %swap3A_584 {strides = array<i32>} : memref<2x128xi32, #tpu.memory_space<vmem>>, vector<1x16xi32>,
      %shift_right_arithmetic3A_585 = arith.constant 16 : i32
      %shift_right_arithmetic3A_586 = vector.broadcast %shift_right_arithmetic3A_585 : i32 to vector<16xi32>
      %shift_right_arithmetic3A_587 = arith.shrsi %get3A_575, %shift_right_arithmetic3A_586 : vector<16xi32>
      %swap3A_588 = arith.constant 0 : i32
      %swap3A_589 = arith.index_cast %swap3A_588 : i32 to index
      %swap3A_590 = arith.constant 80 : index
      %swap3A_591 = tpu.vector_load %arg7[%swap3A_589, %swap3A_590] {strides = array<i32>} : memref<2x128xi32, #tpu.memory_space<vmem>>, vector<1x16xi32>,
      %swap3A_592 = vector.shape_cast %swap3A_591 : vector<1x16xi32> to vector<16xi32>
      %swap3A_593 = vector.shape_cast %shift_right_arithmetic3A_587 : vector<16xi32> to vector<1x16xi32>
      tpu.vector_store %arg7[%swap3A_589, %swap3A_590], %swap3A_593 {strides = array<i32>} : memref<2x128xi32, #tpu.memory_space<vmem>>, vector<1x16xi32>,
      %get3A_594 = arith.index_cast %add3A_461 : i32 to index
      %get3A_595 = arith.constant 96 : index
      %get3A_596 = tpu.vector_load %arg5[%get3A_594, %get3A_595] {strides = array<i32>} : memref<80x128xi32, #tpu.memory_space<vmem>>, vector<1x16xi32>,
      %get3A_597 = vector.shape_cast %get3A_596 : vector<1x16xi32> to vector<16xi32>
      %and3A_598 = arith.constant 65535 : i32
      %and3A_599 = vector.broadcast %and3A_598 : i32 to vector<16xi32>
      %and3A_600 = arith.andi %get3A_597, %and3A_599 : vector<16xi32>
      %swap3A_601 = arith.constant 0 : i32
      %swap3A_602 = arith.index_cast %swap3A_601 : i32 to index
      %swap3A_603 = arith.constant 96 : index
      %swap3A_604 = tpu.vector_load %arg6[%swap3A_602, %swap3A_603] {strides = array<i32>} : memref<2x128xi32, #tpu.memory_space<vmem>>, vector<1x16xi32>,
      %swap3A_605 = vector.shape_cast %swap3A_604 : vector<1x16xi32> to vector<16xi32>
      %swap3A_606 = vector.shape_cast %and3A_600 : vector<16xi32> to vector<1x16xi32>
      tpu.vector_store %arg6[%swap3A_602, %swap3A_603], %swap3A_606 {strides = array<i32>} : memref<2x128xi32, #tpu.memory_space<vmem>>, vector<1x16xi32>,
      %shift_right_arithmetic3A_607 = arith.constant 16 : i32
      %shift_right_arithmetic3A_608 = vector.broadcast %shift_right_arithmetic3A_607 : i32 to vector<16xi32>
      %shift_right_arithmetic3A_609 = arith.shrsi %get3A_597, %shift_right_arithmetic3A_608 : vector<16xi32>
      %swap3A_610 = arith.constant 0 : i32
      %swap3A_611 = arith.index_cast %swap3A_610 : i32 to index
      %swap3A_612 = arith.constant 96 : index
      %swap3A_613 = tpu.vector_load %arg7[%swap3A_611, %swap3A_612] {strides = array<i32>} : memref<2x128xi32, #tpu.memory_space<vmem>>, vector<1x16xi32>,
      %swap3A_614 = vector.shape_cast %swap3A_613 : vector<1x16xi32> to vector<16xi32>
      %swap3A_615 = vector.shape_cast %shift_right_arithmetic3A_609 : vector<16xi32> to vector<1x16xi32>
      tpu.vector_store %arg7[%swap3A_611, %swap3A_612], %swap3A_615 {strides = array<i32>} : memref<2x128xi32, #tpu.memory_space<vmem>>, vector<1x16xi32>,
      %get3A_616 = arith.index_cast %add3A_461 : i32 to index
      %get3A_617 = arith.constant 112 : index
      %get3A_618 = tpu.vector_load %arg5[%get3A_616, %get3A_617] {strides = array<i32>} : memref<80x128xi32, #tpu.memory_space<vmem>>, vector<1x16xi32>,
      %get3A_619 = vector.shape_cast %get3A_618 : vector<1x16xi32> to vector<16xi32>
      %and3A_620 = arith.constant 65535 : i32
      %and3A_621 = vector.broadcast %and3A_620 : i32 to vector<16xi32>
      %and3A_622 = arith.andi %get3A_619, %and3A_621 : vector<16xi32>
      %swap3A_623 = arith.constant 0 : i32
      %swap3A_624 = arith.index_cast %swap3A_623 : i32 to index
      %swap3A_625 = arith.constant 112 : index
      %swap3A_626 = tpu.vector_load %arg6[%swap3A_624, %swap3A_625] {strides = array<i32>} : memref<2x128xi32, #tpu.memory_space<vmem>>, vector<1x16xi32>,
      %swap3A_627 = vector.shape_cast %swap3A_626 : vector<1x16xi32> to vector<16xi32>
      %swap3A_628 = vector.shape_cast %and3A_622 : vector<16xi32> to vector<1x16xi32>
      tpu.vector_store %arg6[%swap3A_624, %swap3A_625], %swap3A_628 {strides = array<i32>} : memref<2x128xi32, #tpu.memory_space<vmem>>, vector<1x16xi32>,
      %shift_right_arithmetic3A_629 = arith.constant 16 : i32
      %shift_right_arithmetic3A_630 = vector.broadcast %shift_right_arithmetic3A_629 : i32 to vector<16xi32>
      %shift_right_arithmetic3A_631 = arith.shrsi %get3A_619, %shift_right_arithmetic3A_630 : vector<16xi32>
      %swap3A_632 = arith.constant 0 : i32
      %swap3A_633 = arith.index_cast %swap3A_632 : i32 to index
      %swap3A_634 = arith.constant 112 : index
      %swap3A_635 = tpu.vector_load %arg7[%swap3A_633, %swap3A_634] {strides = array<i32>} : memref<2x128xi32, #tpu.memory_space<vmem>>, vector<1x16xi32>,
      %swap3A_636 = vector.shape_cast %swap3A_635 : vector<1x16xi32> to vector<16xi32>
      %swap3A_637 = vector.shape_cast %shift_right_arithmetic3A_631 : vector<16xi32> to vector<1x16xi32>
      tpu.vector_store %arg7[%swap3A_633, %swap3A_634], %swap3A_637 {strides = array<i32>} : memref<2x128xi32, #tpu.memory_space<vmem>>, vector<1x16xi32>,
      %dma_start3A_638 = arith.constant 0 : i32
      %dma_start3A_639 = arith.constant 0 : i32
      %dma_start3A_640 = tpu.memref_slice %arg6[%dma_start3A_638, %dma_start3A_639] : memref<2x128xi32, #tpu.memory_space<vmem>> -> memref<1x128xi32, #tpu.memory_space<vmem>>
      %dma_start3A_641 = tpu.memref_squeeze %dma_start3A_640 : memref<1x128xi32, #tpu.memory_space<vmem>> -> memref<128xi32, #tpu.memory_space<vmem>>
      %dma_start3A_642 = arith.constant 0 : i32
      %dma_start3A_643 = arith.constant 0 : i32
      %dma_start3A_644 = tpu.memref_slice %arg2[%dma_start3A_642, %dma_start3A_643] : memref<10240x128xf32, #tpu.memory_space<hbm>> -> memref<10240x128xf32, #tpu.memory_space<hbm>>
      tpu.enqueue_indirect_dma source(%dma_start3A_644 : memref<10240x128xf32, #tpu.memory_space<hbm>>) target(%arg8 : memref<128x128xf32, #tpu.memory_space<vmem>>) offsets(%dma_start3A_641 : memref<128xi32, #tpu.memory_space<vmem>>) semaphore(%arg11 : memref<!tpu.dma_semaphore, #tpu.memory_space<semaphore_mem>>)
      %mul3A_645 = arith.constant 2 : i32
      %mul3A_646 = arith.muli %scan3A_447, %mul3A_645 : i32
      %add3A_647 = arith.constant 1 : i32
      %add3A_648 = arith.addi %mul3A_646, %add3A_647 : i32
      %dma_wait3A_649 = arith.constant 1 : i32
      %dma_wait3A_650 = arith.constant 0 : i32
      %dma_wait3A_651 = tpu.memref_slice %arg6[%dma_wait3A_649, %dma_wait3A_650] : memref<2x128xi32, #tpu.memory_space<vmem>> -> memref<1x128xi32, #tpu.memory_space<vmem>>
      %dma_wait3A_652 = tpu.memref_squeeze %dma_wait3A_651 : memref<1x128xi32, #tpu.memory_space<vmem>> -> memref<128xi32, #tpu.memory_space<vmem>>
      %dma_wait3A_653 = arith.constant 0 : i32
      %dma_wait3A_654 = arith.constant 0 : i32
      %dma_wait3A_655 = tpu.memref_slice %arg2[%dma_wait3A_653, %dma_wait3A_654] : memref<10240x128xf32, #tpu.memory_space<hbm>> -> memref<10240x128xf32, #tpu.memory_space<hbm>>
      tpu.wait_indirect_dma semaphore(%arg12 : memref<!tpu.dma_semaphore, #tpu.memory_space<semaphore_mem>>) src(%dma_wait3A_655 : memref<10240x128xf32, #tpu.memory_space<hbm>>) dst(%arg9 : memref<128x128xf32, #tpu.memory_space<vmem>>)
      %run_scoped3A_656 = arith.constant 1 : i32
      "tpu.region"() ({
        %run_scoped3A_842 = tpu.sem_alloc : memref<!tpu.dma_semaphore, #tpu.memory_space<semaphore_mem>>
        %dma_start3A_843 = arith.constant 0 : i32
        %dma_start3A_844 = tpu.memref_slice %arg7[%run_scoped3A_656, %dma_start3A_843] : memref<2x128xi32, #tpu.memory_space<vmem>> -> memref<1x128xi32, #tpu.memory_space<vmem>>
        %dma_start3A_845 = tpu.memref_squeeze %dma_start3A_844 : memref<1x128xi32, #tpu.memory_space<vmem>> -> memref<128xi32, #tpu.memory_space<vmem>>
        %dma_start3A_846 = arith.constant 0 : i32
        %dma_start3A_847 = arith.constant 0 : i32
        %dma_start3A_848 = tpu.memref_slice %arg10[%dma_start3A_846, %dma_start3A_847] : memref<10240x128xf32, #tpu.memory_space<vmem_shared>> -> memref<10240x128xf32, #tpu.memory_space<vmem_shared>>
        tpu.enqueue_indirect_dma source(%arg9 : memref<128x128xf32, #tpu.memory_space<vmem>>) target(%dma_start3A_848 : memref<10240x128xf32, #tpu.memory_space<vmem_shared>>) offsets(%dma_start3A_845 : memref<128xi32, #tpu.memory_space<vmem>>) semaphore(%run_scoped3A_842 : memref<!tpu.dma_semaphore, #tpu.memory_space<semaphore_mem>>) {add = true}
        %dma_wait3A_849 = arith.constant 0 : i32
        %dma_wait3A_850 = tpu.memref_slice %arg7[%run_scoped3A_656, %dma_wait3A_849] : memref<2x128xi32, #tpu.memory_space<vmem>> -> memref<1x128xi32, #tpu.memory_space<vmem>>
        %dma_wait3A_851 = tpu.memref_squeeze %dma_wait3A_850 : memref<1x128xi32, #tpu.memory_space<vmem>> -> memref<128xi32, #tpu.memory_space<vmem>>
        %dma_wait3A_852 = arith.constant 0 : i32
        %dma_wait3A_853 = arith.constant 0 : i32
        %dma_wait3A_854 = tpu.memref_slice %arg10[%dma_wait3A_852, %dma_wait3A_853] : memref<10240x128xf32, #tpu.memory_space<vmem_shared>> -> memref<10240x128xf32, #tpu.memory_space<vmem_shared>>
        tpu.wait_indirect_dma semaphore(%run_scoped3A_842 : memref<!tpu.dma_semaphore, #tpu.memory_space<semaphore_mem>>) src(%arg9 : memref<128x128xf32, #tpu.memory_space<vmem>>) dst(%dma_wait3A_854 : memref<10240x128xf32, #tpu.memory_space<vmem_shared>>)
        tpu.yield
      }) : () -> ()
      %add3A_657 = arith.constant 2 : i32
      %add3A_658 = arith.addi %add3A_648, %add3A_657 : i32
      %get3A_659 = arith.index_cast %add3A_658 : i32 to index
      %get3A_660 = arith.constant 0 : index
      %get3A_661 = tpu.vector_load %arg5[%get3A_659, %get3A_660] {strides = array<i32>} : memref<80x128xi32, #tpu.memory_space<vmem>>, vector<1x16xi32>,
      %get3A_662 = vector.shape_cast %get3A_661 : vector<1x16xi32> to vector<16xi32>
      %and3A_663 = arith.constant 65535 : i32
      %and3A_664 = vector.broadcast %and3A_663 : i32 to vector<16xi32>
      %and3A_665 = arith.andi %get3A_662, %and3A_664 : vector<16xi32>
      %swap3A_666 = arith.constant 1 : i32
      %swap3A_667 = arith.index_cast %swap3A_666 : i32 to index
      %swap3A_668 = arith.constant 0 : index
      %swap3A_669 = tpu.vector_load %arg6[%swap3A_667, %swap3A_668] {strides = array<i32>} : memref<2x128xi32, #tpu.memory_space<vmem>>, vector<1x16xi32>,
      %swap3A_670 = vector.shape_cast %swap3A_669 : vector<1x16xi32> to vector<16xi32>
      %swap3A_671 = vector.shape_cast %and3A_665 : vector<16xi32> to vector<1x16xi32>
      tpu.vector_store %arg6[%swap3A_667, %swap3A_668], %swap3A_671 {strides = array<i32>} : memref<2x128xi32, #tpu.memory_space<vmem>>, vector<1x16xi32>,
      %shift_right_arithmetic3A_672 = arith.constant 16 : i32
      %shift_right_arithmetic3A_673 = vector.broadcast %shift_right_arithmetic3A_672 : i32 to vector<16xi32>
      %shift_right_arithmetic3A_674 = arith.shrsi %get3A_662, %shift_right_arithmetic3A_673 : vector<16xi32>
      %swap3A_675 = arith.constant 1 : i32
      %swap3A_676 = arith.index_cast %swap3A_675 : i32 to index
      %swap3A_677 = arith.constant 0 : index
      %swap3A_678 = tpu.vector_load %arg7[%swap3A_676, %swap3A_677] {strides = array<i32>} : memref<2x128xi32, #tpu.memory_space<vmem>>, vector<1x16xi32>,
      %swap3A_679 = vector.shape_cast %swap3A_678 : vector<1x16xi32> to vector<16xi32>
      %swap3A_680 = vector.shape_cast %shift_right_arithmetic3A_674 : vector<16xi32> to vector<1x16xi32>
      tpu.vector_store %arg7[%swap3A_676, %swap3A_677], %swap3A_680 {strides = array<i32>} : memref<2x128xi32, #tpu.memory_space<vmem>>, vector<1x16xi32>,
      %get3A_681 = arith.index_cast %add3A_658 : i32 to index
      %get3A_682 = arith.constant 16 : index
      %get3A_683 = tpu.vector_load %arg5[%get3A_681, %get3A_682] {strides = array<i32>} : memref<80x128xi32, #tpu.memory_space<vmem>>, vector<1x16xi32>,
      %get3A_684 = vector.shape_cast %get3A_683 : vector<1x16xi32> to vector<16xi32>
      %and3A_685 = arith.constant 65535 : i32
      %and3A_686 = vector.broadcast %and3A_685 : i32 to vector<16xi32>
      %and3A_687 = arith.andi %get3A_684, %and3A_686 : vector<16xi32>
      %swap3A_688 = arith.constant 1 : i32
      %swap3A_689 = arith.index_cast %swap3A_688 : i32 to index
      %swap3A_690 = arith.constant 16 : index
      %swap3A_691 = tpu.vector_load %arg6[%swap3A_689, %swap3A_690] {strides = array<i32>} : memref<2x128xi32, #tpu.memory_space<vmem>>, vector<1x16xi32>,
      %swap3A_692 = vector.shape_cast %swap3A_691 : vector<1x16xi32> to vector<16xi32>
      %swap3A_693 = vector.shape_cast %and3A_687 : vector<16xi32> to vector<1x16xi32>
      tpu.vector_store %arg6[%swap3A_689, %swap3A_690], %swap3A_693 {strides = array<i32>} : memref<2x128xi32, #tpu.memory_space<vmem>>, vector<1x16xi32>,
      %shift_right_arithmetic3A_694 = arith.constant 16 : i32
      %shift_right_arithmetic3A_695 = vector.broadcast %shift_right_arithmetic3A_694 : i32 to vector<16xi32>
      %shift_right_arithmetic3A_696 = arith.shrsi %get3A_684, %shift_right_arithmetic3A_695 : vector<16xi32>
      %swap3A_697 = arith.constant 1 : i32
      %swap3A_698 = arith.index_cast %swap3A_697 : i32 to index
      %swap3A_699 = arith.constant 16 : index
      %swap3A_700 = tpu.vector_load %arg7[%swap3A_698, %swap3A_699] {strides = array<i32>} : memref<2x128xi32, #tpu.memory_space<vmem>>, vector<1x16xi32>,
      %swap3A_701 = vector.shape_cast %swap3A_700 : vector<1x16xi32> to vector<16xi32>
      %swap3A_702 = vector.shape_cast %shift_right_arithmetic3A_696 : vector<16xi32> to vector<1x16xi32>
      tpu.vector_store %arg7[%swap3A_698, %swap3A_699], %swap3A_702 {strides = array<i32>} : memref<2x128xi32, #tpu.memory_space<vmem>>, vector<1x16xi32>,
      %get3A_703 = arith.index_cast %add3A_658 : i32 to index
      %get3A_704 = arith.constant 32 : index
      %get3A_705 = tpu.vector_load %arg5[%get3A_703, %get3A_704] {strides = array<i32>} : memref<80x128xi32, #tpu.memory_space<vmem>>, vector<1x16xi32>,
      %get3A_706 = vector.shape_cast %get3A_705 : vector<1x16xi32> to vector<16xi32>
      %and3A_707 = arith.constant 65535 : i32
      %and3A_708 = vector.broadcast %and3A_707 : i32 to vector<16xi32>
      %and3A_709 = arith.andi %get3A_706, %and3A_708 : vector<16xi32>
      %swap3A_710 = arith.constant 1 : i32
      %swap3A_711 = arith.index_cast %swap3A_710 : i32 to index
      %swap3A_712 = arith.constant 32 : index
      %swap3A_713 = tpu.vector_load %arg6[%swap3A_711, %swap3A_712] {strides = array<i32>} : memref<2x128xi32, #tpu.memory_space<vmem>>, vector<1x16xi32>,
      %swap3A_714 = vector.shape_cast %swap3A_713 : vector<1x16xi32> to vector<16xi32>
      %swap3A_715 = vector.shape_cast %and3A_709 : vector<16xi32> to vector<1x16xi32>
      tpu.vector_store %arg6[%swap3A_711, %swap3A_712], %swap3A_715 {strides = array<i32>} : memref<2x128xi32, #tpu.memory_space<vmem>>, vector<1x16xi32>,
      %shift_right_arithmetic3A_716 = arith.constant 16 : i32
      %shift_right_arithmetic3A_717 = vector.broadcast %shift_right_arithmetic3A_716 : i32 to vector<16xi32>
      %shift_right_arithmetic3A_718 = arith.shrsi %get3A_706, %shift_right_arithmetic3A_717 : vector<16xi32>
      %swap3A_719 = arith.constant 1 : i32
      %swap3A_720 = arith.index_cast %swap3A_719 : i32 to index
      %swap3A_721 = arith.constant 32 : index
      %swap3A_722 = tpu.vector_load %arg7[%swap3A_720, %swap3A_721] {strides = array<i32>} : memref<2x128xi32, #tpu.memory_space<vmem>>, vector<1x16xi32>,
      %swap3A_723 = vector.shape_cast %swap3A_722 : vector<1x16xi32> to vector<16xi32>
      %swap3A_724 = vector.shape_cast %shift_right_arithmetic3A_718 : vector<16xi32> to vector<1x16xi32>
      tpu.vector_store %arg7[%swap3A_720, %swap3A_721], %swap3A_724 {strides = array<i32>} : memref<2x128xi32, #tpu.memory_space<vmem>>, vector<1x16xi32>,
      %get3A_725 = arith.index_cast %add3A_658 : i32 to index
      %get3A_726 = arith.constant 48 : index
      %get3A_727 = tpu.vector_load %arg5[%get3A_725, %get3A_726] {strides = array<i32>} : memref<80x128xi32, #tpu.memory_space<vmem>>, vector<1x16xi32>,
      %get3A_728 = vector.shape_cast %get3A_727 : vector<1x16xi32> to vector<16xi32>
      %and3A_729 = arith.constant 65535 : i32
      %and3A_730 = vector.broadcast %and3A_729 : i32 to vector<16xi32>
      %and3A_731 = arith.andi %get3A_728, %and3A_730 : vector<16xi32>
      %swap3A_732 = arith.constant 1 : i32
      %swap3A_733 = arith.index_cast %swap3A_732 : i32 to index
      %swap3A_734 = arith.constant 48 : index
      %swap3A_735 = tpu.vector_load %arg6[%swap3A_733, %swap3A_734] {strides = array<i32>} : memref<2x128xi32, #tpu.memory_space<vmem>>, vector<1x16xi32>,
      %swap3A_736 = vector.shape_cast %swap3A_735 : vector<1x16xi32> to vector<16xi32>
      %swap3A_737 = vector.shape_cast %and3A_731 : vector<16xi32> to vector<1x16xi32>
      tpu.vector_store %arg6[%swap3A_733, %swap3A_734], %swap3A_737 {strides = array<i32>} : memref<2x128xi32, #tpu.memory_space<vmem>>, vector<1x16xi32>,
      %shift_right_arithmetic3A_738 = arith.constant 16 : i32
      %shift_right_arithmetic3A_739 = vector.broadcast %shift_right_arithmetic3A_738 : i32 to vector<16xi32>
      %shift_right_arithmetic3A_740 = arith.shrsi %get3A_728, %shift_right_arithmetic3A_739 : vector<16xi32>
      %swap3A_741 = arith.constant 1 : i32
      %swap3A_742 = arith.index_cast %swap3A_741 : i32 to index
      %swap3A_743 = arith.constant 48 : index
      %swap3A_744 = tpu.vector_load %arg7[%swap3A_742, %swap3A_743] {strides = array<i32>} : memref<2x128xi32, #tpu.memory_space<vmem>>, vector<1x16xi32>,
      %swap3A_745 = vector.shape_cast %swap3A_744 : vector<1x16xi32> to vector<16xi32>
      %swap3A_746 = vector.shape_cast %shift_right_arithmetic3A_740 : vector<16xi32> to vector<1x16xi32>
      tpu.vector_store %arg7[%swap3A_742, %swap3A_743], %swap3A_746 {strides = array<i32>} : memref<2x128xi32, #tpu.memory_space<vmem>>, vector<1x16xi32>,
      %get3A_747 = arith.index_cast %add3A_658 : i32 to index
      %get3A_748 = arith.constant 64 : index
      %get3A_749 = tpu.vector_load %arg5[%get3A_747, %get3A_748] {strides = array<i32>} : memref<80x128xi32, #tpu.memory_space<vmem>>, vector<1x16xi32>,
      %get3A_750 = vector.shape_cast %get3A_749 : vector<1x16xi32> to vector<16xi32>
      %and3A_751 = arith.constant 65535 : i32
      %and3A_752 = vector.broadcast %and3A_751 : i32 to vector<16xi32>
      %and3A_753 = arith.andi %get3A_750, %and3A_752 : vector<16xi32>
      %swap3A_754 = arith.constant 1 : i32
      %swap3A_755 = arith.index_cast %swap3A_754 : i32 to index
      %swap3A_756 = arith.constant 64 : index
      %swap3A_757 = tpu.vector_load %arg6[%swap3A_755, %swap3A_756] {strides = array<i32>} : memref<2x128xi32, #tpu.memory_space<vmem>>, vector<1x16xi32>,
      %swap3A_758 = vector.shape_cast %swap3A_757 : vector<1x16xi32> to vector<16xi32>
      %swap3A_759 = vector.shape_cast %and3A_753 : vector<16xi32> to vector<1x16xi32>
      tpu.vector_store %arg6[%swap3A_755, %swap3A_756], %swap3A_759 {strides = array<i32>} : memref<2x128xi32, #tpu.memory_space<vmem>>, vector<1x16xi32>,
      %shift_right_arithmetic3A_760 = arith.constant 16 : i32
      %shift_right_arithmetic3A_761 = vector.broadcast %shift_right_arithmetic3A_760 : i32 to vector<16xi32>
      %shift_right_arithmetic3A_762 = arith.shrsi %get3A_750, %shift_right_arithmetic3A_761 : vector<16xi32>
      %swap3A_763 = arith.constant 1 : i32
      %swap3A_764 = arith.index_cast %swap3A_763 : i32 to index
      %swap3A_765 = arith.constant 64 : index
      %swap3A_766 = tpu.vector_load %arg7[%swap3A_764, %swap3A_765] {strides = array<i32>} : memref<2x128xi32, #tpu.memory_space<vmem>>, vector<1x16xi32>,
      %swap3A_767 = vector.shape_cast %swap3A_766 : vector<1x16xi32> to vector<16xi32>
      %swap3A_768 = vector.shape_cast %shift_right_arithmetic3A_762 : vector<16xi32> to vector<1x16xi32>
      tpu.vector_store %arg7[%swap3A_764, %swap3A_765], %swap3A_768 {strides = array<i32>} : memref<2x128xi32, #tpu.memory_space<vmem>>, vector<1x16xi32>,
      %get3A_769 = arith.index_cast %add3A_658 : i32 to index
      %get3A_770 = arith.constant 80 : index
      %get3A_771 = tpu.vector_load %arg5[%get3A_769, %get3A_770] {strides = array<i32>} : memref<80x128xi32, #tpu.memory_space<vmem>>, vector<1x16xi32>,
      %get3A_772 = vector.shape_cast %get3A_771 : vector<1x16xi32> to vector<16xi32>
      %and3A_773 = arith.constant 65535 : i32
      %and3A_774 = vector.broadcast %and3A_773 : i32 to vector<16xi32>
      %and3A_775 = arith.andi %get3A_772, %and3A_774 : vector<16xi32>
      %swap3A_776 = arith.constant 1 : i32
      %swap3A_777 = arith.index_cast %swap3A_776 : i32 to index
      %swap3A_778 = arith.constant 80 : index
      %swap3A_779 = tpu.vector_load %arg6[%swap3A_777, %swap3A_778] {strides = array<i32>} : memref<2x128xi32, #tpu.memory_space<vmem>>, vector<1x16xi32>,
      %swap3A_780 = vector.shape_cast %swap3A_779 : vector<1x16xi32> to vector<16xi32>
      %swap3A_781 = vector.shape_cast %and3A_775 : vector<16xi32> to vector<1x16xi32>
      tpu.vector_store %arg6[%swap3A_777, %swap3A_778], %swap3A_781 {strides = array<i32>} : memref<2x128xi32, #tpu.memory_space<vmem>>, vector<1x16xi32>,
      %shift_right_arithmetic3A_782 = arith.constant 16 : i32
      %shift_right_arithmetic3A_783 = vector.broadcast %shift_right_arithmetic3A_782 : i32 to vector<16xi32>
      %shift_right_arithmetic3A_784 = arith.shrsi %get3A_772, %shift_right_arithmetic3A_783 : vector<16xi32>
      %swap3A_785 = arith.constant 1 : i32
      %swap3A_786 = arith.index_cast %swap3A_785 : i32 to index
      %swap3A_787 = arith.constant 80 : index
      %swap3A_788 = tpu.vector_load %arg7[%swap3A_786, %swap3A_787] {strides = array<i32>} : memref<2x128xi32, #tpu.memory_space<vmem>>, vector<1x16xi32>,
      %swap3A_789 = vector.shape_cast %swap3A_788 : vector<1x16xi32> to vector<16xi32>
      %swap3A_790 = vector.shape_cast %shift_right_arithmetic3A_784 : vector<16xi32> to vector<1x16xi32>
      tpu.vector_store %arg7[%swap3A_786, %swap3A_787], %swap3A_790 {strides = array<i32>} : memref<2x128xi32, #tpu.memory_space<vmem>>, vector<1x16xi32>,
      %get3A_791 = arith.index_cast %add3A_658 : i32 to index
      %get3A_792 = arith.constant 96 : index
      %get3A_793 = tpu.vector_load %arg5[%get3A_791, %get3A_792] {strides = array<i32>} : memref<80x128xi32, #tpu.memory_space<vmem>>, vector<1x16xi32>,
      %get3A_794 = vector.shape_cast %get3A_793 : vector<1x16xi32> to vector<16xi32>
      %and3A_795 = arith.constant 65535 : i32
      %and3A_796 = vector.broadcast %and3A_795 : i32 to vector<16xi32>
      %and3A_797 = arith.andi %get3A_794, %and3A_796 : vector<16xi32>
      %swap3A_798 = arith.constant 1 : i32
      %swap3A_799 = arith.index_cast %swap3A_798 : i32 to index
      %swap3A_800 = arith.constant 96 : index
      %swap3A_801 = tpu.vector_load %arg6[%swap3A_799, %swap3A_800] {strides = array<i32>} : memref<2x128xi32, #tpu.memory_space<vmem>>, vector<1x16xi32>,
      %swap3A_802 = vector.shape_cast %swap3A_801 : vector<1x16xi32> to vector<16xi32>
      %swap3A_803 = vector.shape_cast %and3A_797 : vector<16xi32> to vector<1x16xi32>
      tpu.vector_store %arg6[%swap3A_799, %swap3A_800], %swap3A_803 {strides = array<i32>} : memref<2x128xi32, #tpu.memory_space<vmem>>, vector<1x16xi32>,
      %shift_right_arithmetic3A_804 = arith.constant 16 : i32
      %shift_right_arithmetic3A_805 = vector.broadcast %shift_right_arithmetic3A_804 : i32 to vector<16xi32>
      %shift_right_arithmetic3A_806 = arith.shrsi %get3A_794, %shift_right_arithmetic3A_805 : vector<16xi32>
      %swap3A_807 = arith.constant 1 : i32
      %swap3A_808 = arith.index_cast %swap3A_807 : i32 to index
      %swap3A_809 = arith.constant 96 : index
      %swap3A_810 = tpu.vector_load %arg7[%swap3A_808, %swap3A_809] {strides = array<i32>} : memref<2x128xi32, #tpu.memory_space<vmem>>, vector<1x16xi32>,
      %swap3A_811 = vector.shape_cast %swap3A_810 : vector<1x16xi32> to vector<16xi32>
      %swap3A_812 = vector.shape_cast %shift_right_arithmetic3A_806 : vector<16xi32> to vector<1x16xi32>
      tpu.vector_store %arg7[%swap3A_808, %swap3A_809], %swap3A_812 {strides = array<i32>} : memref<2x128xi32, #tpu.memory_space<vmem>>, vector<1x16xi32>,
      %get3A_813 = arith.index_cast %add3A_658 : i32 to index
      %get3A_814 = arith.constant 112 : index
      %get3A_815 = tpu.vector_load %arg5[%get3A_813, %get3A_814] {strides = array<i32>} : memref<80x128xi32, #tpu.memory_space<vmem>>, vector<1x16xi32>,
      %get3A_816 = vector.shape_cast %get3A_815 : vector<1x16xi32> to vector<16xi32>
      %and3A_817 = arith.constant 65535 : i32
      %and3A_818 = vector.broadcast %and3A_817 : i32 to vector<16xi32>
      %and3A_819 = arith.andi %get3A_816, %and3A_818 : vector<16xi32>
      %swap3A_820 = arith.constant 1 : i32
      %swap3A_821 = arith.index_cast %swap3A_820 : i32 to index
      %swap3A_822 = arith.constant 112 : index
      %swap3A_823 = tpu.vector_load %arg6[%swap3A_821, %swap3A_822] {strides = array<i32>} : memref<2x128xi32, #tpu.memory_space<vmem>>, vector<1x16xi32>,
      %swap3A_824 = vector.shape_cast %swap3A_823 : vector<1x16xi32> to vector<16xi32>
      %swap3A_825 = vector.shape_cast %and3A_819 : vector<16xi32> to vector<1x16xi32>
      tpu.vector_store %arg6[%swap3A_821, %swap3A_822], %swap3A_825 {strides = array<i32>} : memref<2x128xi32, #tpu.memory_space<vmem>>, vector<1x16xi32>,
      %shift_right_arithmetic3A_826 = arith.constant 16 : i32
      %shift_right_arithmetic3A_827 = vector.broadcast %shift_right_arithmetic3A_826 : i32 to vector<16xi32>
      %shift_right_arithmetic3A_828 = arith.shrsi %get3A_816, %shift_right_arithmetic3A_827 : vector<16xi32>
      %swap3A_829 = arith.constant 1 : i32
      %swap3A_830 = arith.index_cast %swap3A_829 : i32 to index
      %swap3A_831 = arith.constant 112 : index
      %swap3A_832 = tpu.vector_load %arg7[%swap3A_830, %swap3A_831] {strides = array<i32>} : memref<2x128xi32, #tpu.memory_space<vmem>>, vector<1x16xi32>,
      %swap3A_833 = vector.shape_cast %swap3A_832 : vector<1x16xi32> to vector<16xi32>
      %swap3A_834 = vector.shape_cast %shift_right_arithmetic3A_828 : vector<16xi32> to vector<1x16xi32>
      tpu.vector_store %arg7[%swap3A_830, %swap3A_831], %swap3A_834 {strides = array<i32>} : memref<2x128xi32, #tpu.memory_space<vmem>>, vector<1x16xi32>,
      %dma_start3A_835 = arith.constant 1 : i32
      %dma_start3A_836 = arith.constant 0 : i32
      %dma_start3A_837 = tpu.memref_slice %arg6[%dma_start3A_835, %dma_start3A_836] : memref<2x128xi32, #tpu.memory_space<vmem>> -> memref<1x128xi32, #tpu.memory_space<vmem>>
      %dma_start3A_838 = tpu.memref_squeeze %dma_start3A_837 : memref<1x128xi32, #tpu.memory_space<vmem>> -> memref<128xi32, #tpu.memory_space<vmem>>
      %dma_start3A_839 = arith.constant 0 : i32
      %dma_start3A_840 = arith.constant 0 : i32
      %dma_start3A_841 = tpu.memref_slice %arg2[%dma_start3A_839, %dma_start3A_840] : memref<10240x128xf32, #tpu.memory_space<hbm>> -> memref<10240x128xf32, #tpu.memory_space<hbm>>
      tpu.enqueue_indirect_dma source(%dma_start3A_841 : memref<10240x128xf32, #tpu.memory_space<hbm>>) target(%arg9 : memref<128x128xf32, #tpu.memory_space<vmem>>) offsets(%dma_start3A_838 : memref<128xi32, #tpu.memory_space<vmem>>) semaphore(%arg12 : memref<!tpu.dma_semaphore, #tpu.memory_space<semaphore_mem>>)
    }
    %scan3A_411 = arith.constant 39 : i32
    %dma_wait3A = arith.constant 0 : i32
    %dma_wait3A_412 = arith.constant 0 : i32
    %dma_wait3A_413 = tpu.memref_slice %arg6[%dma_wait3A, %dma_wait3A_412] : memref<2x128xi32, #tpu.memory_space<vmem>> -> memref<1x128xi32, #tpu.memory_space<vmem>>
    %dma_wait3A_414 = tpu.memref_squeeze %dma_wait3A_413 : memref<1x128xi32, #tpu.memory_space<vmem>> -> memref<128xi32, #tpu.memory_space<vmem>>
    %dma_wait3A_415 = arith.constant 0 : i32
    %dma_wait3A_416 = arith.constant 0 : i32
    %dma_wait3A_417 = tpu.memref_slice %arg2[%dma_wait3A_415, %dma_wait3A_416] : memref<10240x128xf32, #tpu.memory_space<hbm>> -> memref<10240x128xf32, #tpu.memory_space<hbm>>
    tpu.wait_indirect_dma semaphore(%arg11 : memref<!tpu.dma_semaphore, #tpu.memory_space<semaphore_mem>>) src(%dma_wait3A_417 : memref<10240x128xf32, #tpu.memory_space<hbm>>) dst(%arg8 : memref<128x128xf32, #tpu.memory_space<vmem>>)
    %run_scoped3A = arith.constant 0 : i32
    "tpu.region"() ({
      %run_scoped3A_447 = tpu.sem_alloc : memref<!tpu.dma_semaphore, #tpu.memory_space<semaphore_mem>>
      %dma_start3A_448 = arith.constant 0 : i32
      %dma_start3A_449 = tpu.memref_slice %arg7[%run_scoped3A, %dma_start3A_448] : memref<2x128xi32, #tpu.memory_space<vmem>> -> memref<1x128xi32, #tpu.memory_space<vmem>>
      %dma_start3A_450 = tpu.memref_squeeze %dma_start3A_449 : memref<1x128xi32, #tpu.memory_space<vmem>> -> memref<128xi32, #tpu.memory_space<vmem>>
      %dma_start3A_451 = arith.constant 0 : i32
      %dma_start3A_452 = arith.constant 0 : i32
      %dma_start3A_453 = tpu.memref_slice %arg10[%dma_start3A_451, %dma_start3A_452] : memref<10240x128xf32, #tpu.memory_space<vmem_shared>> -> memref<10240x128xf32, #tpu.memory_space<vmem_shared>>
      tpu.enqueue_indirect_dma source(%arg8 : memref<128x128xf32, #tpu.memory_space<vmem>>) target(%dma_start3A_453 : memref<10240x128xf32, #tpu.memory_space<vmem_shared>>) offsets(%dma_start3A_450 : memref<128xi32, #tpu.memory_space<vmem>>) semaphore(%run_scoped3A_447 : memref<!tpu.dma_semaphore, #tpu.memory_space<semaphore_mem>>) {add = true}
      %dma_wait3A_454 = arith.constant 0 : i32
      %dma_wait3A_455 = tpu.memref_slice %arg7[%run_scoped3A, %dma_wait3A_454] : memref<2x128xi32, #tpu.memory_space<vmem>> -> memref<1x128xi32, #tpu.memory_space<vmem>>
      %dma_wait3A_456 = tpu.memref_squeeze %dma_wait3A_455 : memref<1x128xi32, #tpu.memory_space<vmem>> -> memref<128xi32, #tpu.memory_space<vmem>>
      %dma_wait3A_457 = arith.constant 0 : i32
      %dma_wait3A_458 = arith.constant 0 : i32
      %dma_wait3A_459 = tpu.memref_slice %arg10[%dma_wait3A_457, %dma_wait3A_458] : memref<10240x128xf32, #tpu.memory_space<vmem_shared>> -> memref<10240x128xf32, #tpu.memory_space<vmem_shared>>
      tpu.wait_indirect_dma semaphore(%run_scoped3A_447 : memref<!tpu.dma_semaphore, #tpu.memory_space<semaphore_mem>>) src(%arg8 : memref<128x128xf32, #tpu.memory_space<vmem>>) dst(%dma_wait3A_459 : memref<10240x128xf32, #tpu.memory_space<vmem_shared>>)
      tpu.yield
    }) : () -> ()
    %dma_wait3A_418 = arith.constant 1 : i32
    %dma_wait3A_419 = arith.constant 0 : i32
    %dma_wait3A_420 = tpu.memref_slice %arg6[%dma_wait3A_418, %dma_wait3A_419] : memref<2x128xi32, #tpu.memory_space<vmem>> -> memref<1x128xi32, #tpu.memory_space<vmem>>
    %dma_wait3A_421 = tpu.memref_squeeze %dma_wait3A_420 : memref<1x128xi32, #tpu.memory_space<vmem>> -> memref<128xi32, #tpu.memory_space<vmem>>
    %dma_wait3A_422 = arith.constant 0 : i32
    %dma_wait3A_423 = arith.constant 0 : i32
    %dma_wait3A_424 = tpu.memref_slice %arg2[%dma_wait3A_422, %dma_wait3A_423] : memref<10240x128xf32, #tpu.memory_space<hbm>> -> memref<10240x128xf32, #tpu.memory_space<hbm>>
    tpu.wait_indirect_dma semaphore(%arg12 : memref<!tpu.dma_semaphore, #tpu.memory_space<semaphore_mem>>) src(%dma_wait3A_424 : memref<10240x128xf32, #tpu.memory_space<hbm>>) dst(%arg9 : memref<128x128xf32, #tpu.memory_space<vmem>>)
    %run_scoped3A_425 = arith.constant 1 : i32
    "tpu.region"() ({
      %run_scoped3A_447 = tpu.sem_alloc : memref<!tpu.dma_semaphore, #tpu.memory_space<semaphore_mem>>
      %dma_start3A_448 = arith.constant 0 : i32
      %dma_start3A_449 = tpu.memref_slice %arg7[%run_scoped3A_425, %dma_start3A_448] : memref<2x128xi32, #tpu.memory_space<vmem>> -> memref<1x128xi32, #tpu.memory_space<vmem>>
      %dma_start3A_450 = tpu.memref_squeeze %dma_start3A_449 : memref<1x128xi32, #tpu.memory_space<vmem>> -> memref<128xi32, #tpu.memory_space<vmem>>
      %dma_start3A_451 = arith.constant 0 : i32
      %dma_start3A_452 = arith.constant 0 : i32
      %dma_start3A_453 = tpu.memref_slice %arg10[%dma_start3A_451, %dma_start3A_452] : memref<10240x128xf32, #tpu.memory_space<vmem_shared>> -> memref<10240x128xf32, #tpu.memory_space<vmem_shared>>
      tpu.enqueue_indirect_dma source(%arg9 : memref<128x128xf32, #tpu.memory_space<vmem>>) target(%dma_start3A_453 : memref<10240x128xf32, #tpu.memory_space<vmem_shared>>) offsets(%dma_start3A_450 : memref<128xi32, #tpu.memory_space<vmem>>) semaphore(%run_scoped3A_447 : memref<!tpu.dma_semaphore, #tpu.memory_space<semaphore_mem>>) {add = true}
      %dma_wait3A_454 = arith.constant 0 : i32
      %dma_wait3A_455 = tpu.memref_slice %arg7[%run_scoped3A_425, %dma_wait3A_454] : memref<2x128xi32, #tpu.memory_space<vmem>> -> memref<1x128xi32, #tpu.memory_space<vmem>>
      %dma_wait3A_456 = tpu.memref_squeeze %dma_wait3A_455 : memref<1x128xi32, #tpu.memory_space<vmem>> -> memref<128xi32, #tpu.memory_space<vmem>>
      %dma_wait3A_457 = arith.constant 0 : i32
      %dma_wait3A_458 = arith.constant 0 : i32
      %dma_wait3A_459 = tpu.memref_slice %arg10[%dma_wait3A_457, %dma_wait3A_458] : memref<10240x128xf32, #tpu.memory_space<vmem_shared>> -> memref<10240x128xf32, #tpu.memory_space<vmem_shared>>
      tpu.wait_indirect_dma semaphore(%run_scoped3A_447 : memref<!tpu.dma_semaphore, #tpu.memory_space<semaphore_mem>>) src(%arg9 : memref<128x128xf32, #tpu.memory_space<vmem>>) dst(%dma_wait3A_459 : memref<10240x128xf32, #tpu.memory_space<vmem_shared>>)
      tpu.yield
    }) : () -> ()
    %barrier3A_426 = arith.constant 0 : index
    tpu.barrier barrier_id(%barrier3A_426)
    %mul3A_427 = arith.constant 640 : i32
    %mul3A_428 = arith.muli %arg1, %mul3A_427 : i32
    %add3A_429 = arith.constant 0 : i32
    %add3A_430 = arith.addi %mul3A_428, %add3A_429 : i32
    "tpu.region"() ({
      %run_scoped3A_447 = tpu.sem_alloc : memref<!tpu.dma_semaphore, #tpu.memory_space<semaphore_mem>>
      %dma_start3A_448 = arith.constant 0 : i32
      %dma_start3A_449 = tpu.memref_slice %arg10[%add3A_430, %dma_start3A_448] : memref<10240x128xf32, #tpu.memory_space<vmem_shared>> -> memref<128x128xf32, #tpu.memory_space<vmem_shared>>
      %dma_start3A_450 = arith.constant 0 : i32
      %dma_start3A_451 = tpu.memref_slice %arg10[%add3A_430, %dma_start3A_450] : memref<10240x128xf32, #tpu.memory_space<vmem_shared>> -> memref<128x128xf32, #tpu.memory_space<vmem_shared>>
      tpu.enqueue_dma source(%dma_start3A_451 : memref<128x128xf32, #tpu.memory_space<vmem_shared>>) target(%arg8 : memref<128x128xf32, #tpu.memory_space<vmem>>) target_semaphore(%run_scoped3A_447 : memref<!tpu.dma_semaphore, #tpu.memory_space<semaphore_mem>>)
      %dma_wait3A_452 = arith.constant 0 : i32
      %dma_wait3A_453 = tpu.memref_slice %arg10[%add3A_430, %dma_wait3A_452] : memref<10240x128xf32, #tpu.memory_space<vmem_shared>> -> memref<128x128xf32, #tpu.memory_space<vmem_shared>>
      %dma_wait3A_454 = arith.constant 0 : i32
      %dma_wait3A_455 = tpu.memref_slice %arg10[%add3A_430, %dma_wait3A_454] : memref<10240x128xf32, #tpu.memory_space<vmem_shared>> -> memref<128x128xf32, #tpu.memory_space<vmem_shared>>
      tpu.wait_dma2 semaphore(%run_scoped3A_447 : memref<!tpu.dma_semaphore, #tpu.memory_space<semaphore_mem>>) src(%dma_wait3A_455 : memref<128x128xf32, #tpu.memory_space<vmem_shared>>) dst(%arg8 : memref<128x128xf32, #tpu.memory_space<vmem>>)
      tpu.yield
    }) : () -> ()
    "tpu.region"() ({
      %run_scoped3A_447 = tpu.sem_alloc : memref<!tpu.dma_semaphore, #tpu.memory_space<semaphore_mem>>
      %dma_start3A_448 = arith.constant 0 : i32
      %dma_start3A_449 = tpu.memref_slice %arg4[%arg0, %add3A_430, %dma_start3A_448] : memref<2x10240x128xf32, #tpu.memory_space<hbm>> -> memref<1x128x128xf32, #tpu.memory_space<hbm>>
      %dma_start3A_450 = tpu.memref_squeeze %dma_start3A_449 : memref<1x128x128xf32, #tpu.memory_space<hbm>> -> memref<128x128xf32, #tpu.memory_space<hbm>>
      %dma_start3A_451 = arith.constant 0 : i32
      %dma_start3A_452 = tpu.memref_slice %arg4[%arg0, %add3A_430, %dma_start3A_451] : memref<2x10240x128xf32, #tpu.memory_space<hbm>> -> memref<1x128x128xf32, #tpu.memory_space<hbm>>
      %dma_start3A_453 = tpu.memref_squeeze %dma_start3A_452 : memref<1x128x128xf32, #tpu.memory_space<hbm>> -> memref<128x128xf32, #tpu.memory_space<hbm>>
      tpu.enqueue_dma source(%arg8 : memref<128x128xf32, #tpu.memory_space<vmem>>) target(%dma_start3A_453 : memref<128x128xf32, #tpu.memory_space<hbm>>) target_semaphore(%run_scoped3A_447 : memref<!tpu.dma_semaphore, #tpu.memory_space<semaphore_mem>>)
      %dma_wait3A_454 = arith.constant 0 : i32
      %dma_wait3A_455 = tpu.memref_slice %arg4[%arg0, %add3A_430, %dma_wait3A_454] : memref<2x10240x128xf32, #tpu.memory_space<hbm>> -> memref<1x128x128xf32, #tpu.memory_space<hbm>>
      %dma_wait3A_456 = tpu.memref_squeeze %dma_wait3A_455 : memref<1x128x128xf32, #tpu.memory_space<hbm>> -> memref<128x128xf32, #tpu.memory_space<hbm>>
      %dma_wait3A_457 = arith.constant 0 : i32
      %dma_wait3A_458 = tpu.memref_slice %arg4[%arg0, %add3A_430, %dma_wait3A_457] : memref<2x10240x128xf32, #tpu.memory_space<hbm>> -> memref<1x128x128xf32, #tpu.memory_space<hbm>>
      %dma_wait3A_459 = tpu.memref_squeeze %dma_wait3A_458 : memref<1x128x128xf32, #tpu.memory_space<hbm>> -> memref<128x128xf32, #tpu.memory_space<hbm>>
      tpu.wait_dma2 semaphore(%run_scoped3A_447 : memref<!tpu.dma_semaphore, #tpu.memory_space<semaphore_mem>>) src(%arg8 : memref<128x128xf32, #tpu.memory_space<vmem>>) dst(%dma_wait3A_459 : memref<128x128xf32, #tpu.memory_space<hbm>>)
      tpu.yield
    }) : () -> ()
    %mul3A_431 = arith.constant 640 : i32
    %mul3A_432 = arith.muli %arg1, %mul3A_431 : i32
    %add3A_433 = arith.constant 128 : i32
    %add3A_434 = arith.addi %mul3A_432, %add3A_433 : i32
    "tpu.region"() ({
      %run_scoped3A_447 = tpu.sem_alloc : memref<!tpu.dma_semaphore, #tpu.memory_space<semaphore_mem>>
      %dma_start3A_448 = arith.constant 0 : i32
      %dma_start3A_449 = tpu.memref_slice %arg10[%add3A_434, %dma_start3A_448] : memref<10240x128xf32, #tpu.memory_space<vmem_shared>> -> memref<128x128xf32, #tpu.memory_space<vmem_shared>>
      %dma_start3A_450 = arith.constant 0 : i32
      %dma_start3A_451 = tpu.memref_slice %arg10[%add3A_434, %dma_start3A_450] : memref<10240x128xf32, #tpu.memory_space<vmem_shared>> -> memref<128x128xf32, #tpu.memory_space<vmem_shared>>
      tpu.enqueue_dma source(%dma_start3A_451 : memref<128x128xf32, #tpu.memory_space<vmem_shared>>) target(%arg8 : memref<128x128xf32, #tpu.memory_space<vmem>>) target_semaphore(%run_scoped3A_447 : memref<!tpu.dma_semaphore, #tpu.memory_space<semaphore_mem>>)
      %dma_wait3A_452 = arith.constant 0 : i32
      %dma_wait3A_453 = tpu.memref_slice %arg10[%add3A_434, %dma_wait3A_452] : memref<10240x128xf32, #tpu.memory_space<vmem_shared>> -> memref<128x128xf32, #tpu.memory_space<vmem_shared>>
      %dma_wait3A_454 = arith.constant 0 : i32
      %dma_wait3A_455 = tpu.memref_slice %arg10[%add3A_434, %dma_wait3A_454] : memref<10240x128xf32, #tpu.memory_space<vmem_shared>> -> memref<128x128xf32, #tpu.memory_space<vmem_shared>>
      tpu.wait_dma2 semaphore(%run_scoped3A_447 : memref<!tpu.dma_semaphore, #tpu.memory_space<semaphore_mem>>) src(%dma_wait3A_455 : memref<128x128xf32, #tpu.memory_space<vmem_shared>>) dst(%arg8 : memref<128x128xf32, #tpu.memory_space<vmem>>)
      tpu.yield
    }) : () -> ()
    "tpu.region"() ({
      %run_scoped3A_447 = tpu.sem_alloc : memref<!tpu.dma_semaphore, #tpu.memory_space<semaphore_mem>>
      %dma_start3A_448 = arith.constant 0 : i32
      %dma_start3A_449 = tpu.memref_slice %arg4[%arg0, %add3A_434, %dma_start3A_448] : memref<2x10240x128xf32, #tpu.memory_space<hbm>> -> memref<1x128x128xf32, #tpu.memory_space<hbm>>
      %dma_start3A_450 = tpu.memref_squeeze %dma_start3A_449 : memref<1x128x128xf32, #tpu.memory_space<hbm>> -> memref<128x128xf32, #tpu.memory_space<hbm>>
      %dma_start3A_451 = arith.constant 0 : i32
      %dma_start3A_452 = tpu.memref_slice %arg4[%arg0, %add3A_434, %dma_start3A_451] : memref<2x10240x128xf32, #tpu.memory_space<hbm>> -> memref<1x128x128xf32, #tpu.memory_space<hbm>>
      %dma_start3A_453 = tpu.memref_squeeze %dma_start3A_452 : memref<1x128x128xf32, #tpu.memory_space<hbm>> -> memref<128x128xf32, #tpu.memory_space<hbm>>
      tpu.enqueue_dma source(%arg8 : memref<128x128xf32, #tpu.memory_space<vmem>>) target(%dma_start3A_453 : memref<128x128xf32, #tpu.memory_space<hbm>>) target_semaphore(%run_scoped3A_447 : memref<!tpu.dma_semaphore, #tpu.memory_space<semaphore_mem>>)
      %dma_wait3A_454 = arith.constant 0 : i32
      %dma_wait3A_455 = tpu.memref_slice %arg4[%arg0, %add3A_434, %dma_wait3A_454] : memref<2x10240x128xf32, #tpu.memory_space<hbm>> -> memref<1x128x128xf32, #tpu.memory_space<hbm>>
      %dma_wait3A_456 = tpu.memref_squeeze %dma_wait3A_455 : memref<1x128x128xf32, #tpu.memory_space<hbm>> -> memref<128x128xf32, #tpu.memory_space<hbm>>
      %dma_wait3A_457 = arith.constant 0 : i32
      %dma_wait3A_458 = tpu.memref_slice %arg4[%arg0, %add3A_434, %dma_wait3A_457] : memref<2x10240x128xf32, #tpu.memory_space<hbm>> -> memref<1x128x128xf32, #tpu.memory_space<hbm>>
      %dma_wait3A_459 = tpu.memref_squeeze %dma_wait3A_458 : memref<1x128x128xf32, #tpu.memory_space<hbm>> -> memref<128x128xf32, #tpu.memory_space<hbm>>
      tpu.wait_dma2 semaphore(%run_scoped3A_447 : memref<!tpu.dma_semaphore, #tpu.memory_space<semaphore_mem>>) src(%arg8 : memref<128x128xf32, #tpu.memory_space<vmem>>) dst(%dma_wait3A_459 : memref<128x128xf32, #tpu.memory_space<hbm>>)
      tpu.yield
    }) : () -> ()
    %mul3A_435 = arith.constant 640 : i32
    %mul3A_436 = arith.muli %arg1, %mul3A_435 : i32
    %add3A_437 = arith.constant 256 : i32
    %add3A_438 = arith.addi %mul3A_436, %add3A_437 : i32
    "tpu.region"() ({
      %run_scoped3A_447 = tpu.sem_alloc : memref<!tpu.dma_semaphore, #tpu.memory_space<semaphore_mem>>
      %dma_start3A_448 = arith.constant 0 : i32
      %dma_start3A_449 = tpu.memref_slice %arg10[%add3A_438, %dma_start3A_448] : memref<10240x128xf32, #tpu.memory_space<vmem_shared>> -> memref<128x128xf32, #tpu.memory_space<vmem_shared>>
      %dma_start3A_450 = arith.constant 0 : i32
      %dma_start3A_451 = tpu.memref_slice %arg10[%add3A_438, %dma_start3A_450] : memref<10240x128xf32, #tpu.memory_space<vmem_shared>> -> memref<128x128xf32, #tpu.memory_space<vmem_shared>>
      tpu.enqueue_dma source(%dma_start3A_451 : memref<128x128xf32, #tpu.memory_space<vmem_shared>>) target(%arg8 : memref<128x128xf32, #tpu.memory_space<vmem>>) target_semaphore(%run_scoped3A_447 : memref<!tpu.dma_semaphore, #tpu.memory_space<semaphore_mem>>)
      %dma_wait3A_452 = arith.constant 0 : i32
      %dma_wait3A_453 = tpu.memref_slice %arg10[%add3A_438, %dma_wait3A_452] : memref<10240x128xf32, #tpu.memory_space<vmem_shared>> -> memref<128x128xf32, #tpu.memory_space<vmem_shared>>
      %dma_wait3A_454 = arith.constant 0 : i32
      %dma_wait3A_455 = tpu.memref_slice %arg10[%add3A_438, %dma_wait3A_454] : memref<10240x128xf32, #tpu.memory_space<vmem_shared>> -> memref<128x128xf32, #tpu.memory_space<vmem_shared>>
      tpu.wait_dma2 semaphore(%run_scoped3A_447 : memref<!tpu.dma_semaphore, #tpu.memory_space<semaphore_mem>>) src(%dma_wait3A_455 : memref<128x128xf32, #tpu.memory_space<vmem_shared>>) dst(%arg8 : memref<128x128xf32, #tpu.memory_space<vmem>>)
      tpu.yield
    }) : () -> ()
    "tpu.region"() ({
      %run_scoped3A_447 = tpu.sem_alloc : memref<!tpu.dma_semaphore, #tpu.memory_space<semaphore_mem>>
      %dma_start3A_448 = arith.constant 0 : i32
      %dma_start3A_449 = tpu.memref_slice %arg4[%arg0, %add3A_438, %dma_start3A_448] : memref<2x10240x128xf32, #tpu.memory_space<hbm>> -> memref<1x128x128xf32, #tpu.memory_space<hbm>>
      %dma_start3A_450 = tpu.memref_squeeze %dma_start3A_449 : memref<1x128x128xf32, #tpu.memory_space<hbm>> -> memref<128x128xf32, #tpu.memory_space<hbm>>
      %dma_start3A_451 = arith.constant 0 : i32
      %dma_start3A_452 = tpu.memref_slice %arg4[%arg0, %add3A_438, %dma_start3A_451] : memref<2x10240x128xf32, #tpu.memory_space<hbm>> -> memref<1x128x128xf32, #tpu.memory_space<hbm>>
      %dma_start3A_453 = tpu.memref_squeeze %dma_start3A_452 : memref<1x128x128xf32, #tpu.memory_space<hbm>> -> memref<128x128xf32, #tpu.memory_space<hbm>>
      tpu.enqueue_dma source(%arg8 : memref<128x128xf32, #tpu.memory_space<vmem>>) target(%dma_start3A_453 : memref<128x128xf32, #tpu.memory_space<hbm>>) target_semaphore(%run_scoped3A_447 : memref<!tpu.dma_semaphore, #tpu.memory_space<semaphore_mem>>)
      %dma_wait3A_454 = arith.constant 0 : i32
      %dma_wait3A_455 = tpu.memref_slice %arg4[%arg0, %add3A_438, %dma_wait3A_454] : memref<2x10240x128xf32, #tpu.memory_space<hbm>> -> memref<1x128x128xf32, #tpu.memory_space<hbm>>
      %dma_wait3A_456 = tpu.memref_squeeze %dma_wait3A_455 : memref<1x128x128xf32, #tpu.memory_space<hbm>> -> memref<128x128xf32, #tpu.memory_space<hbm>>
      %dma_wait3A_457 = arith.constant 0 : i32
      %dma_wait3A_458 = tpu.memref_slice %arg4[%arg0, %add3A_438, %dma_wait3A_457] : memref<2x10240x128xf32, #tpu.memory_space<hbm>> -> memref<1x128x128xf32, #tpu.memory_space<hbm>>
      %dma_wait3A_459 = tpu.memref_squeeze %dma_wait3A_458 : memref<1x128x128xf32, #tpu.memory_space<hbm>> -> memref<128x128xf32, #tpu.memory_space<hbm>>
      tpu.wait_dma2 semaphore(%run_scoped3A_447 : memref<!tpu.dma_semaphore, #tpu.memory_space<semaphore_mem>>) src(%arg8 : memref<128x128xf32, #tpu.memory_space<vmem>>) dst(%dma_wait3A_459 : memref<128x128xf32, #tpu.memory_space<hbm>>)
      tpu.yield
    }) : () -> ()
    %mul3A_439 = arith.constant 640 : i32
    %mul3A_440 = arith.muli %arg1, %mul3A_439 : i32
    %add3A_441 = arith.constant 384 : i32
    %add3A_442 = arith.addi %mul3A_440, %add3A_441 : i32
    "tpu.region"() ({
      %run_scoped3A_447 = tpu.sem_alloc : memref<!tpu.dma_semaphore, #tpu.memory_space<semaphore_mem>>
      %dma_start3A_448 = arith.constant 0 : i32
      %dma_start3A_449 = tpu.memref_slice %arg10[%add3A_442, %dma_start3A_448] : memref<10240x128xf32, #tpu.memory_space<vmem_shared>> -> memref<128x128xf32, #tpu.memory_space<vmem_shared>>
      %dma_start3A_450 = arith.constant 0 : i32
      %dma_start3A_451 = tpu.memref_slice %arg10[%add3A_442, %dma_start3A_450] : memref<10240x128xf32, #tpu.memory_space<vmem_shared>> -> memref<128x128xf32, #tpu.memory_space<vmem_shared>>
      tpu.enqueue_dma source(%dma_start3A_451 : memref<128x128xf32, #tpu.memory_space<vmem_shared>>) target(%arg8 : memref<128x128xf32, #tpu.memory_space<vmem>>) target_semaphore(%run_scoped3A_447 : memref<!tpu.dma_semaphore, #tpu.memory_space<semaphore_mem>>)
      %dma_wait3A_452 = arith.constant 0 : i32
      %dma_wait3A_453 = tpu.memref_slice %arg10[%add3A_442, %dma_wait3A_452] : memref<10240x128xf32, #tpu.memory_space<vmem_shared>> -> memref<128x128xf32, #tpu.memory_space<vmem_shared>>
      %dma_wait3A_454 = arith.constant 0 : i32
      %dma_wait3A_455 = tpu.memref_slice %arg10[%add3A_442, %dma_wait3A_454] : memref<10240x128xf32, #tpu.memory_space<vmem_shared>> -> memref<128x128xf32, #tpu.memory_space<vmem_shared>>
      tpu.wait_dma2 semaphore(%run_scoped3A_447 : memref<!tpu.dma_semaphore, #tpu.memory_space<semaphore_mem>>) src(%dma_wait3A_455 : memref<128x128xf32, #tpu.memory_space<vmem_shared>>) dst(%arg8 : memref<128x128xf32, #tpu.memory_space<vmem>>)
      tpu.yield
    }) : () -> ()
    "tpu.region"() ({
      %run_scoped3A_447 = tpu.sem_alloc : memref<!tpu.dma_semaphore, #tpu.memory_space<semaphore_mem>>
      %dma_start3A_448 = arith.constant 0 : i32
      %dma_start3A_449 = tpu.memref_slice %arg4[%arg0, %add3A_442, %dma_start3A_448] : memref<2x10240x128xf32, #tpu.memory_space<hbm>> -> memref<1x128x128xf32, #tpu.memory_space<hbm>>
      %dma_start3A_450 = tpu.memref_squeeze %dma_start3A_449 : memref<1x128x128xf32, #tpu.memory_space<hbm>> -> memref<128x128xf32, #tpu.memory_space<hbm>>
      %dma_start3A_451 = arith.constant 0 : i32
      %dma_start3A_452 = tpu.memref_slice %arg4[%arg0, %add3A_442, %dma_start3A_451] : memref<2x10240x128xf32, #tpu.memory_space<hbm>> -> memref<1x128x128xf32, #tpu.memory_space<hbm>>
      %dma_start3A_453 = tpu.memref_squeeze %dma_start3A_452 : memref<1x128x128xf32, #tpu.memory_space<hbm>> -> memref<128x128xf32, #tpu.memory_space<hbm>>
      tpu.enqueue_dma source(%arg8 : memref<128x128xf32, #tpu.memory_space<vmem>>) target(%dma_start3A_453 : memref<128x128xf32, #tpu.memory_space<hbm>>) target_semaphore(%run_scoped3A_447 : memref<!tpu.dma_semaphore, #tpu.memory_space<semaphore_mem>>)
      %dma_wait3A_454 = arith.constant 0 : i32
      %dma_wait3A_455 = tpu.memref_slice %arg4[%arg0, %add3A_442, %dma_wait3A_454] : memref<2x10240x128xf32, #tpu.memory_space<hbm>> -> memref<1x128x128xf32, #tpu.memory_space<hbm>>
      %dma_wait3A_456 = tpu.memref_squeeze %dma_wait3A_455 : memref<1x128x128xf32, #tpu.memory_space<hbm>> -> memref<128x128xf32, #tpu.memory_space<hbm>>
      %dma_wait3A_457 = arith.constant 0 : i32
      %dma_wait3A_458 = tpu.memref_slice %arg4[%arg0, %add3A_442, %dma_wait3A_457] : memref<2x10240x128xf32, #tpu.memory_space<hbm>> -> memref<1x128x128xf32, #tpu.memory_space<hbm>>
      %dma_wait3A_459 = tpu.memref_squeeze %dma_wait3A_458 : memref<1x128x128xf32, #tpu.memory_space<hbm>> -> memref<128x128xf32, #tpu.memory_space<hbm>>
      tpu.wait_dma2 semaphore(%run_scoped3A_447 : memref<!tpu.dma_semaphore, #tpu.memory_space<semaphore_mem>>) src(%arg8 : memref<128x128xf32, #tpu.memory_space<vmem>>) dst(%dma_wait3A_459 : memref<128x128xf32, #tpu.memory_space<hbm>>)
      tpu.yield
    }) : () -> ()
    %mul3A_443 = arith.constant 640 : i32
    %mul3A_444 = arith.muli %arg1, %mul3A_443 : i32
    %add3A_445 = arith.constant 512 : i32
    %add3A_446 = arith.addi %mul3A_444, %add3A_445 : i32
    "tpu.region"() ({
      %run_scoped3A_447 = tpu.sem_alloc : memref<!tpu.dma_semaphore, #tpu.memory_space<semaphore_mem>>
      %dma_start3A_448 = arith.constant 0 : i32
      %dma_start3A_449 = tpu.memref_slice %arg10[%add3A_446, %dma_start3A_448] : memref<10240x128xf32, #tpu.memory_space<vmem_shared>> -> memref<128x128xf32, #tpu.memory_space<vmem_shared>>
      %dma_start3A_450 = arith.constant 0 : i32
      %dma_start3A_451 = tpu.memref_slice %arg10[%add3A_446, %dma_start3A_450] : memref<10240x128xf32, #tpu.memory_space<vmem_shared>> -> memref<128x128xf32, #tpu.memory_space<vmem_shared>>
      tpu.enqueue_dma source(%dma_start3A_451 : memref<128x128xf32, #tpu.memory_space<vmem_shared>>) target(%arg8 : memref<128x128xf32, #tpu.memory_space<vmem>>) target_semaphore(%run_scoped3A_447 : memref<!tpu.dma_semaphore, #tpu.memory_space<semaphore_mem>>)
      %dma_wait3A_452 = arith.constant 0 : i32
      %dma_wait3A_453 = tpu.memref_slice %arg10[%add3A_446, %dma_wait3A_452] : memref<10240x128xf32, #tpu.memory_space<vmem_shared>> -> memref<128x128xf32, #tpu.memory_space<vmem_shared>>
      %dma_wait3A_454 = arith.constant 0 : i32
      %dma_wait3A_455 = tpu.memref_slice %arg10[%add3A_446, %dma_wait3A_454] : memref<10240x128xf32, #tpu.memory_space<vmem_shared>> -> memref<128x128xf32, #tpu.memory_space<vmem_shared>>
      tpu.wait_dma2 semaphore(%run_scoped3A_447 : memref<!tpu.dma_semaphore, #tpu.memory_space<semaphore_mem>>) src(%dma_wait3A_455 : memref<128x128xf32, #tpu.memory_space<vmem_shared>>) dst(%arg8 : memref<128x128xf32, #tpu.memory_space<vmem>>)
      tpu.yield
    }) : () -> ()
    "tpu.region"() ({
      %run_scoped3A_447 = tpu.sem_alloc : memref<!tpu.dma_semaphore, #tpu.memory_space<semaphore_mem>>
      %dma_start3A_448 = arith.constant 0 : i32
      %dma_start3A_449 = tpu.memref_slice %arg4[%arg0, %add3A_446, %dma_start3A_448] : memref<2x10240x128xf32, #tpu.memory_space<hbm>> -> memref<1x128x128xf32, #tpu.memory_space<hbm>>
      %dma_start3A_450 = tpu.memref_squeeze %dma_start3A_449 : memref<1x128x128xf32, #tpu.memory_space<hbm>> -> memref<128x128xf32, #tpu.memory_space<hbm>>
      %dma_start3A_451 = arith.constant 0 : i32
      %dma_start3A_452 = tpu.memref_slice %arg4[%arg0, %add3A_446, %dma_start3A_451] : memref<2x10240x128xf32, #tpu.memory_space<hbm>> -> memref<1x128x128xf32, #tpu.memory_space<hbm>>
      %dma_start3A_453 = tpu.memref_squeeze %dma_start3A_452 : memref<1x128x128xf32, #tpu.memory_space<hbm>> -> memref<128x128xf32, #tpu.memory_space<hbm>>
      tpu.enqueue_dma source(%arg8 : memref<128x128xf32, #tpu.memory_space<vmem>>) target(%dma_start3A_453 : memref<128x128xf32, #tpu.memory_space<hbm>>) target_semaphore(%run_scoped3A_447 : memref<!tpu.dma_semaphore, #tpu.memory_space<semaphore_mem>>)
      %dma_wait3A_454 = arith.constant 0 : i32
      %dma_wait3A_455 = tpu.memref_slice %arg4[%arg0, %add3A_446, %dma_wait3A_454] : memref<2x10240x128xf32, #tpu.memory_space<hbm>> -> memref<1x128x128xf32, #tpu.memory_space<hbm>>
      %dma_wait3A_456 = tpu.memref_squeeze %dma_wait3A_455 : memref<1x128x128xf32, #tpu.memory_space<hbm>> -> memref<128x128xf32, #tpu.memory_space<hbm>>
      %dma_wait3A_457 = arith.constant 0 : i32
      %dma_wait3A_458 = tpu.memref_slice %arg4[%arg0, %add3A_446, %dma_wait3A_457] : memref<2x10240x128xf32, #tpu.memory_space<hbm>> -> memref<1x128x128xf32, #tpu.memory_space<hbm>>
      %dma_wait3A_459 = tpu.memref_squeeze %dma_wait3A_458 : memref<1x128x128xf32, #tpu.memory_space<hbm>> -> memref<128x128xf32, #tpu.memory_space<hbm>>
      tpu.wait_dma2 semaphore(%run_scoped3A_447 : memref<!tpu.dma_semaphore, #tpu.memory_space<semaphore_mem>>) src(%arg8 : memref<128x128xf32, #tpu.memory_space<vmem>>) dst(%dma_wait3A_459 : memref<128x128xf32, #tpu.memory_space<hbm>>)
      tpu.yield
    }) : () -> ()
    return
  }
}

#map = affine_map<(d0, d1) -> (0, 0)>
#map1 = affine_map<(d0, d1) -> (0, 0, 0)>
module attributes {stable_mosaic.version = 14 : i64} {
  func.func @hop(%arg0: i32, %arg1: i32, %arg2: memref<10240x128xf32, #tpu.memory_space<hbm>>, %arg3: memref<2560x128xi32, #tpu.memory_space<hbm>>, %arg4: memref<2x10240x128xf32, #tpu.memory_space<hbm>>, %arg5: memref<80x128xi32, #tpu.memory_space<vmem>>, %arg6: memref<2x128xi32, #tpu.memory_space<vmem>>, %arg7: memref<2x128xi32, #tpu.memory_space<vmem>>, %arg8: memref<128x128xf32, #tpu.memory_space<vmem>>, %arg9: memref<128x128xf32, #tpu.memory_space<vmem>>, %arg10: memref<10240x128xf32, #tpu.memory_space<vmem_shared>>, %arg11: memref<!tpu.dma_semaphore, #tpu.memory_space<semaphore_mem>>, %arg12: memref<!tpu.dma_semaphore, #tpu.memory_space<semaphore_mem>>) attributes {dimension_semantics = [#tpu.dimension_semantics<core_parallel>, #tpu.dimension_semantics<subcore_parallel>], iteration_bounds = array<i64: 2, 16>, scalar_prefetch = 0 : i64, scratch_operands = 8 : i64, tpu.core_type = #tpu.core_type<sc_vector_subcore>, window_params = [{transform_indices = #map}, {transform_indices = #map}, {transform_indices = #map1}]} {
    %mul3A = arith.constant 2 : i32
    %mul3A_0 = arith.muli %arg1, %mul3A : i32
    %add3A = arith.addi %mul3A_0, %arg0 : i32
    %broadcast_in_dim3A = arith.constant 0.000000e+00 : f32
    %broadcast_in_dim3A_1 = vector.broadcast %broadcast_in_dim3A : f32 to vector<16xf32>
    %scan3A = arith.constant 0 : i32
    %scan3A_2 = arith.constant 0 : i32
    %scan3A_3 = arith.constant 128 : i32
    %scan3A_4 = arith.addi %scan3A_2, %scan3A_3 : i32
    %scan3A_5 = arith.constant 1 : i32
    scf.for %scan3A_447 = %scan3A_2 to %scan3A_4 step %scan3A_5  : i32 {
      %swap3A_448 = arith.index_cast %scan3A_447 : i32 to index
      %swap3A_449 = arith.constant 0 : index
      %swap3A_450 = tpu.vector_load %arg8[%swap3A_448, %swap3A_449] {strides = array<i32>} : memref<128x128xf32, #tpu.memory_space<vmem>>, vector<1x16xf32>,
      %swap3A_451 = vector.shape_cast %swap3A_450 : vector<1x16xf32> to vector<16xf32>
      %swap3A_452 = vector.shape_cast %broadcast_in_dim3A_1 : vector<16xf32> to vector<1x16xf32>
      tpu.vector_store %arg8[%swap3A_448, %swap3A_449], %swap3A_452 {strides = array<i32>} : memref<128x128xf32, #tpu.memory_space<vmem>>, vector<1x16xf32>,
      %swap3A_453 = arith.index_cast %scan3A_447 : i32 to index
      %swap3A_454 = arith.constant 16 : index
      %swap3A_455 = tpu.vector_load %arg8[%swap3A_453, %swap3A_454] {strides = array<i32>} : memref<128x128xf32, #tpu.memory_space<vmem>>, vector<1x16xf32>,
      %swap3A_456 = vector.shape_cast %swap3A_455 : vector<1x16xf32> to vector<16xf32>
      %swap3A_457 = vector.shape_cast %broadcast_in_dim3A_1 : vector<16xf32> to vector<1x16xf32>
      tpu.vector_store %arg8[%swap3A_453, %swap3A_454], %swap3A_457 {strides = array<i32>} : memref<128x128xf32, #tpu.memory_space<vmem>>, vector<1x16xf32>,
      %swap3A_458 = arith.index_cast %scan3A_447 : i32 to index
      %swap3A_459 = arith.constant 32 : index
      %swap3A_460 = tpu.vector_load %arg8[%swap3A_458, %swap3A_459] {strides = array<i32>} : memref<128x128xf32, #tpu.memory_space<vmem>>, vector<1x16xf32>,
      %swap3A_461 = vector.shape_cast %swap3A_460 : vector<1x16xf32> to vector<16xf32>
      %swap3A_462 = vector.shape_cast %broadcast_in_dim3A_1 : vector<16xf32> to vector<1x16xf32>
      tpu.vector_store %arg8[%swap3A_458, %swap3A_459], %swap3A_462 {strides = array<i32>} : memref<128x128xf32, #tpu.memory_space<vmem>>, vector<1x16xf32>,
      %swap3A_463 = arith.index_cast %scan3A_447 : i32 to index
      %swap3A_464 = arith.constant 48 : index
      %swap3A_465 = tpu.vector_load %arg8[%swap3A_463, %swap3A_464] {strides = array<i32>} : memref<128x128xf32, #tpu.memory_space<vmem>>, vector<1x16xf32>,
      %swap3A_466 = vector.shape_cast %swap3A_465 : vector<1x16xf32> to vector<16xf32>
      %swap3A_467 = vector.shape_cast %broadcast_in_dim3A_1 : vector<16xf32> to vector<1x16xf32>
      tpu.vector_store %arg8[%swap3A_463, %swap3A_464], %swap3A_467 {strides = array<i32>} : memref<128x128xf32, #tpu.memory_space<vmem>>, vector<1x16xf32>,
      %swap3A_468 = arith.index_cast %scan3A_447 : i32 to index
      %swap3A_469 = arith.constant 64 : index
      %swap3A_470 = tpu.vector_load %arg8[%swap3A_468, %swap3A_469] {strides = array<i32>} : memref<128x128xf32, #tpu.memory_space<vmem>>, vector<1x16xf32>,
      %swap3A_471 = vector.shape_cast %swap3A_470 : vector<1x16xf32> to vector<16xf32>
      %swap3A_472 = vector.shape_cast %broadcast_in_dim3A_1 : vector<16xf32> to vector<1x16xf32>
      tpu.vector_store %arg8[%swap3A_468, %swap3A_469], %swap3A_472 {strides = array<i32>} : memref<128x128xf32, #tpu.memory_space<vmem>>, vector<1x16xf32>,
      %swap3A_473 = arith.index_cast %scan3A_447 : i32 to index
      %swap3A_474 = arith.constant 80 : index
      %swap3A_475 = tpu.vector_load %arg8[%swap3A_473, %swap3A_474] {strides = array<i32>} : memref<128x128xf32, #tpu.memory_space<vmem>>, vector<1x16xf32>,
      %swap3A_476 = vector.shape_cast %swap3A_475 : vector<1x16xf32> to vector<16xf32>
      %swap3A_477 = vector.shape_cast %broadcast_in_dim3A_1 : vector<16xf32> to vector<1x16xf32>
      tpu.vector_store %arg8[%swap3A_473, %swap3A_474], %swap3A_477 {strides = array<i32>} : memref<128x128xf32, #tpu.memory_space<vmem>>, vector<1x16xf32>,
      %swap3A_478 = arith.index_cast %scan3A_447 : i32 to index
      %swap3A_479 = arith.constant 96 : index
      %swap3A_480 = tpu.vector_load %arg8[%swap3A_478, %swap3A_479] {strides = array<i32>} : memref<128x128xf32, #tpu.memory_space<vmem>>, vector<1x16xf32>,
      %swap3A_481 = vector.shape_cast %swap3A_480 : vector<1x16xf32> to vector<16xf32>
      %swap3A_482 = vector.shape_cast %broadcast_in_dim3A_1 : vector<16xf32> to vector<1x16xf32>
      tpu.vector_store %arg8[%swap3A_478, %swap3A_479], %swap3A_482 {strides = array<i32>} : memref<128x128xf32, #tpu.memory_space<vmem>>, vector<1x16xf32>,
      %swap3A_483 = arith.index_cast %scan3A_447 : i32 to index
      %swap3A_484 = arith.constant 112 : index
      %swap3A_485 = tpu.vector_load %arg8[%swap3A_483, %swap3A_484] {strides = array<i32>} : memref<128x128xf32, #tpu.memory_space<vmem>>, vector<1x16xf32>,
      %swap3A_486 = vector.shape_cast %swap3A_485 : vector<1x16xf32> to vector<16xf32>
      %swap3A_487 = vector.shape_cast %broadcast_in_dim3A_1 : vector<16xf32> to vector<1x16xf32>
      tpu.vector_store %arg8[%swap3A_483, %swap3A_484], %swap3A_487 {strides = array<i32>} : memref<128x128xf32, #tpu.memory_space<vmem>>, vector<1x16xf32>,
    }
    %scan3A_6 = arith.constant 128 : i32
    %mul3A_7 = arith.constant 640 : i32
    %mul3A_8 = arith.muli %arg1, %mul3A_7 : i32
    %add3A_9 = arith.constant 0 : i32
    %add3A_10 = arith.addi %mul3A_8, %add3A_9 : i32
    "tpu.region"() ({
      %run_scoped3A_447 = tpu.sem_alloc : memref<!tpu.dma_semaphore, #tpu.memory_space<semaphore_mem>>
      %dma_start3A_448 = arith.constant 0 : i32
      %dma_start3A_449 = tpu.memref_slice %arg10[%add3A_10, %dma_start3A_448] : memref<10240x128xf32, #tpu.memory_space<vmem_shared>> -> memref<128x128xf32, #tpu.memory_space<vmem_shared>>
      %dma_start3A_450 = arith.constant 0 : i32
      %dma_start3A_451 = tpu.memref_slice %arg10[%add3A_10, %dma_start3A_450] : memref<10240x128xf32, #tpu.memory_space<vmem_shared>> -> memref<128x128xf32, #tpu.memory_space<vmem_shared>>
      tpu.enqueue_dma source(%arg8 : memref<128x128xf32, #tpu.memory_space<vmem>>) target(%dma_start3A_451 : memref<128x128xf32, #tpu.memory_space<vmem_shared>>) target_semaphore(%run_scoped3A_447 : memref<!tpu.dma_semaphore, #tpu.memory_space<semaphore_mem>>)
      %dma_wait3A_452 = arith.constant 0 : i32
      %dma_wait3A_453 = tpu.memref_slice %arg10[%add3A_10, %dma_wait3A_452] : memref<10240x128xf32, #tpu.memory_space<vmem_shared>> -> memref<128x128xf32, #tpu.memory_space<vmem_shared>>
      %dma_wait3A_454 = arith.constant 0 : i32
      %dma_wait3A_455 = tpu.memref_slice %arg10[%add3A_10, %dma_wait3A_454] : memref<10240x128xf32, #tpu.memory_space<vmem_shared>> -> memref<128x128xf32, #tpu.memory_space<vmem_shared>>
      tpu.wait_dma2 semaphore(%run_scoped3A_447 : memref<!tpu.dma_semaphore, #tpu.memory_space<semaphore_mem>>) src(%arg8 : memref<128x128xf32, #tpu.memory_space<vmem>>) dst(%dma_wait3A_455 : memref<128x128xf32, #tpu.memory_space<vmem_shared>>)
      tpu.yield
    }) : () -> ()
    %mul3A_11 = arith.constant 640 : i32
    %mul3A_12 = arith.muli %arg1, %mul3A_11 : i32
    %add3A_13 = arith.constant 128 : i32
    %add3A_14 = arith.addi %mul3A_12, %add3A_13 : i32
    "tpu.region"() ({
      %run_scoped3A_447 = tpu.sem_alloc : memref<!tpu.dma_semaphore, #tpu.memory_space<semaphore_mem>>
      %dma_start3A_448 = arith.constant 0 : i32
      %dma_start3A_449 = tpu.memref_slice %arg10[%add3A_14, %dma_start3A_448] : memref<10240x128xf32, #tpu.memory_space<vmem_shared>> -> memref<128x128xf32, #tpu.memory_space<vmem_shared>>
      %dma_start3A_450 = arith.constant 0 : i32
      %dma_start3A_451 = tpu.memref_slice %arg10[%add3A_14, %dma_start3A_450] : memref<10240x128xf32, #tpu.memory_space<vmem_shared>> -> memref<128x128xf32, #tpu.memory_space<vmem_shared>>
      tpu.enqueue_dma source(%arg8 : memref<128x128xf32, #tpu.memory_space<vmem>>) target(%dma_start3A_451 : memref<128x128xf32, #tpu.memory_space<vmem_shared>>) target_semaphore(%run_scoped3A_447 : memref<!tpu.dma_semaphore, #tpu.memory_space<semaphore_mem>>)
      %dma_wait3A_452 = arith.constant 0 : i32
      %dma_wait3A_453 = tpu.memref_slice %arg10[%add3A_14, %dma_wait3A_452] : memref<10240x128xf32, #tpu.memory_space<vmem_shared>> -> memref<128x128xf32, #tpu.memory_space<vmem_shared>>
      %dma_wait3A_454 = arith.constant 0 : i32
      %dma_wait3A_455 = tpu.memref_slice %arg10[%add3A_14, %dma_wait3A_454] : memref<10240x128xf32, #tpu.memory_space<vmem_shared>> -> memref<128x128xf32, #tpu.memory_space<vmem_shared>>
      tpu.wait_dma2 semaphore(%run_scoped3A_447 : memref<!tpu.dma_semaphore, #tpu.memory_space<semaphore_mem>>) src(%arg8 : memref<128x128xf32, #tpu.memory_space<vmem>>) dst(%dma_wait3A_455 : memref<128x128xf32, #tpu.memory_space<vmem_shared>>)
      tpu.yield
    }) : () -> ()
    %mul3A_15 = arith.constant 640 : i32
    %mul3A_16 = arith.muli %arg1, %mul3A_15 : i32
    %add3A_17 = arith.constant 256 : i32
    %add3A_18 = arith.addi %mul3A_16, %add3A_17 : i32
    "tpu.region"() ({
      %run_scoped3A_447 = tpu.sem_alloc : memref<!tpu.dma_semaphore, #tpu.memory_space<semaphore_mem>>
      %dma_start3A_448 = arith.constant 0 : i32
      %dma_start3A_449 = tpu.memref_slice %arg10[%add3A_18, %dma_start3A_448] : memref<10240x128xf32, #tpu.memory_space<vmem_shared>> -> memref<128x128xf32, #tpu.memory_space<vmem_shared>>
      %dma_start3A_450 = arith.constant 0 : i32
      %dma_start3A_451 = tpu.memref_slice %arg10[%add3A_18, %dma_start3A_450] : memref<10240x128xf32, #tpu.memory_space<vmem_shared>> -> memref<128x128xf32, #tpu.memory_space<vmem_shared>>
      tpu.enqueue_dma source(%arg8 : memref<128x128xf32, #tpu.memory_space<vmem>>) target(%dma_start3A_451 : memref<128x128xf32, #tpu.memory_space<vmem_shared>>) target_semaphore(%run_scoped3A_447 : memref<!tpu.dma_semaphore, #tpu.memory_space<semaphore_mem>>)
      %dma_wait3A_452 = arith.constant 0 : i32
      %dma_wait3A_453 = tpu.memref_slice %arg10[%add3A_18, %dma_wait3A_452] : memref<10240x128xf32, #tpu.memory_space<vmem_shared>> -> memref<128x128xf32, #tpu.memory_space<vmem_shared>>
      %dma_wait3A_454 = arith.constant 0 : i32
      %dma_wait3A_455 = tpu.memref_slice %arg10[%add3A_18, %dma_wait3A_454] : memref<10240x128xf32, #tpu.memory_space<vmem_shared>> -> memref<128x128xf32, #tpu.memory_space<vmem_shared>>
      tpu.wait_dma2 semaphore(%run_scoped3A_447 : memref<!tpu.dma_semaphore, #tpu.memory_space<semaphore_mem>>) src(%arg8 : memref<128x128xf32, #tpu.memory_space<vmem>>) dst(%dma_wait3A_455 : memref<128x128xf32, #tpu.memory_space<vmem_shared>>)
      tpu.yield
    }) : () -> ()
    %mul3A_19 = arith.constant 640 : i32
    %mul3A_20 = arith.muli %arg1, %mul3A_19 : i32
    %add3A_21 = arith.constant 384 : i32
    %add3A_22 = arith.addi %mul3A_20, %add3A_21 : i32
    "tpu.region"() ({
      %run_scoped3A_447 = tpu.sem_alloc : memref<!tpu.dma_semaphore, #tpu.memory_space<semaphore_mem>>
      %dma_start3A_448 = arith.constant 0 : i32
      %dma_start3A_449 = tpu.memref_slice %arg10[%add3A_22, %dma_start3A_448] : memref<10240x128xf32, #tpu.memory_space<vmem_shared>> -> memref<128x128xf32, #tpu.memory_space<vmem_shared>>
      %dma_start3A_450 = arith.constant 0 : i32
      %dma_start3A_451 = tpu.memref_slice %arg10[%add3A_22, %dma_start3A_450] : memref<10240x128xf32, #tpu.memory_space<vmem_shared>> -> memref<128x128xf32, #tpu.memory_space<vmem_shared>>
      tpu.enqueue_dma source(%arg8 : memref<128x128xf32, #tpu.memory_space<vmem>>) target(%dma_start3A_451 : memref<128x128xf32, #tpu.memory_space<vmem_shared>>) target_semaphore(%run_scoped3A_447 : memref<!tpu.dma_semaphore, #tpu.memory_space<semaphore_mem>>)
      %dma_wait3A_452 = arith.constant 0 : i32
      %dma_wait3A_453 = tpu.memref_slice %arg10[%add3A_22, %dma_wait3A_452] : memref<10240x128xf32, #tpu.memory_space<vmem_shared>> -> memref<128x128xf32, #tpu.memory_space<vmem_shared>>
      %dma_wait3A_454 = arith.constant 0 : i32
      %dma_wait3A_455 = tpu.memref_slice %arg10[%add3A_22, %dma_wait3A_454] : memref<10240x128xf32, #tpu.memory_space<vmem_shared>> -> memref<128x128xf32, #tpu.memory_space<vmem_shared>>
      tpu.wait_dma2 semaphore(%run_scoped3A_447 : memref<!tpu.dma_semaphore, #tpu.memory_space<semaphore_mem>>) src(%arg8 : memref<128x128xf32, #tpu.memory_space<vmem>>) dst(%dma_wait3A_455 : memref<128x128xf32, #tpu.memory_space<vmem_shared>>)
      tpu.yield
    }) : () -> ()
    %mul3A_23 = arith.constant 640 : i32
    %mul3A_24 = arith.muli %arg1, %mul3A_23 : i32
    %add3A_25 = arith.constant 512 : i32
    %add3A_26 = arith.addi %mul3A_24, %add3A_25 : i32
    "tpu.region"() ({
      %run_scoped3A_447 = tpu.sem_alloc : memref<!tpu.dma_semaphore, #tpu.memory_space<semaphore_mem>>
      %dma_start3A_448 = arith.constant 0 : i32
      %dma_start3A_449 = tpu.memref_slice %arg10[%add3A_26, %dma_start3A_448] : memref<10240x128xf32, #tpu.memory_space<vmem_shared>> -> memref<128x128xf32, #tpu.memory_space<vmem_shared>>
      %dma_start3A_450 = arith.constant 0 : i32
      %dma_start3A_451 = tpu.memref_slice %arg10[%add3A_26, %dma_start3A_450] : memref<10240x128xf32, #tpu.memory_space<vmem_shared>> -> memref<128x128xf32, #tpu.memory_space<vmem_shared>>
      tpu.enqueue_dma source(%arg8 : memref<128x128xf32, #tpu.memory_space<vmem>>) target(%dma_start3A_451 : memref<128x128xf32, #tpu.memory_space<vmem_shared>>) target_semaphore(%run_scoped3A_447 : memref<!tpu.dma_semaphore, #tpu.memory_space<semaphore_mem>>)
      %dma_wait3A_452 = arith.constant 0 : i32
      %dma_wait3A_453 = tpu.memref_slice %arg10[%add3A_26, %dma_wait3A_452] : memref<10240x128xf32, #tpu.memory_space<vmem_shared>> -> memref<128x128xf32, #tpu.memory_space<vmem_shared>>
      %dma_wait3A_454 = arith.constant 0 : i32
      %dma_wait3A_455 = tpu.memref_slice %arg10[%add3A_26, %dma_wait3A_454] : memref<10240x128xf32, #tpu.memory_space<vmem_shared>> -> memref<128x128xf32, #tpu.memory_space<vmem_shared>>
      tpu.wait_dma2 semaphore(%run_scoped3A_447 : memref<!tpu.dma_semaphore, #tpu.memory_space<semaphore_mem>>) src(%arg8 : memref<128x128xf32, #tpu.memory_space<vmem>>) dst(%dma_wait3A_455 : memref<128x128xf32, #tpu.memory_space<vmem_shared>>)
      tpu.yield
    }) : () -> ()
    %barrier3A = arith.constant 0 : index
    tpu.barrier barrier_id(%barrier3A)
    %mul3A_27 = arith.constant 80 : i32
    %mul3A_28 = arith.muli %add3A, %mul3A_27 : i32
    "tpu.region"() ({
      %run_scoped3A_447 = tpu.sem_alloc : memref<!tpu.dma_semaphore, #tpu.memory_space<semaphore_mem>>
      %dma_start3A_448 = arith.constant 0 : i32
      %dma_start3A_449 = tpu.memref_slice %arg3[%mul3A_28, %dma_start3A_448] : memref<2560x128xi32, #tpu.memory_space<hbm>> -> memref<80x128xi32, #tpu.memory_space<hbm>>
      %dma_start3A_450 = arith.constant 0 : i32
      %dma_start3A_451 = tpu.memref_slice %arg3[%mul3A_28, %dma_start3A_450] : memref<2560x128xi32, #tpu.memory_space<hbm>> -> memref<80x128xi32, #tpu.memory_space<hbm>>
      tpu.enqueue_dma source(%dma_start3A_451 : memref<80x128xi32, #tpu.memory_space<hbm>>) target(%arg5 : memref<80x128xi32, #tpu.memory_space<vmem>>) target_semaphore(%run_scoped3A_447 : memref<!tpu.dma_semaphore, #tpu.memory_space<semaphore_mem>>)
      %dma_wait3A_452 = arith.constant 0 : i32
      %dma_wait3A_453 = tpu.memref_slice %arg3[%mul3A_28, %dma_wait3A_452] : memref<2560x128xi32, #tpu.memory_space<hbm>> -> memref<80x128xi32, #tpu.memory_space<hbm>>
      %dma_wait3A_454 = arith.constant 0 : i32
      %dma_wait3A_455 = tpu.memref_slice %arg3[%mul3A_28, %dma_wait3A_454] : memref<2560x128xi32, #tpu.memory_space<hbm>> -> memref<80x128xi32, #tpu.memory_space<hbm>>
      tpu.wait_dma2 semaphore(%run_scoped3A_447 : memref<!tpu.dma_semaphore, #tpu.memory_space<semaphore_mem>>) src(%dma_wait3A_455 : memref<80x128xi32, #tpu.memory_space<hbm>>) dst(%arg5 : memref<80x128xi32, #tpu.memory_space<vmem>>)
      tpu.yield
    }) : () -> ()
    %get3A = arith.constant 0 : i32
    %get3A_29 = arith.index_cast %get3A : i32 to index
    %get3A_30 = arith.constant 0 : index
    %get3A_31 = tpu.vector_load %arg5[%get3A_29, %get3A_30] {strides = array<i32>} : memref<80x128xi32, #tpu.memory_space<vmem>>, vector<1x16xi32>,
    %get3A_32 = vector.shape_cast %get3A_31 : vector<1x16xi32> to vector<16xi32>
    %and3A = arith.constant 65535 : i32
    %and3A_33 = vector.broadcast %and3A : i32 to vector<16xi32>
    %and3A_34 = arith.andi %get3A_32, %and3A_33 : vector<16xi32>
    %swap3A = arith.constant 0 : i32
    %swap3A_35 = arith.index_cast %swap3A : i32 to index
    %swap3A_36 = arith.constant 0 : index
    %swap3A_37 = tpu.vector_load %arg6[%swap3A_35, %swap3A_36] {strides = array<i32>} : memref<2x128xi32, #tpu.memory_space<vmem>>, vector<1x16xi32>,
    %swap3A_38 = vector.shape_cast %swap3A_37 : vector<1x16xi32> to vector<16xi32>
    %swap3A_39 = vector.shape_cast %and3A_34 : vector<16xi32> to vector<1x16xi32>
    tpu.vector_store %arg6[%swap3A_35, %swap3A_36], %swap3A_39 {strides = array<i32>} : memref<2x128xi32, #tpu.memory_space<vmem>>, vector<1x16xi32>,
    %shift_right_arithmetic3A = arith.constant 16 : i32
    %shift_right_arithmetic3A_40 = vector.broadcast %shift_right_arithmetic3A : i32 to vector<16xi32>
    %shift_right_arithmetic3A_41 = arith.shrsi %get3A_32, %shift_right_arithmetic3A_40 : vector<16xi32>
    %swap3A_42 = arith.constant 0 : i32
    %swap3A_43 = arith.index_cast %swap3A_42 : i32 to index
    %swap3A_44 = arith.constant 0 : index
    %swap3A_45 = tpu.vector_load %arg7[%swap3A_43, %swap3A_44] {strides = array<i32>} : memref<2x128xi32, #tpu.memory_space<vmem>>, vector<1x16xi32>,
    %swap3A_46 = vector.shape_cast %swap3A_45 : vector<1x16xi32> to vector<16xi32>
    %swap3A_47 = vector.shape_cast %shift_right_arithmetic3A_41 : vector<16xi32> to vector<1x16xi32>
    tpu.vector_store %arg7[%swap3A_43, %swap3A_44], %swap3A_47 {strides = array<i32>} : memref<2x128xi32, #tpu.memory_space<vmem>>, vector<1x16xi32>,
    %get3A_48 = arith.constant 0 : i32
    %get3A_49 = arith.index_cast %get3A_48 : i32 to index
    %get3A_50 = arith.constant 16 : index
    %get3A_51 = tpu.vector_load %arg5[%get3A_49, %get3A_50] {strides = array<i32>} : memref<80x128xi32, #tpu.memory_space<vmem>>, vector<1x16xi32>,
    %get3A_52 = vector.shape_cast %get3A_51 : vector<1x16xi32> to vector<16xi32>
    %and3A_53 = arith.constant 65535 : i32
    %and3A_54 = vector.broadcast %and3A_53 : i32 to vector<16xi32>
    %and3A_55 = arith.andi %get3A_52, %and3A_54 : vector<16xi32>
    %swap3A_56 = arith.constant 0 : i32
    %swap3A_57 = arith.index_cast %swap3A_56 : i32 to index
    %swap3A_58 = arith.constant 16 : index
    %swap3A_59 = tpu.vector_load %arg6[%swap3A_57, %swap3A_58] {strides = array<i32>} : memref<2x128xi32, #tpu.memory_space<vmem>>, vector<1x16xi32>,
    %swap3A_60 = vector.shape_cast %swap3A_59 : vector<1x16xi32> to vector<16xi32>
    %swap3A_61 = vector.shape_cast %and3A_55 : vector<16xi32> to vector<1x16xi32>
    tpu.vector_store %arg6[%swap3A_57, %swap3A_58], %swap3A_61 {strides = array<i32>} : memref<2x128xi32, #tpu.memory_space<vmem>>, vector<1x16xi32>,
    %shift_right_arithmetic3A_62 = arith.constant 16 : i32
    %shift_right_arithmetic3A_63 = vector.broadcast %shift_right_arithmetic3A_62 : i32 to vector<16xi32>
    %shift_right_arithmetic3A_64 = arith.shrsi %get3A_52, %shift_right_arithmetic3A_63 : vector<16xi32>
    %swap3A_65 = arith.constant 0 : i32
    %swap3A_66 = arith.index_cast %swap3A_65 : i32 to index
    %swap3A_67 = arith.constant 16 : index
    %swap3A_68 = tpu.vector_load %arg7[%swap3A_66, %swap3A_67] {strides = array<i32>} : memref<2x128xi32, #tpu.memory_space<vmem>>, vector<1x16xi32>,
    %swap3A_69 = vector.shape_cast %swap3A_68 : vector<1x16xi32> to vector<16xi32>
    %swap3A_70 = vector.shape_cast %shift_right_arithmetic3A_64 : vector<16xi32> to vector<1x16xi32>
    tpu.vector_store %arg7[%swap3A_66, %swap3A_67], %swap3A_70 {strides = array<i32>} : memref<2x128xi32, #tpu.memory_space<vmem>>, vector<1x16xi32>,
    %get3A_71 = arith.constant 0 : i32
    %get3A_72 = arith.index_cast %get3A_71 : i32 to index
    %get3A_73 = arith.constant 32 : index
    %get3A_74 = tpu.vector_load %arg5[%get3A_72, %get3A_73] {strides = array<i32>} : memref<80x128xi32, #tpu.memory_space<vmem>>, vector<1x16xi32>,
    %get3A_75 = vector.shape_cast %get3A_74 : vector<1x16xi32> to vector<16xi32>
    %and3A_76 = arith.constant 65535 : i32
    %and3A_77 = vector.broadcast %and3A_76 : i32 to vector<16xi32>
    %and3A_78 = arith.andi %get3A_75, %and3A_77 : vector<16xi32>
    %swap3A_79 = arith.constant 0 : i32
    %swap3A_80 = arith.index_cast %swap3A_79 : i32 to index
    %swap3A_81 = arith.constant 32 : index
    %swap3A_82 = tpu.vector_load %arg6[%swap3A_80, %swap3A_81] {strides = array<i32>} : memref<2x128xi32, #tpu.memory_space<vmem>>, vector<1x16xi32>,
    %swap3A_83 = vector.shape_cast %swap3A_82 : vector<1x16xi32> to vector<16xi32>
    %swap3A_84 = vector.shape_cast %and3A_78 : vector<16xi32> to vector<1x16xi32>
    tpu.vector_store %arg6[%swap3A_80, %swap3A_81], %swap3A_84 {strides = array<i32>} : memref<2x128xi32, #tpu.memory_space<vmem>>, vector<1x16xi32>,
    %shift_right_arithmetic3A_85 = arith.constant 16 : i32
    %shift_right_arithmetic3A_86 = vector.broadcast %shift_right_arithmetic3A_85 : i32 to vector<16xi32>
    %shift_right_arithmetic3A_87 = arith.shrsi %get3A_75, %shift_right_arithmetic3A_86 : vector<16xi32>
    %swap3A_88 = arith.constant 0 : i32
    %swap3A_89 = arith.index_cast %swap3A_88 : i32 to index
    %swap3A_90 = arith.constant 32 : index
    %swap3A_91 = tpu.vector_load %arg7[%swap3A_89, %swap3A_90] {strides = array<i32>} : memref<2x128xi32, #tpu.memory_space<vmem>>, vector<1x16xi32>,
    %swap3A_92 = vector.shape_cast %swap3A_91 : vector<1x16xi32> to vector<16xi32>
    %swap3A_93 = vector.shape_cast %shift_right_arithmetic3A_87 : vector<16xi32> to vector<1x16xi32>
    tpu.vector_store %arg7[%swap3A_89, %swap3A_90], %swap3A_93 {strides = array<i32>} : memref<2x128xi32, #tpu.memory_space<vmem>>, vector<1x16xi32>,
    %get3A_94 = arith.constant 0 : i32
    %get3A_95 = arith.index_cast %get3A_94 : i32 to index
    %get3A_96 = arith.constant 48 : index
    %get3A_97 = tpu.vector_load %arg5[%get3A_95, %get3A_96] {strides = array<i32>} : memref<80x128xi32, #tpu.memory_space<vmem>>, vector<1x16xi32>,
    %get3A_98 = vector.shape_cast %get3A_97 : vector<1x16xi32> to vector<16xi32>
    %and3A_99 = arith.constant 65535 : i32
    %and3A_100 = vector.broadcast %and3A_99 : i32 to vector<16xi32>
    %and3A_101 = arith.andi %get3A_98, %and3A_100 : vector<16xi32>
    %swap3A_102 = arith.constant 0 : i32
    %swap3A_103 = arith.index_cast %swap3A_102 : i32 to index
    %swap3A_104 = arith.constant 48 : index
    %swap3A_105 = tpu.vector_load %arg6[%swap3A_103, %swap3A_104] {strides = array<i32>} : memref<2x128xi32, #tpu.memory_space<vmem>>, vector<1x16xi32>,
    %swap3A_106 = vector.shape_cast %swap3A_105 : vector<1x16xi32> to vector<16xi32>
    %swap3A_107 = vector.shape_cast %and3A_101 : vector<16xi32> to vector<1x16xi32>
    tpu.vector_store %arg6[%swap3A_103, %swap3A_104], %swap3A_107 {strides = array<i32>} : memref<2x128xi32, #tpu.memory_space<vmem>>, vector<1x16xi32>,
    %shift_right_arithmetic3A_108 = arith.constant 16 : i32
    %shift_right_arithmetic3A_109 = vector.broadcast %shift_right_arithmetic3A_108 : i32 to vector<16xi32>
    %shift_right_arithmetic3A_110 = arith.shrsi %get3A_98, %shift_right_arithmetic3A_109 : vector<16xi32>
    %swap3A_111 = arith.constant 0 : i32
    %swap3A_112 = arith.index_cast %swap3A_111 : i32 to index
    %swap3A_113 = arith.constant 48 : index
    %swap3A_114 = tpu.vector_load %arg7[%swap3A_112, %swap3A_113] {strides = array<i32>} : memref<2x128xi32, #tpu.memory_space<vmem>>, vector<1x16xi32>,
    %swap3A_115 = vector.shape_cast %swap3A_114 : vector<1x16xi32> to vector<16xi32>
    %swap3A_116 = vector.shape_cast %shift_right_arithmetic3A_110 : vector<16xi32> to vector<1x16xi32>
    tpu.vector_store %arg7[%swap3A_112, %swap3A_113], %swap3A_116 {strides = array<i32>} : memref<2x128xi32, #tpu.memory_space<vmem>>, vector<1x16xi32>,
    %get3A_117 = arith.constant 0 : i32
    %get3A_118 = arith.index_cast %get3A_117 : i32 to index
    %get3A_119 = arith.constant 64 : index
    %get3A_120 = tpu.vector_load %arg5[%get3A_118, %get3A_119] {strides = array<i32>} : memref<80x128xi32, #tpu.memory_space<vmem>>, vector<1x16xi32>,
    %get3A_121 = vector.shape_cast %get3A_120 : vector<1x16xi32> to vector<16xi32>
    %and3A_122 = arith.constant 65535 : i32
    %and3A_123 = vector.broadcast %and3A_122 : i32 to vector<16xi32>
    %and3A_124 = arith.andi %get3A_121, %and3A_123 : vector<16xi32>
    %swap3A_125 = arith.constant 0 : i32
    %swap3A_126 = arith.index_cast %swap3A_125 : i32 to index
    %swap3A_127 = arith.constant 64 : index
    %swap3A_128 = tpu.vector_load %arg6[%swap3A_126, %swap3A_127] {strides = array<i32>} : memref<2x128xi32, #tpu.memory_space<vmem>>, vector<1x16xi32>,
    %swap3A_129 = vector.shape_cast %swap3A_128 : vector<1x16xi32> to vector<16xi32>
    %swap3A_130 = vector.shape_cast %and3A_124 : vector<16xi32> to vector<1x16xi32>
    tpu.vector_store %arg6[%swap3A_126, %swap3A_127], %swap3A_130 {strides = array<i32>} : memref<2x128xi32, #tpu.memory_space<vmem>>, vector<1x16xi32>,
    %shift_right_arithmetic3A_131 = arith.constant 16 : i32
    %shift_right_arithmetic3A_132 = vector.broadcast %shift_right_arithmetic3A_131 : i32 to vector<16xi32>
    %shift_right_arithmetic3A_133 = arith.shrsi %get3A_121, %shift_right_arithmetic3A_132 : vector<16xi32>
    %swap3A_134 = arith.constant 0 : i32
    %swap3A_135 = arith.index_cast %swap3A_134 : i32 to index
    %swap3A_136 = arith.constant 64 : index
    %swap3A_137 = tpu.vector_load %arg7[%swap3A_135, %swap3A_136] {strides = array<i32>} : memref<2x128xi32, #tpu.memory_space<vmem>>, vector<1x16xi32>,
    %swap3A_138 = vector.shape_cast %swap3A_137 : vector<1x16xi32> to vector<16xi32>
    %swap3A_139 = vector.shape_cast %shift_right_arithmetic3A_133 : vector<16xi32> to vector<1x16xi32>
    tpu.vector_store %arg7[%swap3A_135, %swap3A_136], %swap3A_139 {strides = array<i32>} : memref<2x128xi32, #tpu.memory_space<vmem>>, vector<1x16xi32>,
    %get3A_140 = arith.constant 0 : i32
    %get3A_141 = arith.index_cast %get3A_140 : i32 to index
    %get3A_142 = arith.constant 80 : index
    %get3A_143 = tpu.vector_load %arg5[%get3A_141, %get3A_142] {strides = array<i32>} : memref<80x128xi32, #tpu.memory_space<vmem>>, vector<1x16xi32>,
    %get3A_144 = vector.shape_cast %get3A_143 : vector<1x16xi32> to vector<16xi32>
    %and3A_145 = arith.constant 65535 : i32
    %and3A_146 = vector.broadcast %and3A_145 : i32 to vector<16xi32>
    %and3A_147 = arith.andi %get3A_144, %and3A_146 : vector<16xi32>
    %swap3A_148 = arith.constant 0 : i32
    %swap3A_149 = arith.index_cast %swap3A_148 : i32 to index
    %swap3A_150 = arith.constant 80 : index
    %swap3A_151 = tpu.vector_load %arg6[%swap3A_149, %swap3A_150] {strides = array<i32>} : memref<2x128xi32, #tpu.memory_space<vmem>>, vector<1x16xi32>,
    %swap3A_152 = vector.shape_cast %swap3A_151 : vector<1x16xi32> to vector<16xi32>
    %swap3A_153 = vector.shape_cast %and3A_147 : vector<16xi32> to vector<1x16xi32>
    tpu.vector_store %arg6[%swap3A_149, %swap3A_150], %swap3A_153 {strides = array<i32>} : memref<2x128xi32, #tpu.memory_space<vmem>>, vector<1x16xi32>,
    %shift_right_arithmetic3A_154 = arith.constant 16 : i32
    %shift_right_arithmetic3A_155 = vector.broadcast %shift_right_arithmetic3A_154 : i32 to vector<16xi32>
    %shift_right_arithmetic3A_156 = arith.shrsi %get3A_144, %shift_right_arithmetic3A_155 : vector<16xi32>
    %swap3A_157 = arith.constant 0 : i32
    %swap3A_158 = arith.index_cast %swap3A_157 : i32 to index
    %swap3A_159 = arith.constant 80 : index
    %swap3A_160 = tpu.vector_load %arg7[%swap3A_158, %swap3A_159] {strides = array<i32>} : memref<2x128xi32, #tpu.memory_space<vmem>>, vector<1x16xi32>,
    %swap3A_161 = vector.shape_cast %swap3A_160 : vector<1x16xi32> to vector<16xi32>
    %swap3A_162 = vector.shape_cast %shift_right_arithmetic3A_156 : vector<16xi32> to vector<1x16xi32>
    tpu.vector_store %arg7[%swap3A_158, %swap3A_159], %swap3A_162 {strides = array<i32>} : memref<2x128xi32, #tpu.memory_space<vmem>>, vector<1x16xi32>,
    %get3A_163 = arith.constant 0 : i32
    %get3A_164 = arith.index_cast %get3A_163 : i32 to index
    %get3A_165 = arith.constant 96 : index
    %get3A_166 = tpu.vector_load %arg5[%get3A_164, %get3A_165] {strides = array<i32>} : memref<80x128xi32, #tpu.memory_space<vmem>>, vector<1x16xi32>,
    %get3A_167 = vector.shape_cast %get3A_166 : vector<1x16xi32> to vector<16xi32>
    %and3A_168 = arith.constant 65535 : i32
    %and3A_169 = vector.broadcast %and3A_168 : i32 to vector<16xi32>
    %and3A_170 = arith.andi %get3A_167, %and3A_169 : vector<16xi32>
    %swap3A_171 = arith.constant 0 : i32
    %swap3A_172 = arith.index_cast %swap3A_171 : i32 to index
    %swap3A_173 = arith.constant 96 : index
    %swap3A_174 = tpu.vector_load %arg6[%swap3A_172, %swap3A_173] {strides = array<i32>} : memref<2x128xi32, #tpu.memory_space<vmem>>, vector<1x16xi32>,
    %swap3A_175 = vector.shape_cast %swap3A_174 : vector<1x16xi32> to vector<16xi32>
    %swap3A_176 = vector.shape_cast %and3A_170 : vector<16xi32> to vector<1x16xi32>
    tpu.vector_store %arg6[%swap3A_172, %swap3A_173], %swap3A_176 {strides = array<i32>} : memref<2x128xi32, #tpu.memory_space<vmem>>, vector<1x16xi32>,
    %shift_right_arithmetic3A_177 = arith.constant 16 : i32
    %shift_right_arithmetic3A_178 = vector.broadcast %shift_right_arithmetic3A_177 : i32 to vector<16xi32>
    %shift_right_arithmetic3A_179 = arith.shrsi %get3A_167, %shift_right_arithmetic3A_178 : vector<16xi32>
    %swap3A_180 = arith.constant 0 : i32
    %swap3A_181 = arith.index_cast %swap3A_180 : i32 to index
    %swap3A_182 = arith.constant 96 : index
    %swap3A_183 = tpu.vector_load %arg7[%swap3A_181, %swap3A_182] {strides = array<i32>} : memref<2x128xi32, #tpu.memory_space<vmem>>, vector<1x16xi32>,
    %swap3A_184 = vector.shape_cast %swap3A_183 : vector<1x16xi32> to vector<16xi32>
    %swap3A_185 = vector.shape_cast %shift_right_arithmetic3A_179 : vector<16xi32> to vector<1x16xi32>
    tpu.vector_store %arg7[%swap3A_181, %swap3A_182], %swap3A_185 {strides = array<i32>} : memref<2x128xi32, #tpu.memory_space<vmem>>, vector<1x16xi32>,
    %get3A_186 = arith.constant 0 : i32
    %get3A_187 = arith.index_cast %get3A_186 : i32 to index
    %get3A_188 = arith.constant 112 : index
    %get3A_189 = tpu.vector_load %arg5[%get3A_187, %get3A_188] {strides = array<i32>} : memref<80x128xi32, #tpu.memory_space<vmem>>, vector<1x16xi32>,
    %get3A_190 = vector.shape_cast %get3A_189 : vector<1x16xi32> to vector<16xi32>
    %and3A_191 = arith.constant 65535 : i32
    %and3A_192 = vector.broadcast %and3A_191 : i32 to vector<16xi32>
    %and3A_193 = arith.andi %get3A_190, %and3A_192 : vector<16xi32>
    %swap3A_194 = arith.constant 0 : i32
    %swap3A_195 = arith.index_cast %swap3A_194 : i32 to index
    %swap3A_196 = arith.constant 112 : index
    %swap3A_197 = tpu.vector_load %arg6[%swap3A_195, %swap3A_196] {strides = array<i32>} : memref<2x128xi32, #tpu.memory_space<vmem>>, vector<1x16xi32>,
    %swap3A_198 = vector.shape_cast %swap3A_197 : vector<1x16xi32> to vector<16xi32>
    %swap3A_199 = vector.shape_cast %and3A_193 : vector<16xi32> to vector<1x16xi32>
    tpu.vector_store %arg6[%swap3A_195, %swap3A_196], %swap3A_199 {strides = array<i32>} : memref<2x128xi32, #tpu.memory_space<vmem>>, vector<1x16xi32>,
    %shift_right_arithmetic3A_200 = arith.constant 16 : i32
    %shift_right_arithmetic3A_201 = vector.broadcast %shift_right_arithmetic3A_200 : i32 to vector<16xi32>
    %shift_right_arithmetic3A_202 = arith.shrsi %get3A_190, %shift_right_arithmetic3A_201 : vector<16xi32>
    %swap3A_203 = arith.constant 0 : i32
    %swap3A_204 = arith.index_cast %swap3A_203 : i32 to index
    %swap3A_205 = arith.constant 112 : index
    %swap3A_206 = tpu.vector_load %arg7[%swap3A_204, %swap3A_205] {strides = array<i32>} : memref<2x128xi32, #tpu.memory_space<vmem>>, vector<1x16xi32>,
    %swap3A_207 = vector.shape_cast %swap3A_206 : vector<1x16xi32> to vector<16xi32>
    %swap3A_208 = vector.shape_cast %shift_right_arithmetic3A_202 : vector<16xi32> to vector<1x16xi32>
    tpu.vector_store %arg7[%swap3A_204, %swap3A_205], %swap3A_208 {strides = array<i32>} : memref<2x128xi32, #tpu.memory_space<vmem>>, vector<1x16xi32>,
    %dma_start3A = arith.constant 0 : i32
    %dma_start3A_209 = arith.constant 0 : i32
    %dma_start3A_210 = tpu.memref_slice %arg6[%dma_start3A, %dma_start3A_209] : memref<2x128xi32, #tpu.memory_space<vmem>> -> memref<1x128xi32, #tpu.memory_space<vmem>>
    %dma_start3A_211 = tpu.memref_squeeze %dma_start3A_210 : memref<1x128xi32, #tpu.memory_space<vmem>> -> memref<128xi32, #tpu.memory_space<vmem>>
    %dma_start3A_212 = arith.constant 0 : i32
    %dma_start3A_213 = arith.constant 0 : i32
    %dma_start3A_214 = tpu.memref_slice %arg2[%dma_start3A_212, %dma_start3A_213] : memref<10240x128xf32, #tpu.memory_space<hbm>> -> memref<10240x128xf32, #tpu.memory_space<hbm>>
    tpu.enqueue_indirect_dma source(%dma_start3A_214 : memref<10240x128xf32, #tpu.memory_space<hbm>>) target(%arg8 : memref<128x128xf32, #tpu.memory_space<vmem>>) offsets(%dma_start3A_211 : memref<128xi32, #tpu.memory_space<vmem>>) semaphore(%arg11 : memref<!tpu.dma_semaphore, #tpu.memory_space<semaphore_mem>>)
    %get3A_215 = arith.constant 1 : i32
    %get3A_216 = arith.index_cast %get3A_215 : i32 to index
    %get3A_217 = arith.constant 0 : index
    %get3A_218 = tpu.vector_load %arg5[%get3A_216, %get3A_217] {strides = array<i32>} : memref<80x128xi32, #tpu.memory_space<vmem>>, vector<1x16xi32>,
    %get3A_219 = vector.shape_cast %get3A_218 : vector<1x16xi32> to vector<16xi32>
    %and3A_220 = arith.constant 65535 : i32
    %and3A_221 = vector.broadcast %and3A_220 : i32 to vector<16xi32>
    %and3A_222 = arith.andi %get3A_219, %and3A_221 : vector<16xi32>
    %swap3A_223 = arith.constant 1 : i32
    %swap3A_224 = arith.index_cast %swap3A_223 : i32 to index
    %swap3A_225 = arith.constant 0 : index
    %swap3A_226 = tpu.vector_load %arg6[%swap3A_224, %swap3A_225] {strides = array<i32>} : memref<2x128xi32, #tpu.memory_space<vmem>>, vector<1x16xi32>,
    %swap3A_227 = vector.shape_cast %swap3A_226 : vector<1x16xi32> to vector<16xi32>
    %swap3A_228 = vector.shape_cast %and3A_222 : vector<16xi32> to vector<1x16xi32>
    tpu.vector_store %arg6[%swap3A_224, %swap3A_225], %swap3A_228 {strides = array<i32>} : memref<2x128xi32, #tpu.memory_space<vmem>>, vector<1x16xi32>,
    %shift_right_arithmetic3A_229 = arith.constant 16 : i32
    %shift_right_arithmetic3A_230 = vector.broadcast %shift_right_arithmetic3A_229 : i32 to vector<16xi32>
    %shift_right_arithmetic3A_231 = arith.shrsi %get3A_219, %shift_right_arithmetic3A_230 : vector<16xi32>
    %swap3A_232 = arith.constant 1 : i32
    %swap3A_233 = arith.index_cast %swap3A_232 : i32 to index
    %swap3A_234 = arith.constant 0 : index
    %swap3A_235 = tpu.vector_load %arg7[%swap3A_233, %swap3A_234] {strides = array<i32>} : memref<2x128xi32, #tpu.memory_space<vmem>>, vector<1x16xi32>,
    %swap3A_236 = vector.shape_cast %swap3A_235 : vector<1x16xi32> to vector<16xi32>
    %swap3A_237 = vector.shape_cast %shift_right_arithmetic3A_231 : vector<16xi32> to vector<1x16xi32>
    tpu.vector_store %arg7[%swap3A_233, %swap3A_234], %swap3A_237 {strides = array<i32>} : memref<2x128xi32, #tpu.memory_space<vmem>>, vector<1x16xi32>,
    %get3A_238 = arith.constant 1 : i32
    %get3A_239 = arith.index_cast %get3A_238 : i32 to index
    %get3A_240 = arith.constant 16 : index
    %get3A_241 = tpu.vector_load %arg5[%get3A_239, %get3A_240] {strides = array<i32>} : memref<80x128xi32, #tpu.memory_space<vmem>>, vector<1x16xi32>,
    %get3A_242 = vector.shape_cast %get3A_241 : vector<1x16xi32> to vector<16xi32>
    %and3A_243 = arith.constant 65535 : i32
    %and3A_244 = vector.broadcast %and3A_243 : i32 to vector<16xi32>
    %and3A_245 = arith.andi %get3A_242, %and3A_244 : vector<16xi32>
    %swap3A_246 = arith.constant 1 : i32
    %swap3A_247 = arith.index_cast %swap3A_246 : i32 to index
    %swap3A_248 = arith.constant 16 : index
    %swap3A_249 = tpu.vector_load %arg6[%swap3A_247, %swap3A_248] {strides = array<i32>} : memref<2x128xi32, #tpu.memory_space<vmem>>, vector<1x16xi32>,
    %swap3A_250 = vector.shape_cast %swap3A_249 : vector<1x16xi32> to vector<16xi32>
    %swap3A_251 = vector.shape_cast %and3A_245 : vector<16xi32> to vector<1x16xi32>
    tpu.vector_store %arg6[%swap3A_247, %swap3A_248], %swap3A_251 {strides = array<i32>} : memref<2x128xi32, #tpu.memory_space<vmem>>, vector<1x16xi32>,
    %shift_right_arithmetic3A_252 = arith.constant 16 : i32
    %shift_right_arithmetic3A_253 = vector.broadcast %shift_right_arithmetic3A_252 : i32 to vector<16xi32>
    %shift_right_arithmetic3A_254 = arith.shrsi %get3A_242, %shift_right_arithmetic3A_253 : vector<16xi32>
    %swap3A_255 = arith.constant 1 : i32
    %swap3A_256 = arith.index_cast %swap3A_255 : i32 to index
    %swap3A_257 = arith.constant 16 : index
    %swap3A_258 = tpu.vector_load %arg7[%swap3A_256, %swap3A_257] {strides = array<i32>} : memref<2x128xi32, #tpu.memory_space<vmem>>, vector<1x16xi32>,
    %swap3A_259 = vector.shape_cast %swap3A_258 : vector<1x16xi32> to vector<16xi32>
    %swap3A_260 = vector.shape_cast %shift_right_arithmetic3A_254 : vector<16xi32> to vector<1x16xi32>
    tpu.vector_store %arg7[%swap3A_256, %swap3A_257], %swap3A_260 {strides = array<i32>} : memref<2x128xi32, #tpu.memory_space<vmem>>, vector<1x16xi32>,
    %get3A_261 = arith.constant 1 : i32
    %get3A_262 = arith.index_cast %get3A_261 : i32 to index
    %get3A_263 = arith.constant 32 : index
    %get3A_264 = tpu.vector_load %arg5[%get3A_262, %get3A_263] {strides = array<i32>} : memref<80x128xi32, #tpu.memory_space<vmem>>, vector<1x16xi32>,
    %get3A_265 = vector.shape_cast %get3A_264 : vector<1x16xi32> to vector<16xi32>
    %and3A_266 = arith.constant 65535 : i32
    %and3A_267 = vector.broadcast %and3A_266 : i32 to vector<16xi32>
    %and3A_268 = arith.andi %get3A_265, %and3A_267 : vector<16xi32>
    %swap3A_269 = arith.constant 1 : i32
    %swap3A_270 = arith.index_cast %swap3A_269 : i32 to index
    %swap3A_271 = arith.constant 32 : index
    %swap3A_272 = tpu.vector_load %arg6[%swap3A_270, %swap3A_271] {strides = array<i32>} : memref<2x128xi32, #tpu.memory_space<vmem>>, vector<1x16xi32>,
    %swap3A_273 = vector.shape_cast %swap3A_272 : vector<1x16xi32> to vector<16xi32>
    %swap3A_274 = vector.shape_cast %and3A_268 : vector<16xi32> to vector<1x16xi32>
    tpu.vector_store %arg6[%swap3A_270, %swap3A_271], %swap3A_274 {strides = array<i32>} : memref<2x128xi32, #tpu.memory_space<vmem>>, vector<1x16xi32>,
    %shift_right_arithmetic3A_275 = arith.constant 16 : i32
    %shift_right_arithmetic3A_276 = vector.broadcast %shift_right_arithmetic3A_275 : i32 to vector<16xi32>
    %shift_right_arithmetic3A_277 = arith.shrsi %get3A_265, %shift_right_arithmetic3A_276 : vector<16xi32>
    %swap3A_278 = arith.constant 1 : i32
    %swap3A_279 = arith.index_cast %swap3A_278 : i32 to index
    %swap3A_280 = arith.constant 32 : index
    %swap3A_281 = tpu.vector_load %arg7[%swap3A_279, %swap3A_280] {strides = array<i32>} : memref<2x128xi32, #tpu.memory_space<vmem>>, vector<1x16xi32>,
    %swap3A_282 = vector.shape_cast %swap3A_281 : vector<1x16xi32> to vector<16xi32>
    %swap3A_283 = vector.shape_cast %shift_right_arithmetic3A_277 : vector<16xi32> to vector<1x16xi32>
    tpu.vector_store %arg7[%swap3A_279, %swap3A_280], %swap3A_283 {strides = array<i32>} : memref<2x128xi32, #tpu.memory_space<vmem>>, vector<1x16xi32>,
    %get3A_284 = arith.constant 1 : i32
    %get3A_285 = arith.index_cast %get3A_284 : i32 to index
    %get3A_286 = arith.constant 48 : index
    %get3A_287 = tpu.vector_load %arg5[%get3A_285, %get3A_286] {strides = array<i32>} : memref<80x128xi32, #tpu.memory_space<vmem>>, vector<1x16xi32>,
    %get3A_288 = vector.shape_cast %get3A_287 : vector<1x16xi32> to vector<16xi32>
    %and3A_289 = arith.constant 65535 : i32
    %and3A_290 = vector.broadcast %and3A_289 : i32 to vector<16xi32>
    %and3A_291 = arith.andi %get3A_288, %and3A_290 : vector<16xi32>
    %swap3A_292 = arith.constant 1 : i32
    %swap3A_293 = arith.index_cast %swap3A_292 : i32 to index
    %swap3A_294 = arith.constant 48 : index
    %swap3A_295 = tpu.vector_load %arg6[%swap3A_293, %swap3A_294] {strides = array<i32>} : memref<2x128xi32, #tpu.memory_space<vmem>>, vector<1x16xi32>,
    %swap3A_296 = vector.shape_cast %swap3A_295 : vector<1x16xi32> to vector<16xi32>
    %swap3A_297 = vector.shape_cast %and3A_291 : vector<16xi32> to vector<1x16xi32>
    tpu.vector_store %arg6[%swap3A_293, %swap3A_294], %swap3A_297 {strides = array<i32>} : memref<2x128xi32, #tpu.memory_space<vmem>>, vector<1x16xi32>,
    %shift_right_arithmetic3A_298 = arith.constant 16 : i32
    %shift_right_arithmetic3A_299 = vector.broadcast %shift_right_arithmetic3A_298 : i32 to vector<16xi32>
    %shift_right_arithmetic3A_300 = arith.shrsi %get3A_288, %shift_right_arithmetic3A_299 : vector<16xi32>
    %swap3A_301 = arith.constant 1 : i32
    %swap3A_302 = arith.index_cast %swap3A_301 : i32 to index
    %swap3A_303 = arith.constant 48 : index
    %swap3A_304 = tpu.vector_load %arg7[%swap3A_302, %swap3A_303] {strides = array<i32>} : memref<2x128xi32, #tpu.memory_space<vmem>>, vector<1x16xi32>,
    %swap3A_305 = vector.shape_cast %swap3A_304 : vector<1x16xi32> to vector<16xi32>
    %swap3A_306 = vector.shape_cast %shift_right_arithmetic3A_300 : vector<16xi32> to vector<1x16xi32>
    tpu.vector_store %arg7[%swap3A_302, %swap3A_303], %swap3A_306 {strides = array<i32>} : memref<2x128xi32, #tpu.memory_space<vmem>>, vector<1x16xi32>,
    %get3A_307 = arith.constant 1 : i32
    %get3A_308 = arith.index_cast %get3A_307 : i32 to index
    %get3A_309 = arith.constant 64 : index
    %get3A_310 = tpu.vector_load %arg5[%get3A_308, %get3A_309] {strides = array<i32>} : memref<80x128xi32, #tpu.memory_space<vmem>>, vector<1x16xi32>,
    %get3A_311 = vector.shape_cast %get3A_310 : vector<1x16xi32> to vector<16xi32>
    %and3A_312 = arith.constant 65535 : i32
    %and3A_313 = vector.broadcast %and3A_312 : i32 to vector<16xi32>
    %and3A_314 = arith.andi %get3A_311, %and3A_313 : vector<16xi32>
    %swap3A_315 = arith.constant 1 : i32
    %swap3A_316 = arith.index_cast %swap3A_315 : i32 to index
    %swap3A_317 = arith.constant 64 : index
    %swap3A_318 = tpu.vector_load %arg6[%swap3A_316, %swap3A_317] {strides = array<i32>} : memref<2x128xi32, #tpu.memory_space<vmem>>, vector<1x16xi32>,
    %swap3A_319 = vector.shape_cast %swap3A_318 : vector<1x16xi32> to vector<16xi32>
    %swap3A_320 = vector.shape_cast %and3A_314 : vector<16xi32> to vector<1x16xi32>
    tpu.vector_store %arg6[%swap3A_316, %swap3A_317], %swap3A_320 {strides = array<i32>} : memref<2x128xi32, #tpu.memory_space<vmem>>, vector<1x16xi32>,
    %shift_right_arithmetic3A_321 = arith.constant 16 : i32
    %shift_right_arithmetic3A_322 = vector.broadcast %shift_right_arithmetic3A_321 : i32 to vector<16xi32>
    %shift_right_arithmetic3A_323 = arith.shrsi %get3A_311, %shift_right_arithmetic3A_322 : vector<16xi32>
    %swap3A_324 = arith.constant 1 : i32
    %swap3A_325 = arith.index_cast %swap3A_324 : i32 to index
    %swap3A_326 = arith.constant 64 : index
    %swap3A_327 = tpu.vector_load %arg7[%swap3A_325, %swap3A_326] {strides = array<i32>} : memref<2x128xi32, #tpu.memory_space<vmem>>, vector<1x16xi32>,
    %swap3A_328 = vector.shape_cast %swap3A_327 : vector<1x16xi32> to vector<16xi32>
    %swap3A_329 = vector.shape_cast %shift_right_arithmetic3A_323 : vector<16xi32> to vector<1x16xi32>
    tpu.vector_store %arg7[%swap3A_325, %swap3A_326], %swap3A_329 {strides = array<i32>} : memref<2x128xi32, #tpu.memory_space<vmem>>, vector<1x16xi32>,
    %get3A_330 = arith.constant 1 : i32
    %get3A_331 = arith.index_cast %get3A_330 : i32 to index
    %get3A_332 = arith.constant 80 : index
    %get3A_333 = tpu.vector_load %arg5[%get3A_331, %get3A_332] {strides = array<i32>} : memref<80x128xi32, #tpu.memory_space<vmem>>, vector<1x16xi32>,
    %get3A_334 = vector.shape_cast %get3A_333 : vector<1x16xi32> to vector<16xi32>
    %and3A_335 = arith.constant 65535 : i32
    %and3A_336 = vector.broadcast %and3A_335 : i32 to vector<16xi32>
    %and3A_337 = arith.andi %get3A_334, %and3A_336 : vector<16xi32>
    %swap3A_338 = arith.constant 1 : i32
    %swap3A_339 = arith.index_cast %swap3A_338 : i32 to index
    %swap3A_340 = arith.constant 80 : index
    %swap3A_341 = tpu.vector_load %arg6[%swap3A_339, %swap3A_340] {strides = array<i32>} : memref<2x128xi32, #tpu.memory_space<vmem>>, vector<1x16xi32>,
    %swap3A_342 = vector.shape_cast %swap3A_341 : vector<1x16xi32> to vector<16xi32>
    %swap3A_343 = vector.shape_cast %and3A_337 : vector<16xi32> to vector<1x16xi32>
    tpu.vector_store %arg6[%swap3A_339, %swap3A_340], %swap3A_343 {strides = array<i32>} : memref<2x128xi32, #tpu.memory_space<vmem>>, vector<1x16xi32>,
    %shift_right_arithmetic3A_344 = arith.constant 16 : i32
    %shift_right_arithmetic3A_345 = vector.broadcast %shift_right_arithmetic3A_344 : i32 to vector<16xi32>
    %shift_right_arithmetic3A_346 = arith.shrsi %get3A_334, %shift_right_arithmetic3A_345 : vector<16xi32>
    %swap3A_347 = arith.constant 1 : i32
    %swap3A_348 = arith.index_cast %swap3A_347 : i32 to index
    %swap3A_349 = arith.constant 80 : index
    %swap3A_350 = tpu.vector_load %arg7[%swap3A_348, %swap3A_349] {strides = array<i32>} : memref<2x128xi32, #tpu.memory_space<vmem>>, vector<1x16xi32>,
    %swap3A_351 = vector.shape_cast %swap3A_350 : vector<1x16xi32> to vector<16xi32>
    %swap3A_352 = vector.shape_cast %shift_right_arithmetic3A_346 : vector<16xi32> to vector<1x16xi32>
    tpu.vector_store %arg7[%swap3A_348, %swap3A_349], %swap3A_352 {strides = array<i32>} : memref<2x128xi32, #tpu.memory_space<vmem>>, vector<1x16xi32>,
    %get3A_353 = arith.constant 1 : i32
    %get3A_354 = arith.index_cast %get3A_353 : i32 to index
    %get3A_355 = arith.constant 96 : index
    %get3A_356 = tpu.vector_load %arg5[%get3A_354, %get3A_355] {strides = array<i32>} : memref<80x128xi32, #tpu.memory_space<vmem>>, vector<1x16xi32>,
    %get3A_357 = vector.shape_cast %get3A_356 : vector<1x16xi32> to vector<16xi32>
    %and3A_358 = arith.constant 65535 : i32
    %and3A_359 = vector.broadcast %and3A_358 : i32 to vector<16xi32>
    %and3A_360 = arith.andi %get3A_357, %and3A_359 : vector<16xi32>
    %swap3A_361 = arith.constant 1 : i32
    %swap3A_362 = arith.index_cast %swap3A_361 : i32 to index
    %swap3A_363 = arith.constant 96 : index
    %swap3A_364 = tpu.vector_load %arg6[%swap3A_362, %swap3A_363] {strides = array<i32>} : memref<2x128xi32, #tpu.memory_space<vmem>>, vector<1x16xi32>,
    %swap3A_365 = vector.shape_cast %swap3A_364 : vector<1x16xi32> to vector<16xi32>
    %swap3A_366 = vector.shape_cast %and3A_360 : vector<16xi32> to vector<1x16xi32>
    tpu.vector_store %arg6[%swap3A_362, %swap3A_363], %swap3A_366 {strides = array<i32>} : memref<2x128xi32, #tpu.memory_space<vmem>>, vector<1x16xi32>,
    %shift_right_arithmetic3A_367 = arith.constant 16 : i32
    %shift_right_arithmetic3A_368 = vector.broadcast %shift_right_arithmetic3A_367 : i32 to vector<16xi32>
    %shift_right_arithmetic3A_369 = arith.shrsi %get3A_357, %shift_right_arithmetic3A_368 : vector<16xi32>
    %swap3A_370 = arith.constant 1 : i32
    %swap3A_371 = arith.index_cast %swap3A_370 : i32 to index
    %swap3A_372 = arith.constant 96 : index
    %swap3A_373 = tpu.vector_load %arg7[%swap3A_371, %swap3A_372] {strides = array<i32>} : memref<2x128xi32, #tpu.memory_space<vmem>>, vector<1x16xi32>,
    %swap3A_374 = vector.shape_cast %swap3A_373 : vector<1x16xi32> to vector<16xi32>
    %swap3A_375 = vector.shape_cast %shift_right_arithmetic3A_369 : vector<16xi32> to vector<1x16xi32>
    tpu.vector_store %arg7[%swap3A_371, %swap3A_372], %swap3A_375 {strides = array<i32>} : memref<2x128xi32, #tpu.memory_space<vmem>>, vector<1x16xi32>,
    %get3A_376 = arith.constant 1 : i32
    %get3A_377 = arith.index_cast %get3A_376 : i32 to index
    %get3A_378 = arith.constant 112 : index
    %get3A_379 = tpu.vector_load %arg5[%get3A_377, %get3A_378] {strides = array<i32>} : memref<80x128xi32, #tpu.memory_space<vmem>>, vector<1x16xi32>,
    %get3A_380 = vector.shape_cast %get3A_379 : vector<1x16xi32> to vector<16xi32>
    %and3A_381 = arith.constant 65535 : i32
    %and3A_382 = vector.broadcast %and3A_381 : i32 to vector<16xi32>
    %and3A_383 = arith.andi %get3A_380, %and3A_382 : vector<16xi32>
    %swap3A_384 = arith.constant 1 : i32
    %swap3A_385 = arith.index_cast %swap3A_384 : i32 to index
    %swap3A_386 = arith.constant 112 : index
    %swap3A_387 = tpu.vector_load %arg6[%swap3A_385, %swap3A_386] {strides = array<i32>} : memref<2x128xi32, #tpu.memory_space<vmem>>, vector<1x16xi32>,
    %swap3A_388 = vector.shape_cast %swap3A_387 : vector<1x16xi32> to vector<16xi32>
    %swap3A_389 = vector.shape_cast %and3A_383 : vector<16xi32> to vector<1x16xi32>
    tpu.vector_store %arg6[%swap3A_385, %swap3A_386], %swap3A_389 {strides = array<i32>} : memref<2x128xi32, #tpu.memory_space<vmem>>, vector<1x16xi32>,
    %shift_right_arithmetic3A_390 = arith.constant 16 : i32
    %shift_right_arithmetic3A_391 = vector.broadcast %shift_right_arithmetic3A_390 : i32 to vector<16xi32>
    %shift_right_arithmetic3A_392 = arith.shrsi %get3A_380, %shift_right_arithmetic3A_391 : vector<16xi32>
    %swap3A_393 = arith.constant 1 : i32
    %swap3A_394 = arith.index_cast %swap3A_393 : i32 to index
    %swap3A_395 = arith.constant 112 : index
    %swap3A_396 = tpu.vector_load %arg7[%swap3A_394, %swap3A_395] {strides = array<i32>} : memref<2x128xi32, #tpu.memory_space<vmem>>, vector<1x16xi32>,
    %swap3A_397 = vector.shape_cast %swap3A_396 : vector<1x16xi32> to vector<16xi32>
    %swap3A_398 = vector.shape_cast %shift_right_arithmetic3A_392 : vector<16xi32> to vector<1x16xi32>
    tpu.vector_store %arg7[%swap3A_394, %swap3A_395], %swap3A_398 {strides = array<i32>} : memref<2x128xi32, #tpu.memory_space<vmem>>, vector<1x16xi32>,
    %dma_start3A_399 = arith.constant 1 : i32
    %dma_start3A_400 = arith.constant 0 : i32
    %dma_start3A_401 = tpu.memref_slice %arg6[%dma_start3A_399, %dma_start3A_400] : memref<2x128xi32, #tpu.memory_space<vmem>> -> memref<1x128xi32, #tpu.memory_space<vmem>>
    %dma_start3A_402 = tpu.memref_squeeze %dma_start3A_401 : memref<1x128xi32, #tpu.memory_space<vmem>> -> memref<128xi32, #tpu.memory_space<vmem>>
    %dma_start3A_403 = arith.constant 0 : i32
    %dma_start3A_404 = arith.constant 0 : i32
    %dma_start3A_405 = tpu.memref_slice %arg2[%dma_start3A_403, %dma_start3A_404] : memref<10240x128xf32, #tpu.memory_space<hbm>> -> memref<10240x128xf32, #tpu.memory_space<hbm>>
    tpu.enqueue_indirect_dma source(%dma_start3A_405 : memref<10240x128xf32, #tpu.memory_space<hbm>>) target(%arg9 : memref<128x128xf32, #tpu.memory_space<vmem>>) offsets(%dma_start3A_402 : memref<128xi32, #tpu.memory_space<vmem>>) semaphore(%arg12 : memref<!tpu.dma_semaphore, #tpu.memory_space<semaphore_mem>>)
    %scan3A_406 = arith.constant 0 : i32
    %scan3A_407 = arith.constant 0 : i32
    %scan3A_408 = arith.constant 39 : i32
    %scan3A_409 = arith.addi %scan3A_407, %scan3A_408 : i32
    %scan3A_410 = arith.constant 1 : i32
    scf.for %scan3A_447 = %scan3A_407 to %scan3A_409 step %scan3A_410  : i32 {
      %mul3A_448 = arith.constant 2 : i32
      %mul3A_449 = arith.muli %scan3A_447, %mul3A_448 : i32
      %add3A_450 = arith.constant 0 : i32
      %add3A_451 = arith.addi %mul3A_449, %add3A_450 : i32
      %dma_wait3A_452 = arith.constant 0 : i32
      %dma_wait3A_453 = arith.constant 0 : i32
      %dma_wait3A_454 = tpu.memref_slice %arg6[%dma_wait3A_452, %dma_wait3A_453] : memref<2x128xi32, #tpu.memory_space<vmem>> -> memref<1x128xi32, #tpu.memory_space<vmem>>
      %dma_wait3A_455 = tpu.memref_squeeze %dma_wait3A_454 : memref<1x128xi32, #tpu.memory_space<vmem>> -> memref<128xi32, #tpu.memory_space<vmem>>
      %dma_wait3A_456 = arith.constant 0 : i32
      %dma_wait3A_457 = arith.constant 0 : i32
      %dma_wait3A_458 = tpu.memref_slice %arg2[%dma_wait3A_456, %dma_wait3A_457] : memref<10240x128xf32, #tpu.memory_space<hbm>> -> memref<10240x128xf32, #tpu.memory_space<hbm>>
      tpu.wait_indirect_dma semaphore(%arg11 : memref<!tpu.dma_semaphore, #tpu.memory_space<semaphore_mem>>) src(%dma_wait3A_458 : memref<10240x128xf32, #tpu.memory_space<hbm>>) dst(%arg8 : memref<128x128xf32, #tpu.memory_space<vmem>>)
      %run_scoped3A_459 = arith.constant 0 : i32
      "tpu.region"() ({
        %run_scoped3A_842 = tpu.sem_alloc : memref<!tpu.dma_semaphore, #tpu.memory_space<semaphore_mem>>
        %dma_start3A_843 = arith.constant 0 : i32
        %dma_start3A_844 = tpu.memref_slice %arg7[%run_scoped3A_459, %dma_start3A_843] : memref<2x128xi32, #tpu.memory_space<vmem>> -> memref<1x128xi32, #tpu.memory_space<vmem>>
        %dma_start3A_845 = tpu.memref_squeeze %dma_start3A_844 : memref<1x128xi32, #tpu.memory_space<vmem>> -> memref<128xi32, #tpu.memory_space<vmem>>
        %dma_start3A_846 = arith.constant 0 : i32
        %dma_start3A_847 = arith.constant 0 : i32
        %dma_start3A_848 = tpu.memref_slice %arg10[%dma_start3A_846, %dma_start3A_847] : memref<10240x128xf32, #tpu.memory_space<vmem_shared>> -> memref<10240x128xf32, #tpu.memory_space<vmem_shared>>
        tpu.enqueue_indirect_dma source(%arg8 : memref<128x128xf32, #tpu.memory_space<vmem>>) target(%dma_start3A_848 : memref<10240x128xf32, #tpu.memory_space<vmem_shared>>) offsets(%dma_start3A_845 : memref<128xi32, #tpu.memory_space<vmem>>) semaphore(%run_scoped3A_842 : memref<!tpu.dma_semaphore, #tpu.memory_space<semaphore_mem>>) {add = true}
        %dma_wait3A_849 = arith.constant 0 : i32
        %dma_wait3A_850 = tpu.memref_slice %arg7[%run_scoped3A_459, %dma_wait3A_849] : memref<2x128xi32, #tpu.memory_space<vmem>> -> memref<1x128xi32, #tpu.memory_space<vmem>>
        %dma_wait3A_851 = tpu.memref_squeeze %dma_wait3A_850 : memref<1x128xi32, #tpu.memory_space<vmem>> -> memref<128xi32, #tpu.memory_space<vmem>>
        %dma_wait3A_852 = arith.constant 0 : i32
        %dma_wait3A_853 = arith.constant 0 : i32
        %dma_wait3A_854 = tpu.memref_slice %arg10[%dma_wait3A_852, %dma_wait3A_853] : memref<10240x128xf32, #tpu.memory_space<vmem_shared>> -> memref<10240x128xf32, #tpu.memory_space<vmem_shared>>
        tpu.wait_indirect_dma semaphore(%run_scoped3A_842 : memref<!tpu.dma_semaphore, #tpu.memory_space<semaphore_mem>>) src(%arg8 : memref<128x128xf32, #tpu.memory_space<vmem>>) dst(%dma_wait3A_854 : memref<10240x128xf32, #tpu.memory_space<vmem_shared>>)
        tpu.yield
      }) : () -> ()
      %add3A_460 = arith.constant 2 : i32
      %add3A_461 = arith.addi %add3A_451, %add3A_460 : i32
      %get3A_462 = arith.index_cast %add3A_461 : i32 to index
      %get3A_463 = arith.constant 0 : index
      %get3A_464 = tpu.vector_load %arg5[%get3A_462, %get3A_463] {strides = array<i32>} : memref<80x128xi32, #tpu.memory_space<vmem>>, vector<1x16xi32>,
      %get3A_465 = vector.shape_cast %get3A_464 : vector<1x16xi32> to vector<16xi32>
      %and3A_466 = arith.constant 65535 : i32
      %and3A_467 = vector.broadcast %and3A_466 : i32 to vector<16xi32>
      %and3A_468 = arith.andi %get3A_465, %and3A_467 : vector<16xi32>
      %swap3A_469 = arith.constant 0 : i32
      %swap3A_470 = arith.index_cast %swap3A_469 : i32 to index
      %swap3A_471 = arith.constant 0 : index
      %swap3A_472 = tpu.vector_load %arg6[%swap3A_470, %swap3A_471] {strides = array<i32>} : memref<2x128xi32, #tpu.memory_space<vmem>>, vector<1x16xi32>,
      %swap3A_473 = vector.shape_cast %swap3A_472 : vector<1x16xi32> to vector<16xi32>
      %swap3A_474 = vector.shape_cast %and3A_468 : vector<16xi32> to vector<1x16xi32>
      tpu.vector_store %arg6[%swap3A_470, %swap3A_471], %swap3A_474 {strides = array<i32>} : memref<2x128xi32, #tpu.memory_space<vmem>>, vector<1x16xi32>,
      %shift_right_arithmetic3A_475 = arith.constant 16 : i32
      %shift_right_arithmetic3A_476 = vector.broadcast %shift_right_arithmetic3A_475 : i32 to vector<16xi32>
      %shift_right_arithmetic3A_477 = arith.shrsi %get3A_465, %shift_right_arithmetic3A_476 : vector<16xi32>
      %swap3A_478 = arith.constant 0 : i32
      %swap3A_479 = arith.index_cast %swap3A_478 : i32 to index
      %swap3A_480 = arith.constant 0 : index
      %swap3A_481 = tpu.vector_load %arg7[%swap3A_479, %swap3A_480] {strides = array<i32>} : memref<2x128xi32, #tpu.memory_space<vmem>>, vector<1x16xi32>,
      %swap3A_482 = vector.shape_cast %swap3A_481 : vector<1x16xi32> to vector<16xi32>
      %swap3A_483 = vector.shape_cast %shift_right_arithmetic3A_477 : vector<16xi32> to vector<1x16xi32>
      tpu.vector_store %arg7[%swap3A_479, %swap3A_480], %swap3A_483 {strides = array<i32>} : memref<2x128xi32, #tpu.memory_space<vmem>>, vector<1x16xi32>,
      %get3A_484 = arith.index_cast %add3A_461 : i32 to index
      %get3A_485 = arith.constant 16 : index
      %get3A_486 = tpu.vector_load %arg5[%get3A_484, %get3A_485] {strides = array<i32>} : memref<80x128xi32, #tpu.memory_space<vmem>>, vector<1x16xi32>,
      %get3A_487 = vector.shape_cast %get3A_486 : vector<1x16xi32> to vector<16xi32>
      %and3A_488 = arith.constant 65535 : i32
      %and3A_489 = vector.broadcast %and3A_488 : i32 to vector<16xi32>
      %and3A_490 = arith.andi %get3A_487, %and3A_489 : vector<16xi32>
      %swap3A_491 = arith.constant 0 : i32
      %swap3A_492 = arith.index_cast %swap3A_491 : i32 to index
      %swap3A_493 = arith.constant 16 : index
      %swap3A_494 = tpu.vector_load %arg6[%swap3A_492, %swap3A_493] {strides = array<i32>} : memref<2x128xi32, #tpu.memory_space<vmem>>, vector<1x16xi32>,
      %swap3A_495 = vector.shape_cast %swap3A_494 : vector<1x16xi32> to vector<16xi32>
      %swap3A_496 = vector.shape_cast %and3A_490 : vector<16xi32> to vector<1x16xi32>
      tpu.vector_store %arg6[%swap3A_492, %swap3A_493], %swap3A_496 {strides = array<i32>} : memref<2x128xi32, #tpu.memory_space<vmem>>, vector<1x16xi32>,
      %shift_right_arithmetic3A_497 = arith.constant 16 : i32
      %shift_right_arithmetic3A_498 = vector.broadcast %shift_right_arithmetic3A_497 : i32 to vector<16xi32>
      %shift_right_arithmetic3A_499 = arith.shrsi %get3A_487, %shift_right_arithmetic3A_498 : vector<16xi32>
      %swap3A_500 = arith.constant 0 : i32
      %swap3A_501 = arith.index_cast %swap3A_500 : i32 to index
      %swap3A_502 = arith.constant 16 : index
      %swap3A_503 = tpu.vector_load %arg7[%swap3A_501, %swap3A_502] {strides = array<i32>} : memref<2x128xi32, #tpu.memory_space<vmem>>, vector<1x16xi32>,
      %swap3A_504 = vector.shape_cast %swap3A_503 : vector<1x16xi32> to vector<16xi32>
      %swap3A_505 = vector.shape_cast %shift_right_arithmetic3A_499 : vector<16xi32> to vector<1x16xi32>
      tpu.vector_store %arg7[%swap3A_501, %swap3A_502], %swap3A_505 {strides = array<i32>} : memref<2x128xi32, #tpu.memory_space<vmem>>, vector<1x16xi32>,
      %get3A_506 = arith.index_cast %add3A_461 : i32 to index
      %get3A_507 = arith.constant 32 : index
      %get3A_508 = tpu.vector_load %arg5[%get3A_506, %get3A_507] {strides = array<i32>} : memref<80x128xi32, #tpu.memory_space<vmem>>, vector<1x16xi32>,
      %get3A_509 = vector.shape_cast %get3A_508 : vector<1x16xi32> to vector<16xi32>
      %and3A_510 = arith.constant 65535 : i32
      %and3A_511 = vector.broadcast %and3A_510 : i32 to vector<16xi32>
      %and3A_512 = arith.andi %get3A_509, %and3A_511 : vector<16xi32>
      %swap3A_513 = arith.constant 0 : i32
      %swap3A_514 = arith.index_cast %swap3A_513 : i32 to index
      %swap3A_515 = arith.constant 32 : index
      %swap3A_516 = tpu.vector_load %arg6[%swap3A_514, %swap3A_515] {strides = array<i32>} : memref<2x128xi32, #tpu.memory_space<vmem>>, vector<1x16xi32>,
      %swap3A_517 = vector.shape_cast %swap3A_516 : vector<1x16xi32> to vector<16xi32>
      %swap3A_518 = vector.shape_cast %and3A_512 : vector<16xi32> to vector<1x16xi32>
      tpu.vector_store %arg6[%swap3A_514, %swap3A_515], %swap3A_518 {strides = array<i32>} : memref<2x128xi32, #tpu.memory_space<vmem>>, vector<1x16xi32>,
      %shift_right_arithmetic3A_519 = arith.constant 16 : i32
      %shift_right_arithmetic3A_520 = vector.broadcast %shift_right_arithmetic3A_519 : i32 to vector<16xi32>
      %shift_right_arithmetic3A_521 = arith.shrsi %get3A_509, %shift_right_arithmetic3A_520 : vector<16xi32>
      %swap3A_522 = arith.constant 0 : i32
      %swap3A_523 = arith.index_cast %swap3A_522 : i32 to index
      %swap3A_524 = arith.constant 32 : index
      %swap3A_525 = tpu.vector_load %arg7[%swap3A_523, %swap3A_524] {strides = array<i32>} : memref<2x128xi32, #tpu.memory_space<vmem>>, vector<1x16xi32>,
      %swap3A_526 = vector.shape_cast %swap3A_525 : vector<1x16xi32> to vector<16xi32>
      %swap3A_527 = vector.shape_cast %shift_right_arithmetic3A_521 : vector<16xi32> to vector<1x16xi32>
      tpu.vector_store %arg7[%swap3A_523, %swap3A_524], %swap3A_527 {strides = array<i32>} : memref<2x128xi32, #tpu.memory_space<vmem>>, vector<1x16xi32>,
      %get3A_528 = arith.index_cast %add3A_461 : i32 to index
      %get3A_529 = arith.constant 48 : index
      %get3A_530 = tpu.vector_load %arg5[%get3A_528, %get3A_529] {strides = array<i32>} : memref<80x128xi32, #tpu.memory_space<vmem>>, vector<1x16xi32>,
      %get3A_531 = vector.shape_cast %get3A_530 : vector<1x16xi32> to vector<16xi32>
      %and3A_532 = arith.constant 65535 : i32
      %and3A_533 = vector.broadcast %and3A_532 : i32 to vector<16xi32>
      %and3A_534 = arith.andi %get3A_531, %and3A_533 : vector<16xi32>
      %swap3A_535 = arith.constant 0 : i32
      %swap3A_536 = arith.index_cast %swap3A_535 : i32 to index
      %swap3A_537 = arith.constant 48 : index
      %swap3A_538 = tpu.vector_load %arg6[%swap3A_536, %swap3A_537] {strides = array<i32>} : memref<2x128xi32, #tpu.memory_space<vmem>>, vector<1x16xi32>,
      %swap3A_539 = vector.shape_cast %swap3A_538 : vector<1x16xi32> to vector<16xi32>
      %swap3A_540 = vector.shape_cast %and3A_534 : vector<16xi32> to vector<1x16xi32>
      tpu.vector_store %arg6[%swap3A_536, %swap3A_537], %swap3A_540 {strides = array<i32>} : memref<2x128xi32, #tpu.memory_space<vmem>>, vector<1x16xi32>,
      %shift_right_arithmetic3A_541 = arith.constant 16 : i32
      %shift_right_arithmetic3A_542 = vector.broadcast %shift_right_arithmetic3A_541 : i32 to vector<16xi32>
      %shift_right_arithmetic3A_543 = arith.shrsi %get3A_531, %shift_right_arithmetic3A_542 : vector<16xi32>
      %swap3A_544 = arith.constant 0 : i32
      %swap3A_545 = arith.index_cast %swap3A_544 : i32 to index
      %swap3A_546 = arith.constant 48 : index
      %swap3A_547 = tpu.vector_load %arg7[%swap3A_545, %swap3A_546] {strides = array<i32>} : memref<2x128xi32, #tpu.memory_space<vmem>>, vector<1x16xi32>,
      %swap3A_548 = vector.shape_cast %swap3A_547 : vector<1x16xi32> to vector<16xi32>
      %swap3A_549 = vector.shape_cast %shift_right_arithmetic3A_543 : vector<16xi32> to vector<1x16xi32>
      tpu.vector_store %arg7[%swap3A_545, %swap3A_546], %swap3A_549 {strides = array<i32>} : memref<2x128xi32, #tpu.memory_space<vmem>>, vector<1x16xi32>,
      %get3A_550 = arith.index_cast %add3A_461 : i32 to index
      %get3A_551 = arith.constant 64 : index
      %get3A_552 = tpu.vector_load %arg5[%get3A_550, %get3A_551] {strides = array<i32>} : memref<80x128xi32, #tpu.memory_space<vmem>>, vector<1x16xi32>,
      %get3A_553 = vector.shape_cast %get3A_552 : vector<1x16xi32> to vector<16xi32>
      %and3A_554 = arith.constant 65535 : i32
      %and3A_555 = vector.broadcast %and3A_554 : i32 to vector<16xi32>
      %and3A_556 = arith.andi %get3A_553, %and3A_555 : vector<16xi32>
      %swap3A_557 = arith.constant 0 : i32
      %swap3A_558 = arith.index_cast %swap3A_557 : i32 to index
      %swap3A_559 = arith.constant 64 : index
      %swap3A_560 = tpu.vector_load %arg6[%swap3A_558, %swap3A_559] {strides = array<i32>} : memref<2x128xi32, #tpu.memory_space<vmem>>, vector<1x16xi32>,
      %swap3A_561 = vector.shape_cast %swap3A_560 : vector<1x16xi32> to vector<16xi32>
      %swap3A_562 = vector.shape_cast %and3A_556 : vector<16xi32> to vector<1x16xi32>
      tpu.vector_store %arg6[%swap3A_558, %swap3A_559], %swap3A_562 {strides = array<i32>} : memref<2x128xi32, #tpu.memory_space<vmem>>, vector<1x16xi32>,
      %shift_right_arithmetic3A_563 = arith.constant 16 : i32
      %shift_right_arithmetic3A_564 = vector.broadcast %shift_right_arithmetic3A_563 : i32 to vector<16xi32>
      %shift_right_arithmetic3A_565 = arith.shrsi %get3A_553, %shift_right_arithmetic3A_564 : vector<16xi32>
      %swap3A_566 = arith.constant 0 : i32
      %swap3A_567 = arith.index_cast %swap3A_566 : i32 to index
      %swap3A_568 = arith.constant 64 : index
      %swap3A_569 = tpu.vector_load %arg7[%swap3A_567, %swap3A_568] {strides = array<i32>} : memref<2x128xi32, #tpu.memory_space<vmem>>, vector<1x16xi32>,
      %swap3A_570 = vector.shape_cast %swap3A_569 : vector<1x16xi32> to vector<16xi32>
      %swap3A_571 = vector.shape_cast %shift_right_arithmetic3A_565 : vector<16xi32> to vector<1x16xi32>
      tpu.vector_store %arg7[%swap3A_567, %swap3A_568], %swap3A_571 {strides = array<i32>} : memref<2x128xi32, #tpu.memory_space<vmem>>, vector<1x16xi32>,
      %get3A_572 = arith.index_cast %add3A_461 : i32 to index
      %get3A_573 = arith.constant 80 : index
      %get3A_574 = tpu.vector_load %arg5[%get3A_572, %get3A_573] {strides = array<i32>} : memref<80x128xi32, #tpu.memory_space<vmem>>, vector<1x16xi32>,
      %get3A_575 = vector.shape_cast %get3A_574 : vector<1x16xi32> to vector<16xi32>
      %and3A_576 = arith.constant 65535 : i32
      %and3A_577 = vector.broadcast %and3A_576 : i32 to vector<16xi32>
      %and3A_578 = arith.andi %get3A_575, %and3A_577 : vector<16xi32>
      %swap3A_579 = arith.constant 0 : i32
      %swap3A_580 = arith.index_cast %swap3A_579 : i32 to index
      %swap3A_581 = arith.constant 80 : index
      %swap3A_582 = tpu.vector_load %arg6[%swap3A_580, %swap3A_581] {strides = array<i32>} : memref<2x128xi32, #tpu.memory_space<vmem>>, vector<1x16xi32>,
      %swap3A_583 = vector.shape_cast %swap3A_582 : vector<1x16xi32> to vector<16xi32>
      %swap3A_584 = vector.shape_cast %and3A_578 : vector<16xi32> to vector<1x16xi32>
      tpu.vector_store %arg6[%swap3A_580, %swap3A_581], %swap3A_584 {strides = array<i32>} : memref<2x128xi32, #tpu.memory_space<vmem>>, vector<1x16xi32>,
      %shift_right_arithmetic3A_585 = arith.constant 16 : i32
      %shift_right_arithmetic3A_586 = vector.broadcast %shift_right_arithmetic3A_585 : i32 to vector<16xi32>
      %shift_right_arithmetic3A_587 = arith.shrsi %get3A_575, %shift_right_arithmetic3A_586 : vector<16xi32>
      %swap3A_588 = arith.constant 0 : i32
      %swap3A_589 = arith.index_cast %swap3A_588 : i32 to index
      %swap3A_590 = arith.constant 80 : index
      %swap3A_591 = tpu.vector_load %arg7[%swap3A_589, %swap3A_590] {strides = array<i32>} : memref<2x128xi32, #tpu.memory_space<vmem>>, vector<1x16xi32>,
      %swap3A_592 = vector.shape_cast %swap3A_591 : vector<1x16xi32> to vector<16xi32>
      %swap3A_593 = vector.shape_cast %shift_right_arithmetic3A_587 : vector<16xi32> to vector<1x16xi32>
      tpu.vector_store %arg7[%swap3A_589, %swap3A_590], %swap3A_593 {strides = array<i32>} : memref<2x128xi32, #tpu.memory_space<vmem>>, vector<1x16xi32>,
      %get3A_594 = arith.index_cast %add3A_461 : i32 to index
      %get3A_595 = arith.constant 96 : index
      %get3A_596 = tpu.vector_load %arg5[%get3A_594, %get3A_595] {strides = array<i32>} : memref<80x128xi32, #tpu.memory_space<vmem>>, vector<1x16xi32>,
      %get3A_597 = vector.shape_cast %get3A_596 : vector<1x16xi32> to vector<16xi32>
      %and3A_598 = arith.constant 65535 : i32
      %and3A_599 = vector.broadcast %and3A_598 : i32 to vector<16xi32>
      %and3A_600 = arith.andi %get3A_597, %and3A_599 : vector<16xi32>
      %swap3A_601 = arith.constant 0 : i32
      %swap3A_602 = arith.index_cast %swap3A_601 : i32 to index
      %swap3A_603 = arith.constant 96 : index
      %swap3A_604 = tpu.vector_load %arg6[%swap3A_602, %swap3A_603] {strides = array<i32>} : memref<2x128xi32, #tpu.memory_space<vmem>>, vector<1x16xi32>,
      %swap3A_605 = vector.shape_cast %swap3A_604 : vector<1x16xi32> to vector<16xi32>
      %swap3A_606 = vector.shape_cast %and3A_600 : vector<16xi32> to vector<1x16xi32>
      tpu.vector_store %arg6[%swap3A_602, %swap3A_603], %swap3A_606 {strides = array<i32>} : memref<2x128xi32, #tpu.memory_space<vmem>>, vector<1x16xi32>,
      %shift_right_arithmetic3A_607 = arith.constant 16 : i32
      %shift_right_arithmetic3A_608 = vector.broadcast %shift_right_arithmetic3A_607 : i32 to vector<16xi32>
      %shift_right_arithmetic3A_609 = arith.shrsi %get3A_597, %shift_right_arithmetic3A_608 : vector<16xi32>
      %swap3A_610 = arith.constant 0 : i32
      %swap3A_611 = arith.index_cast %swap3A_610 : i32 to index
      %swap3A_612 = arith.constant 96 : index
      %swap3A_613 = tpu.vector_load %arg7[%swap3A_611, %swap3A_612] {strides = array<i32>} : memref<2x128xi32, #tpu.memory_space<vmem>>, vector<1x16xi32>,
      %swap3A_614 = vector.shape_cast %swap3A_613 : vector<1x16xi32> to vector<16xi32>
      %swap3A_615 = vector.shape_cast %shift_right_arithmetic3A_609 : vector<16xi32> to vector<1x16xi32>
      tpu.vector_store %arg7[%swap3A_611, %swap3A_612], %swap3A_615 {strides = array<i32>} : memref<2x128xi32, #tpu.memory_space<vmem>>, vector<1x16xi32>,
      %get3A_616 = arith.index_cast %add3A_461 : i32 to index
      %get3A_617 = arith.constant 112 : index
      %get3A_618 = tpu.vector_load %arg5[%get3A_616, %get3A_617] {strides = array<i32>} : memref<80x128xi32, #tpu.memory_space<vmem>>, vector<1x16xi32>,
      %get3A_619 = vector.shape_cast %get3A_618 : vector<1x16xi32> to vector<16xi32>
      %and3A_620 = arith.constant 65535 : i32
      %and3A_621 = vector.broadcast %and3A_620 : i32 to vector<16xi32>
      %and3A_622 = arith.andi %get3A_619, %and3A_621 : vector<16xi32>
      %swap3A_623 = arith.constant 0 : i32
      %swap3A_624 = arith.index_cast %swap3A_623 : i32 to index
      %swap3A_625 = arith.constant 112 : index
      %swap3A_626 = tpu.vector_load %arg6[%swap3A_624, %swap3A_625] {strides = array<i32>} : memref<2x128xi32, #tpu.memory_space<vmem>>, vector<1x16xi32>,
      %swap3A_627 = vector.shape_cast %swap3A_626 : vector<1x16xi32> to vector<16xi32>
      %swap3A_628 = vector.shape_cast %and3A_622 : vector<16xi32> to vector<1x16xi32>
      tpu.vector_store %arg6[%swap3A_624, %swap3A_625], %swap3A_628 {strides = array<i32>} : memref<2x128xi32, #tpu.memory_space<vmem>>, vector<1x16xi32>,
      %shift_right_arithmetic3A_629 = arith.constant 16 : i32
      %shift_right_arithmetic3A_630 = vector.broadcast %shift_right_arithmetic3A_629 : i32 to vector<16xi32>
      %shift_right_arithmetic3A_631 = arith.shrsi %get3A_619, %shift_right_arithmetic3A_630 : vector<16xi32>
      %swap3A_632 = arith.constant 0 : i32
      %swap3A_633 = arith.index_cast %swap3A_632 : i32 to index
      %swap3A_634 = arith.constant 112 : index
      %swap3A_635 = tpu.vector_load %arg7[%swap3A_633, %swap3A_634] {strides = array<i32>} : memref<2x128xi32, #tpu.memory_space<vmem>>, vector<1x16xi32>,
      %swap3A_636 = vector.shape_cast %swap3A_635 : vector<1x16xi32> to vector<16xi32>
      %swap3A_637 = vector.shape_cast %shift_right_arithmetic3A_631 : vector<16xi32> to vector<1x16xi32>
      tpu.vector_store %arg7[%swap3A_633, %swap3A_634], %swap3A_637 {strides = array<i32>} : memref<2x128xi32, #tpu.memory_space<vmem>>, vector<1x16xi32>,
      %dma_start3A_638 = arith.constant 0 : i32
      %dma_start3A_639 = arith.constant 0 : i32
      %dma_start3A_640 = tpu.memref_slice %arg6[%dma_start3A_638, %dma_start3A_639] : memref<2x128xi32, #tpu.memory_space<vmem>> -> memref<1x128xi32, #tpu.memory_space<vmem>>
      %dma_start3A_641 = tpu.memref_squeeze %dma_start3A_640 : memref<1x128xi32, #tpu.memory_space<vmem>> -> memref<128xi32, #tpu.memory_space<vmem>>
      %dma_start3A_642 = arith.constant 0 : i32
      %dma_start3A_643 = arith.constant 0 : i32
      %dma_start3A_644 = tpu.memref_slice %arg2[%dma_start3A_642, %dma_start3A_643] : memref<10240x128xf32, #tpu.memory_space<hbm>> -> memref<10240x128xf32, #tpu.memory_space<hbm>>
      tpu.enqueue_indirect_dma source(%dma_start3A_644 : memref<10240x128xf32, #tpu.memory_space<hbm>>) target(%arg8 : memref<128x128xf32, #tpu.memory_space<vmem>>) offsets(%dma_start3A_641 : memref<128xi32, #tpu.memory_space<vmem>>) semaphore(%arg11 : memref<!tpu.dma_semaphore, #tpu.memory_space<semaphore_mem>>)
      %mul3A_645 = arith.constant 2 : i32
      %mul3A_646 = arith.muli %scan3A_447, %mul3A_645 : i32
      %add3A_647 = arith.constant 1 : i32
      %add3A_648 = arith.addi %mul3A_646, %add3A_647 : i32
      %dma_wait3A_649 = arith.constant 1 : i32
      %dma_wait3A_650 = arith.constant 0 : i32
      %dma_wait3A_651 = tpu.memref_slice %arg6[%dma_wait3A_649, %dma_wait3A_650] : memref<2x128xi32, #tpu.memory_space<vmem>> -> memref<1x128xi32, #tpu.memory_space<vmem>>
      %dma_wait3A_652 = tpu.memref_squeeze %dma_wait3A_651 : memref<1x128xi32, #tpu.memory_space<vmem>> -> memref<128xi32, #tpu.memory_space<vmem>>
      %dma_wait3A_653 = arith.constant 0 : i32
      %dma_wait3A_654 = arith.constant 0 : i32
      %dma_wait3A_655 = tpu.memref_slice %arg2[%dma_wait3A_653, %dma_wait3A_654] : memref<10240x128xf32, #tpu.memory_space<hbm>> -> memref<10240x128xf32, #tpu.memory_space<hbm>>
      tpu.wait_indirect_dma semaphore(%arg12 : memref<!tpu.dma_semaphore, #tpu.memory_space<semaphore_mem>>) src(%dma_wait3A_655 : memref<10240x128xf32, #tpu.memory_space<hbm>>) dst(%arg9 : memref<128x128xf32, #tpu.memory_space<vmem>>)
      %run_scoped3A_656 = arith.constant 1 : i32
      "tpu.region"() ({
        %run_scoped3A_842 = tpu.sem_alloc : memref<!tpu.dma_semaphore, #tpu.memory_space<semaphore_mem>>
        %dma_start3A_843 = arith.constant 0 : i32
        %dma_start3A_844 = tpu.memref_slice %arg7[%run_scoped3A_656, %dma_start3A_843] : memref<2x128xi32, #tpu.memory_space<vmem>> -> memref<1x128xi32, #tpu.memory_space<vmem>>
        %dma_start3A_845 = tpu.memref_squeeze %dma_start3A_844 : memref<1x128xi32, #tpu.memory_space<vmem>> -> memref<128xi32, #tpu.memory_space<vmem>>
        %dma_start3A_846 = arith.constant 0 : i32
        %dma_start3A_847 = arith.constant 0 : i32
        %dma_start3A_848 = tpu.memref_slice %arg10[%dma_start3A_846, %dma_start3A_847] : memref<10240x128xf32, #tpu.memory_space<vmem_shared>> -> memref<10240x128xf32, #tpu.memory_space<vmem_shared>>
        tpu.enqueue_indirect_dma source(%arg9 : memref<128x128xf32, #tpu.memory_space<vmem>>) target(%dma_start3A_848 : memref<10240x128xf32, #tpu.memory_space<vmem_shared>>) offsets(%dma_start3A_845 : memref<128xi32, #tpu.memory_space<vmem>>) semaphore(%run_scoped3A_842 : memref<!tpu.dma_semaphore, #tpu.memory_space<semaphore_mem>>) {add = true}
        %dma_wait3A_849 = arith.constant 0 : i32
        %dma_wait3A_850 = tpu.memref_slice %arg7[%run_scoped3A_656, %dma_wait3A_849] : memref<2x128xi32, #tpu.memory_space<vmem>> -> memref<1x128xi32, #tpu.memory_space<vmem>>
        %dma_wait3A_851 = tpu.memref_squeeze %dma_wait3A_850 : memref<1x128xi32, #tpu.memory_space<vmem>> -> memref<128xi32, #tpu.memory_space<vmem>>
        %dma_wait3A_852 = arith.constant 0 : i32
        %dma_wait3A_853 = arith.constant 0 : i32
        %dma_wait3A_854 = tpu.memref_slice %arg10[%dma_wait3A_852, %dma_wait3A_853] : memref<10240x128xf32, #tpu.memory_space<vmem_shared>> -> memref<10240x128xf32, #tpu.memory_space<vmem_shared>>
        tpu.wait_indirect_dma semaphore(%run_scoped3A_842 : memref<!tpu.dma_semaphore, #tpu.memory_space<semaphore_mem>>) src(%arg9 : memref<128x128xf32, #tpu.memory_space<vmem>>) dst(%dma_wait3A_854 : memref<10240x128xf32, #tpu.memory_space<vmem_shared>>)
        tpu.yield
      }) : () -> ()
      %add3A_657 = arith.constant 2 : i32
      %add3A_658 = arith.addi %add3A_648, %add3A_657 : i32
      %get3A_659 = arith.index_cast %add3A_658 : i32 to index
      %get3A_660 = arith.constant 0 : index
      %get3A_661 = tpu.vector_load %arg5[%get3A_659, %get3A_660] {strides = array<i32>} : memref<80x128xi32, #tpu.memory_space<vmem>>, vector<1x16xi32>,
      %get3A_662 = vector.shape_cast %get3A_661 : vector<1x16xi32> to vector<16xi32>
      %and3A_663 = arith.constant 65535 : i32
      %and3A_664 = vector.broadcast %and3A_663 : i32 to vector<16xi32>
      %and3A_665 = arith.andi %get3A_662, %and3A_664 : vector<16xi32>
      %swap3A_666 = arith.constant 1 : i32
      %swap3A_667 = arith.index_cast %swap3A_666 : i32 to index
      %swap3A_668 = arith.constant 0 : index
      %swap3A_669 = tpu.vector_load %arg6[%swap3A_667, %swap3A_668] {strides = array<i32>} : memref<2x128xi32, #tpu.memory_space<vmem>>, vector<1x16xi32>,
      %swap3A_670 = vector.shape_cast %swap3A_669 : vector<1x16xi32> to vector<16xi32>
      %swap3A_671 = vector.shape_cast %and3A_665 : vector<16xi32> to vector<1x16xi32>
      tpu.vector_store %arg6[%swap3A_667, %swap3A_668], %swap3A_671 {strides = array<i32>} : memref<2x128xi32, #tpu.memory_space<vmem>>, vector<1x16xi32>,
      %shift_right_arithmetic3A_672 = arith.constant 16 : i32
      %shift_right_arithmetic3A_673 = vector.broadcast %shift_right_arithmetic3A_672 : i32 to vector<16xi32>
      %shift_right_arithmetic3A_674 = arith.shrsi %get3A_662, %shift_right_arithmetic3A_673 : vector<16xi32>
      %swap3A_675 = arith.constant 1 : i32
      %swap3A_676 = arith.index_cast %swap3A_675 : i32 to index
      %swap3A_677 = arith.constant 0 : index
      %swap3A_678 = tpu.vector_load %arg7[%swap3A_676, %swap3A_677] {strides = array<i32>} : memref<2x128xi32, #tpu.memory_space<vmem>>, vector<1x16xi32>,
      %swap3A_679 = vector.shape_cast %swap3A_678 : vector<1x16xi32> to vector<16xi32>
      %swap3A_680 = vector.shape_cast %shift_right_arithmetic3A_674 : vector<16xi32> to vector<1x16xi32>
      tpu.vector_store %arg7[%swap3A_676, %swap3A_677], %swap3A_680 {strides = array<i32>} : memref<2x128xi32, #tpu.memory_space<vmem>>, vector<1x16xi32>,
      %get3A_681 = arith.index_cast %add3A_658 : i32 to index
      %get3A_682 = arith.constant 16 : index
      %get3A_683 = tpu.vector_load %arg5[%get3A_681, %get3A_682] {strides = array<i32>} : memref<80x128xi32, #tpu.memory_space<vmem>>, vector<1x16xi32>,
      %get3A_684 = vector.shape_cast %get3A_683 : vector<1x16xi32> to vector<16xi32>
      %and3A_685 = arith.constant 65535 : i32
      %and3A_686 = vector.broadcast %and3A_685 : i32 to vector<16xi32>
      %and3A_687 = arith.andi %get3A_684, %and3A_686 : vector<16xi32>
      %swap3A_688 = arith.constant 1 : i32
      %swap3A_689 = arith.index_cast %swap3A_688 : i32 to index
      %swap3A_690 = arith.constant 16 : index
      %swap3A_691 = tpu.vector_load %arg6[%swap3A_689, %swap3A_690] {strides = array<i32>} : memref<2x128xi32, #tpu.memory_space<vmem>>, vector<1x16xi32>,
      %swap3A_692 = vector.shape_cast %swap3A_691 : vector<1x16xi32> to vector<16xi32>
      %swap3A_693 = vector.shape_cast %and3A_687 : vector<16xi32> to vector<1x16xi32>
      tpu.vector_store %arg6[%swap3A_689, %swap3A_690], %swap3A_693 {strides = array<i32>} : memref<2x128xi32, #tpu.memory_space<vmem>>, vector<1x16xi32>,
      %shift_right_arithmetic3A_694 = arith.constant 16 : i32
      %shift_right_arithmetic3A_695 = vector.broadcast %shift_right_arithmetic3A_694 : i32 to vector<16xi32>
      %shift_right_arithmetic3A_696 = arith.shrsi %get3A_684, %shift_right_arithmetic3A_695 : vector<16xi32>
      %swap3A_697 = arith.constant 1 : i32
      %swap3A_698 = arith.index_cast %swap3A_697 : i32 to index
      %swap3A_699 = arith.constant 16 : index
      %swap3A_700 = tpu.vector_load %arg7[%swap3A_698, %swap3A_699] {strides = array<i32>} : memref<2x128xi32, #tpu.memory_space<vmem>>, vector<1x16xi32>,
      %swap3A_701 = vector.shape_cast %swap3A_700 : vector<1x16xi32> to vector<16xi32>
      %swap3A_702 = vector.shape_cast %shift_right_arithmetic3A_696 : vector<16xi32> to vector<1x16xi32>
      tpu.vector_store %arg7[%swap3A_698, %swap3A_699], %swap3A_702 {strides = array<i32>} : memref<2x128xi32, #tpu.memory_space<vmem>>, vector<1x16xi32>,
      %get3A_703 = arith.index_cast %add3A_658 : i32 to index
      %get3A_704 = arith.constant 32 : index
      %get3A_705 = tpu.vector_load %arg5[%get3A_703, %get3A_704] {strides = array<i32>} : memref<80x128xi32, #tpu.memory_space<vmem>>, vector<1x16xi32>,
      %get3A_706 = vector.shape_cast %get3A_705 : vector<1x16xi32> to vector<16xi32>
      %and3A_707 = arith.constant 65535 : i32
      %and3A_708 = vector.broadcast %and3A_707 : i32 to vector<16xi32>
      %and3A_709 = arith.andi %get3A_706, %and3A_708 : vector<16xi32>
      %swap3A_710 = arith.constant 1 : i32
      %swap3A_711 = arith.index_cast %swap3A_710 : i32 to index
      %swap3A_712 = arith.constant 32 : index
      %swap3A_713 = tpu.vector_load %arg6[%swap3A_711, %swap3A_712] {strides = array<i32>} : memref<2x128xi32, #tpu.memory_space<vmem>>, vector<1x16xi32>,
      %swap3A_714 = vector.shape_cast %swap3A_713 : vector<1x16xi32> to vector<16xi32>
      %swap3A_715 = vector.shape_cast %and3A_709 : vector<16xi32> to vector<1x16xi32>
      tpu.vector_store %arg6[%swap3A_711, %swap3A_712], %swap3A_715 {strides = array<i32>} : memref<2x128xi32, #tpu.memory_space<vmem>>, vector<1x16xi32>,
      %shift_right_arithmetic3A_716 = arith.constant 16 : i32
      %shift_right_arithmetic3A_717 = vector.broadcast %shift_right_arithmetic3A_716 : i32 to vector<16xi32>
      %shift_right_arithmetic3A_718 = arith.shrsi %get3A_706, %shift_right_arithmetic3A_717 : vector<16xi32>
      %swap3A_719 = arith.constant 1 : i32
      %swap3A_720 = arith.index_cast %swap3A_719 : i32 to index
      %swap3A_721 = arith.constant 32 : index
      %swap3A_722 = tpu.vector_load %arg7[%swap3A_720, %swap3A_721] {strides = array<i32>} : memref<2x128xi32, #tpu.memory_space<vmem>>, vector<1x16xi32>,
      %swap3A_723 = vector.shape_cast %swap3A_722 : vector<1x16xi32> to vector<16xi32>
      %swap3A_724 = vector.shape_cast %shift_right_arithmetic3A_718 : vector<16xi32> to vector<1x16xi32>
      tpu.vector_store %arg7[%swap3A_720, %swap3A_721], %swap3A_724 {strides = array<i32>} : memref<2x128xi32, #tpu.memory_space<vmem>>, vector<1x16xi32>,
      %get3A_725 = arith.index_cast %add3A_658 : i32 to index
      %get3A_726 = arith.constant 48 : index
      %get3A_727 = tpu.vector_load %arg5[%get3A_725, %get3A_726] {strides = array<i32>} : memref<80x128xi32, #tpu.memory_space<vmem>>, vector<1x16xi32>,
      %get3A_728 = vector.shape_cast %get3A_727 : vector<1x16xi32> to vector<16xi32>
      %and3A_729 = arith.constant 65535 : i32
      %and3A_730 = vector.broadcast %and3A_729 : i32 to vector<16xi32>
      %and3A_731 = arith.andi %get3A_728, %and3A_730 : vector<16xi32>
      %swap3A_732 = arith.constant 1 : i32
      %swap3A_733 = arith.index_cast %swap3A_732 : i32 to index
      %swap3A_734 = arith.constant 48 : index
      %swap3A_735 = tpu.vector_load %arg6[%swap3A_733, %swap3A_734] {strides = array<i32>} : memref<2x128xi32, #tpu.memory_space<vmem>>, vector<1x16xi32>,
      %swap3A_736 = vector.shape_cast %swap3A_735 : vector<1x16xi32> to vector<16xi32>
      %swap3A_737 = vector.shape_cast %and3A_731 : vector<16xi32> to vector<1x16xi32>
      tpu.vector_store %arg6[%swap3A_733, %swap3A_734], %swap3A_737 {strides = array<i32>} : memref<2x128xi32, #tpu.memory_space<vmem>>, vector<1x16xi32>,
      %shift_right_arithmetic3A_738 = arith.constant 16 : i32
      %shift_right_arithmetic3A_739 = vector.broadcast %shift_right_arithmetic3A_738 : i32 to vector<16xi32>
      %shift_right_arithmetic3A_740 = arith.shrsi %get3A_728, %shift_right_arithmetic3A_739 : vector<16xi32>
      %swap3A_741 = arith.constant 1 : i32
      %swap3A_742 = arith.index_cast %swap3A_741 : i32 to index
      %swap3A_743 = arith.constant 48 : index
      %swap3A_744 = tpu.vector_load %arg7[%swap3A_742, %swap3A_743] {strides = array<i32>} : memref<2x128xi32, #tpu.memory_space<vmem>>, vector<1x16xi32>,
      %swap3A_745 = vector.shape_cast %swap3A_744 : vector<1x16xi32> to vector<16xi32>
      %swap3A_746 = vector.shape_cast %shift_right_arithmetic3A_740 : vector<16xi32> to vector<1x16xi32>
      tpu.vector_store %arg7[%swap3A_742, %swap3A_743], %swap3A_746 {strides = array<i32>} : memref<2x128xi32, #tpu.memory_space<vmem>>, vector<1x16xi32>,
      %get3A_747 = arith.index_cast %add3A_658 : i32 to index
      %get3A_748 = arith.constant 64 : index
      %get3A_749 = tpu.vector_load %arg5[%get3A_747, %get3A_748] {strides = array<i32>} : memref<80x128xi32, #tpu.memory_space<vmem>>, vector<1x16xi32>,
      %get3A_750 = vector.shape_cast %get3A_749 : vector<1x16xi32> to vector<16xi32>
      %and3A_751 = arith.constant 65535 : i32
      %and3A_752 = vector.broadcast %and3A_751 : i32 to vector<16xi32>
      %and3A_753 = arith.andi %get3A_750, %and3A_752 : vector<16xi32>
      %swap3A_754 = arith.constant 1 : i32
      %swap3A_755 = arith.index_cast %swap3A_754 : i32 to index
      %swap3A_756 = arith.constant 64 : index
      %swap3A_757 = tpu.vector_load %arg6[%swap3A_755, %swap3A_756] {strides = array<i32>} : memref<2x128xi32, #tpu.memory_space<vmem>>, vector<1x16xi32>,
      %swap3A_758 = vector.shape_cast %swap3A_757 : vector<1x16xi32> to vector<16xi32>
      %swap3A_759 = vector.shape_cast %and3A_753 : vector<16xi32> to vector<1x16xi32>
      tpu.vector_store %arg6[%swap3A_755, %swap3A_756], %swap3A_759 {strides = array<i32>} : memref<2x128xi32, #tpu.memory_space<vmem>>, vector<1x16xi32>,
      %shift_right_arithmetic3A_760 = arith.constant 16 : i32
      %shift_right_arithmetic3A_761 = vector.broadcast %shift_right_arithmetic3A_760 : i32 to vector<16xi32>
      %shift_right_arithmetic3A_762 = arith.shrsi %get3A_750, %shift_right_arithmetic3A_761 : vector<16xi32>
      %swap3A_763 = arith.constant 1 : i32
      %swap3A_764 = arith.index_cast %swap3A_763 : i32 to index
      %swap3A_765 = arith.constant 64 : index
      %swap3A_766 = tpu.vector_load %arg7[%swap3A_764, %swap3A_765] {strides = array<i32>} : memref<2x128xi32, #tpu.memory_space<vmem>>, vector<1x16xi32>,
      %swap3A_767 = vector.shape_cast %swap3A_766 : vector<1x16xi32> to vector<16xi32>
      %swap3A_768 = vector.shape_cast %shift_right_arithmetic3A_762 : vector<16xi32> to vector<1x16xi32>
      tpu.vector_store %arg7[%swap3A_764, %swap3A_765], %swap3A_768 {strides = array<i32>} : memref<2x128xi32, #tpu.memory_space<vmem>>, vector<1x16xi32>,
      %get3A_769 = arith.index_cast %add3A_658 : i32 to index
      %get3A_770 = arith.constant 80 : index
      %get3A_771 = tpu.vector_load %arg5[%get3A_769, %get3A_770] {strides = array<i32>} : memref<80x128xi32, #tpu.memory_space<vmem>>, vector<1x16xi32>,
      %get3A_772 = vector.shape_cast %get3A_771 : vector<1x16xi32> to vector<16xi32>
      %and3A_773 = arith.constant 65535 : i32
      %and3A_774 = vector.broadcast %and3A_773 : i32 to vector<16xi32>
      %and3A_775 = arith.andi %get3A_772, %and3A_774 : vector<16xi32>
      %swap3A_776 = arith.constant 1 : i32
      %swap3A_777 = arith.index_cast %swap3A_776 : i32 to index
      %swap3A_778 = arith.constant 80 : index
      %swap3A_779 = tpu.vector_load %arg6[%swap3A_777, %swap3A_778] {strides = array<i32>} : memref<2x128xi32, #tpu.memory_space<vmem>>, vector<1x16xi32>,
      %swap3A_780 = vector.shape_cast %swap3A_779 : vector<1x16xi32> to vector<16xi32>
      %swap3A_781 = vector.shape_cast %and3A_775 : vector<16xi32> to vector<1x16xi32>
      tpu.vector_store %arg6[%swap3A_777, %swap3A_778], %swap3A_781 {strides = array<i32>} : memref<2x128xi32, #tpu.memory_space<vmem>>, vector<1x16xi32>,
      %shift_right_arithmetic3A_782 = arith.constant 16 : i32
      %shift_right_arithmetic3A_783 = vector.broadcast %shift_right_arithmetic3A_782 : i32 to vector<16xi32>
      %shift_right_arithmetic3A_784 = arith.shrsi %get3A_772, %shift_right_arithmetic3A_783 : vector<16xi32>
      %swap3A_785 = arith.constant 1 : i32
      %swap3A_786 = arith.index_cast %swap3A_785 : i32 to index
      %swap3A_787 = arith.constant 80 : index
      %swap3A_788 = tpu.vector_load %arg7[%swap3A_786, %swap3A_787] {strides = array<i32>} : memref<2x128xi32, #tpu.memory_space<vmem>>, vector<1x16xi32>,
      %swap3A_789 = vector.shape_cast %swap3A_788 : vector<1x16xi32> to vector<16xi32>
      %swap3A_790 = vector.shape_cast %shift_right_arithmetic3A_784 : vector<16xi32> to vector<1x16xi32>
      tpu.vector_store %arg7[%swap3A_786, %swap3A_787], %swap3A_790 {strides = array<i32>} : memref<2x128xi32, #tpu.memory_space<vmem>>, vector<1x16xi32>,
      %get3A_791 = arith.index_cast %add3A_658 : i32 to index
      %get3A_792 = arith.constant 96 : index
      %get3A_793 = tpu.vector_load %arg5[%get3A_791, %get3A_792] {strides = array<i32>} : memref<80x128xi32, #tpu.memory_space<vmem>>, vector<1x16xi32>,
      %get3A_794 = vector.shape_cast %get3A_793 : vector<1x16xi32> to vector<16xi32>
      %and3A_795 = arith.constant 65535 : i32
      %and3A_796 = vector.broadcast %and3A_795 : i32 to vector<16xi32>
      %and3A_797 = arith.andi %get3A_794, %and3A_796 : vector<16xi32>
      %swap3A_798 = arith.constant 1 : i32
      %swap3A_799 = arith.index_cast %swap3A_798 : i32 to index
      %swap3A_800 = arith.constant 96 : index
      %swap3A_801 = tpu.vector_load %arg6[%swap3A_799, %swap3A_800] {strides = array<i32>} : memref<2x128xi32, #tpu.memory_space<vmem>>, vector<1x16xi32>,
      %swap3A_802 = vector.shape_cast %swap3A_801 : vector<1x16xi32> to vector<16xi32>
      %swap3A_803 = vector.shape_cast %and3A_797 : vector<16xi32> to vector<1x16xi32>
      tpu.vector_store %arg6[%swap3A_799, %swap3A_800], %swap3A_803 {strides = array<i32>} : memref<2x128xi32, #tpu.memory_space<vmem>>, vector<1x16xi32>,
      %shift_right_arithmetic3A_804 = arith.constant 16 : i32
      %shift_right_arithmetic3A_805 = vector.broadcast %shift_right_arithmetic3A_804 : i32 to vector<16xi32>
      %shift_right_arithmetic3A_806 = arith.shrsi %get3A_794, %shift_right_arithmetic3A_805 : vector<16xi32>
      %swap3A_807 = arith.constant 1 : i32
      %swap3A_808 = arith.index_cast %swap3A_807 : i32 to index
      %swap3A_809 = arith.constant 96 : index
      %swap3A_810 = tpu.vector_load %arg7[%swap3A_808, %swap3A_809] {strides = array<i32>} : memref<2x128xi32, #tpu.memory_space<vmem>>, vector<1x16xi32>,
      %swap3A_811 = vector.shape_cast %swap3A_810 : vector<1x16xi32> to vector<16xi32>
      %swap3A_812 = vector.shape_cast %shift_right_arithmetic3A_806 : vector<16xi32> to vector<1x16xi32>
      tpu.vector_store %arg7[%swap3A_808, %swap3A_809], %swap3A_812 {strides = array<i32>} : memref<2x128xi32, #tpu.memory_space<vmem>>, vector<1x16xi32>,
      %get3A_813 = arith.index_cast %add3A_658 : i32 to index
      %get3A_814 = arith.constant 112 : index
      %get3A_815 = tpu.vector_load %arg5[%get3A_813, %get3A_814] {strides = array<i32>} : memref<80x128xi32, #tpu.memory_space<vmem>>, vector<1x16xi32>,
      %get3A_816 = vector.shape_cast %get3A_815 : vector<1x16xi32> to vector<16xi32>
      %and3A_817 = arith.constant 65535 : i32
      %and3A_818 = vector.broadcast %and3A_817 : i32 to vector<16xi32>
      %and3A_819 = arith.andi %get3A_816, %and3A_818 : vector<16xi32>
      %swap3A_820 = arith.constant 1 : i32
      %swap3A_821 = arith.index_cast %swap3A_820 : i32 to index
      %swap3A_822 = arith.constant 112 : index
      %swap3A_823 = tpu.vector_load %arg6[%swap3A_821, %swap3A_822] {strides = array<i32>} : memref<2x128xi32, #tpu.memory_space<vmem>>, vector<1x16xi32>,
      %swap3A_824 = vector.shape_cast %swap3A_823 : vector<1x16xi32> to vector<16xi32>
      %swap3A_825 = vector.shape_cast %and3A_819 : vector<16xi32> to vector<1x16xi32>
      tpu.vector_store %arg6[%swap3A_821, %swap3A_822], %swap3A_825 {strides = array<i32>} : memref<2x128xi32, #tpu.memory_space<vmem>>, vector<1x16xi32>,
      %shift_right_arithmetic3A_826 = arith.constant 16 : i32
      %shift_right_arithmetic3A_827 = vector.broadcast %shift_right_arithmetic3A_826 : i32 to vector<16xi32>
      %shift_right_arithmetic3A_828 = arith.shrsi %get3A_816, %shift_right_arithmetic3A_827 : vector<16xi32>
      %swap3A_829 = arith.constant 1 : i32
      %swap3A_830 = arith.index_cast %swap3A_829 : i32 to index
      %swap3A_831 = arith.constant 112 : index
      %swap3A_832 = tpu.vector_load %arg7[%swap3A_830, %swap3A_831] {strides = array<i32>} : memref<2x128xi32, #tpu.memory_space<vmem>>, vector<1x16xi32>,
      %swap3A_833 = vector.shape_cast %swap3A_832 : vector<1x16xi32> to vector<16xi32>
      %swap3A_834 = vector.shape_cast %shift_right_arithmetic3A_828 : vector<16xi32> to vector<1x16xi32>
      tpu.vector_store %arg7[%swap3A_830, %swap3A_831], %swap3A_834 {strides = array<i32>} : memref<2x128xi32, #tpu.memory_space<vmem>>, vector<1x16xi32>,
      %dma_start3A_835 = arith.constant 1 : i32
      %dma_start3A_836 = arith.constant 0 : i32
      %dma_start3A_837 = tpu.memref_slice %arg6[%dma_start3A_835, %dma_start3A_836] : memref<2x128xi32, #tpu.memory_space<vmem>> -> memref<1x128xi32, #tpu.memory_space<vmem>>
      %dma_start3A_838 = tpu.memref_squeeze %dma_start3A_837 : memref<1x128xi32, #tpu.memory_space<vmem>> -> memref<128xi32, #tpu.memory_space<vmem>>
      %dma_start3A_839 = arith.constant 0 : i32
      %dma_start3A_840 = arith.constant 0 : i32
      %dma_start3A_841 = tpu.memref_slice %arg2[%dma_start3A_839, %dma_start3A_840] : memref<10240x128xf32, #tpu.memory_space<hbm>> -> memref<10240x128xf32, #tpu.memory_space<hbm>>
      tpu.enqueue_indirect_dma source(%dma_start3A_841 : memref<10240x128xf32, #tpu.memory_space<hbm>>) target(%arg9 : memref<128x128xf32, #tpu.memory_space<vmem>>) offsets(%dma_start3A_838 : memref<128xi32, #tpu.memory_space<vmem>>) semaphore(%arg12 : memref<!tpu.dma_semaphore, #tpu.memory_space<semaphore_mem>>)
    }
    %scan3A_411 = arith.constant 39 : i32
    %dma_wait3A = arith.constant 0 : i32
    %dma_wait3A_412 = arith.constant 0 : i32
    %dma_wait3A_413 = tpu.memref_slice %arg6[%dma_wait3A, %dma_wait3A_412] : memref<2x128xi32, #tpu.memory_space<vmem>> -> memref<1x128xi32, #tpu.memory_space<vmem>>
    %dma_wait3A_414 = tpu.memref_squeeze %dma_wait3A_413 : memref<1x128xi32, #tpu.memory_space<vmem>> -> memref<128xi32, #tpu.memory_space<vmem>>
    %dma_wait3A_415 = arith.constant 0 : i32
    %dma_wait3A_416 = arith.constant 0 : i32
    %dma_wait3A_417 = tpu.memref_slice %arg2[%dma_wait3A_415, %dma_wait3A_416] : memref<10240x128xf32, #tpu.memory_space<hbm>> -> memref<10240x128xf32, #tpu.memory_space<hbm>>
    tpu.wait_indirect_dma semaphore(%arg11 : memref<!tpu.dma_semaphore, #tpu.memory_space<semaphore_mem>>) src(%dma_wait3A_417 : memref<10240x128xf32, #tpu.memory_space<hbm>>) dst(%arg8 : memref<128x128xf32, #tpu.memory_space<vmem>>)
    %run_scoped3A = arith.constant 0 : i32
    "tpu.region"() ({
      %run_scoped3A_447 = tpu.sem_alloc : memref<!tpu.dma_semaphore, #tpu.memory_space<semaphore_mem>>
      %dma_start3A_448 = arith.constant 0 : i32
      %dma_start3A_449 = tpu.memref_slice %arg7[%run_scoped3A, %dma_start3A_448] : memref<2x128xi32, #tpu.memory_space<vmem>> -> memref<1x128xi32, #tpu.memory_space<vmem>>
      %dma_start3A_450 = tpu.memref_squeeze %dma_start3A_449 : memref<1x128xi32, #tpu.memory_space<vmem>> -> memref<128xi32, #tpu.memory_space<vmem>>
      %dma_start3A_451 = arith.constant 0 : i32
      %dma_start3A_452 = arith.constant 0 : i32
      %dma_start3A_453 = tpu.memref_slice %arg10[%dma_start3A_451, %dma_start3A_452] : memref<10240x128xf32, #tpu.memory_space<vmem_shared>> -> memref<10240x128xf32, #tpu.memory_space<vmem_shared>>
      tpu.enqueue_indirect_dma source(%arg8 : memref<128x128xf32, #tpu.memory_space<vmem>>) target(%dma_start3A_453 : memref<10240x128xf32, #tpu.memory_space<vmem_shared>>) offsets(%dma_start3A_450 : memref<128xi32, #tpu.memory_space<vmem>>) semaphore(%run_scoped3A_447 : memref<!tpu.dma_semaphore, #tpu.memory_space<semaphore_mem>>) {add = true}
      %dma_wait3A_454 = arith.constant 0 : i32
      %dma_wait3A_455 = tpu.memref_slice %arg7[%run_scoped3A, %dma_wait3A_454] : memref<2x128xi32, #tpu.memory_space<vmem>> -> memref<1x128xi32, #tpu.memory_space<vmem>>
      %dma_wait3A_456 = tpu.memref_squeeze %dma_wait3A_455 : memref<1x128xi32, #tpu.memory_space<vmem>> -> memref<128xi32, #tpu.memory_space<vmem>>
      %dma_wait3A_457 = arith.constant 0 : i32
      %dma_wait3A_458 = arith.constant 0 : i32
      %dma_wait3A_459 = tpu.memref_slice %arg10[%dma_wait3A_457, %dma_wait3A_458] : memref<10240x128xf32, #tpu.memory_space<vmem_shared>> -> memref<10240x128xf32, #tpu.memory_space<vmem_shared>>
      tpu.wait_indirect_dma semaphore(%run_scoped3A_447 : memref<!tpu.dma_semaphore, #tpu.memory_space<semaphore_mem>>) src(%arg8 : memref<128x128xf32, #tpu.memory_space<vmem>>) dst(%dma_wait3A_459 : memref<10240x128xf32, #tpu.memory_space<vmem_shared>>)
      tpu.yield
    }) : () -> ()
    %dma_wait3A_418 = arith.constant 1 : i32
    %dma_wait3A_419 = arith.constant 0 : i32
    %dma_wait3A_420 = tpu.memref_slice %arg6[%dma_wait3A_418, %dma_wait3A_419] : memref<2x128xi32, #tpu.memory_space<vmem>> -> memref<1x128xi32, #tpu.memory_space<vmem>>
    %dma_wait3A_421 = tpu.memref_squeeze %dma_wait3A_420 : memref<1x128xi32, #tpu.memory_space<vmem>> -> memref<128xi32, #tpu.memory_space<vmem>>
    %dma_wait3A_422 = arith.constant 0 : i32
    %dma_wait3A_423 = arith.constant 0 : i32
    %dma_wait3A_424 = tpu.memref_slice %arg2[%dma_wait3A_422, %dma_wait3A_423] : memref<10240x128xf32, #tpu.memory_space<hbm>> -> memref<10240x128xf32, #tpu.memory_space<hbm>>
    tpu.wait_indirect_dma semaphore(%arg12 : memref<!tpu.dma_semaphore, #tpu.memory_space<semaphore_mem>>) src(%dma_wait3A_424 : memref<10240x128xf32, #tpu.memory_space<hbm>>) dst(%arg9 : memref<128x128xf32, #tpu.memory_space<vmem>>)
    %run_scoped3A_425 = arith.constant 1 : i32
    "tpu.region"() ({
      %run_scoped3A_447 = tpu.sem_alloc : memref<!tpu.dma_semaphore, #tpu.memory_space<semaphore_mem>>
      %dma_start3A_448 = arith.constant 0 : i32
      %dma_start3A_449 = tpu.memref_slice %arg7[%run_scoped3A_425, %dma_start3A_448] : memref<2x128xi32, #tpu.memory_space<vmem>> -> memref<1x128xi32, #tpu.memory_space<vmem>>
      %dma_start3A_450 = tpu.memref_squeeze %dma_start3A_449 : memref<1x128xi32, #tpu.memory_space<vmem>> -> memref<128xi32, #tpu.memory_space<vmem>>
      %dma_start3A_451 = arith.constant 0 : i32
      %dma_start3A_452 = arith.constant 0 : i32
      %dma_start3A_453 = tpu.memref_slice %arg10[%dma_start3A_451, %dma_start3A_452] : memref<10240x128xf32, #tpu.memory_space<vmem_shared>> -> memref<10240x128xf32, #tpu.memory_space<vmem_shared>>
      tpu.enqueue_indirect_dma source(%arg9 : memref<128x128xf32, #tpu.memory_space<vmem>>) target(%dma_start3A_453 : memref<10240x128xf32, #tpu.memory_space<vmem_shared>>) offsets(%dma_start3A_450 : memref<128xi32, #tpu.memory_space<vmem>>) semaphore(%run_scoped3A_447 : memref<!tpu.dma_semaphore, #tpu.memory_space<semaphore_mem>>) {add = true}
      %dma_wait3A_454 = arith.constant 0 : i32
      %dma_wait3A_455 = tpu.memref_slice %arg7[%run_scoped3A_425, %dma_wait3A_454] : memref<2x128xi32, #tpu.memory_space<vmem>> -> memref<1x128xi32, #tpu.memory_space<vmem>>
      %dma_wait3A_456 = tpu.memref_squeeze %dma_wait3A_455 : memref<1x128xi32, #tpu.memory_space<vmem>> -> memref<128xi32, #tpu.memory_space<vmem>>
      %dma_wait3A_457 = arith.constant 0 : i32
      %dma_wait3A_458 = arith.constant 0 : i32
      %dma_wait3A_459 = tpu.memref_slice %arg10[%dma_wait3A_457, %dma_wait3A_458] : memref<10240x128xf32, #tpu.memory_space<vmem_shared>> -> memref<10240x128xf32, #tpu.memory_space<vmem_shared>>
      tpu.wait_indirect_dma semaphore(%run_scoped3A_447 : memref<!tpu.dma_semaphore, #tpu.memory_space<semaphore_mem>>) src(%arg9 : memref<128x128xf32, #tpu.memory_space<vmem>>) dst(%dma_wait3A_459 : memref<10240x128xf32, #tpu.memory_space<vmem_shared>>)
      tpu.yield
    }) : () -> ()
    %barrier3A_426 = arith.constant 0 : index
    tpu.barrier barrier_id(%barrier3A_426)
    %mul3A_427 = arith.constant 640 : i32
    %mul3A_428 = arith.muli %arg1, %mul3A_427 : i32
    %add3A_429 = arith.constant 0 : i32
    %add3A_430 = arith.addi %mul3A_428, %add3A_429 : i32
    "tpu.region"() ({
      %run_scoped3A_447 = tpu.sem_alloc : memref<!tpu.dma_semaphore, #tpu.memory_space<semaphore_mem>>
      %dma_start3A_448 = arith.constant 0 : i32
      %dma_start3A_449 = tpu.memref_slice %arg10[%add3A_430, %dma_start3A_448] : memref<10240x128xf32, #tpu.memory_space<vmem_shared>> -> memref<128x128xf32, #tpu.memory_space<vmem_shared>>
      %dma_start3A_450 = arith.constant 0 : i32
      %dma_start3A_451 = tpu.memref_slice %arg10[%add3A_430, %dma_start3A_450] : memref<10240x128xf32, #tpu.memory_space<vmem_shared>> -> memref<128x128xf32, #tpu.memory_space<vmem_shared>>
      tpu.enqueue_dma source(%dma_start3A_451 : memref<128x128xf32, #tpu.memory_space<vmem_shared>>) target(%arg8 : memref<128x128xf32, #tpu.memory_space<vmem>>) target_semaphore(%run_scoped3A_447 : memref<!tpu.dma_semaphore, #tpu.memory_space<semaphore_mem>>)
      %dma_wait3A_452 = arith.constant 0 : i32
      %dma_wait3A_453 = tpu.memref_slice %arg10[%add3A_430, %dma_wait3A_452] : memref<10240x128xf32, #tpu.memory_space<vmem_shared>> -> memref<128x128xf32, #tpu.memory_space<vmem_shared>>
      %dma_wait3A_454 = arith.constant 0 : i32
      %dma_wait3A_455 = tpu.memref_slice %arg10[%add3A_430, %dma_wait3A_454] : memref<10240x128xf32, #tpu.memory_space<vmem_shared>> -> memref<128x128xf32, #tpu.memory_space<vmem_shared>>
      tpu.wait_dma2 semaphore(%run_scoped3A_447 : memref<!tpu.dma_semaphore, #tpu.memory_space<semaphore_mem>>) src(%dma_wait3A_455 : memref<128x128xf32, #tpu.memory_space<vmem_shared>>) dst(%arg8 : memref<128x128xf32, #tpu.memory_space<vmem>>)
      tpu.yield
    }) : () -> ()
    "tpu.region"() ({
      %run_scoped3A_447 = tpu.sem_alloc : memref<!tpu.dma_semaphore, #tpu.memory_space<semaphore_mem>>
      %dma_start3A_448 = arith.constant 0 : i32
      %dma_start3A_449 = tpu.memref_slice %arg4[%arg0, %add3A_430, %dma_start3A_448] : memref<2x10240x128xf32, #tpu.memory_space<hbm>> -> memref<1x128x128xf32, #tpu.memory_space<hbm>>
      %dma_start3A_450 = tpu.memref_squeeze %dma_start3A_449 : memref<1x128x128xf32, #tpu.memory_space<hbm>> -> memref<128x128xf32, #tpu.memory_space<hbm>>
      %dma_start3A_451 = arith.constant 0 : i32
      %dma_start3A_452 = tpu.memref_slice %arg4[%arg0, %add3A_430, %dma_start3A_451] : memref<2x10240x128xf32, #tpu.memory_space<hbm>> -> memref<1x128x128xf32, #tpu.memory_space<hbm>>
      %dma_start3A_453 = tpu.memref_squeeze %dma_start3A_452 : memref<1x128x128xf32, #tpu.memory_space<hbm>> -> memref<128x128xf32, #tpu.memory_space<hbm>>
      tpu.enqueue_dma source(%arg8 : memref<128x128xf32, #tpu.memory_space<vmem>>) target(%dma_start3A_453 : memref<128x128xf32, #tpu.memory_space<hbm>>) target_semaphore(%run_scoped3A_447 : memref<!tpu.dma_semaphore, #tpu.memory_space<semaphore_mem>>)
      %dma_wait3A_454 = arith.constant 0 : i32
      %dma_wait3A_455 = tpu.memref_slice %arg4[%arg0, %add3A_430, %dma_wait3A_454] : memref<2x10240x128xf32, #tpu.memory_space<hbm>> -> memref<1x128x128xf32, #tpu.memory_space<hbm>>
      %dma_wait3A_456 = tpu.memref_squeeze %dma_wait3A_455 : memref<1x128x128xf32, #tpu.memory_space<hbm>> -> memref<128x128xf32, #tpu.memory_space<hbm>>
      %dma_wait3A_457 = arith.constant 0 : i32
      %dma_wait3A_458 = tpu.memref_slice %arg4[%arg0, %add3A_430, %dma_wait3A_457] : memref<2x10240x128xf32, #tpu.memory_space<hbm>> -> memref<1x128x128xf32, #tpu.memory_space<hbm>>
      %dma_wait3A_459 = tpu.memref_squeeze %dma_wait3A_458 : memref<1x128x128xf32, #tpu.memory_space<hbm>> -> memref<128x128xf32, #tpu.memory_space<hbm>>
      tpu.wait_dma2 semaphore(%run_scoped3A_447 : memref<!tpu.dma_semaphore, #tpu.memory_space<semaphore_mem>>) src(%arg8 : memref<128x128xf32, #tpu.memory_space<vmem>>) dst(%dma_wait3A_459 : memref<128x128xf32, #tpu.memory_space<hbm>>)
      tpu.yield
    }) : () -> ()
    %mul3A_431 = arith.constant 640 : i32
    %mul3A_432 = arith.muli %arg1, %mul3A_431 : i32
    %add3A_433 = arith.constant 128 : i32
    %add3A_434 = arith.addi %mul3A_432, %add3A_433 : i32
    "tpu.region"() ({
      %run_scoped3A_447 = tpu.sem_alloc : memref<!tpu.dma_semaphore, #tpu.memory_space<semaphore_mem>>
      %dma_start3A_448 = arith.constant 0 : i32
      %dma_start3A_449 = tpu.memref_slice %arg10[%add3A_434, %dma_start3A_448] : memref<10240x128xf32, #tpu.memory_space<vmem_shared>> -> memref<128x128xf32, #tpu.memory_space<vmem_shared>>
      %dma_start3A_450 = arith.constant 0 : i32
      %dma_start3A_451 = tpu.memref_slice %arg10[%add3A_434, %dma_start3A_450] : memref<10240x128xf32, #tpu.memory_space<vmem_shared>> -> memref<128x128xf32, #tpu.memory_space<vmem_shared>>
      tpu.enqueue_dma source(%dma_start3A_451 : memref<128x128xf32, #tpu.memory_space<vmem_shared>>) target(%arg8 : memref<128x128xf32, #tpu.memory_space<vmem>>) target_semaphore(%run_scoped3A_447 : memref<!tpu.dma_semaphore, #tpu.memory_space<semaphore_mem>>)
      %dma_wait3A_452 = arith.constant 0 : i32
      %dma_wait3A_453 = tpu.memref_slice %arg10[%add3A_434, %dma_wait3A_452] : memref<10240x128xf32, #tpu.memory_space<vmem_shared>> -> memref<128x128xf32, #tpu.memory_space<vmem_shared>>
      %dma_wait3A_454 = arith.constant 0 : i32
      %dma_wait3A_455 = tpu.memref_slice %arg10[%add3A_434, %dma_wait3A_454] : memref<10240x128xf32, #tpu.memory_space<vmem_shared>> -> memref<128x128xf32, #tpu.memory_space<vmem_shared>>
      tpu.wait_dma2 semaphore(%run_scoped3A_447 : memref<!tpu.dma_semaphore, #tpu.memory_space<semaphore_mem>>) src(%dma_wait3A_455 : memref<128x128xf32, #tpu.memory_space<vmem_shared>>) dst(%arg8 : memref<128x128xf32, #tpu.memory_space<vmem>>)
      tpu.yield
    }) : () -> ()
    "tpu.region"() ({
      %run_scoped3A_447 = tpu.sem_alloc : memref<!tpu.dma_semaphore, #tpu.memory_space<semaphore_mem>>
      %dma_start3A_448 = arith.constant 0 : i32
      %dma_start3A_449 = tpu.memref_slice %arg4[%arg0, %add3A_434, %dma_start3A_448] : memref<2x10240x128xf32, #tpu.memory_space<hbm>> -> memref<1x128x128xf32, #tpu.memory_space<hbm>>
      %dma_start3A_450 = tpu.memref_squeeze %dma_start3A_449 : memref<1x128x128xf32, #tpu.memory_space<hbm>> -> memref<128x128xf32, #tpu.memory_space<hbm>>
      %dma_start3A_451 = arith.constant 0 : i32
      %dma_start3A_452 = tpu.memref_slice %arg4[%arg0, %add3A_434, %dma_start3A_451] : memref<2x10240x128xf32, #tpu.memory_space<hbm>> -> memref<1x128x128xf32, #tpu.memory_space<hbm>>
      %dma_start3A_453 = tpu.memref_squeeze %dma_start3A_452 : memref<1x128x128xf32, #tpu.memory_space<hbm>> -> memref<128x128xf32, #tpu.memory_space<hbm>>
      tpu.enqueue_dma source(%arg8 : memref<128x128xf32, #tpu.memory_space<vmem>>) target(%dma_start3A_453 : memref<128x128xf32, #tpu.memory_space<hbm>>) target_semaphore(%run_scoped3A_447 : memref<!tpu.dma_semaphore, #tpu.memory_space<semaphore_mem>>)
      %dma_wait3A_454 = arith.constant 0 : i32
      %dma_wait3A_455 = tpu.memref_slice %arg4[%arg0, %add3A_434, %dma_wait3A_454] : memref<2x10240x128xf32, #tpu.memory_space<hbm>> -> memref<1x128x128xf32, #tpu.memory_space<hbm>>
      %dma_wait3A_456 = tpu.memref_squeeze %dma_wait3A_455 : memref<1x128x128xf32, #tpu.memory_space<hbm>> -> memref<128x128xf32, #tpu.memory_space<hbm>>
      %dma_wait3A_457 = arith.constant 0 : i32
      %dma_wait3A_458 = tpu.memref_slice %arg4[%arg0, %add3A_434, %dma_wait3A_457] : memref<2x10240x128xf32, #tpu.memory_space<hbm>> -> memref<1x128x128xf32, #tpu.memory_space<hbm>>
      %dma_wait3A_459 = tpu.memref_squeeze %dma_wait3A_458 : memref<1x128x128xf32, #tpu.memory_space<hbm>> -> memref<128x128xf32, #tpu.memory_space<hbm>>
      tpu.wait_dma2 semaphore(%run_scoped3A_447 : memref<!tpu.dma_semaphore, #tpu.memory_space<semaphore_mem>>) src(%arg8 : memref<128x128xf32, #tpu.memory_space<vmem>>) dst(%dma_wait3A_459 : memref<128x128xf32, #tpu.memory_space<hbm>>)
      tpu.yield
    }) : () -> ()
    %mul3A_435 = arith.constant 640 : i32
    %mul3A_436 = arith.muli %arg1, %mul3A_435 : i32
    %add3A_437 = arith.constant 256 : i32
    %add3A_438 = arith.addi %mul3A_436, %add3A_437 : i32
    "tpu.region"() ({
      %run_scoped3A_447 = tpu.sem_alloc : memref<!tpu.dma_semaphore, #tpu.memory_space<semaphore_mem>>
      %dma_start3A_448 = arith.constant 0 : i32
      %dma_start3A_449 = tpu.memref_slice %arg10[%add3A_438, %dma_start3A_448] : memref<10240x128xf32, #tpu.memory_space<vmem_shared>> -> memref<128x128xf32, #tpu.memory_space<vmem_shared>>
      %dma_start3A_450 = arith.constant 0 : i32
      %dma_start3A_451 = tpu.memref_slice %arg10[%add3A_438, %dma_start3A_450] : memref<10240x128xf32, #tpu.memory_space<vmem_shared>> -> memref<128x128xf32, #tpu.memory_space<vmem_shared>>
      tpu.enqueue_dma source(%dma_start3A_451 : memref<128x128xf32, #tpu.memory_space<vmem_shared>>) target(%arg8 : memref<128x128xf32, #tpu.memory_space<vmem>>) target_semaphore(%run_scoped3A_447 : memref<!tpu.dma_semaphore, #tpu.memory_space<semaphore_mem>>)
      %dma_wait3A_452 = arith.constant 0 : i32
      %dma_wait3A_453 = tpu.memref_slice %arg10[%add3A_438, %dma_wait3A_452] : memref<10240x128xf32, #tpu.memory_space<vmem_shared>> -> memref<128x128xf32, #tpu.memory_space<vmem_shared>>
      %dma_wait3A_454 = arith.constant 0 : i32
      %dma_wait3A_455 = tpu.memref_slice %arg10[%add3A_438, %dma_wait3A_454] : memref<10240x128xf32, #tpu.memory_space<vmem_shared>> -> memref<128x128xf32, #tpu.memory_space<vmem_shared>>
      tpu.wait_dma2 semaphore(%run_scoped3A_447 : memref<!tpu.dma_semaphore, #tpu.memory_space<semaphore_mem>>) src(%dma_wait3A_455 : memref<128x128xf32, #tpu.memory_space<vmem_shared>>) dst(%arg8 : memref<128x128xf32, #tpu.memory_space<vmem>>)
      tpu.yield
    }) : () -> ()
    "tpu.region"() ({
      %run_scoped3A_447 = tpu.sem_alloc : memref<!tpu.dma_semaphore, #tpu.memory_space<semaphore_mem>>
      %dma_start3A_448 = arith.constant 0 : i32
      %dma_start3A_449 = tpu.memref_slice %arg4[%arg0, %add3A_438, %dma_start3A_448] : memref<2x10240x128xf32, #tpu.memory_space<hbm>> -> memref<1x128x128xf32, #tpu.memory_space<hbm>>
      %dma_start3A_450 = tpu.memref_squeeze %dma_start3A_449 : memref<1x128x128xf32, #tpu.memory_space<hbm>> -> memref<128x128xf32, #tpu.memory_space<hbm>>
      %dma_start3A_451 = arith.constant 0 : i32
      %dma_start3A_452 = tpu.memref_slice %arg4[%arg0, %add3A_438, %dma_start3A_451] : memref<2x10240x128xf32, #tpu.memory_space<hbm>> -> memref<1x128x128xf32, #tpu.memory_space<hbm>>
      %dma_start3A_453 = tpu.memref_squeeze %dma_start3A_452 : memref<1x128x128xf32, #tpu.memory_space<hbm>> -> memref<128x128xf32, #tpu.memory_space<hbm>>
      tpu.enqueue_dma source(%arg8 : memref<128x128xf32, #tpu.memory_space<vmem>>) target(%dma_start3A_453 : memref<128x128xf32, #tpu.memory_space<hbm>>) target_semaphore(%run_scoped3A_447 : memref<!tpu.dma_semaphore, #tpu.memory_space<semaphore_mem>>)
      %dma_wait3A_454 = arith.constant 0 : i32
      %dma_wait3A_455 = tpu.memref_slice %arg4[%arg0, %add3A_438, %dma_wait3A_454] : memref<2x10240x128xf32, #tpu.memory_space<hbm>> -> memref<1x128x128xf32, #tpu.memory_space<hbm>>
      %dma_wait3A_456 = tpu.memref_squeeze %dma_wait3A_455 : memref<1x128x128xf32, #tpu.memory_space<hbm>> -> memref<128x128xf32, #tpu.memory_space<hbm>>
      %dma_wait3A_457 = arith.constant 0 : i32
      %dma_wait3A_458 = tpu.memref_slice %arg4[%arg0, %add3A_438, %dma_wait3A_457] : memref<2x10240x128xf32, #tpu.memory_space<hbm>> -> memref<1x128x128xf32, #tpu.memory_space<hbm>>
      %dma_wait3A_459 = tpu.memref_squeeze %dma_wait3A_458 : memref<1x128x128xf32, #tpu.memory_space<hbm>> -> memref<128x128xf32, #tpu.memory_space<hbm>>
      tpu.wait_dma2 semaphore(%run_scoped3A_447 : memref<!tpu.dma_semaphore, #tpu.memory_space<semaphore_mem>>) src(%arg8 : memref<128x128xf32, #tpu.memory_space<vmem>>) dst(%dma_wait3A_459 : memref<128x128xf32, #tpu.memory_space<hbm>>)
      tpu.yield
    }) : () -> ()
    %mul3A_439 = arith.constant 640 : i32
    %mul3A_440 = arith.muli %arg1, %mul3A_439 : i32
    %add3A_441 = arith.constant 384 : i32
    %add3A_442 = arith.addi %mul3A_440, %add3A_441 : i32
    "tpu.region"() ({
      %run_scoped3A_447 = tpu.sem_alloc : memref<!tpu.dma_semaphore, #tpu.memory_space<semaphore_mem>>
      %dma_start3A_448 = arith.constant 0 : i32
      %dma_start3A_449 = tpu.memref_slice %arg10[%add3A_442, %dma_start3A_448] : memref<10240x128xf32, #tpu.memory_space<vmem_shared>> -> memref<128x128xf32, #tpu.memory_space<vmem_shared>>
      %dma_start3A_450 = arith.constant 0 : i32
      %dma_start3A_451 = tpu.memref_slice %arg10[%add3A_442, %dma_start3A_450] : memref<10240x128xf32, #tpu.memory_space<vmem_shared>> -> memref<128x128xf32, #tpu.memory_space<vmem_shared>>
      tpu.enqueue_dma source(%dma_start3A_451 : memref<128x128xf32, #tpu.memory_space<vmem_shared>>) target(%arg8 : memref<128x128xf32, #tpu.memory_space<vmem>>) target_semaphore(%run_scoped3A_447 : memref<!tpu.dma_semaphore, #tpu.memory_space<semaphore_mem>>)
      %dma_wait3A_452 = arith.constant 0 : i32
      %dma_wait3A_453 = tpu.memref_slice %arg10[%add3A_442, %dma_wait3A_452] : memref<10240x128xf32, #tpu.memory_space<vmem_shared>> -> memref<128x128xf32, #tpu.memory_space<vmem_shared>>
      %dma_wait3A_454 = arith.constant 0 : i32
      %dma_wait3A_455 = tpu.memref_slice %arg10[%add3A_442, %dma_wait3A_454] : memref<10240x128xf32, #tpu.memory_space<vmem_shared>> -> memref<128x128xf32, #tpu.memory_space<vmem_shared>>
      tpu.wait_dma2 semaphore(%run_scoped3A_447 : memref<!tpu.dma_semaphore, #tpu.memory_space<semaphore_mem>>) src(%dma_wait3A_455 : memref<128x128xf32, #tpu.memory_space<vmem_shared>>) dst(%arg8 : memref<128x128xf32, #tpu.memory_space<vmem>>)
      tpu.yield
    }) : () -> ()
    "tpu.region"() ({
      %run_scoped3A_447 = tpu.sem_alloc : memref<!tpu.dma_semaphore, #tpu.memory_space<semaphore_mem>>
      %dma_start3A_448 = arith.constant 0 : i32
      %dma_start3A_449 = tpu.memref_slice %arg4[%arg0, %add3A_442, %dma_start3A_448] : memref<2x10240x128xf32, #tpu.memory_space<hbm>> -> memref<1x128x128xf32, #tpu.memory_space<hbm>>
      %dma_start3A_450 = tpu.memref_squeeze %dma_start3A_449 : memref<1x128x128xf32, #tpu.memory_space<hbm>> -> memref<128x128xf32, #tpu.memory_space<hbm>>
      %dma_start3A_451 = arith.constant 0 : i32
      %dma_start3A_452 = tpu.memref_slice %arg4[%arg0, %add3A_442, %dma_start3A_451] : memref<2x10240x128xf32, #tpu.memory_space<hbm>> -> memref<1x128x128xf32, #tpu.memory_space<hbm>>
      %dma_start3A_453 = tpu.memref_squeeze %dma_start3A_452 : memref<1x128x128xf32, #tpu.memory_space<hbm>> -> memref<128x128xf32, #tpu.memory_space<hbm>>
      tpu.enqueue_dma source(%arg8 : memref<128x128xf32, #tpu.memory_space<vmem>>) target(%dma_start3A_453 : memref<128x128xf32, #tpu.memory_space<hbm>>) target_semaphore(%run_scoped3A_447 : memref<!tpu.dma_semaphore, #tpu.memory_space<semaphore_mem>>)
      %dma_wait3A_454 = arith.constant 0 : i32
      %dma_wait3A_455 = tpu.memref_slice %arg4[%arg0, %add3A_442, %dma_wait3A_454] : memref<2x10240x128xf32, #tpu.memory_space<hbm>> -> memref<1x128x128xf32, #tpu.memory_space<hbm>>
      %dma_wait3A_456 = tpu.memref_squeeze %dma_wait3A_455 : memref<1x128x128xf32, #tpu.memory_space<hbm>> -> memref<128x128xf32, #tpu.memory_space<hbm>>
      %dma_wait3A_457 = arith.constant 0 : i32
      %dma_wait3A_458 = tpu.memref_slice %arg4[%arg0, %add3A_442, %dma_wait3A_457] : memref<2x10240x128xf32, #tpu.memory_space<hbm>> -> memref<1x128x128xf32, #tpu.memory_space<hbm>>
      %dma_wait3A_459 = tpu.memref_squeeze %dma_wait3A_458 : memref<1x128x128xf32, #tpu.memory_space<hbm>> -> memref<128x128xf32, #tpu.memory_space<hbm>>
      tpu.wait_dma2 semaphore(%run_scoped3A_447 : memref<!tpu.dma_semaphore, #tpu.memory_space<semaphore_mem>>) src(%arg8 : memref<128x128xf32, #tpu.memory_space<vmem>>) dst(%dma_wait3A_459 : memref<128x128xf32, #tpu.memory_space<hbm>>)
      tpu.yield
    }) : () -> ()
    %mul3A_443 = arith.constant 640 : i32
    %mul3A_444 = arith.muli %arg1, %mul3A_443 : i32
    %add3A_445 = arith.constant 512 : i32
    %add3A_446 = arith.addi %mul3A_444, %add3A_445 : i32
    "tpu.region"() ({
      %run_scoped3A_447 = tpu.sem_alloc : memref<!tpu.dma_semaphore, #tpu.memory_space<semaphore_mem>>
      %dma_start3A_448 = arith.constant 0 : i32
      %dma_start3A_449 = tpu.memref_slice %arg10[%add3A_446, %dma_start3A_448] : memref<10240x128xf32, #tpu.memory_space<vmem_shared>> -> memref<128x128xf32, #tpu.memory_space<vmem_shared>>
      %dma_start3A_450 = arith.constant 0 : i32
      %dma_start3A_451 = tpu.memref_slice %arg10[%add3A_446, %dma_start3A_450] : memref<10240x128xf32, #tpu.memory_space<vmem_shared>> -> memref<128x128xf32, #tpu.memory_space<vmem_shared>>
      tpu.enqueue_dma source(%dma_start3A_451 : memref<128x128xf32, #tpu.memory_space<vmem_shared>>) target(%arg8 : memref<128x128xf32, #tpu.memory_space<vmem>>) target_semaphore(%run_scoped3A_447 : memref<!tpu.dma_semaphore, #tpu.memory_space<semaphore_mem>>)
      %dma_wait3A_452 = arith.constant 0 : i32
      %dma_wait3A_453 = tpu.memref_slice %arg10[%add3A_446, %dma_wait3A_452] : memref<10240x128xf32, #tpu.memory_space<vmem_shared>> -> memref<128x128xf32, #tpu.memory_space<vmem_shared>>
      %dma_wait3A_454 = arith.constant 0 : i32
      %dma_wait3A_455 = tpu.memref_slice %arg10[%add3A_446, %dma_wait3A_454] : memref<10240x128xf32, #tpu.memory_space<vmem_shared>> -> memref<128x128xf32, #tpu.memory_space<vmem_shared>>
      tpu.wait_dma2 semaphore(%run_scoped3A_447 : memref<!tpu.dma_semaphore, #tpu.memory_space<semaphore_mem>>) src(%dma_wait3A_455 : memref<128x128xf32, #tpu.memory_space<vmem_shared>>) dst(%arg8 : memref<128x128xf32, #tpu.memory_space<vmem>>)
      tpu.yield
    }) : () -> ()
    "tpu.region"() ({
      %run_scoped3A_447 = tpu.sem_alloc : memref<!tpu.dma_semaphore, #tpu.memory_space<semaphore_mem>>
      %dma_start3A_448 = arith.constant 0 : i32
      %dma_start3A_449 = tpu.memref_slice %arg4[%arg0, %add3A_446, %dma_start3A_448] : memref<2x10240x128xf32, #tpu.memory_space<hbm>> -> memref<1x128x128xf32, #tpu.memory_space<hbm>>
      %dma_start3A_450 = tpu.memref_squeeze %dma_start3A_449 : memref<1x128x128xf32, #tpu.memory_space<hbm>> -> memref<128x128xf32, #tpu.memory_space<hbm>>
      %dma_start3A_451 = arith.constant 0 : i32
      %dma_start3A_452 = tpu.memref_slice %arg4[%arg0, %add3A_446, %dma_start3A_451] : memref<2x10240x128xf32, #tpu.memory_space<hbm>> -> memref<1x128x128xf32, #tpu.memory_space<hbm>>
      %dma_start3A_453 = tpu.memref_squeeze %dma_start3A_452 : memref<1x128x128xf32, #tpu.memory_space<hbm>> -> memref<128x128xf32, #tpu.memory_space<hbm>>
      tpu.enqueue_dma source(%arg8 : memref<128x128xf32, #tpu.memory_space<vmem>>) target(%dma_start3A_453 : memref<128x128xf32, #tpu.memory_space<hbm>>) target_semaphore(%run_scoped3A_447 : memref<!tpu.dma_semaphore, #tpu.memory_space<semaphore_mem>>)
      %dma_wait3A_454 = arith.constant 0 : i32
      %dma_wait3A_455 = tpu.memref_slice %arg4[%arg0, %add3A_446, %dma_wait3A_454] : memref<2x10240x128xf32, #tpu.memory_space<hbm>> -> memref<1x128x128xf32, #tpu.memory_space<hbm>>
      %dma_wait3A_456 = tpu.memref_squeeze %dma_wait3A_455 : memref<1x128x128xf32, #tpu.memory_space<hbm>> -> memref<128x128xf32, #tpu.memory_space<hbm>>
      %dma_wait3A_457 = arith.constant 0 : i32
      %dma_wait3A_458 = tpu.memref_slice %arg4[%arg0, %add3A_446, %dma_wait3A_457] : memref<2x10240x128xf32, #tpu.memory_space<hbm>> -> memref<1x128x128xf32, #tpu.memory_space<hbm>>
      %dma_wait3A_459 = tpu.memref_squeeze %dma_wait3A_458 : memref<1x128x128xf32, #tpu.memory_space<hbm>> -> memref<128x128xf32, #tpu.memory_space<hbm>>
      tpu.wait_dma2 semaphore(%run_scoped3A_447 : memref<!tpu.dma_semaphore, #tpu.memory_space<semaphore_mem>>) src(%arg8 : memref<128x128xf32, #tpu.memory_space<vmem>>) dst(%dma_wait3A_459 : memref<128x128xf32, #tpu.memory_space<hbm>>)
      tpu.yield
    }) : () -> ()
    return
  }
}

module attributes {stable_mosaic.version = 14 : i64} {
  func.func @body(%arg0: i32, %arg1: memref<1024x128xf32, #tpu.memory_space<vmem>>, %arg2: memref<1024x1xf32, #tpu.memory_space<vmem>>, %arg3: memref<1024x1xf32, #tpu.memory_space<vmem>>, %arg4: memref<1024x128xf32, #tpu.memory_space<vmem>>, %arg5: memref<1024x1xf32, #tpu.memory_space<vmem>>, %arg6: memref<1024x1xf32, #tpu.memory_space<vmem>>) attributes {dimension_semantics = [#tpu.dimension_semantics<arbitrary>], iteration_bounds = array<i64: 10>, scalar_prefetch = 0 : i64, scratch_operands = 0 : i64, tpu.core_type = #tpu.core_type<tc>, window_params = [{transform_indices = @transform_0, window_bounds = array<i64: 1024, 128>}, {transform_indices = @transform_1, window_bounds = array<i64: 1024, 1>}, {transform_indices = @transform_2, window_bounds = array<i64: 1024, 1>}, {transform_indices = @transform_3, window_bounds = array<i64: 1024, 128>}, {transform_indices = @transform_4, window_bounds = array<i64: 1024, 1>}, {transform_indices = @transform_5, window_bounds = array<i64: 1024, 1>}]} {
    %get3A = arith.constant 0 : index
    %get3A_0 = arith.constant 0 : index
    %get3A_1 = vector.load %arg2[%get3A, %get3A_0] : memref<1024x1xf32, #tpu.memory_space<vmem>>, vector<1024x1xf32>
    %get3A_2 = arith.constant 0 : index
    %get3A_3 = arith.constant 0 : index
    %get3A_4 = vector.load %arg3[%get3A_2, %get3A_3] : memref<1024x1xf32, #tpu.memory_space<vmem>>, vector<1024x1xf32>
    %add3A = arith.addf %get3A_1, %get3A_4 : vector<1024x1xf32>
    %add3A_5 = arith.constant 1.000000e+00 : f32
    %add3A_6 = vector.broadcast %add3A_5 : f32 to vector<1024x1xf32>
    %add3A_7 = arith.addf %add3A, %add3A_6 : vector<1024x1xf32>
    %rsqrt3A = math.rsqrt %add3A_7 : vector<1024x1xf32>
    %get3A_8 = arith.constant 0 : index
    %get3A_9 = arith.constant 0 : index
    %get3A_10 = vector.load %arg1[%get3A_8, %get3A_9] : memref<1024x128xf32, #tpu.memory_space<vmem>>, vector<1024x128xf32>
    %mul3A = vector.broadcast %rsqrt3A : vector<1024x1xf32> to vector<1024x128xf32>
    %mul3A_11 = arith.mulf %get3A_10, %mul3A : vector<1024x128xf32>
    %swap3A = arith.constant 0 : index
    %swap3A_12 = arith.constant 0 : index
    %swap3A_13 = vector.load %arg4[%swap3A, %swap3A_12] : memref<1024x128xf32, #tpu.memory_space<vmem>>, vector<1024x128xf32>
    tpu.vector_store %arg4[%swap3A, %swap3A_12], %mul3A_11 {strides = array<i32>} : memref<1024x128xf32, #tpu.memory_space<vmem>>, vector<1024x128xf32>,
    %swap3A_14 = arith.constant 0 : index
    %swap3A_15 = arith.constant 0 : index
    %swap3A_16 = vector.load %arg5[%swap3A_14, %swap3A_15] : memref<1024x1xf32, #tpu.memory_space<vmem>>, vector<1024x1xf32>
    tpu.vector_store %arg5[%swap3A_14, %swap3A_15], %rsqrt3A {strides = array<i32>} : memref<1024x1xf32, #tpu.memory_space<vmem>>, vector<1024x1xf32>,
    %div3A = arith.constant 1.000000e+00 : f32
    %div3A_17 = vector.broadcast %div3A : f32 to vector<1024x1xf32>
    %div3A_18 = arith.divf %div3A_17, %add3A_7 : vector<1024x1xf32>
    %swap3A_19 = arith.constant 0 : index
    %swap3A_20 = arith.constant 0 : index
    %swap3A_21 = vector.load %arg6[%swap3A_19, %swap3A_20] : memref<1024x1xf32, #tpu.memory_space<vmem>>, vector<1024x1xf32>
    tpu.vector_store %arg6[%swap3A_19, %swap3A_20], %div3A_18 {strides = array<i32>} : memref<1024x1xf32, #tpu.memory_space<vmem>>, vector<1024x1xf32>,
    return
  }
  func.func @transform_0(%arg0: i32) -> (i32, i32) {
    %c0_i32 = arith.constant 0 : i32
    %c0_i32_0 = arith.constant 0 : i32
    return %arg0, %c0_i32 : i32, i32
  }
  func.func @transform_1(%arg0: i32) -> (i32, i32) {
    %c0_i32 = arith.constant 0 : i32
    %c0_i32_0 = arith.constant 0 : i32
    return %arg0, %c0_i32 : i32, i32
  }
  func.func @transform_2(%arg0: i32) -> (i32, i32) {
    %c0_i32 = arith.constant 0 : i32
    %c0_i32_0 = arith.constant 0 : i32
    return %arg0, %c0_i32 : i32, i32
  }
  func.func @transform_3(%arg0: i32) -> (i32, i32) {
    %c0_i32 = arith.constant 0 : i32
    %c0_i32_0 = arith.constant 0 : i32
    return %arg0, %c0_i32 : i32, i32
  }
  func.func @transform_4(%arg0: i32) -> (i32, i32) {
    %c0_i32 = arith.constant 0 : i32
    %c0_i32_0 = arith.constant 0 : i32
    return %arg0, %c0_i32 : i32, i32
  }
  func.func @transform_5(%arg0: i32) -> (i32, i32) {
    %c0_i32 = arith.constant 0 : i32
    %c0_i32_0 = arith.constant 0 : i32
    return %arg0, %c0_i32 : i32, i32
  }
}

module attributes {stable_mosaic.version = 14 : i64} {
  func.func @body(%arg0: i32, %arg1: memref<1024x128xf32, #tpu.memory_space<vmem>>, %arg2: memref<1024x128xf32, #tpu.memory_space<vmem>>, %arg3: memref<1024x128xf32, #tpu.memory_space<vmem>>, %arg4: memref<1024x1xf32, #tpu.memory_space<vmem>>, %arg5: memref<1024x128xf32, #tpu.memory_space<vmem>>) attributes {dimension_semantics = [#tpu.dimension_semantics<arbitrary>], iteration_bounds = array<i64: 10>, scalar_prefetch = 0 : i64, scratch_operands = 0 : i64, tpu.core_type = #tpu.core_type<tc>, window_params = [{transform_indices = @transform_0, window_bounds = array<i64: 1024, 128>}, {transform_indices = @transform_1, window_bounds = array<i64: 1024, 128>}, {transform_indices = @transform_2, window_bounds = array<i64: 1024, 128>}, {transform_indices = @transform_3, window_bounds = array<i64: 1024, 1>}, {transform_indices = @transform_4, window_bounds = array<i64: 1024, 128>}]} {
    %get3A = arith.constant 0 : index
    %get3A_0 = arith.constant 0 : index
    %get3A_1 = vector.load %arg1[%get3A, %get3A_0] : memref<1024x128xf32, #tpu.memory_space<vmem>>, vector<1024x128xf32>
    %get3A_2 = arith.constant 0 : index
    %get3A_3 = arith.constant 0 : index
    %get3A_4 = vector.load %arg2[%get3A_2, %get3A_3] : memref<1024x128xf32, #tpu.memory_space<vmem>>, vector<1024x128xf32>
    %add3A = arith.addf %get3A_1, %get3A_4 : vector<1024x128xf32>
    %get3A_5 = arith.constant 0 : index
    %get3A_6 = arith.constant 0 : index
    %get3A_7 = vector.load %arg3[%get3A_5, %get3A_6] : memref<1024x128xf32, #tpu.memory_space<vmem>>, vector<1024x128xf32>
    %add3A_8 = arith.addf %add3A, %get3A_7 : vector<1024x128xf32>
    %get3A_9 = arith.constant 0 : index
    %get3A_10 = arith.constant 0 : index
    %get3A_11 = vector.load %arg4[%get3A_9, %get3A_10] : memref<1024x1xf32, #tpu.memory_space<vmem>>, vector<1024x1xf32>
    %mul3A = vector.broadcast %get3A_11 : vector<1024x1xf32> to vector<1024x128xf32>
    %mul3A_12 = arith.mulf %add3A_8, %mul3A : vector<1024x128xf32>
    %swap3A = arith.constant 0 : index
    %swap3A_13 = arith.constant 0 : index
    %swap3A_14 = vector.load %arg5[%swap3A, %swap3A_13] : memref<1024x128xf32, #tpu.memory_space<vmem>>, vector<1024x128xf32>
    tpu.vector_store %arg5[%swap3A, %swap3A_13], %mul3A_12 {strides = array<i32>} : memref<1024x128xf32, #tpu.memory_space<vmem>>, vector<1024x128xf32>,
    return
  }
  func.func @transform_0(%arg0: i32) -> (i32, i32) {
    %c0_i32 = arith.constant 0 : i32
    %c0_i32_0 = arith.constant 0 : i32
    return %arg0, %c0_i32 : i32, i32
  }
  func.func @transform_1(%arg0: i32) -> (i32, i32) {
    %c0_i32 = arith.constant 0 : i32
    %c0_i32_0 = arith.constant 0 : i32
    return %arg0, %c0_i32 : i32, i32
  }
  func.func @transform_2(%arg0: i32) -> (i32, i32) {
    %c0_i32 = arith.constant 0 : i32
    %c0_i32_0 = arith.constant 0 : i32
    return %arg0, %c0_i32 : i32, i32
  }
  func.func @transform_3(%arg0: i32) -> (i32, i32) {
    %c0_i32 = arith.constant 0 : i32
    %c0_i32_0 = arith.constant 0 : i32
    return %arg0, %c0_i32 : i32, i32
  }
  func.func @transform_4(%arg0: i32) -> (i32, i32) {
    %c0_i32 = arith.constant 0 : i32
    %c0_i32_0 = arith.constant 0 : i32
    return %arg0, %c0_i32 : i32, i32
  }
}

module attributes {stable_mosaic.version = 14 : i64} {
  func.func @body(%arg0: i32, %arg1: memref<1000x128xf32, #tpu.memory_space<vmem>>, %arg2: memref<1000x128xf32, #tpu.memory_space<vmem>>, %arg3: memref<1000x128xf32, #tpu.memory_space<vmem>>, %arg4: memref<1000x1xf32, #tpu.memory_space<vmem>>, %arg5: memref<128x128xf32, #tpu.memory_space<vmem>>, %arg6: memref<1x128xf32, #tpu.memory_space<vmem>>, %arg7: memref<1000x128xf32, #tpu.memory_space<vmem>>) attributes {dimension_semantics = [#tpu.dimension_semantics<arbitrary>], iteration_bounds = array<i64: 10>, scalar_prefetch = 0 : i64, scratch_operands = 0 : i64, tpu.core_type = #tpu.core_type<tc>, window_params = [{transform_indices = @transform_0, window_bounds = array<i64: 1000, 128>}, {transform_indices = @transform_1, window_bounds = array<i64: 1000, 128>}, {transform_indices = @transform_2, window_bounds = array<i64: 1000, 128>}, {transform_indices = @transform_3, window_bounds = array<i64: 1000, 1>}, {pipeline_mode = #tpu.pipeline_mode<synchronous>, transform_indices = @transform_4, window_bounds = array<i64: 128, 128>}, {pipeline_mode = #tpu.pipeline_mode<synchronous>, transform_indices = @transform_5, window_bounds = array<i64: 1, 128>}, {transform_indices = @transform_6, window_bounds = array<i64: 1000, 128>}]} {
    %get3A = arith.constant 0 : index
    %get3A_0 = arith.constant 0 : index
    %get3A_1 = vector.load %arg1[%get3A, %get3A_0] : memref<1000x128xf32, #tpu.memory_space<vmem>>, vector<1000x128xf32>
    %get3A_2 = arith.constant 0 : index
    %get3A_3 = arith.constant 0 : index
    %get3A_4 = vector.load %arg2[%get3A_2, %get3A_3] : memref<1000x128xf32, #tpu.memory_space<vmem>>, vector<1000x128xf32>
    %add3A = arith.addf %get3A_1, %get3A_4 : vector<1000x128xf32>
    %get3A_5 = arith.constant 0 : index
    %get3A_6 = arith.constant 0 : index
    %get3A_7 = vector.load %arg3[%get3A_5, %get3A_6] : memref<1000x128xf32, #tpu.memory_space<vmem>>, vector<1000x128xf32>
    %add3A_8 = arith.addf %add3A, %get3A_7 : vector<1000x128xf32>
    %get3A_9 = arith.constant 0 : index
    %get3A_10 = arith.constant 0 : index
    %get3A_11 = vector.load %arg4[%get3A_9, %get3A_10] : memref<1000x1xf32, #tpu.memory_space<vmem>>, vector<1000x1xf32>
    %mul3A = vector.broadcast %get3A_11 : vector<1000x1xf32> to vector<1000x128xf32>
    %mul3A_12 = arith.mulf %add3A_8, %mul3A : vector<1000x128xf32>
    %get3A_13 = arith.constant 0 : index
    %get3A_14 = arith.constant 0 : index
    %get3A_15 = vector.load %arg5[%get3A_13, %get3A_14] : memref<128x128xf32, #tpu.memory_space<vmem>>, vector<128x128xf32>
    %dot_general3A = arith.constant dense<0.000000e+00> : vector<1000x128xf32>
    %dot_general3A_16 = tpu.matmul %mul3A_12, %get3A_15, %dot_general3A {dimension_numbers = #tpu.dot_dimension_numbers<[1], [1], [0], [0], [0, 0, 1, 0], [], []>, transpose_lhs_hint = false} : vector<1000x128xf32>, vector<128x128xf32>, vector<1000x128xf32> -> vector<1000x128xf32>
    %get3A_17 = arith.constant 0 : index
    %get3A_18 = arith.constant 0 : index
    %get3A_19 = vector.load %arg6[%get3A_17, %get3A_18] : memref<1x128xf32, #tpu.memory_space<vmem>>, vector<1x128xf32>
    %add3A_20 = vector.broadcast %get3A_19 : vector<1x128xf32> to vector<1000x128xf32>
    %add3A_21 = arith.addf %dot_general3A_16, %add3A_20 : vector<1000x128xf32>
    %reduce_max3A = arith.constant dense<0xFF800000> : vector<1000xf32>
    %reduce_max3A_22 = vector.multi_reduction <maximumf>, %add3A_21, %reduce_max3A [1] : vector<1000x128xf32> to vector<1000xf32>
    %broadcast_in_dim3A = vector.shape_cast %reduce_max3A_22 : vector<1000xf32> to vector<1000x1xf32>
    %sub3A = vector.broadcast %broadcast_in_dim3A : vector<1000x1xf32> to vector<1000x128xf32>
    %sub3A_23 = arith.subf %add3A_21, %sub3A : vector<1000x128xf32>
    %exp3A = math.exp %sub3A_23 : vector<1000x128xf32>
    %reduce_sum3A = arith.constant dense<0.000000e+00> : vector<1000xf32>
    %reduce_sum3A_24 = vector.multi_reduction <add>, %exp3A, %reduce_sum3A [1] : vector<1000x128xf32> to vector<1000xf32>
    %broadcast_in_dim3A_25 = vector.shape_cast %reduce_sum3A_24 : vector<1000xf32> to vector<1000x1xf32>
    %sub3A_26 = vector.broadcast %broadcast_in_dim3A : vector<1000x1xf32> to vector<1000x128xf32>
    %sub3A_27 = arith.subf %add3A_21, %sub3A_26 : vector<1000x128xf32>
    %log3A = math.log %broadcast_in_dim3A_25 : vector<1000x1xf32>
    %sub3A_28 = vector.broadcast %log3A : vector<1000x1xf32> to vector<1000x128xf32>
    %sub3A_29 = arith.subf %sub3A_27, %sub3A_28 : vector<1000x128xf32>
    %swap3A = arith.constant 0 : index
    %swap3A_30 = arith.constant 0 : index
    %swap3A_31 = vector.load %arg7[%swap3A, %swap3A_30] : memref<1000x128xf32, #tpu.memory_space<vmem>>, vector<1000x128xf32>
    tpu.vector_store %arg7[%swap3A, %swap3A_30], %sub3A_29 {strides = array<i32>} : memref<1000x128xf32, #tpu.memory_space<vmem>>, vector<1000x128xf32>,
    return
  }
  func.func @transform_0(%arg0: i32) -> (i32, i32) {
    %c0_i32 = arith.constant 0 : i32
    %c0_i32_0 = arith.constant 0 : i32
    return %arg0, %c0_i32 : i32, i32
  }
  func.func @transform_1(%arg0: i32) -> (i32, i32) {
    %c0_i32 = arith.constant 0 : i32
    %c0_i32_0 = arith.constant 0 : i32
    return %arg0, %c0_i32 : i32, i32
  }
  func.func @transform_2(%arg0: i32) -> (i32, i32) {
    %c0_i32 = arith.constant 0 : i32
    %c0_i32_0 = arith.constant 0 : i32
    return %arg0, %c0_i32 : i32, i32
  }
  func.func @transform_3(%arg0: i32) -> (i32, i32) {
    %c0_i32 = arith.constant 0 : i32
    %c0_i32_0 = arith.constant 0 : i32
    return %arg0, %c0_i32 : i32, i32
  }
  func.func @transform_4(%arg0: i32) -> (i32, i32) {
    %c0_i32 = arith.constant 0 : i32
    %c0_i32_0 = arith.constant 0 : i32
    %c0_i32_1 = arith.constant 0 : i32
    return %c0_i32, %c0_i32_0 : i32, i32
  }
  func.func @transform_5(%arg0: i32) -> (i32, i32) {
    %c0_i32 = arith.constant 0 : i32
    %c0_i32_0 = arith.constant 0 : i32
    %c0_i32_1 = arith.constant 0 : i32
    return %c0_i32, %c0_i32_0 : i32, i32
  }
  func.func @transform_6(%arg0: i32) -> (i32, i32) {
    %c0_i32 = arith.constant 0 : i32
    %c0_i32_0 = arith.constant 0 : i32
    return %arg0, %c0_i32 : i32, i32
  }
}

</mosaic_0001>

<sc_bundles>
// kernel: kernel.11.cloned.1.call-start
scs
__scs_entry_jumppad:
0x0: {  	(pc) =	sbr.rel $0x88, $3  }
0x1: {  	(tag) =	ssettag $0x0;
	lr =	simm.s32 $0x1  }
0x2: {  	[smem:$0x3F9D] =	sst lr;
	_ =	strace $0xD0000000  }
0x3: {  	_ = 	snop  }
0x4: {  	_ = 	snop  }
0x5: {  	_ = 	snop  }
0x6: {  	_ = 	snop  }
0x7: {  	_ = 	snop  }
__scs_overlays_trampoline_lowered:
0x8: {  	[smem:$0x3FAC] =	sst s0  }
0x9: {  	[smem:$0x3FAD] =	sst s1  }
0xa: {  	[smem:$0x3FAE] =	sst s2  }
0xb: {  	[smem:$0x3FAF] =	sst s3  }
0xc: {  	[smem:$0x3FB0] =	sst s4  }
0xd: {  	[smem:$0x3FB1] =	sst s5  }
0xe: {  	[smem:$0x3FB2] =	sst s6  }
0xf: {  	[smem:$0x3FB3] =	sst s7  }
0x10: {  	[smem:$0x3FB4] =	sst s8  }
0x11: {  	[smem:$0x3FB5] =	sst s9;
	s0 =	simm.s32 @!p0 $0x0  }
0x12: {  	s1 =	sld [smem:$0x3F9B];
	s0 =	simm.s32 @p0 $0x1  }
0x13: {  	[smem:$0x3FB6] =	sst s0;
	s0 =	simm.s32 @!p1 $0x0  }
0x14: {  	s2 =	sld [smem:$0x3F9A];
	s0 =	simm.s32 @p1 $0x1  }
0x15: {  	[smem:$0x3FB7] =	sst s0;
	s0 =	simm.s32 @!p2 $0x0  }
0x16: {  	s3 =	sld [smem:$0x3FDB];
	s0 =	simm.s32 @p2 $0x1  }
0x17: {  	s4 =	simm.s32 $0x1BF5;
	[smem:$0x3FB9] =	sst s0  }
0x18: {  	s0 =	sld [smem:$0x3F9C];
	_ =	swait.ge [sflag:s4], $0x0  }
0x19: {  	s7 =	sld [smem:$0x3F9D]  }
0x1a: {  	s8 =	sadd.s32 $0xFFFFE003, lr  }
0x1b: {  	s9 =	sadd.s32 $0xFFFFFEF7, lr;
	s5 =	simm.s32 $0xFFFFFFFF;
	p2 =	slt.u32 s8, $0xFFFFF086  }
0x1c: {  	p1 =	slt.u32 s9, $0xF7A;
	s5 =	simm.s32 @!p2 $0x0  }
0x1d: {  	s5 =	simm.s32 @p1 $0x1;
	p0 =	seq.s32 s7, s2  }
0x1e: {  	s7 =	smul.u32 @!p0 $0xF7A, s2;
	p2 =	seq.s32 @!p0 s5, $0x0  }
0x1f: {  	s9 =	smul.u32 $0xF7A, s1;
	s8 =	simm.s32 @!p0 $0x1BF5;
	p2 =	por !p2, p0  }
0x20: {  	[sflag:s8] =	ssyncset.s32 @!p0 $0xFFFFF086;
	s6 =	sadd.s32 @!p0 s3, s7;
	s7 =	simm.s32 @!p0 $0x108  }
0x21: {  	s3 =	sadd.s32 s3, s9;
	s6 =	sadd.s32 @!p0 $0x88, s6;
	s7 =	simm.s32 @p2 $0x1082  }
0x22: {  	[simem:s7], [sflag:s8] =	dma.local @!p0 [hbm:s6], $0xF7A  }
0x23: {  	s9 =	sor.u32 $0xD0000000, s2;
	s6 =	simm.s32 $0x108;
	_ =	swait.ge @!p0 [sflag:s8], $0x0  }
0x24: {  	s3 =	sadd.s32 $0x88, s3;
	s6 =	simm.s32 @!p1 $0x1082;
	[sflag:s4] =	ssyncset.s32 $0xFFFFF086  }
0x25: {  	[simem:s6], [sflag:s4] =	dma.local [hbm:s3], $0xF7A  }
0x26: {  	[smem:$0x3F9D] =	sst s1;
	(tag) =	ssettag s2;
	_ =	strace s9  }
0x27: {  	s1 =	sld [smem:$0x3FAD]  }
0x28: {  	s2 =	sld [smem:$0x3FAE]  }
0x29: {  	s4 =	sld [smem:$0x3FB0]  }
0x2a: {  	p0 =	seq.s32 s5, $0x0;
	s5 =	sld [smem:$0x3FB1]  }
0x2b: {  	s6 =	sld [smem:$0x3FB2]  }
0x2c: {  	s7 =	sld [smem:$0x3FB3]  }
0x2d: {  	s3 =	simm.s32 $0x108;
	s8 =	sld [smem:$0x3FB4]  }
0x2e: {  	s3 =	simm.s32 @!p0 $0x1082;
	s9 =	sld [smem:$0x3FB5]  }
0x2f: {  	lr =	sadd.s32 s0, s3;
	s0 =	sld [smem:$0x3FAC]  }
0x30: {  	s3 =	sld [smem:$0x3FAF]  }
0x31: {  	[smem:$0x3FB8] =	sst s10  }
0x32: {  	s10 =	sld [smem:$0x3FB6];
	_ =	sdelay $0x3  }
0x33: {  	p0 =	seq.s32 s10, $0x1;
	s10 =	sld [smem:$0x3FB8];
	_ =	sdelay $0x3  }
0x34: {  	[smem:$0x3FB8] =	sst s10  }
0x35: {  	s10 =	sld [smem:$0x3FB7];
	_ =	sdelay $0x3  }
0x36: {  	p1 =	seq.s32 s10, $0x1;
	s10 =	sld [smem:$0x3FB8];
	_ =	sdelay $0x3  }
0x37: {  	[smem:$0x3FB8] =	sst s10  }
0x38: {  	s10 =	sld [smem:$0x3FB9]  }
0x39: {  	_ = 	snop;
	(pc) =	sbr.ind lr, $3  }
0x3a: {  	_ = 	snop  }
0x3b: {  	_ = 	snop  }
0x3c: {  	p2 =	seq.s32 s10, $0x1;
	s10 =	sld [smem:$0x3FB8]  }
0x3d: {  	_ =	shalt  }
0x3e: {  	_ =	shalt  }
0x3f: {  	_ =	shalt  }
0x40: {  	_ =	shalt  }
0x41: {  	_ =	shalt  }
0x42: {  	_ =	shalt  }
0x43: {  	_ =	shalt  }
0x44: {  	_ =	shalt  }
0x45: {  	_ =	shalt  }
0x46: {  	_ =	shalt  }
0x47: {  	_ =	shalt  }
0x48: {  	_ =	shalt  }
0x49: {  	_ =	shalt  }
0x4a: {  	_ =	shalt  }
0x4b: {  	_ =	shalt  }
0x4c: {  	_ =	shalt  }
0x4d: {  	_ =	shalt  }
0x4e: {  	_ =	shalt  }
0x4f: {  	_ =	shalt  }
0x50: {  	_ =	shalt  }
0x51: {  	_ =	shalt  }
0x52: {  	_ =	shalt  }
0x53: {  	_ =	shalt  }
0x54: {  	_ =	shalt  }
0x55: {  	_ =	shalt  }
0x56: {  	_ =	shalt  }
0x57: {  	_ =	shalt  }
0x58: {  	_ =	shalt  }
0x59: {  	_ =	shalt  }
0x5a: {  	_ =	shalt  }
0x5b: {  	_ =	shalt  }
0x5c: {  	_ =	shalt  }
0x5d: {  	_ =	shalt  }
0x5e: {  	_ =	shalt  }
0x5f: {  	_ =	shalt  }
0x60: {  	_ =	shalt  }
0x61: {  	_ =	shalt  }
0x62: {  	_ =	shalt  }
0x63: {  	_ =	shalt  }
0x64: {  	_ =	shalt  }
0x65: {  	_ =	shalt  }
0x66: {  	_ =	shalt  }
0x67: {  	_ =	shalt  }
0x68: {  	_ =	shalt  }
0x69: {  	_ =	shalt  }
0x6a: {  	_ =	shalt  }
0x6b: {  	_ =	shalt  }
0x6c: {  	_ =	shalt  }
0x6d: {  	_ =	shalt  }
0x6e: {  	_ =	shalt  }
0x6f: {  	_ =	shalt  }
0x70: {  	_ =	shalt  }
0x71: {  	_ =	shalt  }
0x72: {  	_ =	shalt  }
0x73: {  	_ =	shalt  }
0x74: {  	_ =	shalt  }
0x75: {  	_ =	shalt  }
0x76: {  	_ =	shalt  }
0x77: {  	_ =	shalt  }
0x78: {  	_ =	shalt  }
0x79: {  	_ =	shalt  }
0x7a: {  	_ =	shalt  }
0x7b: {  	_ =	shalt  }
0x7c: {  	_ =	shalt  }
0x7d: {  	_ =	shalt  }
0x7e: {  	_ =	shalt  }
0x7f: {  	_ =	shalt  }
0x80: {  	_ =	shalt  }
0x81: {  	_ =	shalt  }
0x82: {  	_ =	shalt  }
0x83: {  	_ =	shalt  }
0x84: {  	_ =	shalt  }
0x85: {  	_ =	shalt  }
0x86: {  	_ =	shalt  }
0x87: {  	_ =	shalt  }
.Lfunc_end0:
.L_simem_size_0:
called_computation.1_lowered:
.L_overlay_start_0:
0x88: {  	s2 =	sld [smem:$0x3FD9]  }
0x89: {  	s3 =	sld [smem:$0x3FFE];
	_ =	sdelay $0x1  }
0x8a: {  	s1 =	srdreg.scid  }
0x8b: {  	s0 =	sand.u32 $0x1, s1  }
0x8c: {  	s16 =	sshll.u32 s0, $0xA;
	s2 =	sadd.s32 s3, s2  }
0x8d: {  	s2 =	sadd.s32 s2, s16  }
0x8e: {  	[smem:$0x3FC4] =	sst s2  }
0x8f: {  	_ = 	snop  }
0x90: {  	(tm) =	ssettm $0x1  }
0x91: {  	s17 =	sld [smem:$0x3FFB];
	_ =	sdelay $0x3  }
0x92: {  	_ =	strace s17  }
0x93: {  	s2 =	sld [smem:$0x3FFC];
	_ =	sdelay $0x3  }
0x94: {  	_ =	strace s2  }
0x95: {  	s2 =	sld [smem:$0x3FFD];
	_ =	sdelay $0x3  }
0x96: {  	_ =	strace s2  }
0x97: {  	_ =	strace $0x8FFFFFFF  }
0x98: {  	s18 =	sld [smem:$0x3FDB];
	_ =	sdelay $0x1  }
0x99: {  	s19 =	simm.s32 $_scs_section_size  }
0x9a: {  	s4 =	simm.s32 $_size__tile_overlayer_lowered;
	s5 =	simm.s32 $_tile_overlayer_lowered  }
0x9b: {  	s22 =	simm.s32 $0x1BFF;
	s21 =	sshll.u32 s5, $0x1;
	s2 =	sadd.s32 s19, s18  }
0x9c: {  	s6 =	simm.s32 $0x0;
	s20 =	sshll.u32 s4, $0x1;
	s4 =	sadd.s32 s21, s2  }
0x9d: {  	[timem:s6], [sflag:s22] =	dma.local [hbm:s4], s20  }
0x9e: {  	_ =	swait.ge [sflag:s22], s20  }
0x9f: {  	s3 =	ssub.s32 $0x0, s20;
	[sflag:s22] =	ssyncset.done $0x0  }
0xa0: {  	[sflag:s22] =	ssyncadd.s32 s3;
	_ =	sdelay $0x1  }
0xa1: {  	s23 =	simm.s32 $0x1B8B  }
0xa2: {  	_ =	swait.ge [sflag:s23], $0x1  }
0xa3: {  	[sflag:s23] =	ssyncset.done $0x0  }
0xa4: {  	s25 =	simm.s32 $0x1B8E;
	s24 =	sld [smem:$0x3FFE];
	[sflag:s23] =	ssyncadd.s32 $0xFFFFFFFF  }
0xa5: {  	s26 =	simm.s32 $execute0_lowered;
	[smem:$0x3FD2] =	sst s25  }
0xa6: {  	s4 =	sshll.u32 s26, $0x1;
	_ =	strace $0x80000049;
	[dreg:$0x1] =	wrdreg $0xFFFFFFFF  }
0xa7: {  	s28 =	simm.s32 $_size_execute0_lowered;
	s2 =	sadd.s32 s2, s4;
	[dreg:$0x0] =	wrdreg $0x0  }
0xa8: {  	s4 =	sshll.u32 s28, $0x1;
	[dreg:$0x2] =	wrdreg s2  }
0xa9: {  	[dreg:$0x3] =	wrdreg s4  }
0xaa: {  	[dreg:$0x4] =	wrdreg $0xC0  }
0xab: {  	_ =	task [dreg:s6], $0x5FFFF  }
0xac: {  	[dreg:$0x1] =	wrdreg $0xFFFFFFFF  }
0xad: {  	[dreg:$0x0] =	wrdreg $0x60  }
0xae: {  	[dreg:$0x2] =	wrdreg s24  }
0xaf: {  	[dreg:$0x3] =	wrdreg $0xAA000  }
0xb0: {  	[dreg:$0x4] =	wrdreg $0x9  }
0xb1: {  	_ =	task.clear_ibuf [dreg:s6], $0x5FFFF;
	_ =	strace $0x90000049  }
0xb2: {  	s29 =	simm.s32 $0x9;
	_ =	strace $0x8000004B  }
0xb3: {  	_ =	swait.ge [sflag:s29], $0x1  }
0xb4: {  	[sflag:s29] =	ssyncadd.s32 $0xFFFFFFFF  }
0xb5: {  	_ =	strace $0x9000004B  }
0xb6: {  	_ =	sfence  }
0xb7: {  	s30 =	sld [smem:$0x0];
	_ =	sdelay $0x2  }
0xb8: {  	s31 =	sshll.u32 s1, $0xD;
	s1 =	sshrl.u32 s1, $0x2  }
0xb9: {  	s3 =	sand.u32 $0x4000, s31;
	s1 =	sadd.s32 s1, s30  }
0xba: {  	s0 =	sor.u32 s3, s0;
	s1 =	sshll.u32 s1, $0x11  }
0xbb: {  	s0 =	sor.u32 s1, s0  }
0xbc: {  	s0 =	sadd.s32 $0x8F2B, s0  }
0xbd: {  	[sflag:s0] =	ssyncadd.remote.s32 $0x1  }
0xbe: {  	_ =	sfence.sel $0xFFFF  }
0xbf: {  	[dreg:$0x0] =	wrdreg $0xFFFFFFFF;
	(pc) =	sbr.abs _section_cstart, $3  }
0xc0: {  	[dreg:$0x1] =	wrdreg $0xFFFFFFFF  }
0xc1: {  	_ =	task.clear_ibuf [dreg:s6], $0x2FFFF;
	_ =	strace $0x9FFFFFFF  }
0xc2: {  	(tm) =	ssettm $0x7FFFFFFF  }
0xc3: {  	_ =	shalt  }
tec
execute0_lowered:
.L_overlay_start_1:
0x0: {  	(tag) =	ssettag $0x1  }
0x1: {  	s5 =	rddreg [dreg:$0x0];
	s1 =	srdreg.scid  }
0x2: {  	s0 =	stileid.u32;
	s2 =	rddreg [dreg:$0x1];
	s3 =	simm.s32 $0x0  }
0x3: {  	s20 =	simm.s32 $0x2800;
	s21 =	simm.s32 $0x2880;
	s22 =	simm.s32 $0x6A00  }
0x4: {  	s23 =	simm.s32 $0x1;
	s24 =	simm.s32 $0x2900;
	s25 =	simm.s32 $0x2  }
0x5: {  	s26 =	simm.s32 $0x2980;
	s28 =	simm.s32 $0x0;
	s6 =	sand.u32 $0x1, s1  }
0x6: {  	s4 =	sshll.u32 s0, $0x1;
	s1 =	rddreg [dreg:$0x2];
	s8 =	smul.u32 $0x50000, s0  }
0x7: {  	[smem:$0x7FF] =	sst s3;
	s9 =	smul.u32 $0x14000, s0;
	s15 =	sadd.s32 $0x5C800, s5  }
0x8: {  	s4 =	sor.u32 s6, s4;
	_ =	strace $0x8000004A;
	s17 =	smul.u32 $0x140000, s6  }
0x9: {  	s30 =	ssub.s32 $0x2, s6;
	s7 =	smul.u32 $0x500, s4;
	s4 =	sadd.s32 $0x2800, s5  }
0xa: {  	s31 =	sshrl.u32 s30, $0x1;
	s8 =	sshrl.u32 s8, $0x2;
	s11 =	sadd.s32 $0x4000, s9  }
0xb: {  	s13 =	sadd.s32 $0x8000, s9;
	s14 =	sadd.s32 $0xC000, s9;
	s18 =	sadd.s32 $0x10000, s9  }
0xc: {  	s16 =	ssub.s32 s30, s31;
	s6 =	sadd.s32 s11, s2;
	s12 =	sadd.s32 s9, s17  }
0xd: {  	s11 =	sadd.s32 s17, s11;
	s9 =	sadd.s32 s18, s2;
	s10 =	sadd.s32 s7, s5  }
0xe: {  	s5 =	sadd.s32 s8, s2;
	s7 =	sadd.s32 s13, s2;
	s8 =	sadd.s32 s14, s2  }
0xf: {  	s12 =	sshrl.u32 s12, $0x3;
	s19 =	sshrl.u32 s11, $0x3;
	s13 =	sadd.s32 s17, s13  }
0x10: {  	s14 =	sadd.s32 s17, s14;
	s17 =	sadd.s32 s17, s18;
	s16 =	smax.u32 s16, $0x1  }
0x11: {  	s18 =	simm.s32 $0x3;
	s10 =	sadd.s32 $0x52800, s10;
	s11 =	sadd.s32 s15, s12  }
0x12: {  	s12 =	sadd.s32 s15, s19;
	s13 =	sshrl.u32 s13, $0x3;
	s14 =	sshrl.u32 s14, $0x3  }
0x13: {  	s17 =	sshrl.u32 s17, $0x3;
	s19 =	simm.s32 $0x80;
	s13 =	sadd.s32 s15, s13  }
0x14: {  	v0 =	vimm.f32 $0.0e+00;
	s14 =	sadd.s32 s15, s14;
	s15 =	sadd.s32 s15, s17;
	s17 =	simm.s32 $0x2A00  }
.LBB2_1:
0x15: {  	s29 =	simm.s32 $0x0;
	s30 =	simm.s32 $0x200  }
.LBB2_2:
0x16: {  	p0 =	sne.s32 s30, $0xFE00;
	[tilespmem:s29+$0x2A70] =	vst v0  }
0x17: {  	[tilespmem:s29+$0x2A00] =	vst v0  }
0x18: {  	[tilespmem:s29+$0x2A10] =	vst v0  }
.Ltmp0:
0x19: {  	[tilespmem:s29+$0x2A20] =	vst v0;
	(pc) =	sbr.rel @p0 .LBB2_2-.Ltmp0, $4  }
0x1a: {  	[tilespmem:s29+$0x2A30] =	vst v0  }
0x1b: {  	[tilespmem:s29+$0x2A40] =	vst v0  }
0x1c: {  	[tilespmem:s29+$0x2A50] =	vst v0  }
0x1d: {  	[tilespmem:s29+$0x2A60] =	vst v0;
	s29 =	sshra.s32 s30, $0x2;
	s30 =	sadd.s32 $0x200, s30  }
0x1e: {  	[tilespmem:s29+$0x2A70] =	vst v0  }
0x1f: {  	[tilespmem:s29+$0x2A00] =	vst v0  }
0x20: {  	[tilespmem:s29+$0x2A10] =	vst v0  }
0x21: {  	[tilespmem:s29+$0x2A20] =	vst v0  }
0x22: {  	[tilespmem:s29+$0x2A30] =	vst v0  }
0x23: {  	[tilespmem:s29+$0x2A40] =	vst v0  }
0x24: {  	[tilespmem:s29+$0x2A50] =	vst v0  }
0x25: {  	[tilespmem:s29+$0x2A60] =	vst v0  }
0x26: {  	[spmem:s5] =	stream.linear.scatter [tilespmem:s17], [sflag:$0x3], $0x4000, $0x38;
	[tilespmem:$0x1EA00] =	vst v63  }
0x27: {  	_ =	swait.ge [sflag:s18], $0x4000  }
0x28: {  	[sflag:s18] =	ssyncset.done $0x0  }
0x29: {  	[sflag:s18] =	ssyncadd.s32 $0xFFFFC000  }
0x2a: {  	[spmem:s6] =	stream.linear.scatter [tilespmem:s17], [sflag:$0x3], $0x4000, $0x38;
	[tilespmem:$0x1EA00] =	vst v63  }
0x2b: {  	_ =	swait.ge [sflag:s18], $0x4000  }
0x2c: {  	[sflag:s18] =	ssyncset.done $0x0  }
0x2d: {  	[sflag:s18] =	ssyncadd.s32 $0xFFFFC000  }
0x2e: {  	[spmem:s7] =	stream.linear.scatter [tilespmem:s17], [sflag:$0x3], $0x4000, $0x38;
	[tilespmem:$0x1EA00] =	vst v63  }
0x2f: {  	_ =	swait.ge [sflag:s18], $0x4000  }
0x30: {  	[sflag:s18] =	ssyncset.done $0x0  }
0x31: {  	[sflag:s18] =	ssyncadd.s32 $0xFFFFC000  }
0x32: {  	[spmem:s8] =	stream.linear.scatter [tilespmem:s17], [sflag:$0x3], $0x4000, $0x38;
	[tilespmem:$0x1EA00] =	vst v63  }
0x33: {  	_ =	swait.ge [sflag:s18], $0x4000  }
0x34: {  	[sflag:s18] =	ssyncset.done $0x0  }
0x35: {  	[sflag:s18] =	ssyncadd.s32 $0xFFFFC000  }
0x36: {  	[spmem:s9] =	stream.linear.scatter [tilespmem:s17], [sflag:$0x3], $0x4000, $0x38;
	[tilespmem:$0x1EA00] =	vst v63  }
0x37: {  	_ =	swait.ge [sflag:s18], $0x4000  }
0x38: {  	[sflag:s18] =	ssyncset.done $0x0  }
0x39: {  	[sflag:s18] =	ssyncadd.s32 $0xFFFFC000  }
0x3a: {  	[bflag:$0x0] =	sbarrier.arrive $0xFFFF  }
0x3b: {  	[tilespmem:s3], [sflag:$0x3] =	stream.linear.gather [hbm4b:s10+s3], $0x2800, $0x38;
	[tilespmem:$0x1EA00] =	vst v63  }
0x3c: {  	_ =	swait.ge [sflag:s18], $0x2800  }
0x3d: {  	[sflag:s18] =	ssyncset.done $0x0  }
0x3e: {  	[sflag:s18] =	ssyncadd.s32 $0xFFFFD800  }
0x3f: {  	v1 =	vld [tilespmem:$0x0];
	_ =	sdelay $0x1  }
0x40: {  	v2 =	vld [tilespmem:$0x10];
	_ =	sdelay $0x1  }
0x41: {  	v3 =	vld [tilespmem:$0x20]  }
0x42: {  	v4 =	vand.u32 $0xFFFF, v1  }
0x43: {  	v59 =	vld [tilespmem:$0x30];
	v1 =	vshra.s32 v1, $0x10;
	[tilespmem:$0x2800] =	vst v4  }
0x44: {  	[tilespmem:$0x2900] =	vst v1;
	v1 =	vand.u32 $0xFFFF, v2  }
0x45: {  	[tilespmem:$0x2810] =	vst v1;
	v1 =	vshra.s32 v2, $0x10;
	v2 =	vld [tilespmem:$0x40]  }
0x46: {  	[tilespmem:$0x2910] =	vst v1;
	v1 =	vand.u32 $0xFFFF, v3  }
0x47: {  	[tilespmem:$0x2820] =	vst v1;
	v1 =	vshra.s32 v3, $0x10;
	v3 =	vld [tilespmem:$0x50]  }
0x48: {  	[tilespmem:$0x2920] =	vst v1;
	v1 =	vand.u32 $0xFFFF, v59  }
0x49: {  	v60 =	vld [tilespmem:$0x60];
	[tilespmem:$0x2830] =	vst v1;
	v1 =	vshra.s32 v59, $0x10  }
0x4a: {  	[tilespmem:$0x2930] =	vst v1;
	v1 =	vand.u32 $0xFFFF, v2  }
0x4b: {  	[tilespmem:$0x2840] =	vst v1;
	v1 =	vshra.s32 v2, $0x10;
	v2 =	vld [tilespmem:$0x70]  }
0x4c: {  	[tilespmem:$0x2940] =	vst v1;
	v1 =	vand.u32 $0xFFFF, v3  }
0x4d: {  	[tilespmem:$0x2850] =	vst v1;
	v1 =	vshra.s32 v3, $0x10  }
0x4e: {  	[tilespmem:$0x2950] =	vst v1;
	v1 =	vand.u32 $0xFFFF, v60  }
0x4f: {  	[tilespmem:$0x2860] =	vst v1;
	v1 =	vshra.s32 v60, $0x10  }
0x50: {  	[tilespmem:$0x2960] =	vst v1;
	v1 =	vand.u32 $0xFFFF, v2  }
0x51: {  	[tilespmem:$0x2870] =	vst v1;
	v1 =	vshra.s32 v2, $0x10  }
0x52: {  	[tilespmem:$0x2970] =	vst v1  }
0x53: {  	[tilespmem:s17], [sflag:$0x1] =	stream.indirect.gather [hbm4b:s4+s19], $0x80, s20, s19, $0xb8;
	[tilespmem:$0x1EA00] =	vst v63  }
0x54: {  	v1 =	vld [tilespmem:$0x80];
	_ =	sdelay $0x1  }
0x55: {  	v2 =	vld [tilespmem:$0x90];
	_ =	sdelay $0x1  }
0x56: {  	v3 =	vld [tilespmem:$0xA0]  }
0x57: {  	v61 =	vand.u32 $0xFFFF, v1  }
0x58: {  	v62 =	vld [tilespmem:$0xB0];
	v1 =	vshra.s32 v1, $0x10;
	[tilespmem:$0x2880] =	vst v61  }
0x59: {  	[tilespmem:$0x2980] =	vst v1;
	v1 =	vand.u32 $0xFFFF, v2  }
0x5a: {  	[tilespmem:$0x2890] =	vst v1;
	v1 =	vshra.s32 v2, $0x10;
	v2 =	vld [tilespmem:$0xC0]  }
0x5b: {  	[tilespmem:$0x2990] =	vst v1;
	v1 =	vand.u32 $0xFFFF, v3  }
0x5c: {  	[tilespmem:$0x28A0] =	vst v1;
	v1 =	vshra.s32 v3, $0x10;
	v3 =	vld [tilespmem:$0xD0]  }
0x5d: {  	[tilespmem:$0x29A0] =	vst v1;
	v1 =	vand.u32 $0xFFFF, v62  }
0x5e: {  	v63 =	vld [tilespmem:$0xE0];
	[tilespmem:$0x28B0] =	vst v1;
	v1 =	vshra.s32 v62, $0x10  }
0x5f: {  	[tilespmem:$0x29B0] =	vst v1;
	v1 =	vand.u32 $0xFFFF, v2  }
0x60: {  	[tilespmem:$0x28C0] =	vst v1;
	v1 =	vshra.s32 v2, $0x10;
	v2 =	vld [tilespmem:$0xF0]  }
0x61: {  	[tilespmem:$0x29C0] =	vst v1;
	v1 =	vand.u32 $0xFFFF, v3  }
0x62: {  	[tilespmem:$0x28D0] =	vst v1;
	v1 =	vshra.s32 v3, $0x10  }
0x63: {  	[tilespmem:$0x29D0] =	vst v1;
	v1 =	vand.u32 $0xFFFF, v63  }
0x64: {  	[tilespmem:$0x28E0] =	vst v1;
	v1 =	vshra.s32 v63, $0x10  }
0x65: {  	[tilespmem:$0x29E0] =	vst v1;
	v1 =	vand.u32 $0xFFFF, v2  }
0x66: {  	[tilespmem:$0x28F0] =	vst v1;
	v1 =	vshra.s32 v2, $0x10  }
0x67: {  	[tilespmem:$0x29F0] =	vst v1  }
0x68: {  	[tilespmem:s22], [sflag:$0x2] =	stream.indirect.gather [hbm4b:s4+s19], $0x80, s21, s19, $0xb8;
	[tilespmem:$0x1EA00] =	vst v63  }
0x69: {  	_ =	swait.ge [sflag:s23], $0x4000  }
0x6a: {  	[sflag:s23] =	ssyncset.done $0x0  }
0x6b: {  	[sflag:s23] =	ssyncadd.s32 $0xFFFFC000  }
0x6c: {  	[spmem:s2] =	stream.indirect.scatter.add.f32 [tilespmem:s17], [sflag:$0x3], $0x80, s24, s19, $0xb8;
	[tilespmem:$0x1EA00] =	vst v63  }
0x6d: {  	_ =	swait.ge [sflag:s18], $0x4000  }
0x6e: {  	[sflag:s18] =	ssyncset.done $0x0  }
0x6f: {  	s29 =	simm.s32 $0x1F0;
	[sflag:s18] =	ssyncadd.s32 $0xFFFFC000  }
0x70: {  	v1 =	vld [tilespmem:s29+$0xFFFFFF10];
	_ =	sdelay $0x4  }
0x71: {  	v2 =	vand.u32 $0xFFFF, v1  }
0x72: {  	v1 =	vshra.s32 v1, $0x10;
	[tilespmem:$0x2800] =	vst v2  }
0x73: {  	[tilespmem:$0x2900] =	vst v1  }
0x74: {  	v1 =	vld [tilespmem:s29+$0xFFFFFF20];
	_ =	sdelay $0x4  }
0x75: {  	v2 =	vand.u32 $0xFFFF, v1  }
0x76: {  	v1 =	vshra.s32 v1, $0x10;
	[tilespmem:$0x2810] =	vst v2  }
0x77: {  	[tilespmem:$0x2910] =	vst v1  }
0x78: {  	v1 =	vld [tilespmem:s29+$0xFFFFFF30];
	_ =	sdelay $0x4  }
0x79: {  	v2 =	vand.u32 $0xFFFF, v1  }
0x7a: {  	v1 =	vshra.s32 v1, $0x10;
	[tilespmem:$0x2820] =	vst v2  }
0x7b: {  	[tilespmem:$0x2920] =	vst v1  }
0x7c: {  	v1 =	vld [tilespmem:s29+$0xFFFFFF40];
	_ =	sdelay $0x4  }
0x7d: {  	v2 =	vand.u32 $0xFFFF, v1  }
0x7e: {  	v1 =	vshra.s32 v1, $0x10;
	[tilespmem:$0x2830] =	vst v2  }
0x7f: {  	[tilespmem:$0x2930] =	vst v1  }
0x80: {  	v1 =	vld [tilespmem:s29+$0xFFFFFF50];
	_ =	sdelay $0x4  }
0x81: {  	v2 =	vand.u32 $0xFFFF, v1  }
0x82: {  	v1 =	vshra.s32 v1, $0x10;
	[tilespmem:$0x2840] =	vst v2  }
0x83: {  	[tilespmem:$0x2940] =	vst v1  }
0x84: {  	v1 =	vld [tilespmem:s29+$0xFFFFFF60];
	_ =	sdelay $0x4  }
0x85: {  	v2 =	vand.u32 $0xFFFF, v1  }
0x86: {  	v1 =	vshra.s32 v1, $0x10;
	[tilespmem:$0x2850] =	vst v2  }
0x87: {  	[tilespmem:$0x2950] =	vst v1  }
0x88: {  	v1 =	vld [tilespmem:s29+$0xFFFFFF70];
	_ =	sdelay $0x4  }
0x89: {  	v2 =	vand.u32 $0xFFFF, v1  }
0x8a: {  	v1 =	vshra.s32 v1, $0x10;
	[tilespmem:$0x2860] =	vst v2  }
0x8b: {  	[tilespmem:$0x2960] =	vst v1  }
0x8c: {  	v1 =	vld [tilespmem:s29+$0xFFFFFF80];
	_ =	sdelay $0x4  }
0x8d: {  	v2 =	vand.u32 $0xFFFF, v1  }
0x8e: {  	v1 =	vshra.s32 v1, $0x10;
	[tilespmem:$0x2870] =	vst v2  }
0x8f: {  	[tilespmem:$0x2970] =	vst v1  }
0x90: {  	[tilespmem:s17], [sflag:$0x1] =	stream.indirect.gather [hbm4b:s4+s19], $0x80, s20, s19, $0xb8;
	[tilespmem:$0x1EA00] =	vst v63  }
0x91: {  	_ =	swait.ge [sflag:s25], $0x4000  }
0x92: {  	[sflag:s25] =	ssyncset.done $0x0  }
0x93: {  	[sflag:s25] =	ssyncadd.s32 $0xFFFFC000  }
0x94: {  	[spmem:s2] =	stream.indirect.scatter.add.f32 [tilespmem:s22], [sflag:$0x3], $0x80, s26, s19, $0xb8;
	[tilespmem:$0x1EA00] =	vst v63  }
0x95: {  	_ =	swait.ge [sflag:s18], $0x4000  }
0x96: {  	[sflag:s18] =	ssyncset.done $0x0  }
0x97: {  	[sflag:s18] =	ssyncadd.s32 $0xFFFFC000  }
0x98: {  	v1 =	vld [tilespmem:s29+$0xFFFFFF90];
	_ =	sdelay $0x4  }
0x99: {  	v2 =	vand.u32 $0xFFFF, v1  }
0x9a: {  	v1 =	vshra.s32 v1, $0x10;
	[tilespmem:$0x2880] =	vst v2  }
0x9b: {  	[tilespmem:$0x2980] =	vst v1  }
0x9c: {  	v1 =	vld [tilespmem:s29+$0xFFFFFFA0];
	_ =	sdelay $0x4  }
0x9d: {  	v2 =	vand.u32 $0xFFFF, v1  }
0x9e: {  	v1 =	vshra.s32 v1, $0x10;
	[tilespmem:$0x2890] =	vst v2  }
0x9f: {  	[tilespmem:$0x2990] =	vst v1  }
0xa0: {  	v1 =	vld [tilespmem:s29+$0xFFFFFFB0];
	_ =	sdelay $0x4  }
0xa1: {  	v2 =	vand.u32 $0xFFFF, v1  }
0xa2: {  	v1 =	vshra.s32 v1, $0x10;
	[tilespmem:$0x28A0] =	vst v2  }
0xa3: {  	[tilespmem:$0x29A0] =	vst v1  }
0xa4: {  	v1 =	vld [tilespmem:s29+$0xFFFFFFC0];
	_ =	sdelay $0x4  }
0xa5: {  	v2 =	vand.u32 $0xFFFF, v1  }
0xa6: {  	v1 =	vshra.s32 v1, $0x10;
	[tilespmem:$0x28B0] =	vst v2  }
0xa7: {  	[tilespmem:$0x29B0] =	vst v1  }
0xa8: {  	v1 =	vld [tilespmem:s29+$0xFFFFFFD0];
	_ =	sdelay $0x4  }
0xa9: {  	v2 =	vand.u32 $0xFFFF, v1  }
0xaa: {  	v1 =	vshra.s32 v1, $0x10;
	[tilespmem:$0x28C0] =	vst v2  }
0xab: {  	[tilespmem:$0x29C0] =	vst v1  }
0xac: {  	v1 =	vld [tilespmem:s29+$0xFFFFFFE0];
	_ =	sdelay $0x4  }
0xad: {  	v2 =	vand.u32 $0xFFFF, v1  }
0xae: {  	v1 =	vshra.s32 v1, $0x10;
	[tilespmem:$0x28D0] =	vst v2  }
0xaf: {  	s30 =	simm.s32 $0xBC0;
	[tilespmem:$0x29D0] =	vst v1  }
.LBB2_4:
0xb0: {  	p0 =	sne.s32 s30, $0x9FC0;
	v1 =	vld [tilespmem:s29+$0xFFFFFFF0];
	s31 =	smov.u32 s30;
	s30 =	sadd.s32 $0x400, s30  }
0xb1: {  	_ =	sdelay $0x3  }
0xb2: {  	v2 =	vand.u32 $0xFFFF, v1;
	v1 =	vshra.s32 v1, $0x10  }
0xb3: {  	[tilespmem:$0x28E0] =	vst v2  }
0xb4: {  	[tilespmem:$0x29E0] =	vst v1  }
0xb5: {  	v1 =	vld [tilespmem:s29+$0x0];
	_ =	sdelay $0x4  }
0xb6: {  	v2 =	vand.u32 $0xFFFF, v1;
	v1 =	vshra.s32 v1, $0x10  }
0xb7: {  	[tilespmem:$0x28F0] =	vst v2  }
0xb8: {  	[tilespmem:$0x29F0] =	vst v1  }
0xb9: {  	[tilespmem:s22], [sflag:$0x2] =	stream.indirect.gather [hbm4b:s4+s19], $0x80, s21, s19, $0xb8;
	[tilespmem:$0x1EA00] =	vst v63  }
0xba: {  	_ =	swait.ge [sflag:s23], $0x4000  }
0xbb: {  	[sflag:s23] =	ssyncset.done $0x0  }
0xbc: {  	[sflag:s23] =	ssyncadd.s32 $0xFFFFC000  }
0xbd: {  	[spmem:s2] =	stream.indirect.scatter.add.f32 [tilespmem:s17], [sflag:$0x3], $0x80, s24, s19, $0xb8;
	[tilespmem:$0x1EA00] =	vst v63  }
0xbe: {  	_ =	swait.ge [sflag:s18], $0x4000  }
0xbf: {  	[sflag:s18] =	ssyncset.done $0x0  }
0xc0: {  	s29 =	sshra.s32 s31, $0x2;
	[sflag:s18] =	ssyncadd.s32 $0xFFFFC000  }
0xc1: {  	v1 =	vld [tilespmem:s29+$0xFFFFFF10];
	_ =	sdelay $0x4  }
0xc2: {  	v2 =	vand.u32 $0xFFFF, v1;
	v1 =	vshra.s32 v1, $0x10  }
0xc3: {  	[tilespmem:$0x2800] =	vst v2  }
0xc4: {  	[tilespmem:$0x2900] =	vst v1  }
0xc5: {  	v1 =	vld [tilespmem:s29+$0xFFFFFF20];
	_ =	sdelay $0x4  }
0xc6: {  	v2 =	vand.u32 $0xFFFF, v1;
	v1 =	vshra.s32 v1, $0x10  }
0xc7: {  	[tilespmem:$0x2810] =	vst v2  }
0xc8: {  	[tilespmem:$0x2910] =	vst v1  }
0xc9: {  	v1 =	vld [tilespmem:s29+$0xFFFFFF30];
	_ =	sdelay $0x4  }
0xca: {  	v2 =	vand.u32 $0xFFFF, v1;
	v1 =	vshra.s32 v1, $0x10  }
0xcb: {  	[tilespmem:$0x2820] =	vst v2  }
0xcc: {  	[tilespmem:$0x2920] =	vst v1  }
0xcd: {  	v1 =	vld [tilespmem:s29+$0xFFFFFF40];
	_ =	sdelay $0x4  }
0xce: {  	v2 =	vand.u32 $0xFFFF, v1;
	v1 =	vshra.s32 v1, $0x10  }
0xcf: {  	[tilespmem:$0x2830] =	vst v2  }
0xd0: {  	[tilespmem:$0x2930] =	vst v1  }
0xd1: {  	v1 =	vld [tilespmem:s29+$0xFFFFFF50];
	_ =	sdelay $0x4  }
0xd2: {  	v2 =	vand.u32 $0xFFFF, v1;
	v1 =	vshra.s32 v1, $0x10  }
0xd3: {  	[tilespmem:$0x2840] =	vst v2  }
0xd4: {  	[tilespmem:$0x2940] =	vst v1  }
0xd5: {  	v1 =	vld [tilespmem:s29+$0xFFFFFF60];
	_ =	sdelay $0x4  }
0xd6: {  	v2 =	vand.u32 $0xFFFF, v1;
	v1 =	vshra.s32 v1, $0x10  }
0xd7: {  	[tilespmem:$0x2850] =	vst v2  }
0xd8: {  	[tilespmem:$0x2950] =	vst v1  }
0xd9: {  	v1 =	vld [tilespmem:s29+$0xFFFFFF70];
	_ =	sdelay $0x4  }
0xda: {  	v2 =	vand.u32 $0xFFFF, v1;
	v1 =	vshra.s32 v1, $0x10  }
0xdb: {  	[tilespmem:$0x2860] =	vst v2  }
0xdc: {  	[tilespmem:$0x2960] =	vst v1  }
0xdd: {  	v1 =	vld [tilespmem:s29+$0xFFFFFF80];
	_ =	sdelay $0x4  }
0xde: {  	v2 =	vand.u32 $0xFFFF, v1;
	v1 =	vshra.s32 v1, $0x10  }
0xdf: {  	[tilespmem:$0x2870] =	vst v2  }
0xe0: {  	[tilespmem:$0x2970] =	vst v1  }
0xe1: {  	[tilespmem:s17], [sflag:$0x1] =	stream.indirect.gather [hbm4b:s4+s19], $0x80, s20, s19, $0xb8;
	[tilespmem:$0x1EA00] =	vst v63  }
0xe2: {  	_ =	swait.ge [sflag:s25], $0x4000  }
0xe3: {  	[sflag:s25] =	ssyncset.done $0x0  }
0xe4: {  	[sflag:s25] =	ssyncadd.s32 $0xFFFFC000  }
0xe5: {  	[spmem:s2] =	stream.indirect.scatter.add.f32 [tilespmem:s22], [sflag:$0x3], $0x80, s26, s19, $0xb8;
	[tilespmem:$0x1EA00] =	vst v63  }
0xe6: {  	_ =	swait.ge [sflag:s18], $0x4000  }
0xe7: {  	[sflag:s18] =	ssyncset.done $0x0  }
0xe8: {  	[sflag:s18] =	ssyncadd.s32 $0xFFFFC000  }
0xe9: {  	v1 =	vld [tilespmem:s29+$0xFFFFFF90];
	_ =	sdelay $0x4  }
0xea: {  	v2 =	vand.u32 $0xFFFF, v1;
	v1 =	vshra.s32 v1, $0x10  }
0xeb: {  	[tilespmem:$0x2880] =	vst v2  }
0xec: {  	[tilespmem:$0x2980] =	vst v1  }
0xed: {  	v1 =	vld [tilespmem:s29+$0xFFFFFFA0];
	_ =	sdelay $0x4  }
0xee: {  	v2 =	vand.u32 $0xFFFF, v1;
	v1 =	vshra.s32 v1, $0x10  }
0xef: {  	[tilespmem:$0x2890] =	vst v2  }
0xf0: {  	[tilespmem:$0x2990] =	vst v1  }
0xf1: {  	v1 =	vld [tilespmem:s29+$0xFFFFFFB0];
	_ =	sdelay $0x4  }
0xf2: {  	v2 =	vand.u32 $0xFFFF, v1;
	v1 =	vshra.s32 v1, $0x10  }
0xf3: {  	[tilespmem:$0x28A0] =	vst v2  }
0xf4: {  	[tilespmem:$0x29A0] =	vst v1  }
0xf5: {  	v1 =	vld [tilespmem:s29+$0xFFFFFFC0];
	_ =	sdelay $0x4  }
0xf6: {  	v2 =	vand.u32 $0xFFFF, v1;
	v1 =	vshra.s32 v1, $0x10  }
0xf7: {  	[tilespmem:$0x28B0] =	vst v2  }
0xf8: {  	[tilespmem:$0x29B0] =	vst v1  }
0xf9: {  	v1 =	vld [tilespmem:s29+$0xFFFFFFD0];
	_ =	sdelay $0x4  }
0xfa: {  	v2 =	vand.u32 $0xFFFF, v1;
	v1 =	vshra.s32 v1, $0x10  }
0xfb: {  	[tilespmem:$0x28C0] =	vst v2  }
0xfc: {  	[tilespmem:$0x29C0] =	vst v1  }
0xfd: {  	v1 =	vld [tilespmem:s29+$0xFFFFFFE0];
	_ =	sdelay $0x2  }
.Ltmp1:
0xfe: {  	(pc) =	sbr.rel @p0 .LBB2_4-.Ltmp1, $4  }
0xff: {  	_ = 	snop  }
0x100: {  	v2 =	vand.u32 $0xFFFF, v1;
	v1 =	vshra.s32 v1, $0x10  }
0x101: {  	[tilespmem:$0x28D0] =	vst v2  }
0x102: {  	[tilespmem:$0x29D0] =	vst v1  }
0x103: {  	v1 =	vld [tilespmem:s29+$0xFFFFFFF0];
	_ =	sdelay $0x4  }
0x104: {  	v2 =	vand.u32 $0xFFFF, v1  }
0x105: {  	v1 =	vshra.s32 v1, $0x10;
	[tilespmem:$0x28E0] =	vst v2  }
0x106: {  	[tilespmem:$0x29E0] =	vst v1  }
0x107: {  	v1 =	vld [tilespmem:s29+$0x0];
	_ =	sdelay $0x4  }
0x108: {  	v2 =	vand.u32 $0xFFFF, v1  }
0x109: {  	v1 =	vshra.s32 v1, $0x10;
	[tilespmem:$0x28F0] =	vst v2  }
0x10a: {  	[tilespmem:$0x29F0] =	vst v1  }
0x10b: {  	[tilespmem:s22], [sflag:$0x2] =	stream.indirect.gather [hbm4b:s4+s19], $0x80, s21, s19, $0xb8;
	[tilespmem:$0x1EA00] =	vst v63  }
0x10c: {  	_ =	swait.ge [sflag:s23], $0x4000  }
0x10d: {  	[sflag:s23] =	ssyncset.done $0x0  }
0x10e: {  	[sflag:s23] =	ssyncadd.s32 $0xFFFFC000  }
0x10f: {  	[spmem:s2] =	stream.indirect.scatter.add.f32 [tilespmem:s17], [sflag:$0x3], $0x80, s24, s19, $0xb8;
	[tilespmem:$0x1EA00] =	vst v63  }
0x110: {  	_ =	swait.ge [sflag:s18], $0x4000  }
0x111: {  	[sflag:s18] =	ssyncset.done $0x0  }
0x112: {  	[sflag:s18] =	ssyncadd.s32 $0xFFFFC000  }
0x113: {  	_ =	swait.ge [sflag:s25], $0x4000  }
0x114: {  	[sflag:s25] =	ssyncset.done $0x0  }
0x115: {  	[sflag:s25] =	ssyncadd.s32 $0xFFFFC000  }
0x116: {  	[spmem:s2] =	stream.indirect.scatter.add.f32 [tilespmem:s22], [sflag:$0x3], $0x80, s26, s19, $0xb8;
	[tilespmem:$0x1EA00] =	vst v63  }
0x117: {  	_ =	swait.ge [sflag:s18], $0x4000  }
0x118: {  	[sflag:s18] =	ssyncset.done $0x0  }
0x119: {  	[sflag:s18] =	ssyncadd.s32 $0xFFFFC000  }
0x11a: {  	[bflag:$0x0] =	sbarrier.arrive $0xFFFF  }
0x11b: {  	[tilespmem:s17], [sflag:$0x3] =	stream.linear.gather [spmem:s5], $0x4000, $0x38;
	[tilespmem:$0x1EA00] =	vst v63  }
0x11c: {  	_ =	swait.ge [sflag:s18], $0x4000  }
0x11d: {  	[sflag:s18] =	ssyncset.done $0x0  }
0x11e: {  	[sflag:s18] =	ssyncadd.s32 $0xFFFFC000  }
0x11f: {  	[hbm4b:s11+s3] =	stream.linear.scatter [tilespmem:s17], [sflag:$0x3], $0x4000, $0x38;
	[tilespmem:$0x1EA00] =	vst v63  }
0x120: {  	_ =	swait.ge [sflag:s18], $0x4000  }
0x121: {  	[sflag:s18] =	ssyncset.done $0x0  }
0x122: {  	[sflag:s18] =	ssyncadd.s32 $0xFFFFC000  }
0x123: {  	[tilespmem:s17], [sflag:$0x3] =	stream.linear.gather [spmem:s6], $0x4000, $0x38;
	[tilespmem:$0x1EA00] =	vst v63  }
0x124: {  	_ =	swait.ge [sflag:s18], $0x4000  }
0x125: {  	[sflag:s18] =	ssyncset.done $0x0  }
0x126: {  	[sflag:s18] =	ssyncadd.s32 $0xFFFFC000  }
0x127: {  	[hbm4b:s12+s3] =	stream.linear.scatter [tilespmem:s17], [sflag:$0x3], $0x4000, $0x38;
	[tilespmem:$0x1EA00] =	vst v63  }
0x128: {  	_ =	swait.ge [sflag:s18], $0x4000  }
0x129: {  	[sflag:s18] =	ssyncset.done $0x0  }
0x12a: {  	[sflag:s18] =	ssyncadd.s32 $0xFFFFC000  }
0x12b: {  	[tilespmem:s17], [sflag:$0x3] =	stream.linear.gather [spmem:s7], $0x4000, $0x38;
	[tilespmem:$0x1EA00] =	vst v63  }
0x12c: {  	_ =	swait.ge [sflag:s18], $0x4000  }
0x12d: {  	[sflag:s18] =	ssyncset.done $0x0  }
0x12e: {  	[sflag:s18] =	ssyncadd.s32 $0xFFFFC000  }
0x12f: {  	[hbm4b:s13+s3] =	stream.linear.scatter [tilespmem:s17], [sflag:$0x3], $0x4000, $0x38;
	[tilespmem:$0x1EA00] =	vst v63  }
0x130: {  	_ =	swait.ge [sflag:s18], $0x4000  }
0x131: {  	[sflag:s18] =	ssyncset.done $0x0  }
0x132: {  	[sflag:s18] =	ssyncadd.s32 $0xFFFFC000  }
0x133: {  	[tilespmem:s17], [sflag:$0x3] =	stream.linear.gather [spmem:s8], $0x4000, $0x38;
	[tilespmem:$0x1EA00] =	vst v63  }
0x134: {  	_ =	swait.ge [sflag:s18], $0x4000  }
0x135: {  	[sflag:s18] =	ssyncset.done $0x0  }
0x136: {  	[sflag:s18] =	ssyncadd.s32 $0xFFFFC000  }
0x137: {  	[hbm4b:s14+s3] =	stream.linear.scatter [tilespmem:s17], [sflag:$0x3], $0x4000, $0x38;
	[tilespmem:$0x1EA00] =	vst v63  }
0x138: {  	_ =	swait.ge [sflag:s18], $0x4000  }
0x139: {  	[sflag:s18] =	ssyncset.done $0x0  }
0x13a: {  	[sflag:s18] =	ssyncadd.s32 $0xFFFFC000  }
0x13b: {  	[tilespmem:s17], [sflag:$0x3] =	stream.linear.gather [spmem:s9], $0x4000, $0x38;
	[tilespmem:$0x1EA00] =	vst v63  }
0x13c: {  	s28 =	sadd.s32 $0x1, s28;
	_ =	swait.ge [sflag:s18], $0x4000  }
0x13d: {  	p0 =	sne.s32 s28, s16;
	[sflag:s18] =	ssyncset.done $0x0  }
.Ltmp2:
0x13e: {  	[sflag:s18] =	ssyncadd.s32 $0xFFFFC000;
	(pc) =	sbr.rel @p0 .LBB2_1-.Ltmp2, $4  }
0x13f: {  	[hbm4b:s15+s3] =	stream.linear.scatter [tilespmem:s17], [sflag:$0x3], $0x4000, $0x38;
	[tilespmem:$0x1EA00] =	vst v63  }
0x140: {  	_ =	swait.ge [sflag:s18], $0x4000  }
0x141: {  	[sflag:s18] =	ssyncset.done $0x0  }
0x142: {  	[sflag:s18] =	ssyncadd.s32 $0xFFFFC000  }
0x143: {  	_ =	sfence.sel $0x180000  }
0x144: {  	[bflag:$0x0] =	sbarrier.arrive $0xFFFF  }
0x145: {  	p0 =	sne.s32 s0, $0x0;
	_ =	strace $0x9000004A  }
0x146: {  	s0 =	sadd.s32 @!p0 $0x100000, s1;
	[bflag:$0x2] =	sbarrier.arrive $0xFFFF  }
0x147: {  	[sflag:s0] =	ssyncadd.tile.s32 @!p0 $0x1;
	_ =	shalt  }
.Lfunc_end2:
_tile_overlayer_lowered:
.L_overlay_start_2:
0x148: {  	(tag) =	ssettag $0x2  }
0x149: {  	s0 =	rddreg [dreg:$0x0];
	s2 =	stileid.u32  }
0x14a: {  	s1 =	rddreg [dreg:$0x1];
	p0 =	sne.s32 s2, $0x0  }
0x14b: {  	s3 =	rddreg [dreg:$0x2];
	[bflag:$0x3] =	sbarrier.arrive $0xFFFF;
	s2 =	simm.s32 @!p0 $0x1C03  }
0x14c: {  	[timem:s3], [sflag:s2] =	dma.local @!p0 [hbm:s0], s1  }
0x14d: {  	s0 =	simm.s32 @!p0 $0x3  }
0x14e: {  	_ =	swait.ge @!p0 [sflag:s0], s1  }
0x14f: {  	s1 =	ssub.s32 @!p0 $0x0, s1;
	[sflag:s0] =	ssyncset.done @!p0 $0x0  }
0x150: {  	[sflag:s0] =	ssyncadd.s32 @!p0 s1  }
0x151: {  	[bflag:$0x3] =	sbarrier.arrive $0xFFFF  }
0x152: {  	_ =	shalt  }

// kernel: kernel.14.cloned.1.call-start
scs
__scs_entry_jumppad:
0x0: {  	(pc) =	sbr.rel $0x88, $3  }
0x1: {  	(tag) =	ssettag $0x0;
	lr =	simm.s32 $0x1  }
0x2: {  	[smem:$0x3F9D] =	sst lr;
	_ =	strace $0xD0000000  }
0x3: {  	_ = 	snop  }
0x4: {  	_ = 	snop  }
0x5: {  	_ = 	snop  }
0x6: {  	_ = 	snop  }
0x7: {  	_ = 	snop  }
__scs_overlays_trampoline_lowered:
0x8: {  	[smem:$0x3FAC] =	sst s0  }
0x9: {  	[smem:$0x3FAD] =	sst s1  }
0xa: {  	[smem:$0x3FAE] =	sst s2  }
0xb: {  	[smem:$0x3FAF] =	sst s3  }
0xc: {  	[smem:$0x3FB0] =	sst s4  }
0xd: {  	[smem:$0x3FB1] =	sst s5  }
0xe: {  	[smem:$0x3FB2] =	sst s6  }
0xf: {  	[smem:$0x3FB3] =	sst s7  }
0x10: {  	[smem:$0x3FB4] =	sst s8  }
0x11: {  	[smem:$0x3FB5] =	sst s9;
	s0 =	simm.s32 @!p0 $0x0  }
0x12: {  	s1 =	sld [smem:$0x3F9B];
	s0 =	simm.s32 @p0 $0x1  }
0x13: {  	[smem:$0x3FB6] =	sst s0;
	s0 =	simm.s32 @!p1 $0x0  }
0x14: {  	s2 =	sld [smem:$0x3F9A];
	s0 =	simm.s32 @p1 $0x1  }
0x15: {  	[smem:$0x3FB7] =	sst s0;
	s0 =	simm.s32 @!p2 $0x0  }
0x16: {  	s3 =	sld [smem:$0x3FDB];
	s0 =	simm.s32 @p2 $0x1  }
0x17: {  	s4 =	simm.s32 $0x1BF5;
	[smem:$0x3FB9] =	sst s0  }
0x18: {  	s0 =	sld [smem:$0x3F9C];
	_ =	swait.ge [sflag:s4], $0x0  }
0x19: {  	s7 =	sld [smem:$0x3F9D]  }
0x1a: {  	s8 =	sadd.s32 $0xFFFFE003, lr  }
0x1b: {  	s9 =	sadd.s32 $0xFFFFFEF7, lr;
	s5 =	simm.s32 $0xFFFFFFFF;
	p2 =	slt.u32 s8, $0xFFFFF086  }
0x1c: {  	p1 =	slt.u32 s9, $0xF7A;
	s5 =	simm.s32 @!p2 $0x0  }
0x1d: {  	s5 =	simm.s32 @p1 $0x1;
	p0 =	seq.s32 s7, s2  }
0x1e: {  	s7 =	smul.u32 @!p0 $0xF7A, s2;
	p2 =	seq.s32 @!p0 s5, $0x0  }
0x1f: {  	s9 =	smul.u32 $0xF7A, s1;
	s8 =	simm.s32 @!p0 $0x1BF5;
	p2 =	por !p2, p0  }
0x20: {  	[sflag:s8] =	ssyncset.s32 @!p0 $0xFFFFF086;
	s6 =	sadd.s32 @!p0 s3, s7;
	s7 =	simm.s32 @!p0 $0x108  }
0x21: {  	s3 =	sadd.s32 s3, s9;
	s6 =	sadd.s32 @!p0 $0x88, s6;
	s7 =	simm.s32 @p2 $0x1082  }
0x22: {  	[simem:s7], [sflag:s8] =	dma.local @!p0 [hbm:s6], $0xF7A  }
0x23: {  	s9 =	sor.u32 $0xD0000000, s2;
	s6 =	simm.s32 $0x108;
	_ =	swait.ge @!p0 [sflag:s8], $0x0  }
0x24: {  	s3 =	sadd.s32 $0x88, s3;
	s6 =	simm.s32 @!p1 $0x1082;
	[sflag:s4] =	ssyncset.s32 $0xFFFFF086  }
0x25: {  	[simem:s6], [sflag:s4] =	dma.local [hbm:s3], $0xF7A  }
0x26: {  	[smem:$0x3F9D] =	sst s1;
	(tag) =	ssettag s2;
	_ =	strace s9  }
0x27: {  	s1 =	sld [smem:$0x3FAD]  }
0x28: {  	s2 =	sld [smem:$0x3FAE]  }
0x29: {  	s4 =	sld [smem:$0x3FB0]  }
0x2a: {  	p0 =	seq.s32 s5, $0x0;
	s5 =	sld [smem:$0x3FB1]  }
0x2b: {  	s6 =	sld [smem:$0x3FB2]  }
0x2c: {  	s7 =	sld [smem:$0x3FB3]  }
0x2d: {  	s3 =	simm.s32 $0x108;
	s8 =	sld [smem:$0x3FB4]  }
0x2e: {  	s3 =	simm.s32 @!p0 $0x1082;
	s9 =	sld [smem:$0x3FB5]  }
0x2f: {  	lr =	sadd.s32 s0, s3;
	s0 =	sld [smem:$0x3FAC]  }
0x30: {  	s3 =	sld [smem:$0x3FAF]  }
0x31: {  	[smem:$0x3FB8] =	sst s10  }
0x32: {  	s10 =	sld [smem:$0x3FB6];
	_ =	sdelay $0x3  }
0x33: {  	p0 =	seq.s32 s10, $0x1;
	s10 =	sld [smem:$0x3FB8];
	_ =	sdelay $0x3  }
0x34: {  	[smem:$0x3FB8] =	sst s10  }
0x35: {  	s10 =	sld [smem:$0x3FB7];
	_ =	sdelay $0x3  }
0x36: {  	p1 =	seq.s32 s10, $0x1;
	s10 =	sld [smem:$0x3FB8];
	_ =	sdelay $0x3  }
0x37: {  	[smem:$0x3FB8] =	sst s10  }
0x38: {  	s10 =	sld [smem:$0x3FB9]  }
0x39: {  	_ = 	snop;
	(pc) =	sbr.ind lr, $3  }
0x3a: {  	_ = 	snop  }
0x3b: {  	_ = 	snop  }
0x3c: {  	p2 =	seq.s32 s10, $0x1;
	s10 =	sld [smem:$0x3FB8]  }
0x3d: {  	_ =	shalt  }
0x3e: {  	_ =	shalt  }
0x3f: {  	_ =	shalt  }
0x40: {  	_ =	shalt  }
0x41: {  	_ =	shalt  }
0x42: {  	_ =	shalt  }
0x43: {  	_ =	shalt  }
0x44: {  	_ =	shalt  }
0x45: {  	_ =	shalt  }
0x46: {  	_ =	shalt  }
0x47: {  	_ =	shalt  }
0x48: {  	_ =	shalt  }
0x49: {  	_ =	shalt  }
0x4a: {  	_ =	shalt  }
0x4b: {  	_ =	shalt  }
0x4c: {  	_ =	shalt  }
0x4d: {  	_ =	shalt  }
0x4e: {  	_ =	shalt  }
0x4f: {  	_ =	shalt  }
0x50: {  	_ =	shalt  }
0x51: {  	_ =	shalt  }
0x52: {  	_ =	shalt  }
0x53: {  	_ =	shalt  }
0x54: {  	_ =	shalt  }
0x55: {  	_ =	shalt  }
0x56: {  	_ =	shalt  }
0x57: {  	_ =	shalt  }
0x58: {  	_ =	shalt  }
0x59: {  	_ =	shalt  }
0x5a: {  	_ =	shalt  }
0x5b: {  	_ =	shalt  }
0x5c: {  	_ =	shalt  }
0x5d: {  	_ =	shalt  }
0x5e: {  	_ =	shalt  }
0x5f: {  	_ =	shalt  }
0x60: {  	_ =	shalt  }
0x61: {  	_ =	shalt  }
0x62: {  	_ =	shalt  }
0x63: {  	_ =	shalt  }
0x64: {  	_ =	shalt  }
0x65: {  	_ =	shalt  }
0x66: {  	_ =	shalt  }
0x67: {  	_ =	shalt  }
0x68: {  	_ =	shalt  }
0x69: {  	_ =	shalt  }
0x6a: {  	_ =	shalt  }
0x6b: {  	_ =	shalt  }
0x6c: {  	_ =	shalt  }
0x6d: {  	_ =	shalt  }
0x6e: {  	_ =	shalt  }
0x6f: {  	_ =	shalt  }
0x70: {  	_ =	shalt  }
0x71: {  	_ =	shalt  }
0x72: {  	_ =	shalt  }
0x73: {  	_ =	shalt  }
0x74: {  	_ =	shalt  }
0x75: {  	_ =	shalt  }
0x76: {  	_ =	shalt  }
0x77: {  	_ =	shalt  }
0x78: {  	_ =	shalt  }
0x79: {  	_ =	shalt  }
0x7a: {  	_ =	shalt  }
0x7b: {  	_ =	shalt  }
0x7c: {  	_ =	shalt  }
0x7d: {  	_ =	shalt  }
0x7e: {  	_ =	shalt  }
0x7f: {  	_ =	shalt  }
0x80: {  	_ =	shalt  }
0x81: {  	_ =	shalt  }
0x82: {  	_ =	shalt  }
0x83: {  	_ =	shalt  }
0x84: {  	_ =	shalt  }
0x85: {  	_ =	shalt  }
0x86: {  	_ =	shalt  }
0x87: {  	_ =	shalt  }
.Lfunc_end0:
.L_simem_size_0:
called_computation.2_lowered:
.L_overlay_start_0:
0x88: {  	s2 =	sld [smem:$0x3FD9]  }
0x89: {  	s3 =	sld [smem:$0x3FFE];
	_ =	sdelay $0x1  }
0x8a: {  	s1 =	srdreg.scid  }
0x8b: {  	s0 =	sand.u32 $0x1, s1  }
0x8c: {  	s16 =	sshll.u32 s0, $0xA;
	s2 =	sadd.s32 s3, s2  }
0x8d: {  	s2 =	sadd.s32 s2, s16  }
0x8e: {  	[smem:$0x3FC4] =	sst s2  }
0x8f: {  	_ = 	snop  }
0x90: {  	(tm) =	ssettm $0x1  }
0x91: {  	s17 =	sld [smem:$0x3FFB];
	_ =	sdelay $0x3  }
0x92: {  	_ =	strace s17  }
0x93: {  	s2 =	sld [smem:$0x3FFC];
	_ =	sdelay $0x3  }
0x94: {  	_ =	strace s2  }
0x95: {  	s2 =	sld [smem:$0x3FFD];
	_ =	sdelay $0x3  }
0x96: {  	_ =	strace s2  }
0x97: {  	_ =	strace $0x8FFFFFFF  }
0x98: {  	s18 =	sld [smem:$0x3FDB];
	_ =	sdelay $0x1  }
0x99: {  	s19 =	simm.s32 $_scs_section_size  }
0x9a: {  	s4 =	simm.s32 $_size__tile_overlayer_lowered;
	s5 =	simm.s32 $_tile_overlayer_lowered  }
0x9b: {  	s22 =	simm.s32 $0x1BFF;
	s21 =	sshll.u32 s5, $0x1;
	s2 =	sadd.s32 s19, s18  }
0x9c: {  	s6 =	simm.s32 $0x0;
	s20 =	sshll.u32 s4, $0x1;
	s4 =	sadd.s32 s21, s2  }
0x9d: {  	[timem:s6], [sflag:s22] =	dma.local [hbm:s4], s20  }
0x9e: {  	_ =	swait.ge [sflag:s22], s20  }
0x9f: {  	s3 =	ssub.s32 $0x0, s20;
	[sflag:s22] =	ssyncset.done $0x0  }
0xa0: {  	[sflag:s22] =	ssyncadd.s32 s3;
	_ =	sdelay $0x1  }
0xa1: {  	s23 =	simm.s32 $0x1B8B  }
0xa2: {  	_ =	swait.ge [sflag:s23], $0x1  }
0xa3: {  	[sflag:s23] =	ssyncset.done $0x0  }
0xa4: {  	s25 =	simm.s32 $0x1B8E;
	s24 =	sld [smem:$0x3FFE];
	[sflag:s23] =	ssyncadd.s32 $0xFFFFFFFF  }
0xa5: {  	s26 =	simm.s32 $execute0_lowered;
	[smem:$0x3FD2] =	sst s25  }
0xa6: {  	s4 =	sshll.u32 s26, $0x1;
	_ =	strace $0x8000004C;
	[dreg:$0x1] =	wrdreg $0xFFFFFFFF  }
0xa7: {  	s28 =	simm.s32 $_size_execute0_lowered;
	s2 =	sadd.s32 s2, s4;
	[dreg:$0x0] =	wrdreg $0x0  }
0xa8: {  	s4 =	sshll.u32 s28, $0x1;
	[dreg:$0x2] =	wrdreg s2  }
0xa9: {  	[dreg:$0x3] =	wrdreg s4  }
0xaa: {  	[dreg:$0x4] =	wrdreg $0xC0  }
0xab: {  	_ =	task [dreg:s6], $0x5FFFF  }
0xac: {  	[dreg:$0x1] =	wrdreg $0xFFFFFFFF  }
0xad: {  	[dreg:$0x0] =	wrdreg $0x60  }
0xae: {  	[dreg:$0x2] =	wrdreg s24  }
0xaf: {  	[dreg:$0x3] =	wrdreg $0xAA000  }
0xb0: {  	[dreg:$0x4] =	wrdreg $0x9  }
0xb1: {  	_ =	task.clear_ibuf [dreg:s6], $0x5FFFF;
	_ =	strace $0x9000004C  }
0xb2: {  	s29 =	simm.s32 $0x9;
	_ =	strace $0x8000004E  }
0xb3: {  	_ =	swait.ge [sflag:s29], $0x1  }
0xb4: {  	[sflag:s29] =	ssyncadd.s32 $0xFFFFFFFF  }
0xb5: {  	_ =	strace $0x9000004E  }
0xb6: {  	_ =	sfence  }
0xb7: {  	s30 =	sld [smem:$0x0];
	_ =	sdelay $0x2  }
0xb8: {  	s31 =	sshll.u32 s1, $0xD;
	s1 =	sshrl.u32 s1, $0x2  }
0xb9: {  	s3 =	sand.u32 $0x4000, s31;
	s1 =	sadd.s32 s1, s30  }
0xba: {  	s0 =	sor.u32 s3, s0;
	s1 =	sshll.u32 s1, $0x11  }
0xbb: {  	s0 =	sor.u32 s1, s0  }
0xbc: {  	s0 =	sadd.s32 $0x8F2B, s0  }
0xbd: {  	[sflag:s0] =	ssyncadd.remote.s32 $0x1  }
0xbe: {  	_ =	sfence.sel $0xFFFF  }
0xbf: {  	[dreg:$0x0] =	wrdreg $0xFFFFFFFF;
	(pc) =	sbr.abs _section_cstart, $3  }
0xc0: {  	[dreg:$0x1] =	wrdreg $0xFFFFFFFF  }
0xc1: {  	_ =	task.clear_ibuf [dreg:s6], $0x2FFFF;
	_ =	strace $0x9FFFFFFF  }
0xc2: {  	(tm) =	ssettm $0x7FFFFFFF  }
0xc3: {  	_ =	shalt  }
tec
execute0_lowered:
.L_overlay_start_1:
0x0: {  	(tag) =	ssettag $0x1  }
0x1: {  	s5 =	rddreg [dreg:$0x0];
	s1 =	srdreg.scid  }
0x2: {  	s0 =	stileid.u32;
	s2 =	rddreg [dreg:$0x1];
	s3 =	simm.s32 $0x0  }
0x3: {  	s20 =	simm.s32 $0x2800;
	s21 =	simm.s32 $0x2880;
	s22 =	simm.s32 $0x6A00  }
0x4: {  	s23 =	simm.s32 $0x1;
	s24 =	simm.s32 $0x2900;
	s25 =	simm.s32 $0x2  }
0x5: {  	s26 =	simm.s32 $0x2980;
	s28 =	simm.s32 $0x0;
	s6 =	sand.u32 $0x1, s1  }
0x6: {  	s4 =	sshll.u32 s0, $0x1;
	s1 =	rddreg [dreg:$0x2];
	s8 =	smul.u32 $0x50000, s0  }
0x7: {  	[smem:$0x7FF] =	sst s3;
	s9 =	smul.u32 $0x14000, s0;
	s15 =	sadd.s32 $0x5C800, s5  }
0x8: {  	s4 =	sor.u32 s6, s4;
	_ =	strace $0x8000004D;
	s17 =	smul.u32 $0x140000, s6  }
0x9: {  	s30 =	ssub.s32 $0x2, s6;
	s7 =	smul.u32 $0x500, s4;
	s4 =	sadd.s32 $0x2800, s5  }
0xa: {  	s31 =	sshrl.u32 s30, $0x1;
	s8 =	sshrl.u32 s8, $0x2;
	s11 =	sadd.s32 $0x4000, s9  }
0xb: {  	s13 =	sadd.s32 $0x8000, s9;
	s14 =	sadd.s32 $0xC000, s9;
	s18 =	sadd.s32 $0x10000, s9  }
0xc: {  	s16 =	ssub.s32 s30, s31;
	s6 =	sadd.s32 s11, s2;
	s12 =	sadd.s32 s9, s17  }
0xd: {  	s11 =	sadd.s32 s17, s11;
	s9 =	sadd.s32 s18, s2;
	s10 =	sadd.s32 s7, s5  }
0xe: {  	s5 =	sadd.s32 s8, s2;
	s7 =	sadd.s32 s13, s2;
	s8 =	sadd.s32 s14, s2  }
0xf: {  	s12 =	sshrl.u32 s12, $0x3;
	s19 =	sshrl.u32 s11, $0x3;
	s13 =	sadd.s32 s17, s13  }
0x10: {  	s14 =	sadd.s32 s17, s14;
	s17 =	sadd.s32 s17, s18;
	s16 =	smax.u32 s16, $0x1  }
0x11: {  	s18 =	simm.s32 $0x3;
	s10 =	sadd.s32 $0x52800, s10;
	s11 =	sadd.s32 s15, s12  }
0x12: {  	s12 =	sadd.s32 s15, s19;
	s13 =	sshrl.u32 s13, $0x3;
	s14 =	sshrl.u32 s14, $0x3  }
0x13: {  	s17 =	sshrl.u32 s17, $0x3;
	s19 =	simm.s32 $0x80;
	s13 =	sadd.s32 s15, s13  }
0x14: {  	v0 =	vimm.f32 $0.0e+00;
	s14 =	sadd.s32 s15, s14;
	s15 =	sadd.s32 s15, s17;
	s17 =	simm.s32 $0x2A00  }
.LBB2_1:
0x15: {  	s29 =	simm.s32 $0x0;
	s30 =	simm.s32 $0x200  }
.LBB2_2:
0x16: {  	p0 =	sne.s32 s30, $0xFE00;
	[tilespmem:s29+$0x2A70] =	vst v0  }
0x17: {  	[tilespmem:s29+$0x2A00] =	vst v0  }
0x18: {  	[tilespmem:s29+$0x2A10] =	vst v0  }
.Ltmp0:
0x19: {  	[tilespmem:s29+$0x2A20] =	vst v0;
	(pc) =	sbr.rel @p0 .LBB2_2-.Ltmp0, $4  }
0x1a: {  	[tilespmem:s29+$0x2A30] =	vst v0  }
0x1b: {  	[tilespmem:s29+$0x2A40] =	vst v0  }
0x1c: {  	[tilespmem:s29+$0x2A50] =	vst v0  }
0x1d: {  	[tilespmem:s29+$0x2A60] =	vst v0;
	s29 =	sshra.s32 s30, $0x2;
	s30 =	sadd.s32 $0x200, s30  }
0x1e: {  	[tilespmem:s29+$0x2A70] =	vst v0  }
0x1f: {  	[tilespmem:s29+$0x2A00] =	vst v0  }
0x20: {  	[tilespmem:s29+$0x2A10] =	vst v0  }
0x21: {  	[tilespmem:s29+$0x2A20] =	vst v0  }
0x22: {  	[tilespmem:s29+$0x2A30] =	vst v0  }
0x23: {  	[tilespmem:s29+$0x2A40] =	vst v0  }
0x24: {  	[tilespmem:s29+$0x2A50] =	vst v0  }
0x25: {  	[tilespmem:s29+$0x2A60] =	vst v0  }
0x26: {  	[spmem:s5] =	stream.linear.scatter [tilespmem:s17], [sflag:$0x3], $0x4000, $0x38;
	[tilespmem:$0x1EA00] =	vst v63  }
0x27: {  	_ =	swait.ge [sflag:s18], $0x4000  }
0x28: {  	[sflag:s18] =	ssyncset.done $0x0  }
0x29: {  	[sflag:s18] =	ssyncadd.s32 $0xFFFFC000  }
0x2a: {  	[spmem:s6] =	stream.linear.scatter [tilespmem:s17], [sflag:$0x3], $0x4000, $0x38;
	[tilespmem:$0x1EA00] =	vst v63  }
0x2b: {  	_ =	swait.ge [sflag:s18], $0x4000  }
0x2c: {  	[sflag:s18] =	ssyncset.done $0x0  }
0x2d: {  	[sflag:s18] =	ssyncadd.s32 $0xFFFFC000  }
0x2e: {  	[spmem:s7] =	stream.linear.scatter [tilespmem:s17], [sflag:$0x3], $0x4000, $0x38;
	[tilespmem:$0x1EA00] =	vst v63  }
0x2f: {  	_ =	swait.ge [sflag:s18], $0x4000  }
0x30: {  	[sflag:s18] =	ssyncset.done $0x0  }
0x31: {  	[sflag:s18] =	ssyncadd.s32 $0xFFFFC000  }
0x32: {  	[spmem:s8] =	stream.linear.scatter [tilespmem:s17], [sflag:$0x3], $0x4000, $0x38;
	[tilespmem:$0x1EA00] =	vst v63  }
0x33: {  	_ =	swait.ge [sflag:s18], $0x4000  }
0x34: {  	[sflag:s18] =	ssyncset.done $0x0  }
0x35: {  	[sflag:s18] =	ssyncadd.s32 $0xFFFFC000  }
0x36: {  	[spmem:s9] =	stream.linear.scatter [tilespmem:s17], [sflag:$0x3], $0x4000, $0x38;
	[tilespmem:$0x1EA00] =	vst v63  }
0x37: {  	_ =	swait.ge [sflag:s18], $0x4000  }
0x38: {  	[sflag:s18] =	ssyncset.done $0x0  }
0x39: {  	[sflag:s18] =	ssyncadd.s32 $0xFFFFC000  }
0x3a: {  	[bflag:$0x0] =	sbarrier.arrive $0xFFFF  }
0x3b: {  	[tilespmem:s3], [sflag:$0x3] =	stream.linear.gather [hbm4b:s10+s3], $0x2800, $0x38;
	[tilespmem:$0x1EA00] =	vst v63  }
0x3c: {  	_ =	swait.ge [sflag:s18], $0x2800  }
0x3d: {  	[sflag:s18] =	ssyncset.done $0x0  }
0x3e: {  	[sflag:s18] =	ssyncadd.s32 $0xFFFFD800  }
0x3f: {  	v1 =	vld [tilespmem:$0x0];
	_ =	sdelay $0x1  }
0x40: {  	v2 =	vld [tilespmem:$0x10];
	_ =	sdelay $0x1  }
0x41: {  	v3 =	vld [tilespmem:$0x20]  }
0x42: {  	v4 =	vand.u32 $0xFFFF, v1  }
0x43: {  	v59 =	vld [tilespmem:$0x30];
	v1 =	vshra.s32 v1, $0x10;
	[tilespmem:$0x2800] =	vst v4  }
0x44: {  	[tilespmem:$0x2900] =	vst v1;
	v1 =	vand.u32 $0xFFFF, v2  }
0x45: {  	[tilespmem:$0x2810] =	vst v1;
	v1 =	vshra.s32 v2, $0x10;
	v2 =	vld [tilespmem:$0x40]  }
0x46: {  	[tilespmem:$0x2910] =	vst v1;
	v1 =	vand.u32 $0xFFFF, v3  }
0x47: {  	[tilespmem:$0x2820] =	vst v1;
	v1 =	vshra.s32 v3, $0x10;
	v3 =	vld [tilespmem:$0x50]  }
0x48: {  	[tilespmem:$0x2920] =	vst v1;
	v1 =	vand.u32 $0xFFFF, v59  }
0x49: {  	v60 =	vld [tilespmem:$0x60];
	[tilespmem:$0x2830] =	vst v1;
	v1 =	vshra.s32 v59, $0x10  }
0x4a: {  	[tilespmem:$0x2930] =	vst v1;
	v1 =	vand.u32 $0xFFFF, v2  }
0x4b: {  	[tilespmem:$0x2840] =	vst v1;
	v1 =	vshra.s32 v2, $0x10;
	v2 =	vld [tilespmem:$0x70]  }
0x4c: {  	[tilespmem:$0x2940] =	vst v1;
	v1 =	vand.u32 $0xFFFF, v3  }
0x4d: {  	[tilespmem:$0x2850] =	vst v1;
	v1 =	vshra.s32 v3, $0x10  }
0x4e: {  	[tilespmem:$0x2950] =	vst v1;
	v1 =	vand.u32 $0xFFFF, v60  }
0x4f: {  	[tilespmem:$0x2860] =	vst v1;
	v1 =	vshra.s32 v60, $0x10  }
0x50: {  	[tilespmem:$0x2960] =	vst v1;
	v1 =	vand.u32 $0xFFFF, v2  }
0x51: {  	[tilespmem:$0x2870] =	vst v1;
	v1 =	vshra.s32 v2, $0x10  }
0x52: {  	[tilespmem:$0x2970] =	vst v1  }
0x53: {  	[tilespmem:s17], [sflag:$0x1] =	stream.indirect.gather [hbm4b:s4+s19], $0x80, s20, s19, $0xb8;
	[tilespmem:$0x1EA00] =	vst v63  }
0x54: {  	v1 =	vld [tilespmem:$0x80];
	_ =	sdelay $0x1  }
0x55: {  	v2 =	vld [tilespmem:$0x90];
	_ =	sdelay $0x1  }
0x56: {  	v3 =	vld [tilespmem:$0xA0]  }
0x57: {  	v61 =	vand.u32 $0xFFFF, v1  }
0x58: {  	v62 =	vld [tilespmem:$0xB0];
	v1 =	vshra.s32 v1, $0x10;
	[tilespmem:$0x2880] =	vst v61  }
0x59: {  	[tilespmem:$0x2980] =	vst v1;
	v1 =	vand.u32 $0xFFFF, v2  }
0x5a: {  	[tilespmem:$0x2890] =	vst v1;
	v1 =	vshra.s32 v2, $0x10;
	v2 =	vld [tilespmem:$0xC0]  }
0x5b: {  	[tilespmem:$0x2990] =	vst v1;
	v1 =	vand.u32 $0xFFFF, v3  }
0x5c: {  	[tilespmem:$0x28A0] =	vst v1;
	v1 =	vshra.s32 v3, $0x10;
	v3 =	vld [tilespmem:$0xD0]  }
0x5d: {  	[tilespmem:$0x29A0] =	vst v1;
	v1 =	vand.u32 $0xFFFF, v62  }
0x5e: {  	v63 =	vld [tilespmem:$0xE0];
	[tilespmem:$0x28B0] =	vst v1;
	v1 =	vshra.s32 v62, $0x10  }
0x5f: {  	[tilespmem:$0x29B0] =	vst v1;
	v1 =	vand.u32 $0xFFFF, v2  }
0x60: {  	[tilespmem:$0x28C0] =	vst v1;
	v1 =	vshra.s32 v2, $0x10;
	v2 =	vld [tilespmem:$0xF0]  }
0x61: {  	[tilespmem:$0x29C0] =	vst v1;
	v1 =	vand.u32 $0xFFFF, v3  }
0x62: {  	[tilespmem:$0x28D0] =	vst v1;
	v1 =	vshra.s32 v3, $0x10  }
0x63: {  	[tilespmem:$0x29D0] =	vst v1;
	v1 =	vand.u32 $0xFFFF, v63  }
0x64: {  	[tilespmem:$0x28E0] =	vst v1;
	v1 =	vshra.s32 v63, $0x10  }
0x65: {  	[tilespmem:$0x29E0] =	vst v1;
	v1 =	vand.u32 $0xFFFF, v2  }
0x66: {  	[tilespmem:$0x28F0] =	vst v1;
	v1 =	vshra.s32 v2, $0x10  }
0x67: {  	[tilespmem:$0x29F0] =	vst v1  }
0x68: {  	[tilespmem:s22], [sflag:$0x2] =	stream.indirect.gather [hbm4b:s4+s19], $0x80, s21, s19, $0xb8;
	[tilespmem:$0x1EA00] =	vst v63  }
0x69: {  	_ =	swait.ge [sflag:s23], $0x4000  }
0x6a: {  	[sflag:s23] =	ssyncset.done $0x0  }
0x6b: {  	[sflag:s23] =	ssyncadd.s32 $0xFFFFC000  }
0x6c: {  	[spmem:s2] =	stream.indirect.scatter.add.f32 [tilespmem:s17], [sflag:$0x3], $0x80, s24, s19, $0xb8;
	[tilespmem:$0x1EA00] =	vst v63  }
0x6d: {  	_ =	swait.ge [sflag:s18], $0x4000  }
0x6e: {  	[sflag:s18] =	ssyncset.done $0x0  }
0x6f: {  	s29 =	simm.s32 $0x1F0;
	[sflag:s18] =	ssyncadd.s32 $0xFFFFC000  }
0x70: {  	v1 =	vld [tilespmem:s29+$0xFFFFFF10];
	_ =	sdelay $0x4  }
0x71: {  	v2 =	vand.u32 $0xFFFF, v1  }
0x72: {  	v1 =	vshra.s32 v1, $0x10;
	[tilespmem:$0x2800] =	vst v2  }
0x73: {  	[tilespmem:$0x2900] =	vst v1  }
0x74: {  	v1 =	vld [tilespmem:s29+$0xFFFFFF20];
	_ =	sdelay $0x4  }
0x75: {  	v2 =	vand.u32 $0xFFFF, v1  }
0x76: {  	v1 =	vshra.s32 v1, $0x10;
	[tilespmem:$0x2810] =	vst v2  }
0x77: {  	[tilespmem:$0x2910] =	vst v1  }
0x78: {  	v1 =	vld [tilespmem:s29+$0xFFFFFF30];
	_ =	sdelay $0x4  }
0x79: {  	v2 =	vand.u32 $0xFFFF, v1  }
0x7a: {  	v1 =	vshra.s32 v1, $0x10;
	[tilespmem:$0x2820] =	vst v2  }
0x7b: {  	[tilespmem:$0x2920] =	vst v1  }
0x7c: {  	v1 =	vld [tilespmem:s29+$0xFFFFFF40];
	_ =	sdelay $0x4  }
0x7d: {  	v2 =	vand.u32 $0xFFFF, v1  }
0x7e: {  	v1 =	vshra.s32 v1, $0x10;
	[tilespmem:$0x2830] =	vst v2  }
0x7f: {  	[tilespmem:$0x2930] =	vst v1  }
0x80: {  	v1 =	vld [tilespmem:s29+$0xFFFFFF50];
	_ =	sdelay $0x4  }
0x81: {  	v2 =	vand.u32 $0xFFFF, v1  }
0x82: {  	v1 =	vshra.s32 v1, $0x10;
	[tilespmem:$0x2840] =	vst v2  }
0x83: {  	[tilespmem:$0x2940] =	vst v1  }
0x84: {  	v1 =	vld [tilespmem:s29+$0xFFFFFF60];
	_ =	sdelay $0x4  }
0x85: {  	v2 =	vand.u32 $0xFFFF, v1  }
0x86: {  	v1 =	vshra.s32 v1, $0x10;
	[tilespmem:$0x2850] =	vst v2  }
0x87: {  	[tilespmem:$0x2950] =	vst v1  }
0x88: {  	v1 =	vld [tilespmem:s29+$0xFFFFFF70];
	_ =	sdelay $0x4  }
0x89: {  	v2 =	vand.u32 $0xFFFF, v1  }
0x8a: {  	v1 =	vshra.s32 v1, $0x10;
	[tilespmem:$0x2860] =	vst v2  }
0x8b: {  	[tilespmem:$0x2960] =	vst v1  }
0x8c: {  	v1 =	vld [tilespmem:s29+$0xFFFFFF80];
	_ =	sdelay $0x4  }
0x8d: {  	v2 =	vand.u32 $0xFFFF, v1  }
0x8e: {  	v1 =	vshra.s32 v1, $0x10;
	[tilespmem:$0x2870] =	vst v2  }
0x8f: {  	[tilespmem:$0x2970] =	vst v1  }
0x90: {  	[tilespmem:s17], [sflag:$0x1] =	stream.indirect.gather [hbm4b:s4+s19], $0x80, s20, s19, $0xb8;
	[tilespmem:$0x1EA00] =	vst v63  }
0x91: {  	_ =	swait.ge [sflag:s25], $0x4000  }
0x92: {  	[sflag:s25] =	ssyncset.done $0x0  }
0x93: {  	[sflag:s25] =	ssyncadd.s32 $0xFFFFC000  }
0x94: {  	[spmem:s2] =	stream.indirect.scatter.add.f32 [tilespmem:s22], [sflag:$0x3], $0x80, s26, s19, $0xb8;
	[tilespmem:$0x1EA00] =	vst v63  }
0x95: {  	_ =	swait.ge [sflag:s18], $0x4000  }
0x96: {  	[sflag:s18] =	ssyncset.done $0x0  }
0x97: {  	[sflag:s18] =	ssyncadd.s32 $0xFFFFC000  }
0x98: {  	v1 =	vld [tilespmem:s29+$0xFFFFFF90];
	_ =	sdelay $0x4  }
0x99: {  	v2 =	vand.u32 $0xFFFF, v1  }
0x9a: {  	v1 =	vshra.s32 v1, $0x10;
	[tilespmem:$0x2880] =	vst v2  }
0x9b: {  	[tilespmem:$0x2980] =	vst v1  }
0x9c: {  	v1 =	vld [tilespmem:s29+$0xFFFFFFA0];
	_ =	sdelay $0x4  }
0x9d: {  	v2 =	vand.u32 $0xFFFF, v1  }
0x9e: {  	v1 =	vshra.s32 v1, $0x10;
	[tilespmem:$0x2890] =	vst v2  }
0x9f: {  	[tilespmem:$0x2990] =	vst v1  }
0xa0: {  	v1 =	vld [tilespmem:s29+$0xFFFFFFB0];
	_ =	sdelay $0x4  }
0xa1: {  	v2 =	vand.u32 $0xFFFF, v1  }
0xa2: {  	v1 =	vshra.s32 v1, $0x10;
	[tilespmem:$0x28A0] =	vst v2  }
0xa3: {  	[tilespmem:$0x29A0] =	vst v1  }
0xa4: {  	v1 =	vld [tilespmem:s29+$0xFFFFFFC0];
	_ =	sdelay $0x4  }
0xa5: {  	v2 =	vand.u32 $0xFFFF, v1  }
0xa6: {  	v1 =	vshra.s32 v1, $0x10;
	[tilespmem:$0x28B0] =	vst v2  }
0xa7: {  	[tilespmem:$0x29B0] =	vst v1  }
0xa8: {  	v1 =	vld [tilespmem:s29+$0xFFFFFFD0];
	_ =	sdelay $0x4  }
0xa9: {  	v2 =	vand.u32 $0xFFFF, v1  }
0xaa: {  	v1 =	vshra.s32 v1, $0x10;
	[tilespmem:$0x28C0] =	vst v2  }
0xab: {  	[tilespmem:$0x29C0] =	vst v1  }
0xac: {  	v1 =	vld [tilespmem:s29+$0xFFFFFFE0];
	_ =	sdelay $0x4  }
0xad: {  	v2 =	vand.u32 $0xFFFF, v1  }
0xae: {  	v1 =	vshra.s32 v1, $0x10;
	[tilespmem:$0x28D0] =	vst v2  }
0xaf: {  	s30 =	simm.s32 $0xBC0;
	[tilespmem:$0x29D0] =	vst v1  }
.LBB2_4:
0xb0: {  	p0 =	sne.s32 s30, $0x9FC0;
	v1 =	vld [tilespmem:s29+$0xFFFFFFF0];
	s31 =	smov.u32 s30;
	s30 =	sadd.s32 $0x400, s30  }
0xb1: {  	_ =	sdelay $0x3  }
0xb2: {  	v2 =	vand.u32 $0xFFFF, v1;
	v1 =	vshra.s32 v1, $0x10  }
0xb3: {  	[tilespmem:$0x28E0] =	vst v2  }
0xb4: {  	[tilespmem:$0x29E0] =	vst v1  }
0xb5: {  	v1 =	vld [tilespmem:s29+$0x0];
	_ =	sdelay $0x4  }
0xb6: {  	v2 =	vand.u32 $0xFFFF, v1;
	v1 =	vshra.s32 v1, $0x10  }
0xb7: {  	[tilespmem:$0x28F0] =	vst v2  }
0xb8: {  	[tilespmem:$0x29F0] =	vst v1  }
0xb9: {  	[tilespmem:s22], [sflag:$0x2] =	stream.indirect.gather [hbm4b:s4+s19], $0x80, s21, s19, $0xb8;
	[tilespmem:$0x1EA00] =	vst v63  }
0xba: {  	_ =	swait.ge [sflag:s23], $0x4000  }
0xbb: {  	[sflag:s23] =	ssyncset.done $0x0  }
0xbc: {  	[sflag:s23] =	ssyncadd.s32 $0xFFFFC000  }
0xbd: {  	[spmem:s2] =	stream.indirect.scatter.add.f32 [tilespmem:s17], [sflag:$0x3], $0x80, s24, s19, $0xb8;
	[tilespmem:$0x1EA00] =	vst v63  }
0xbe: {  	_ =	swait.ge [sflag:s18], $0x4000  }
0xbf: {  	[sflag:s18] =	ssyncset.done $0x0  }
0xc0: {  	s29 =	sshra.s32 s31, $0x2;
	[sflag:s18] =	ssyncadd.s32 $0xFFFFC000  }
0xc1: {  	v1 =	vld [tilespmem:s29+$0xFFFFFF10];
	_ =	sdelay $0x4  }
0xc2: {  	v2 =	vand.u32 $0xFFFF, v1;
	v1 =	vshra.s32 v1, $0x10  }
0xc3: {  	[tilespmem:$0x2800] =	vst v2  }
0xc4: {  	[tilespmem:$0x2900] =	vst v1  }
0xc5: {  	v1 =	vld [tilespmem:s29+$0xFFFFFF20];
	_ =	sdelay $0x4  }
0xc6: {  	v2 =	vand.u32 $0xFFFF, v1;
	v1 =	vshra.s32 v1, $0x10  }
0xc7: {  	[tilespmem:$0x2810] =	vst v2  }
0xc8: {  	[tilespmem:$0x2910] =	vst v1  }
0xc9: {  	v1 =	vld [tilespmem:s29+$0xFFFFFF30];
	_ =	sdelay $0x4  }
0xca: {  	v2 =	vand.u32 $0xFFFF, v1;
	v1 =	vshra.s32 v1, $0x10  }
0xcb: {  	[tilespmem:$0x2820] =	vst v2  }
0xcc: {  	[tilespmem:$0x2920] =	vst v1  }
0xcd: {  	v1 =	vld [tilespmem:s29+$0xFFFFFF40];
	_ =	sdelay $0x4  }
0xce: {  	v2 =	vand.u32 $0xFFFF, v1;
	v1 =	vshra.s32 v1, $0x10  }
0xcf: {  	[tilespmem:$0x2830] =	vst v2  }
0xd0: {  	[tilespmem:$0x2930] =	vst v1  }
0xd1: {  	v1 =	vld [tilespmem:s29+$0xFFFFFF50];
	_ =	sdelay $0x4  }
0xd2: {  	v2 =	vand.u32 $0xFFFF, v1;
	v1 =	vshra.s32 v1, $0x10  }
0xd3: {  	[tilespmem:$0x2840] =	vst v2  }
0xd4: {  	[tilespmem:$0x2940] =	vst v1  }
0xd5: {  	v1 =	vld [tilespmem:s29+$0xFFFFFF60];
	_ =	sdelay $0x4  }
0xd6: {  	v2 =	vand.u32 $0xFFFF, v1;
	v1 =	vshra.s32 v1, $0x10  }
0xd7: {  	[tilespmem:$0x2850] =	vst v2  }
0xd8: {  	[tilespmem:$0x2950] =	vst v1  }
0xd9: {  	v1 =	vld [tilespmem:s29+$0xFFFFFF70];
	_ =	sdelay $0x4  }
0xda: {  	v2 =	vand.u32 $0xFFFF, v1;
	v1 =	vshra.s32 v1, $0x10  }
0xdb: {  	[tilespmem:$0x2860] =	vst v2  }
0xdc: {  	[tilespmem:$0x2960] =	vst v1  }
0xdd: {  	v1 =	vld [tilespmem:s29+$0xFFFFFF80];
	_ =	sdelay $0x4  }
0xde: {  	v2 =	vand.u32 $0xFFFF, v1;
	v1 =	vshra.s32 v1, $0x10  }
0xdf: {  	[tilespmem:$0x2870] =	vst v2  }
0xe0: {  	[tilespmem:$0x2970] =	vst v1  }
0xe1: {  	[tilespmem:s17], [sflag:$0x1] =	stream.indirect.gather [hbm4b:s4+s19], $0x80, s20, s19, $0xb8;
	[tilespmem:$0x1EA00] =	vst v63  }
0xe2: {  	_ =	swait.ge [sflag:s25], $0x4000  }
0xe3: {  	[sflag:s25] =	ssyncset.done $0x0  }
0xe4: {  	[sflag:s25] =	ssyncadd.s32 $0xFFFFC000  }
0xe5: {  	[spmem:s2] =	stream.indirect.scatter.add.f32 [tilespmem:s22], [sflag:$0x3], $0x80, s26, s19, $0xb8;
	[tilespmem:$0x1EA00] =	vst v63  }
0xe6: {  	_ =	swait.ge [sflag:s18], $0x4000  }
0xe7: {  	[sflag:s18] =	ssyncset.done $0x0  }
0xe8: {  	[sflag:s18] =	ssyncadd.s32 $0xFFFFC000  }
0xe9: {  	v1 =	vld [tilespmem:s29+$0xFFFFFF90];
	_ =	sdelay $0x4  }
0xea: {  	v2 =	vand.u32 $0xFFFF, v1;
	v1 =	vshra.s32 v1, $0x10  }
0xeb: {  	[tilespmem:$0x2880] =	vst v2  }
0xec: {  	[tilespmem:$0x2980] =	vst v1  }
0xed: {  	v1 =	vld [tilespmem:s29+$0xFFFFFFA0];
	_ =	sdelay $0x4  }
0xee: {  	v2 =	vand.u32 $0xFFFF, v1;
	v1 =	vshra.s32 v1, $0x10  }
0xef: {  	[tilespmem:$0x2890] =	vst v2  }
0xf0: {  	[tilespmem:$0x2990] =	vst v1  }
0xf1: {  	v1 =	vld [tilespmem:s29+$0xFFFFFFB0];
	_ =	sdelay $0x4  }
0xf2: {  	v2 =	vand.u32 $0xFFFF, v1;
	v1 =	vshra.s32 v1, $0x10  }
0xf3: {  	[tilespmem:$0x28A0] =	vst v2  }
0xf4: {  	[tilespmem:$0x29A0] =	vst v1  }
0xf5: {  	v1 =	vld [tilespmem:s29+$0xFFFFFFC0];
	_ =	sdelay $0x4  }
0xf6: {  	v2 =	vand.u32 $0xFFFF, v1;
	v1 =	vshra.s32 v1, $0x10  }
0xf7: {  	[tilespmem:$0x28B0] =	vst v2  }
0xf8: {  	[tilespmem:$0x29B0] =	vst v1  }
0xf9: {  	v1 =	vld [tilespmem:s29+$0xFFFFFFD0];
	_ =	sdelay $0x4  }
0xfa: {  	v2 =	vand.u32 $0xFFFF, v1;
	v1 =	vshra.s32 v1, $0x10  }
0xfb: {  	[tilespmem:$0x28C0] =	vst v2  }
0xfc: {  	[tilespmem:$0x29C0] =	vst v1  }
0xfd: {  	v1 =	vld [tilespmem:s29+$0xFFFFFFE0];
	_ =	sdelay $0x2  }
.Ltmp1:
0xfe: {  	(pc) =	sbr.rel @p0 .LBB2_4-.Ltmp1, $4  }
0xff: {  	_ = 	snop  }
0x100: {  	v2 =	vand.u32 $0xFFFF, v1;
	v1 =	vshra.s32 v1, $0x10  }
0x101: {  	[tilespmem:$0x28D0] =	vst v2  }
0x102: {  	[tilespmem:$0x29D0] =	vst v1  }
0x103: {  	v1 =	vld [tilespmem:s29+$0xFFFFFFF0];
	_ =	sdelay $0x4  }
0x104: {  	v2 =	vand.u32 $0xFFFF, v1  }
0x105: {  	v1 =	vshra.s32 v1, $0x10;
	[tilespmem:$0x28E0] =	vst v2  }
0x106: {  	[tilespmem:$0x29E0] =	vst v1  }
0x107: {  	v1 =	vld [tilespmem:s29+$0x0];
	_ =	sdelay $0x4  }
0x108: {  	v2 =	vand.u32 $0xFFFF, v1  }
0x109: {  	v1 =	vshra.s32 v1, $0x10;
	[tilespmem:$0x28F0] =	vst v2  }
0x10a: {  	[tilespmem:$0x29F0] =	vst v1  }
0x10b: {  	[tilespmem:s22], [sflag:$0x2] =	stream.indirect.gather [hbm4b:s4+s19], $0x80, s21, s19, $0xb8;
	[tilespmem:$0x1EA00] =	vst v63  }
0x10c: {  	_ =	swait.ge [sflag:s23], $0x4000  }
0x10d: {  	[sflag:s23] =	ssyncset.done $0x0  }
0x10e: {  	[sflag:s23] =	ssyncadd.s32 $0xFFFFC000  }
0x10f: {  	[spmem:s2] =	stream.indirect.scatter.add.f32 [tilespmem:s17], [sflag:$0x3], $0x80, s24, s19, $0xb8;
	[tilespmem:$0x1EA00] =	vst v63  }
0x110: {  	_ =	swait.ge [sflag:s18], $0x4000  }
0x111: {  	[sflag:s18] =	ssyncset.done $0x0  }
0x112: {  	[sflag:s18] =	ssyncadd.s32 $0xFFFFC000  }
0x113: {  	_ =	swait.ge [sflag:s25], $0x4000  }
0x114: {  	[sflag:s25] =	ssyncset.done $0x0  }
0x115: {  	[sflag:s25] =	ssyncadd.s32 $0xFFFFC000  }
0x116: {  	[spmem:s2] =	stream.indirect.scatter.add.f32 [tilespmem:s22], [sflag:$0x3], $0x80, s26, s19, $0xb8;
	[tilespmem:$0x1EA00] =	vst v63  }
0x117: {  	_ =	swait.ge [sflag:s18], $0x4000  }
0x118: {  	[sflag:s18] =	ssyncset.done $0x0  }
0x119: {  	[sflag:s18] =	ssyncadd.s32 $0xFFFFC000  }
0x11a: {  	[bflag:$0x0] =	sbarrier.arrive $0xFFFF  }
0x11b: {  	[tilespmem:s17], [sflag:$0x3] =	stream.linear.gather [spmem:s5], $0x4000, $0x38;
	[tilespmem:$0x1EA00] =	vst v63  }
0x11c: {  	_ =	swait.ge [sflag:s18], $0x4000  }
0x11d: {  	[sflag:s18] =	ssyncset.done $0x0  }
0x11e: {  	[sflag:s18] =	ssyncadd.s32 $0xFFFFC000  }
0x11f: {  	[hbm4b:s11+s3] =	stream.linear.scatter [tilespmem:s17], [sflag:$0x3], $0x4000, $0x38;
	[tilespmem:$0x1EA00] =	vst v63  }
0x120: {  	_ =	swait.ge [sflag:s18], $0x4000  }
0x121: {  	[sflag:s18] =	ssyncset.done $0x0  }
0x122: {  	[sflag:s18] =	ssyncadd.s32 $0xFFFFC000  }
0x123: {  	[tilespmem:s17], [sflag:$0x3] =	stream.linear.gather [spmem:s6], $0x4000, $0x38;
	[tilespmem:$0x1EA00] =	vst v63  }
0x124: {  	_ =	swait.ge [sflag:s18], $0x4000  }
0x125: {  	[sflag:s18] =	ssyncset.done $0x0  }
0x126: {  	[sflag:s18] =	ssyncadd.s32 $0xFFFFC000  }
0x127: {  	[hbm4b:s12+s3] =	stream.linear.scatter [tilespmem:s17], [sflag:$0x3], $0x4000, $0x38;
	[tilespmem:$0x1EA00] =	vst v63  }
0x128: {  	_ =	swait.ge [sflag:s18], $0x4000  }
0x129: {  	[sflag:s18] =	ssyncset.done $0x0  }
0x12a: {  	[sflag:s18] =	ssyncadd.s32 $0xFFFFC000  }
0x12b: {  	[tilespmem:s17], [sflag:$0x3] =	stream.linear.gather [spmem:s7], $0x4000, $0x38;
	[tilespmem:$0x1EA00] =	vst v63  }
0x12c: {  	_ =	swait.ge [sflag:s18], $0x4000  }
0x12d: {  	[sflag:s18] =	ssyncset.done $0x0  }
0x12e: {  	[sflag:s18] =	ssyncadd.s32 $0xFFFFC000  }
0x12f: {  	[hbm4b:s13+s3] =	stream.linear.scatter [tilespmem:s17], [sflag:$0x3], $0x4000, $0x38;
	[tilespmem:$0x1EA00] =	vst v63  }
0x130: {  	_ =	swait.ge [sflag:s18], $0x4000  }
0x131: {  	[sflag:s18] =	ssyncset.done $0x0  }
0x132: {  	[sflag:s18] =	ssyncadd.s32 $0xFFFFC000  }
0x133: {  	[tilespmem:s17], [sflag:$0x3] =	stream.linear.gather [spmem:s8], $0x4000, $0x38;
	[tilespmem:$0x1EA00] =	vst v63  }
0x134: {  	_ =	swait.ge [sflag:s18], $0x4000  }
0x135: {  	[sflag:s18] =	ssyncset.done $0x0  }
0x136: {  	[sflag:s18] =	ssyncadd.s32 $0xFFFFC000  }
0x137: {  	[hbm4b:s14+s3] =	stream.linear.scatter [tilespmem:s17], [sflag:$0x3], $0x4000, $0x38;
	[tilespmem:$0x1EA00] =	vst v63  }
0x138: {  	_ =	swait.ge [sflag:s18], $0x4000  }
0x139: {  	[sflag:s18] =	ssyncset.done $0x0  }
0x13a: {  	[sflag:s18] =	ssyncadd.s32 $0xFFFFC000  }
0x13b: {  	[tilespmem:s17], [sflag:$0x3] =	stream.linear.gather [spmem:s9], $0x4000, $0x38;
	[tilespmem:$0x1EA00] =	vst v63  }
0x13c: {  	s28 =	sadd.s32 $0x1, s28;
	_ =	swait.ge [sflag:s18], $0x4000  }
0x13d: {  	p0 =	sne.s32 s28, s16;
	[sflag:s18] =	ssyncset.done $0x0  }
.Ltmp2:
0x13e: {  	[sflag:s18] =	ssyncadd.s32 $0xFFFFC000;
	(pc) =	sbr.rel @p0 .LBB2_1-.Ltmp2, $4  }
0x13f: {  	[hbm4b:s15+s3] =	stream.linear.scatter [tilespmem:s17], [sflag:$0x3], $0x4000, $0x38;
	[tilespmem:$0x1EA00] =	vst v63  }
0x140: {  	_ =	swait.ge [sflag:s18], $0x4000  }
0x141: {  	[sflag:s18] =	ssyncset.done $0x0  }
0x142: {  	[sflag:s18] =	ssyncadd.s32 $0xFFFFC000  }
0x143: {  	_ =	sfence.sel $0x180000  }
0x144: {  	[bflag:$0x0] =	sbarrier.arrive $0xFFFF  }
0x145: {  	p0 =	sne.s32 s0, $0x0;
	_ =	strace $0x9000004D  }
0x146: {  	s0 =	sadd.s32 @!p0 $0x100000, s1;
	[bflag:$0x2] =	sbarrier.arrive $0xFFFF  }
0x147: {  	[sflag:s0] =	ssyncadd.tile.s32 @!p0 $0x1;
	_ =	shalt  }
.Lfunc_end2:
_tile_overlayer_lowered:
.L_overlay_start_2:
0x148: {  	(tag) =	ssettag $0x2  }
0x149: {  	s0 =	rddreg [dreg:$0x0];
	s2 =	stileid.u32  }
0x14a: {  	s1 =	rddreg [dreg:$0x1];
	p0 =	sne.s32 s2, $0x0  }
0x14b: {  	s3 =	rddreg [dreg:$0x2];
	[bflag:$0x3] =	sbarrier.arrive $0xFFFF;
	s2 =	simm.s32 @!p0 $0x1C03  }
0x14c: {  	[timem:s3], [sflag:s2] =	dma.local @!p0 [hbm:s0], s1  }
0x14d: {  	s0 =	simm.s32 @!p0 $0x3  }
0x14e: {  	_ =	swait.ge @!p0 [sflag:s0], s1  }
0x14f: {  	s1 =	ssub.s32 @!p0 $0x0, s1;
	[sflag:s0] =	ssyncset.done @!p0 $0x0  }
0x150: {  	[sflag:s0] =	ssyncadd.s32 @!p0 s1  }
0x151: {  	[bflag:$0x3] =	sbarrier.arrive $0xFFFF  }
0x152: {  	_ =	shalt  }

// kernel: kernel.8.cloned.1.call-start
scs
__scs_entry_jumppad:
0x0: {  	(pc) =	sbr.rel $0x88, $3  }
0x1: {  	(tag) =	ssettag $0x0;
	lr =	simm.s32 $0x1  }
0x2: {  	[smem:$0x3F9D] =	sst lr;
	_ =	strace $0xD0000000  }
0x3: {  	_ = 	snop  }
0x4: {  	_ = 	snop  }
0x5: {  	_ = 	snop  }
0x6: {  	_ = 	snop  }
0x7: {  	_ = 	snop  }
__scs_overlays_trampoline_lowered:
0x8: {  	[smem:$0x3FAC] =	sst s0  }
0x9: {  	[smem:$0x3FAD] =	sst s1  }
0xa: {  	[smem:$0x3FAE] =	sst s2  }
0xb: {  	[smem:$0x3FAF] =	sst s3  }
0xc: {  	[smem:$0x3FB0] =	sst s4  }
0xd: {  	[smem:$0x3FB1] =	sst s5  }
0xe: {  	[smem:$0x3FB2] =	sst s6  }
0xf: {  	[smem:$0x3FB3] =	sst s7  }
0x10: {  	[smem:$0x3FB4] =	sst s8  }
0x11: {  	[smem:$0x3FB5] =	sst s9;
	s0 =	simm.s32 @!p0 $0x0  }
0x12: {  	s1 =	sld [smem:$0x3F9B];
	s0 =	simm.s32 @p0 $0x1  }
0x13: {  	[smem:$0x3FB6] =	sst s0;
	s0 =	simm.s32 @!p1 $0x0  }
0x14: {  	s2 =	sld [smem:$0x3F9A];
	s0 =	simm.s32 @p1 $0x1  }
0x15: {  	[smem:$0x3FB7] =	sst s0;
	s0 =	simm.s32 @!p2 $0x0  }
0x16: {  	s3 =	sld [smem:$0x3FDB];
	s0 =	simm.s32 @p2 $0x1  }
0x17: {  	s4 =	simm.s32 $0x1BF5;
	[smem:$0x3FB9] =	sst s0  }
0x18: {  	s0 =	sld [smem:$0x3F9C];
	_ =	swait.ge [sflag:s4], $0x0  }
0x19: {  	s7 =	sld [smem:$0x3F9D]  }
0x1a: {  	s8 =	sadd.s32 $0xFFFFE003, lr  }
0x1b: {  	s9 =	sadd.s32 $0xFFFFFEF7, lr;
	s5 =	simm.s32 $0xFFFFFFFF;
	p2 =	slt.u32 s8, $0xFFFFF086  }
0x1c: {  	p1 =	slt.u32 s9, $0xF7A;
	s5 =	simm.s32 @!p2 $0x0  }
0x1d: {  	s5 =	simm.s32 @p1 $0x1;
	p0 =	seq.s32 s7, s2  }
0x1e: {  	s7 =	smul.u32 @!p0 $0xF7A, s2;
	p2 =	seq.s32 @!p0 s5, $0x0  }
0x1f: {  	s9 =	smul.u32 $0xF7A, s1;
	s8 =	simm.s32 @!p0 $0x1BF5;
	p2 =	por !p2, p0  }
0x20: {  	[sflag:s8] =	ssyncset.s32 @!p0 $0xFFFFF086;
	s6 =	sadd.s32 @!p0 s3, s7;
	s7 =	simm.s32 @!p0 $0x108  }
0x21: {  	s3 =	sadd.s32 s3, s9;
	s6 =	sadd.s32 @!p0 $0x88, s6;
	s7 =	simm.s32 @p2 $0x1082  }
0x22: {  	[simem:s7], [sflag:s8] =	dma.local @!p0 [hbm:s6], $0xF7A  }
0x23: {  	s9 =	sor.u32 $0xD0000000, s2;
	s6 =	simm.s32 $0x108;
	_ =	swait.ge @!p0 [sflag:s8], $0x0  }
0x24: {  	s3 =	sadd.s32 $0x88, s3;
	s6 =	simm.s32 @!p1 $0x1082;
	[sflag:s4] =	ssyncset.s32 $0xFFFFF086  }
0x25: {  	[simem:s6], [sflag:s4] =	dma.local [hbm:s3], $0xF7A  }
0x26: {  	[smem:$0x3F9D] =	sst s1;
	(tag) =	ssettag s2;
	_ =	strace s9  }
0x27: {  	s1 =	sld [smem:$0x3FAD]  }
0x28: {  	s2 =	sld [smem:$0x3FAE]  }
0x29: {  	s4 =	sld [smem:$0x3FB0]  }
0x2a: {  	p0 =	seq.s32 s5, $0x0;
	s5 =	sld [smem:$0x3FB1]  }
0x2b: {  	s6 =	sld [smem:$0x3FB2]  }
0x2c: {  	s7 =	sld [smem:$0x3FB3]  }
0x2d: {  	s3 =	simm.s32 $0x108;
	s8 =	sld [smem:$0x3FB4]  }
0x2e: {  	s3 =	simm.s32 @!p0 $0x1082;
	s9 =	sld [smem:$0x3FB5]  }
0x2f: {  	lr =	sadd.s32 s0, s3;
	s0 =	sld [smem:$0x3FAC]  }
0x30: {  	s3 =	sld [smem:$0x3FAF]  }
0x31: {  	[smem:$0x3FB8] =	sst s10  }
0x32: {  	s10 =	sld [smem:$0x3FB6];
	_ =	sdelay $0x3  }
0x33: {  	p0 =	seq.s32 s10, $0x1;
	s10 =	sld [smem:$0x3FB8];
	_ =	sdelay $0x3  }
0x34: {  	[smem:$0x3FB8] =	sst s10  }
0x35: {  	s10 =	sld [smem:$0x3FB7];
	_ =	sdelay $0x3  }
0x36: {  	p1 =	seq.s32 s10, $0x1;
	s10 =	sld [smem:$0x3FB8];
	_ =	sdelay $0x3  }
0x37: {  	[smem:$0x3FB8] =	sst s10  }
0x38: {  	s10 =	sld [smem:$0x3FB9]  }
0x39: {  	_ = 	snop;
	(pc) =	sbr.ind lr, $3  }
0x3a: {  	_ = 	snop  }
0x3b: {  	_ = 	snop  }
0x3c: {  	p2 =	seq.s32 s10, $0x1;
	s10 =	sld [smem:$0x3FB8]  }
0x3d: {  	_ =	shalt  }
0x3e: {  	_ =	shalt  }
0x3f: {  	_ =	shalt  }
0x40: {  	_ =	shalt  }
0x41: {  	_ =	shalt  }
0x42: {  	_ =	shalt  }
0x43: {  	_ =	shalt  }
0x44: {  	_ =	shalt  }
0x45: {  	_ =	shalt  }
0x46: {  	_ =	shalt  }
0x47: {  	_ =	shalt  }
0x48: {  	_ =	shalt  }
0x49: {  	_ =	shalt  }
0x4a: {  	_ =	shalt  }
0x4b: {  	_ =	shalt  }
0x4c: {  	_ =	shalt  }
0x4d: {  	_ =	shalt  }
0x4e: {  	_ =	shalt  }
0x4f: {  	_ =	shalt  }
0x50: {  	_ =	shalt  }
0x51: {  	_ =	shalt  }
0x52: {  	_ =	shalt  }
0x53: {  	_ =	shalt  }
0x54: {  	_ =	shalt  }
0x55: {  	_ =	shalt  }
0x56: {  	_ =	shalt  }
0x57: {  	_ =	shalt  }
0x58: {  	_ =	shalt  }
0x59: {  	_ =	shalt  }
0x5a: {  	_ =	shalt  }
0x5b: {  	_ =	shalt  }
0x5c: {  	_ =	shalt  }
0x5d: {  	_ =	shalt  }
0x5e: {  	_ =	shalt  }
0x5f: {  	_ =	shalt  }
0x60: {  	_ =	shalt  }
0x61: {  	_ =	shalt  }
0x62: {  	_ =	shalt  }
0x63: {  	_ =	shalt  }
0x64: {  	_ =	shalt  }
0x65: {  	_ =	shalt  }
0x66: {  	_ =	shalt  }
0x67: {  	_ =	shalt  }
0x68: {  	_ =	shalt  }
0x69: {  	_ =	shalt  }
0x6a: {  	_ =	shalt  }
0x6b: {  	_ =	shalt  }
0x6c: {  	_ =	shalt  }
0x6d: {  	_ =	shalt  }
0x6e: {  	_ =	shalt  }
0x6f: {  	_ =	shalt  }
0x70: {  	_ =	shalt  }
0x71: {  	_ =	shalt  }
0x72: {  	_ =	shalt  }
0x73: {  	_ =	shalt  }
0x74: {  	_ =	shalt  }
0x75: {  	_ =	shalt  }
0x76: {  	_ =	shalt  }
0x77: {  	_ =	shalt  }
0x78: {  	_ =	shalt  }
0x79: {  	_ =	shalt  }
0x7a: {  	_ =	shalt  }
0x7b: {  	_ =	shalt  }
0x7c: {  	_ =	shalt  }
0x7d: {  	_ =	shalt  }
0x7e: {  	_ =	shalt  }
0x7f: {  	_ =	shalt  }
0x80: {  	_ =	shalt  }
0x81: {  	_ =	shalt  }
0x82: {  	_ =	shalt  }
0x83: {  	_ =	shalt  }
0x84: {  	_ =	shalt  }
0x85: {  	_ =	shalt  }
0x86: {  	_ =	shalt  }
0x87: {  	_ =	shalt  }
.Lfunc_end0:
.L_simem_size_0:
called_computation_lowered:
.L_overlay_start_0:
0x88: {  	s2 =	sld [smem:$0x3FD9]  }
0x89: {  	s3 =	sld [smem:$0x3FFE];
	_ =	sdelay $0x1  }
0x8a: {  	s1 =	srdreg.scid  }
0x8b: {  	s0 =	sand.u32 $0x1, s1  }
0x8c: {  	s17 =	sshll.u32 s0, $0xA;
	s2 =	sadd.s32 s3, s2  }
0x8d: {  	s2 =	sadd.s32 s2, s17  }
0x8e: {  	[smem:$0x3FC4] =	sst s2  }
0x8f: {  	_ = 	snop  }
0x90: {  	s2 =	sld [smem:$0x3FD0];
	(tm) =	ssettm $0x1  }
0x91: {  	s18 =	sld [smem:$0x3FFB];
	_ =	sdelay $0x3  }
0x92: {  	_ =	strace s18  }
0x93: {  	s3 =	sld [smem:$0x3FFC];
	_ =	sdelay $0x3  }
0x94: {  	_ =	strace s3  }
0x95: {  	s3 =	sld [smem:$0x3FFD];
	_ =	sdelay $0x3  }
0x96: {  	_ =	strace s3  }
0x97: {  	_ =	strace $0x8FFFFFFF  }
0x98: {  	s19 =	sld [smem:$0x3FDB];
	_ =	sdelay $0x1  }
0x99: {  	s4 =	simm.s32 $_scs_section_size  }
0x9a: {  	s5 =	simm.s32 $_size__tile_overlayer_lowered;
	s6 =	simm.s32 $_tile_overlayer_lowered  }
0x9b: {  	s22 =	simm.s32 $0x1BFF;
	s21 =	sshll.u32 s6, $0x1;
	s3 =	sadd.s32 s4, s19  }
0x9c: {  	s7 =	simm.s32 $0x0;
	s20 =	sshll.u32 s5, $0x1;
	s5 =	sadd.s32 s21, s3  }
0x9d: {  	[timem:s7], [sflag:s22] =	dma.local [hbm:s5], s20  }
0x9e: {  	_ =	swait.ge [sflag:s22], s20  }
0x9f: {  	s4 =	ssub.s32 $0x0, s20;
	[sflag:s22] =	ssyncset.done $0x0  }
0xa0: {  	[sflag:s22] =	ssyncadd.s32 s4;
	_ =	sdelay $0x1  }
0xa1: {  	s23 =	simm.s32 $0x1B8B  }
0xa2: {  	_ =	swait.ge [sflag:s23], $0x1  }
0xa3: {  	[sflag:s23] =	ssyncset.done $0x0  }
0xa4: {  	s25 =	simm.s32 $0x1B8E;
	s24 =	sld [smem:$0x3FFE];
	[sflag:s23] =	ssyncadd.s32 $0xFFFFFFFF  }
0xa5: {  	s26 =	simm.s32 $execute0_lowered;
	[smem:$0x3FD2] =	sst s25  }
0xa6: {  	s5 =	sshll.u32 s26, $0x1;
	_ =	strace $0x80000046;
	[dreg:$0x1] =	wrdreg $0xFFFFFFFF  }
0xa7: {  	s28 =	simm.s32 $_size_execute0_lowered;
	s3 =	sadd.s32 s3, s5;
	[dreg:$0x0] =	wrdreg $0x0  }
0xa8: {  	s5 =	sshll.u32 s28, $0x1;
	[dreg:$0x2] =	wrdreg s3  }
0xa9: {  	[dreg:$0x3] =	wrdreg s5  }
0xaa: {  	[dreg:$0x4] =	wrdreg $0xC0  }
0xab: {  	_ =	task [dreg:s7], $0x5FFFF  }
0xac: {  	[dreg:$0x1] =	wrdreg $0xFFFFFFFF  }
0xad: {  	[dreg:$0x0] =	wrdreg $0x60  }
0xae: {  	[dreg:$0x2] =	wrdreg s2  }
0xaf: {  	[dreg:$0x3] =	wrdreg s24  }
0xb0: {  	[dreg:$0x4] =	wrdreg $0xA8000  }
0xb1: {  	[dreg:$0x5] =	wrdreg $0x9  }
0xb2: {  	_ =	task.clear_ibuf [dreg:s7], $0x6FFFF;
	_ =	strace $0x90000046  }
0xb3: {  	s29 =	simm.s32 $0x9;
	_ =	strace $0x80000048  }
0xb4: {  	_ =	swait.ge [sflag:s29], $0x1  }
0xb5: {  	[sflag:s29] =	ssyncadd.s32 $0xFFFFFFFF  }
0xb6: {  	_ =	strace $0x90000048  }
0xb7: {  	_ =	sfence  }
0xb8: {  	s30 =	sld [smem:$0x0];
	_ =	sdelay $0x2  }
0xb9: {  	s31 =	sshll.u32 s1, $0xD;
	s1 =	sshrl.u32 s1, $0x2  }
0xba: {  	s3 =	sand.u32 $0x4000, s31;
	s1 =	sadd.s32 s1, s30  }
0xbb: {  	s0 =	sor.u32 s3, s0;
	s1 =	sshll.u32 s1, $0x11  }
0xbc: {  	s0 =	sor.u32 s1, s0  }
0xbd: {  	s0 =	sadd.s32 $0x8F2B, s0  }
0xbe: {  	[sflag:s0] =	ssyncadd.remote.s32 $0x1  }
0xbf: {  	_ =	sfence.sel $0xFFFF  }
0xc0: {  	[dreg:$0x0] =	wrdreg $0xFFFFFFFF;
	(pc) =	sbr.abs _section_cstart, $3  }
0xc1: {  	[dreg:$0x1] =	wrdreg $0xFFFFFFFF  }
0xc2: {  	_ =	task.clear_ibuf [dreg:s7], $0x2FFFF;
	_ =	strace $0x9FFFFFFF  }
0xc3: {  	(tm) =	ssettm $0x7FFFFFFF  }
tec
execute0_lowered:
.L_overlay_start_1:
0x0: {  	(tag) =	ssettag $0x1  }
0x1: {  	s9 =	rddreg [dreg:$0x0]  }
0x2: {  	s4 =	rddreg [dreg:$0x1]  }
0x3: {  	s2 =	rddreg [dreg:$0x2];
	s3 =	srdreg.scid  }
0x4: {  	s0 =	rddreg [dreg:$0x3];
	s1 =	stileid.u32;
	s19 =	simm.s32 $0x2800  }
0x5: {  	s20 =	simm.s32 $0x0;
	s6 =	sand.u32 $0x1, s3;
	s7 =	smul.u32 $0x50000, s1  }
0x6: {  	s3 =	simm.s32 $0x0;
	s10 =	smul.u32 $0x14000, s1;
	s14 =	sadd.s32 $0x2800, s4  }
0x7: {  	s29 =	sshll.u32 s1, $0x1;
	s5 =	ssub.s32 $0x2, s6;
	[smem:$0x7FF] =	sst s3  }
0x8: {  	s11 =	sor.u32 s6, s29;
	s16 =	smul.u32 $0x140000, s6;
	s8 =	sshrl.u32 s5, $0x1  }
0x9: {  	_ =	strace $0x80000047;
	s30 =	sshrl.u32 s7, $0x2;
	s31 =	sadd.s32 $0x4000, s10  }
0xa: {  	s12 =	sadd.s32 $0x8000, s10;
	s13 =	sadd.s32 $0xC000, s10;
	s17 =	sadd.s32 $0x10000, s10  }
0xb: {  	s11 =	smul.u32 $0x500, s11;
	s15 =	ssub.s32 s5, s8;
	s4 =	sadd.s32 s30, s2  }
0xc: {  	s5 =	sadd.s32 s31, s2;
	s6 =	sadd.s32 s12, s2;
	s7 =	sadd.s32 s13, s2  }
0xd: {  	s10 =	sadd.s32 s10, s16;
	s18 =	sadd.s32 s16, s31;
	s8 =	sadd.s32 s17, s2  }
0xe: {  	s12 =	sadd.s32 s16, s12;
	s13 =	sadd.s32 s16, s13;
	s16 =	sadd.s32 s16, s17  }
0xf: {  	s17 =	simm.s32 $0x1;
	s10 =	sshrl.u32 s10, $0x3;
	s18 =	sshrl.u32 s18, $0x3  }
0x10: {  	s9 =	sadd.s32 s9, s11;
	s12 =	sshrl.u32 s12, $0x3;
	s13 =	sshrl.u32 s13, $0x3  }
0x11: {  	s16 =	sshrl.u32 s16, $0x3;
	s15 =	smax.u32 s15, $0x1;
	s10 =	sadd.s32 s14, s10  }
0x12: {  	vm0 =	vcmask $0x300;
	v0 =	vimm.f32 $0.0e+00;
	s11 =	sadd.s32 s14, s18;
	s12 =	sadd.s32 s14, s12;
	s13 =	sadd.s32 s14, s13  }
0x13: {  	v1 =	vsel vm0, $0x3F800000, v0;
	s14 =	sadd.s32 s14, s16;
	s16 =	simm.s32 $0x6800;
	s18 =	simm.s32 $0x80  }
.LBB2_1:
0x14: {  	s21 =	simm.s32 $0x200;
	s22 =	simm.s32 $0x0  }
.LBB2_2:
0x15: {  	p0 =	sne.s32 s21, $0xFE00;
	[tilespmem:s22+$0x2800] =	vst v1;
	s23 =	smov.u32 s21;
	s21 =	sadd.s32 $0x200, s21  }
.Ltmp0:
0x16: {  	[tilespmem:s22+$0x6800] =	vst v0;
	(pc) =	sbr.rel @p0 .LBB2_2-.Ltmp0, $2  }
0x17: {  	_ =	sdelay $0x2  }
0x18: {  	s22 =	sshra.s32 s23, $0x2  }
0x19: {  	[tilespmem:s22+$0x2800] =	vst v1  }
0x1a: {  	[tilespmem:s22+$0x6800] =	vst v0  }
0x1b: {  	[spmem:s4] =	stream.linear.scatter [tilespmem:s16], [sflag:$0x1], $0x4000, $0x38;
	[tilespmem:$0xD000] =	vst v63  }
0x1c: {  	_ =	swait.ge [sflag:s17], $0x4000  }
0x1d: {  	[sflag:s17] =	ssyncset.done $0x0  }
0x1e: {  	[sflag:s17] =	ssyncadd.s32 $0xFFFFC000  }
0x1f: {  	[spmem:s5] =	stream.linear.scatter [tilespmem:s16], [sflag:$0x1], $0x4000, $0x38;
	[tilespmem:$0xD000] =	vst v63  }
0x20: {  	_ =	swait.ge [sflag:s17], $0x4000  }
0x21: {  	[sflag:s17] =	ssyncset.done $0x0  }
0x22: {  	[sflag:s17] =	ssyncadd.s32 $0xFFFFC000  }
0x23: {  	[spmem:s6] =	stream.linear.scatter [tilespmem:s16], [sflag:$0x1], $0x4000, $0x38;
	[tilespmem:$0xD000] =	vst v63  }
0x24: {  	_ =	swait.ge [sflag:s17], $0x4000  }
0x25: {  	[sflag:s17] =	ssyncset.done $0x0  }
0x26: {  	[sflag:s17] =	ssyncadd.s32 $0xFFFFC000  }
0x27: {  	[spmem:s7] =	stream.linear.scatter [tilespmem:s16], [sflag:$0x1], $0x4000, $0x38;
	[tilespmem:$0xD000] =	vst v63  }
0x28: {  	_ =	swait.ge [sflag:s17], $0x4000  }
0x29: {  	[sflag:s17] =	ssyncset.done $0x0  }
0x2a: {  	[sflag:s17] =	ssyncadd.s32 $0xFFFFC000  }
0x2b: {  	[spmem:s8] =	stream.linear.scatter [tilespmem:s16], [sflag:$0x1], $0x4000, $0x38;
	[tilespmem:$0xD000] =	vst v63  }
0x2c: {  	_ =	swait.ge [sflag:s17], $0x4000  }
0x2d: {  	[sflag:s17] =	ssyncset.done $0x0  }
0x2e: {  	[sflag:s17] =	ssyncadd.s32 $0xFFFFC000  }
0x2f: {  	s21 =	simm.s32 $0x0;
	[bflag:$0x0] =	sbarrier.arrive $0xFFFF  }
0x30: {  	[tilespmem:s21], [sflag:$0x1] =	stream.linear.gather [hbm4b:s9+s21], $0x2800, $0x38;
	[tilespmem:$0xD000] =	vst v63  }
0x31: {  	_ =	swait.ge [sflag:s17], $0x2800  }
0x32: {  	[sflag:s17] =	ssyncset.done $0x0  }
0x33: {  	s31 =	simm.s32 $0x0;
	[sflag:s17] =	ssyncadd.s32 $0xFFFFD800  }
0x34: {  	[spmem:s2] =	stream.indirect.scatter.add.f32 [tilespmem:s19], [sflag:$0x1], $0x10, s31, s18, $0xb8;
	[tilespmem:$0xD000] =	vst v63  }
0x35: {  	_ =	swait.ge [sflag:s17], $0x800  }
0x36: {  	s21 =	simm.s32 $0x200;
	[sflag:s17] =	ssyncset.done $0x0  }
.LBB2_4:
0x37: {  	s22 =	sshra.s32 s21, $0x2;
	[sflag:s17] =	ssyncadd.s32 $0xFFFFF800;
	p0 =	sne.s32 s21, $0x9E00  }
0x38: {  	[spmem:s2] =	stream.indirect.scatter.add.f32 [tilespmem:s19], [sflag:$0x1], $0x10, s22, s18, $0xb8;
	[tilespmem:$0xD000] =	vst v63  }
.Ltmp1:
0x39: {  	_ = 	snop;
	(pc) =	sbr.rel @p0 .LBB2_4-.Ltmp1, $4  }
0x3a: {  	_ = 	snop  }
0x3b: {  	s21 =	sadd.s32 $0x200, s21  }
0x3c: {  	_ =	swait.ge [sflag:s17], $0x800  }
0x3d: {  	[sflag:s17] =	ssyncset.done $0x0  }
0x3e: {  	[sflag:s17] =	ssyncadd.s32 $0xFFFFF800  }
0x3f: {  	[bflag:$0x0] =	sbarrier.arrive $0xFFFF  }
0x40: {  	[tilespmem:s16], [sflag:$0x1] =	stream.linear.gather [spmem:s4], $0x4000, $0x38;
	[tilespmem:$0xD000] =	vst v63  }
0x41: {  	_ =	swait.ge [sflag:s17], $0x4000  }
0x42: {  	[sflag:s17] =	ssyncset.done $0x0  }
0x43: {  	[sflag:s17] =	ssyncadd.s32 $0xFFFFC000  }
0x44: {  	[hbm4b:s10+s3] =	stream.linear.scatter [tilespmem:s16], [sflag:$0x1], $0x4000, $0x38;
	[tilespmem:$0xD000] =	vst v63  }
0x45: {  	_ =	swait.ge [sflag:s17], $0x4000  }
0x46: {  	[sflag:s17] =	ssyncset.done $0x0  }
0x47: {  	[sflag:s17] =	ssyncadd.s32 $0xFFFFC000  }
0x48: {  	[tilespmem:s16], [sflag:$0x1] =	stream.linear.gather [spmem:s5], $0x4000, $0x38;
	[tilespmem:$0xD000] =	vst v63  }
0x49: {  	_ =	swait.ge [sflag:s17], $0x4000  }
0x4a: {  	[sflag:s17] =	ssyncset.done $0x0  }
0x4b: {  	[sflag:s17] =	ssyncadd.s32 $0xFFFFC000  }
0x4c: {  	[hbm4b:s11+s3] =	stream.linear.scatter [tilespmem:s16], [sflag:$0x1], $0x4000, $0x38;
	[tilespmem:$0xD000] =	vst v63  }
0x4d: {  	_ =	swait.ge [sflag:s17], $0x4000  }
0x4e: {  	[sflag:s17] =	ssyncset.done $0x0  }
0x4f: {  	[sflag:s17] =	ssyncadd.s32 $0xFFFFC000  }
0x50: {  	[tilespmem:s16], [sflag:$0x1] =	stream.linear.gather [spmem:s6], $0x4000, $0x38;
	[tilespmem:$0xD000] =	vst v63  }
0x51: {  	_ =	swait.ge [sflag:s17], $0x4000  }
0x52: {  	[sflag:s17] =	ssyncset.done $0x0  }
0x53: {  	[sflag:s17] =	ssyncadd.s32 $0xFFFFC000  }
0x54: {  	[hbm4b:s12+s3] =	stream.linear.scatter [tilespmem:s16], [sflag:$0x1], $0x4000, $0x38;
	[tilespmem:$0xD000] =	vst v63  }
0x55: {  	_ =	swait.ge [sflag:s17], $0x4000  }
0x56: {  	[sflag:s17] =	ssyncset.done $0x0  }
0x57: {  	[sflag:s17] =	ssyncadd.s32 $0xFFFFC000  }
0x58: {  	[tilespmem:s16], [sflag:$0x1] =	stream.linear.gather [spmem:s7], $0x4000, $0x38;
	[tilespmem:$0xD000] =	vst v63  }
0x59: {  	_ =	swait.ge [sflag:s17], $0x4000  }
0x5a: {  	[sflag:s17] =	ssyncset.done $0x0  }
0x5b: {  	[sflag:s17] =	ssyncadd.s32 $0xFFFFC000  }
0x5c: {  	[hbm4b:s13+s3] =	stream.linear.scatter [tilespmem:s16], [sflag:$0x1], $0x4000, $0x38;
	[tilespmem:$0xD000] =	vst v63  }
0x5d: {  	_ =	swait.ge [sflag:s17], $0x4000  }
0x5e: {  	[sflag:s17] =	ssyncset.done $0x0  }
0x5f: {  	[sflag:s17] =	ssyncadd.s32 $0xFFFFC000  }
0x60: {  	[tilespmem:s16], [sflag:$0x1] =	stream.linear.gather [spmem:s8], $0x4000, $0x38;
	[tilespmem:$0xD000] =	vst v63  }
0x61: {  	s20 =	sadd.s32 $0x1, s20;
	_ =	swait.ge [sflag:s17], $0x4000  }
0x62: {  	p0 =	sne.s32 s20, s15;
	[sflag:s17] =	ssyncset.done $0x0  }
.Ltmp2:
0x63: {  	[sflag:s17] =	ssyncadd.s32 $0xFFFFC000;
	(pc) =	sbr.rel @p0 .LBB2_1-.Ltmp2, $4  }
0x64: {  	[hbm4b:s14+s3] =	stream.linear.scatter [tilespmem:s16], [sflag:$0x1], $0x4000, $0x38;
	[tilespmem:$0xD000] =	vst v63  }
0x65: {  	_ =	swait.ge [sflag:s17], $0x4000  }
0x66: {  	[sflag:s17] =	ssyncset.done $0x0  }
0x67: {  	[sflag:s17] =	ssyncadd.s32 $0xFFFFC000  }
0x68: {  	_ =	sfence.sel $0x180000  }
0x69: {  	[bflag:$0x0] =	sbarrier.arrive $0xFFFF  }
0x6a: {  	p0 =	sne.s32 s1, $0x0;
	_ =	strace $0x90000047  }
0x6b: {  	s0 =	sadd.s32 @!p0 $0x100000, s0;
	[bflag:$0x2] =	sbarrier.arrive $0xFFFF  }
0x6c: {  	[sflag:s0] =	ssyncadd.tile.s32 @!p0 $0x1;
	_ =	shalt  }
.Lfunc_end2:
_tile_overlayer_lowered:
.L_overlay_start_2:
0x6d: {  	(tag) =	ssettag $0x2  }
0x6e: {  	s0 =	rddreg [dreg:$0x0];
	s2 =	stileid.u32  }
0x6f: {  	s1 =	rddreg [dreg:$0x1];
	p0 =	sne.s32 s2, $0x0  }
0x70: {  	s3 =	rddreg [dreg:$0x2];
	[bflag:$0x3] =	sbarrier.arrive $0xFFFF;
	s2 =	simm.s32 @!p0 $0x1C01  }
0x71: {  	[timem:s3], [sflag:s2] =	dma.local @!p0 [hbm:s0], s1  }
0x72: {  	s0 =	simm.s32 @!p0 $0x1  }
0x73: {  	_ =	swait.ge @!p0 [sflag:s0], s1  }
0x74: {  	s1 =	ssub.s32 @!p0 $0x0, s1;
	[sflag:s0] =	ssyncset.done @!p0 $0x0  }
0x75: {  	[sflag:s0] =	ssyncadd.s32 @!p0 s1  }
0x76: {  	[bflag:$0x3] =	sbarrier.arrive $0xFFFF  }
0x77: {  	_ =	shalt  }

</sc_bundles>
